<compile_context>
chip_gen: v7x
topology: tpu7x:2x2x1
jax: 0.10.2.dev20260603
libtpu: 0.0.44.dev20260713+nightly
codegen_flags: <defaults>
</compile_context>

<pallas_src>
import functools

import jax
import jax.numpy as jnp
from jax import lax
from jax.experimental import pallas as pl
from jax.experimental.pallas import tpu as pltpu
from jax.experimental.pallas import tpu_sc as plsc

D_MODEL = 64
SCALE = 8.0
IDX_ROW = 128
CHUNK = 256
ROWS_PER_CHUNK = CHUNK // IDX_ROW
OUT_W = 2 * D_MODEL


def _gather_scale(table2, idx2d, B):
    info = plsc.get_sparse_core_info()
    n_workers = info.num_cores * info.num_subcores
    b_per_w = B // n_workers
    n_chunks = b_per_w // CHUNK
    idx_rows_per_w = b_per_w // IDX_ROW

    mesh = plsc.VectorSubcoreMesh(core_axis_name="c", subcore_axis_name="s")

    @functools.partial(
        pl.kernel,
        mesh=mesh,
        compiler_params=pltpu.CompilerParams(use_tc_tiling_on_sc=False),
        out_type=jax.ShapeDtypeStruct((B, OUT_W), jnp.float32),
        scratch_types=[
            pltpu.VMEM((idx_rows_per_w, IDX_ROW), jnp.int32),
            pltpu.VMEM((2, CHUNK, D_MODEL), jnp.float32),
            pltpu.VMEM((2, CHUNK, D_MODEL), jnp.float32),
            pltpu.SemaphoreType.DMA,
            pltpu.SemaphoreType.DMA,
            pltpu.SemaphoreType.DMA,
            pltpu.SemaphoreType.DMA,
        ],
    )
    def k(table_hbm, idx_hbm, out_hbm, idx_v, rows_g, rows_o, sg0, sg1, so0, so1):
        wid = lax.axis_index("s") * info.num_cores + lax.axis_index("c")
        base = wid * b_per_w
        sems_g = (sg0, sg1)
        sems_o = (so0, so1)

        pltpu.sync_copy(idx_hbm.at[pl.ds(wid * idx_rows_per_w, idx_rows_per_w)],
                        idx_v)

        def start_gather(i, b):
            for j in range(ROWS_PER_CHUNK):
                pltpu.async_copy(
                    table_hbm.at[idx_v.at[i * ROWS_PER_CHUNK + j]],
                    rows_g.at[b, pl.ds(j * IDX_ROW, IDX_ROW)],
                    sems_g[b],
                )

        def wait_gather(b):
            for j in range(ROWS_PER_CHUNK):
                pltpu.make_async_copy(
                    table_hbm.at[idx_v.at[j]],
                    rows_g.at[b, pl.ds(j * IDX_ROW, IDX_ROW)],
                    sems_g[b],
                ).wait()

        def out_slice(i):
            return out_hbm.at[pl.ds(base + i * CHUNK, CHUNK), pl.ds(0, D_MODEL)]

        def start_scatter(i, b):
            pltpu.async_copy(rows_o.at[b], out_slice(i), sems_o[b])

        def wait_scatter(b):
            pltpu.make_async_copy(rows_o.at[b], out_slice(0), sems_o[b]).wait()

        def scale(b):
            def body8(t, c):
                r0 = t * 8
                for u in range(8):
                    for j in range(D_MODEL // 16):
                        sl = pl.ds(j * 16, 16)
                        rows_o[b, r0 + u, sl] = rows_g[b, r0 + u, sl] * SCALE
                return c

            lax.fori_loop(0, CHUNK // 8, body8, 0)

        start_gather(0, 0)
        start_gather(1, 1)

        for i in (0, 1):
            b = i % 2
            wait_gather(b)
            scale(b)
            start_scatter(i, b)
            start_gather(i + 2, b)

        def steady(t, c):
            i0 = 2 + t * 2
            for b in (0, 1):
                i = i0 + b
                wait_gather(b)
                wait_scatter(b)
                scale(b)
                start_scatter(i, b)
                start_gather(i + 2, b)
            return c

        lax.fori_loop(0, (n_chunks - 4) // 2, steady, 0)

        for i in (n_chunks - 2, n_chunks - 1):
            b = i % 2
            wait_gather(b)
            wait_scatter(b)
            scale(b)
            start_scatter(i, b)

        wait_scatter(0)
        wait_scatter(1)

    return k(table2, idx2d)


def kernel(x, table):
    b, t = x.shape
    B = b * t
    idx2d = (x.astype(jnp.int32) * 2).reshape(B // IDX_ROW, IDX_ROW)
    table2 = jnp.pad(table, ((0, 0), (0, D_MODEL))).reshape(-1, D_MODEL)
    out = _gather_scale(table2, idx2d, B)
    return out.reshape(b, t, OUT_W)[:, :, :D_MODEL]

# --- scband reference (transcript-rebuilt; emitter-appended) ---
"""Pipeline reference for scband-input-embeddings-9904194585226 (READ-ONLY COPY).

The authoritative reference and input builder live on the scoring server;
editing this copy changes nothing except your own understanding.
"""

import jax, jax.numpy as jnp
import numpy as np
import math

D_MODEL = 64
VOCAB_SIZE = 1000000

def setup_inputs(seed: int = 0) -> dict:
    key = jax.random.key(seed)
    k_idx, k_tbl = jax.random.split(key)
    x = jax.random.randint(k_idx, (4096, 200), 0, VOCAB_SIZE, dtype=jnp.int64 if jax.config.jax_enable_x64 else jnp.int32)
    table = jax.random.normal(k_tbl, (VOCAB_SIZE, D_MODEL), dtype=jnp.float32)
    return {"x": x, "table": table}

def reference(x, table):
    # nn.Embedding lookup followed by sqrt(d_model) scaling
    emb = jnp.take(table, x, axis=0)
    return emb * math.sqrt(D_MODEL)

if __name__ == "__main__":
    import jax
    _d = setup_inputs()
    print(jax.jit(kernel)(*tuple(_d.values())))

</pallas_src>

<mosaic_0001>
#map = affine_map<(d0, d1) -> (0, 0)>
module attributes {stable_mosaic.version = 14 : i64} {
  func.func @k(%arg0: i32, %arg1: i32, %arg2: memref<2000000x64xf32, #tpu.memory_space<hbm>>, %arg3: memref<6400x128xi32, #tpu.memory_space<hbm>>, %arg4: memref<819200x128xf32, #tpu.memory_space<hbm>>, %arg5: memref<200x128xi32, #tpu.memory_space<vmem>>, %arg6: memref<2x256x64xf32, #tpu.memory_space<vmem>>, %arg7: memref<2x256x64xf32, #tpu.memory_space<vmem>>, %arg8: memref<!tpu.dma_semaphore, #tpu.memory_space<semaphore_mem>>, %arg9: memref<!tpu.dma_semaphore, #tpu.memory_space<semaphore_mem>>, %arg10: memref<!tpu.dma_semaphore, #tpu.memory_space<semaphore_mem>>, %arg11: memref<!tpu.dma_semaphore, #tpu.memory_space<semaphore_mem>>) attributes {dimension_semantics = [#tpu.dimension_semantics<core_parallel>, #tpu.dimension_semantics<subcore_parallel>], iteration_bounds = array<i64: 2, 16>, scalar_prefetch = 0 : i64, scratch_operands = 7 : i64, tpu.core_type = #tpu.core_type<sc_vector_subcore>, window_params = [{transform_indices = #map}, {transform_indices = #map}, {transform_indices = #map}]} {
    %mul3A = arith.constant 2 : i32
    %mul3A_0 = arith.muli %arg1, %mul3A : i32
    %add3A = arith.addi %mul3A_0, %arg0 : i32
    %mul3A_1 = arith.constant 25600 : i32
    %mul3A_2 = arith.muli %add3A, %mul3A_1 : i32
    %mul3A_3 = arith.constant 200 : i32
    %mul3A_4 = arith.muli %add3A, %mul3A_3 : i32
    "tpu.region"() ({
      %run_scoped3A = tpu.sem_alloc : memref<!tpu.dma_semaphore, #tpu.memory_space<semaphore_mem>>
      %dma_start3A_344 = arith.constant 0 : i32
      %dma_start3A_345 = tpu.memref_slice %arg3[%mul3A_4, %dma_start3A_344] : memref<6400x128xi32, #tpu.memory_space<hbm>> -> memref<200x128xi32, #tpu.memory_space<hbm>>
      %dma_start3A_346 = arith.constant 0 : i32
      %dma_start3A_347 = tpu.memref_slice %arg3[%mul3A_4, %dma_start3A_346] : memref<6400x128xi32, #tpu.memory_space<hbm>> -> memref<200x128xi32, #tpu.memory_space<hbm>>
      tpu.enqueue_dma source(%dma_start3A_347 : memref<200x128xi32, #tpu.memory_space<hbm>>) target(%arg5 : memref<200x128xi32, #tpu.memory_space<vmem>>) target_semaphore(%run_scoped3A : memref<!tpu.dma_semaphore, #tpu.memory_space<semaphore_mem>>)
      %dma_wait3A_348 = arith.constant 0 : i32
      %dma_wait3A_349 = tpu.memref_slice %arg3[%mul3A_4, %dma_wait3A_348] : memref<6400x128xi32, #tpu.memory_space<hbm>> -> memref<200x128xi32, #tpu.memory_space<hbm>>
      %dma_wait3A_350 = arith.constant 0 : i32
      %dma_wait3A_351 = tpu.memref_slice %arg3[%mul3A_4, %dma_wait3A_350] : memref<6400x128xi32, #tpu.memory_space<hbm>> -> memref<200x128xi32, #tpu.memory_space<hbm>>
      tpu.wait_dma2 semaphore(%run_scoped3A : memref<!tpu.dma_semaphore, #tpu.memory_space<semaphore_mem>>) src(%dma_wait3A_351 : memref<200x128xi32, #tpu.memory_space<hbm>>) dst(%arg5 : memref<200x128xi32, #tpu.memory_space<vmem>>)
      tpu.yield
    }) : () -> ()
    %dma_start3A = arith.constant 0 : i32
    %dma_start3A_5 = arith.constant 0 : i32
    %dma_start3A_6 = arith.constant 0 : i32
    %dma_start3A_7 = arith.constant 0 : i32
    %dma_start3A_8 = tpu.memref_slice %arg6[%dma_start3A_5, %dma_start3A_6, %dma_start3A_7] : memref<2x256x64xf32, #tpu.memory_space<vmem>> -> memref<1x128x64xf32, #tpu.memory_space<vmem>>
    %dma_start3A_9 = tpu.memref_squeeze %dma_start3A_8 : memref<1x128x64xf32, #tpu.memory_space<vmem>> -> memref<128x64xf32, #tpu.memory_space<vmem>>
    %dma_start3A_10 = arith.constant 0 : i32
    %dma_start3A_11 = tpu.memref_slice %arg5[%dma_start3A, %dma_start3A_10] : memref<200x128xi32, #tpu.memory_space<vmem>> -> memref<1x128xi32, #tpu.memory_space<vmem>>
    %dma_start3A_12 = tpu.memref_squeeze %dma_start3A_11 : memref<1x128xi32, #tpu.memory_space<vmem>> -> memref<128xi32, #tpu.memory_space<vmem>>
    %dma_start3A_13 = arith.constant 0 : i32
    %dma_start3A_14 = arith.constant 0 : i32
    %dma_start3A_15 = tpu.memref_slice %arg2[%dma_start3A_13, %dma_start3A_14] : memref<2000000x64xf32, #tpu.memory_space<hbm>> -> memref<2000000x64xf32, #tpu.memory_space<hbm>>
    tpu.enqueue_indirect_dma source(%dma_start3A_15 : memref<2000000x64xf32, #tpu.memory_space<hbm>>) target(%dma_start3A_9 : memref<128x64xf32, #tpu.memory_space<vmem>>) offsets(%dma_start3A_12 : memref<128xi32, #tpu.memory_space<vmem>>) semaphore(%arg8 : memref<!tpu.dma_semaphore, #tpu.memory_space<semaphore_mem>>)
    %dma_start3A_16 = arith.constant 1 : i32
    %dma_start3A_17 = arith.constant 0 : i32
    %dma_start3A_18 = arith.constant 128 : i32
    %dma_start3A_19 = arith.constant 0 : i32
    %dma_start3A_20 = tpu.memref_slice %arg6[%dma_start3A_17, %dma_start3A_18, %dma_start3A_19] : memref<2x256x64xf32, #tpu.memory_space<vmem>> -> memref<1x128x64xf32, #tpu.memory_space<vmem>>
    %dma_start3A_21 = tpu.memref_squeeze %dma_start3A_20 : memref<1x128x64xf32, #tpu.memory_space<vmem>> -> memref<128x64xf32, #tpu.memory_space<vmem>>
    %dma_start3A_22 = arith.constant 0 : i32
    %dma_start3A_23 = tpu.memref_slice %arg5[%dma_start3A_16, %dma_start3A_22] : memref<200x128xi32, #tpu.memory_space<vmem>> -> memref<1x128xi32, #tpu.memory_space<vmem>>
    %dma_start3A_24 = tpu.memref_squeeze %dma_start3A_23 : memref<1x128xi32, #tpu.memory_space<vmem>> -> memref<128xi32, #tpu.memory_space<vmem>>
    %dma_start3A_25 = arith.constant 0 : i32
    %dma_start3A_26 = arith.constant 0 : i32
    %dma_start3A_27 = tpu.memref_slice %arg2[%dma_start3A_25, %dma_start3A_26] : memref<2000000x64xf32, #tpu.memory_space<hbm>> -> memref<2000000x64xf32, #tpu.memory_space<hbm>>
    tpu.enqueue_indirect_dma source(%dma_start3A_27 : memref<2000000x64xf32, #tpu.memory_space<hbm>>) target(%dma_start3A_21 : memref<128x64xf32, #tpu.memory_space<vmem>>) offsets(%dma_start3A_24 : memref<128xi32, #tpu.memory_space<vmem>>) semaphore(%arg8 : memref<!tpu.dma_semaphore, #tpu.memory_space<semaphore_mem>>)
    %dma_start3A_28 = arith.constant 2 : i32
    %dma_start3A_29 = arith.constant 1 : i32
    %dma_start3A_30 = arith.constant 0 : i32
    %dma_start3A_31 = arith.constant 0 : i32
    %dma_start3A_32 = tpu.memref_slice %arg6[%dma_start3A_29, %dma_start3A_30, %dma_start3A_31] : memref<2x256x64xf32, #tpu.memory_space<vmem>> -> memref<1x128x64xf32, #tpu.memory_space<vmem>>
    %dma_start3A_33 = tpu.memref_squeeze %dma_start3A_32 : memref<1x128x64xf32, #tpu.memory_space<vmem>> -> memref<128x64xf32, #tpu.memory_space<vmem>>
    %dma_start3A_34 = arith.constant 0 : i32
    %dma_start3A_35 = tpu.memref_slice %arg5[%dma_start3A_28, %dma_start3A_34] : memref<200x128xi32, #tpu.memory_space<vmem>> -> memref<1x128xi32, #tpu.memory_space<vmem>>
    %dma_start3A_36 = tpu.memref_squeeze %dma_start3A_35 : memref<1x128xi32, #tpu.memory_space<vmem>> -> memref<128xi32, #tpu.memory_space<vmem>>
    %dma_start3A_37 = arith.constant 0 : i32
    %dma_start3A_38 = arith.constant 0 : i32
    %dma_start3A_39 = tpu.memref_slice %arg2[%dma_start3A_37, %dma_start3A_38] : memref<2000000x64xf32, #tpu.memory_space<hbm>> -> memref<2000000x64xf32, #tpu.memory_space<hbm>>
    tpu.enqueue_indirect_dma source(%dma_start3A_39 : memref<2000000x64xf32, #tpu.memory_space<hbm>>) target(%dma_start3A_33 : memref<128x64xf32, #tpu.memory_space<vmem>>) offsets(%dma_start3A_36 : memref<128xi32, #tpu.memory_space<vmem>>) semaphore(%arg9 : memref<!tpu.dma_semaphore, #tpu.memory_space<semaphore_mem>>)
    %dma_start3A_40 = arith.constant 3 : i32
    %dma_start3A_41 = arith.constant 1 : i32
    %dma_start3A_42 = arith.constant 128 : i32
    %dma_start3A_43 = arith.constant 0 : i32
    %dma_start3A_44 = tpu.memref_slice %arg6[%dma_start3A_41, %dma_start3A_42, %dma_start3A_43] : memref<2x256x64xf32, #tpu.memory_space<vmem>> -> memref<1x128x64xf32, #tpu.memory_space<vmem>>
    %dma_start3A_45 = tpu.memref_squeeze %dma_start3A_44 : memref<1x128x64xf32, #tpu.memory_space<vmem>> -> memref<128x64xf32, #tpu.memory_space<vmem>>
    %dma_start3A_46 = arith.constant 0 : i32
    %dma_start3A_47 = tpu.memref_slice %arg5[%dma_start3A_40, %dma_start3A_46] : memref<200x128xi32, #tpu.memory_space<vmem>> -> memref<1x128xi32, #tpu.memory_space<vmem>>
    %dma_start3A_48 = tpu.memref_squeeze %dma_start3A_47 : memref<1x128xi32, #tpu.memory_space<vmem>> -> memref<128xi32, #tpu.memory_space<vmem>>
    %dma_start3A_49 = arith.constant 0 : i32
    %dma_start3A_50 = arith.constant 0 : i32
    %dma_start3A_51 = tpu.memref_slice %arg2[%dma_start3A_49, %dma_start3A_50] : memref<2000000x64xf32, #tpu.memory_space<hbm>> -> memref<2000000x64xf32, #tpu.memory_space<hbm>>
    tpu.enqueue_indirect_dma source(%dma_start3A_51 : memref<2000000x64xf32, #tpu.memory_space<hbm>>) target(%dma_start3A_45 : memref<128x64xf32, #tpu.memory_space<vmem>>) offsets(%dma_start3A_48 : memref<128xi32, #tpu.memory_space<vmem>>) semaphore(%arg9 : memref<!tpu.dma_semaphore, #tpu.memory_space<semaphore_mem>>)
    %dma_wait3A = arith.constant 0 : i32
    %dma_wait3A_52 = arith.constant 0 : i32
    %dma_wait3A_53 = arith.constant 0 : i32
    %dma_wait3A_54 = arith.constant 0 : i32
    %dma_wait3A_55 = tpu.memref_slice %arg6[%dma_wait3A_52, %dma_wait3A_53, %dma_wait3A_54] : memref<2x256x64xf32, #tpu.memory_space<vmem>> -> memref<1x128x64xf32, #tpu.memory_space<vmem>>
    %dma_wait3A_56 = tpu.memref_squeeze %dma_wait3A_55 : memref<1x128x64xf32, #tpu.memory_space<vmem>> -> memref<128x64xf32, #tpu.memory_space<vmem>>
    %dma_wait3A_57 = arith.constant 0 : i32
    %dma_wait3A_58 = tpu.memref_slice %arg5[%dma_wait3A, %dma_wait3A_57] : memref<200x128xi32, #tpu.memory_space<vmem>> -> memref<1x128xi32, #tpu.memory_space<vmem>>
    %dma_wait3A_59 = tpu.memref_squeeze %dma_wait3A_58 : memref<1x128xi32, #tpu.memory_space<vmem>> -> memref<128xi32, #tpu.memory_space<vmem>>
    %dma_wait3A_60 = arith.constant 0 : i32
    %dma_wait3A_61 = arith.constant 0 : i32
    %dma_wait3A_62 = tpu.memref_slice %arg2[%dma_wait3A_60, %dma_wait3A_61] : memref<2000000x64xf32, #tpu.memory_space<hbm>> -> memref<2000000x64xf32, #tpu.memory_space<hbm>>
    tpu.wait_indirect_dma semaphore(%arg8 : memref<!tpu.dma_semaphore, #tpu.memory_space<semaphore_mem>>) src(%dma_wait3A_62 : memref<2000000x64xf32, #tpu.memory_space<hbm>>) dst(%dma_wait3A_56 : memref<128x64xf32, #tpu.memory_space<vmem>>)
    %dma_wait3A_63 = arith.constant 1 : i32
    %dma_wait3A_64 = arith.constant 0 : i32
    %dma_wait3A_65 = arith.constant 128 : i32
    %dma_wait3A_66 = arith.constant 0 : i32
    %dma_wait3A_67 = tpu.memref_slice %arg6[%dma_wait3A_64, %dma_wait3A_65, %dma_wait3A_66] : memref<2x256x64xf32, #tpu.memory_space<vmem>> -> memref<1x128x64xf32, #tpu.memory_space<vmem>>
    %dma_wait3A_68 = tpu.memref_squeeze %dma_wait3A_67 : memref<1x128x64xf32, #tpu.memory_space<vmem>> -> memref<128x64xf32, #tpu.memory_space<vmem>>
    %dma_wait3A_69 = arith.constant 0 : i32
    %dma_wait3A_70 = tpu.memref_slice %arg5[%dma_wait3A_63, %dma_wait3A_69] : memref<200x128xi32, #tpu.memory_space<vmem>> -> memref<1x128xi32, #tpu.memory_space<vmem>>
    %dma_wait3A_71 = tpu.memref_squeeze %dma_wait3A_70 : memref<1x128xi32, #tpu.memory_space<vmem>> -> memref<128xi32, #tpu.memory_space<vmem>>
    %dma_wait3A_72 = arith.constant 0 : i32
    %dma_wait3A_73 = arith.constant 0 : i32
    %dma_wait3A_74 = tpu.memref_slice %arg2[%dma_wait3A_72, %dma_wait3A_73] : memref<2000000x64xf32, #tpu.memory_space<hbm>> -> memref<2000000x64xf32, #tpu.memory_space<hbm>>
    tpu.wait_indirect_dma semaphore(%arg8 : memref<!tpu.dma_semaphore, #tpu.memory_space<semaphore_mem>>) src(%dma_wait3A_74 : memref<2000000x64xf32, #tpu.memory_space<hbm>>) dst(%dma_wait3A_68 : memref<128x64xf32, #tpu.memory_space<vmem>>)
    %scan3A = arith.constant 0 : i32
    %scan3A_75 = arith.constant 0 : i32
    %scan3A_76 = arith.constant 32 : i32
    %scan3A_77 = arith.addi %scan3A_75, %scan3A_76 : i32
    %scan3A_78 = arith.constant 1 : i32
    scf.for %scan3A_344 = %scan3A_75 to %scan3A_77 step %scan3A_78  : i32 {
      %mul3A_345 = arith.constant 8 : i32
      %mul3A_346 = arith.muli %scan3A_344, %mul3A_345 : i32
      %add3A_347 = arith.constant 0 : i32
      %add3A_348 = arith.addi %mul3A_346, %add3A_347 : i32
      %get3A = arith.constant 0 : i32
      %get3A_349 = arith.index_cast %get3A : i32 to index
      %get3A_350 = arith.index_cast %add3A_348 : i32 to index
      %get3A_351 = arith.constant 0 : index
      %get3A_352 = tpu.vector_load %arg6[%get3A_349, %get3A_350, %get3A_351] {strides = array<i32>} : memref<2x256x64xf32, #tpu.memory_space<vmem>>, vector<1x1x16xf32>,
      %get3A_353 = vector.shape_cast %get3A_352 : vector<1x1x16xf32> to vector<16xf32>
      %mul3A_354 = arith.constant 8.000000e+00 : f32
      %mul3A_355 = vector.broadcast %mul3A_354 : f32 to vector<16xf32>
      %mul3A_356 = arith.mulf %get3A_353, %mul3A_355 : vector<16xf32>
      %add3A_357 = arith.constant 0 : i32
      %add3A_358 = arith.addi %mul3A_346, %add3A_357 : i32
      %swap3A = arith.constant 0 : i32
      %swap3A_359 = arith.index_cast %swap3A : i32 to index
      %swap3A_360 = arith.index_cast %add3A_358 : i32 to index
      %swap3A_361 = arith.constant 0 : index
      %swap3A_362 = tpu.vector_load %arg7[%swap3A_359, %swap3A_360, %swap3A_361] {strides = array<i32>} : memref<2x256x64xf32, #tpu.memory_space<vmem>>, vector<1x1x16xf32>,
      %swap3A_363 = vector.shape_cast %swap3A_362 : vector<1x1x16xf32> to vector<16xf32>
      %swap3A_364 = vector.shape_cast %mul3A_356 : vector<16xf32> to vector<1x1x16xf32>
      tpu.vector_store %arg7[%swap3A_359, %swap3A_360, %swap3A_361], %swap3A_364 {strides = array<i32>} : memref<2x256x64xf32, #tpu.memory_space<vmem>>, vector<1x1x16xf32>,
      %add3A_365 = arith.constant 0 : i32
      %add3A_366 = arith.addi %mul3A_346, %add3A_365 : i32
      %get3A_367 = arith.constant 0 : i32
      %get3A_368 = arith.index_cast %get3A_367 : i32 to index
      %get3A_369 = arith.index_cast %add3A_366 : i32 to index
      %get3A_370 = arith.constant 16 : index
      %get3A_371 = tpu.vector_load %arg6[%get3A_368, %get3A_369, %get3A_370] {strides = array<i32>} : memref<2x256x64xf32, #tpu.memory_space<vmem>>, vector<1x1x16xf32>,
      %get3A_372 = vector.shape_cast %get3A_371 : vector<1x1x16xf32> to vector<16xf32>
      %mul3A_373 = arith.constant 8.000000e+00 : f32
      %mul3A_374 = vector.broadcast %mul3A_373 : f32 to vector<16xf32>
      %mul3A_375 = arith.mulf %get3A_372, %mul3A_374 : vector<16xf32>
      %add3A_376 = arith.constant 0 : i32
      %add3A_377 = arith.addi %mul3A_346, %add3A_376 : i32
      %swap3A_378 = arith.constant 0 : i32
      %swap3A_379 = arith.index_cast %swap3A_378 : i32 to index
      %swap3A_380 = arith.index_cast %add3A_377 : i32 to index
      %swap3A_381 = arith.constant 16 : index
      %swap3A_382 = tpu.vector_load %arg7[%swap3A_379, %swap3A_380, %swap3A_381] {strides = array<i32>} : memref<2x256x64xf32, #tpu.memory_space<vmem>>, vector<1x1x16xf32>,
      %swap3A_383 = vector.shape_cast %swap3A_382 : vector<1x1x16xf32> to vector<16xf32>
      %swap3A_384 = vector.shape_cast %mul3A_375 : vector<16xf32> to vector<1x1x16xf32>
      tpu.vector_store %arg7[%swap3A_379, %swap3A_380, %swap3A_381], %swap3A_384 {strides = array<i32>} : memref<2x256x64xf32, #tpu.memory_space<vmem>>, vector<1x1x16xf32>,
      %add3A_385 = arith.constant 0 : i32
      %add3A_386 = arith.addi %mul3A_346, %add3A_385 : i32
      %get3A_387 = arith.constant 0 : i32
      %get3A_388 = arith.index_cast %get3A_387 : i32 to index
      %get3A_389 = arith.index_cast %add3A_386 : i32 to index
      %get3A_390 = arith.constant 32 : index
      %get3A_391 = tpu.vector_load %arg6[%get3A_388, %get3A_389, %get3A_390] {strides = array<i32>} : memref<2x256x64xf32, #tpu.memory_space<vmem>>, vector<1x1x16xf32>,
      %get3A_392 = vector.shape_cast %get3A_391 : vector<1x1x16xf32> to vector<16xf32>
      %mul3A_393 = arith.constant 8.000000e+00 : f32
      %mul3A_394 = vector.broadcast %mul3A_393 : f32 to vector<16xf32>
      %mul3A_395 = arith.mulf %get3A_392, %mul3A_394 : vector<16xf32>
      %add3A_396 = arith.constant 0 : i32
      %add3A_397 = arith.addi %mul3A_346, %add3A_396 : i32
      %swap3A_398 = arith.constant 0 : i32
      %swap3A_399 = arith.index_cast %swap3A_398 : i32 to index
      %swap3A_400 = arith.index_cast %add3A_397 : i32 to index
      %swap3A_401 = arith.constant 32 : index
      %swap3A_402 = tpu.vector_load %arg7[%swap3A_399, %swap3A_400, %swap3A_401] {strides = array<i32>} : memref<2x256x64xf32, #tpu.memory_space<vmem>>, vector<1x1x16xf32>,
      %swap3A_403 = vector.shape_cast %swap3A_402 : vector<1x1x16xf32> to vector<16xf32>
      %swap3A_404 = vector.shape_cast %mul3A_395 : vector<16xf32> to vector<1x1x16xf32>
      tpu.vector_store %arg7[%swap3A_399, %swap3A_400, %swap3A_401], %swap3A_404 {strides = array<i32>} : memref<2x256x64xf32, #tpu.memory_space<vmem>>, vector<1x1x16xf32>,
      %add3A_405 = arith.constant 0 : i32
      %add3A_406 = arith.addi %mul3A_346, %add3A_405 : i32
      %get3A_407 = arith.constant 0 : i32
      %get3A_408 = arith.index_cast %get3A_407 : i32 to index
      %get3A_409 = arith.index_cast %add3A_406 : i32 to index
      %get3A_410 = arith.constant 48 : index
      %get3A_411 = tpu.vector_load %arg6[%get3A_408, %get3A_409, %get3A_410] {strides = array<i32>} : memref<2x256x64xf32, #tpu.memory_space<vmem>>, vector<1x1x16xf32>,
      %get3A_412 = vector.shape_cast %get3A_411 : vector<1x1x16xf32> to vector<16xf32>
      %mul3A_413 = arith.constant 8.000000e+00 : f32
      %mul3A_414 = vector.broadcast %mul3A_413 : f32 to vector<16xf32>
      %mul3A_415 = arith.mulf %get3A_412, %mul3A_414 : vector<16xf32>
      %add3A_416 = arith.constant 0 : i32
      %add3A_417 = arith.addi %mul3A_346, %add3A_416 : i32
      %swap3A_418 = arith.constant 0 : i32
      %swap3A_419 = arith.index_cast %swap3A_418 : i32 to index
      %swap3A_420 = arith.index_cast %add3A_417 : i32 to index
      %swap3A_421 = arith.constant 48 : index
      %swap3A_422 = tpu.vector_load %arg7[%swap3A_419, %swap3A_420, %swap3A_421] {strides = array<i32>} : memref<2x256x64xf32, #tpu.memory_space<vmem>>, vector<1x1x16xf32>,
      %swap3A_423 = vector.shape_cast %swap3A_422 : vector<1x1x16xf32> to vector<16xf32>
      %swap3A_424 = vector.shape_cast %mul3A_415 : vector<16xf32> to vector<1x1x16xf32>
      tpu.vector_store %arg7[%swap3A_419, %swap3A_420, %swap3A_421], %swap3A_424 {strides = array<i32>} : memref<2x256x64xf32, #tpu.memory_space<vmem>>, vector<1x1x16xf32>,
      %add3A_425 = arith.constant 1 : i32
      %add3A_426 = arith.addi %mul3A_346, %add3A_425 : i32
      %get3A_427 = arith.constant 0 : i32
      %get3A_428 = arith.index_cast %get3A_427 : i32 to index
      %get3A_429 = arith.index_cast %add3A_426 : i32 to index
      %get3A_430 = arith.constant 0 : index
      %get3A_431 = tpu.vector_load %arg6[%get3A_428, %get3A_429, %get3A_430] {strides = array<i32>} : memref<2x256x64xf32, #tpu.memory_space<vmem>>, vector<1x1x16xf32>,
      %get3A_432 = vector.shape_cast %get3A_431 : vector<1x1x16xf32> to vector<16xf32>
      %mul3A_433 = arith.constant 8.000000e+00 : f32
      %mul3A_434 = vector.broadcast %mul3A_433 : f32 to vector<16xf32>
      %mul3A_435 = arith.mulf %get3A_432, %mul3A_434 : vector<16xf32>
      %add3A_436 = arith.constant 1 : i32
      %add3A_437 = arith.addi %mul3A_346, %add3A_436 : i32
      %swap3A_438 = arith.constant 0 : i32
      %swap3A_439 = arith.index_cast %swap3A_438 : i32 to index
      %swap3A_440 = arith.index_cast %add3A_437 : i32 to index
      %swap3A_441 = arith.constant 0 : index
      %swap3A_442 = tpu.vector_load %arg7[%swap3A_439, %swap3A_440, %swap3A_441] {strides = array<i32>} : memref<2x256x64xf32, #tpu.memory_space<vmem>>, vector<1x1x16xf32>,
      %swap3A_443 = vector.shape_cast %swap3A_442 : vector<1x1x16xf32> to vector<16xf32>
      %swap3A_444 = vector.shape_cast %mul3A_435 : vector<16xf32> to vector<1x1x16xf32>
      tpu.vector_store %arg7[%swap3A_439, %swap3A_440, %swap3A_441], %swap3A_444 {strides = array<i32>} : memref<2x256x64xf32, #tpu.memory_space<vmem>>, vector<1x1x16xf32>,
      %add3A_445 = arith.constant 1 : i32
      %add3A_446 = arith.addi %mul3A_346, %add3A_445 : i32
      %get3A_447 = arith.constant 0 : i32
      %get3A_448 = arith.index_cast %get3A_447 : i32 to index
      %get3A_449 = arith.index_cast %add3A_446 : i32 to index
      %get3A_450 = arith.constant 16 : index
      %get3A_451 = tpu.vector_load %arg6[%get3A_448, %get3A_449, %get3A_450] {strides = array<i32>} : memref<2x256x64xf32, #tpu.memory_space<vmem>>, vector<1x1x16xf32>,
      %get3A_452 = vector.shape_cast %get3A_451 : vector<1x1x16xf32> to vector<16xf32>
      %mul3A_453 = arith.constant 8.000000e+00 : f32
      %mul3A_454 = vector.broadcast %mul3A_453 : f32 to vector<16xf32>
      %mul3A_455 = arith.mulf %get3A_452, %mul3A_454 : vector<16xf32>
      %add3A_456 = arith.constant 1 : i32
      %add3A_457 = arith.addi %mul3A_346, %add3A_456 : i32
      %swap3A_458 = arith.constant 0 : i32
      %swap3A_459 = arith.index_cast %swap3A_458 : i32 to index
      %swap3A_460 = arith.index_cast %add3A_457 : i32 to index
      %swap3A_461 = arith.constant 16 : index
      %swap3A_462 = tpu.vector_load %arg7[%swap3A_459, %swap3A_460, %swap3A_461] {strides = array<i32>} : memref<2x256x64xf32, #tpu.memory_space<vmem>>, vector<1x1x16xf32>,
      %swap3A_463 = vector.shape_cast %swap3A_462 : vector<1x1x16xf32> to vector<16xf32>
      %swap3A_464 = vector.shape_cast %mul3A_455 : vector<16xf32> to vector<1x1x16xf32>
      tpu.vector_store %arg7[%swap3A_459, %swap3A_460, %swap3A_461], %swap3A_464 {strides = array<i32>} : memref<2x256x64xf32, #tpu.memory_space<vmem>>, vector<1x1x16xf32>,
      %add3A_465 = arith.constant 1 : i32
      %add3A_466 = arith.addi %mul3A_346, %add3A_465 : i32
      %get3A_467 = arith.constant 0 : i32
      %get3A_468 = arith.index_cast %get3A_467 : i32 to index
      %get3A_469 = arith.index_cast %add3A_466 : i32 to index
      %get3A_470 = arith.constant 32 : index
      %get3A_471 = tpu.vector_load %arg6[%get3A_468, %get3A_469, %get3A_470] {strides = array<i32>} : memref<2x256x64xf32, #tpu.memory_space<vmem>>, vector<1x1x16xf32>,
      %get3A_472 = vector.shape_cast %get3A_471 : vector<1x1x16xf32> to vector<16xf32>
      %mul3A_473 = arith.constant 8.000000e+00 : f32
      %mul3A_474 = vector.broadcast %mul3A_473 : f32 to vector<16xf32>
      %mul3A_475 = arith.mulf %get3A_472, %mul3A_474 : vector<16xf32>
      %add3A_476 = arith.constant 1 : i32
      %add3A_477 = arith.addi %mul3A_346, %add3A_476 : i32
      %swap3A_478 = arith.constant 0 : i32
      %swap3A_479 = arith.index_cast %swap3A_478 : i32 to index
      %swap3A_480 = arith.index_cast %add3A_477 : i32 to index
      %swap3A_481 = arith.constant 32 : index
      %swap3A_482 = tpu.vector_load %arg7[%swap3A_479, %swap3A_480, %swap3A_481] {strides = array<i32>} : memref<2x256x64xf32, #tpu.memory_space<vmem>>, vector<1x1x16xf32>,
      %swap3A_483 = vector.shape_cast %swap3A_482 : vector<1x1x16xf32> to vector<16xf32>
      %swap3A_484 = vector.shape_cast %mul3A_475 : vector<16xf32> to vector<1x1x16xf32>
      tpu.vector_store %arg7[%swap3A_479, %swap3A_480, %swap3A_481], %swap3A_484 {strides = array<i32>} : memref<2x256x64xf32, #tpu.memory_space<vmem>>, vector<1x1x16xf32>,
      %add3A_485 = arith.constant 1 : i32
      %add3A_486 = arith.addi %mul3A_346, %add3A_485 : i32
      %get3A_487 = arith.constant 0 : i32
      %get3A_488 = arith.index_cast %get3A_487 : i32 to index
      %get3A_489 = arith.index_cast %add3A_486 : i32 to index
      %get3A_490 = arith.constant 48 : index
      %get3A_491 = tpu.vector_load %arg6[%get3A_488, %get3A_489, %get3A_490] {strides = array<i32>} : memref<2x256x64xf32, #tpu.memory_space<vmem>>, vector<1x1x16xf32>,
      %get3A_492 = vector.shape_cast %get3A_491 : vector<1x1x16xf32> to vector<16xf32>
      %mul3A_493 = arith.constant 8.000000e+00 : f32
      %mul3A_494 = vector.broadcast %mul3A_493 : f32 to vector<16xf32>
      %mul3A_495 = arith.mulf %get3A_492, %mul3A_494 : vector<16xf32>
      %add3A_496 = arith.constant 1 : i32
      %add3A_497 = arith.addi %mul3A_346, %add3A_496 : i32
      %swap3A_498 = arith.constant 0 : i32
      %swap3A_499 = arith.index_cast %swap3A_498 : i32 to index
      %swap3A_500 = arith.index_cast %add3A_497 : i32 to index
      %swap3A_501 = arith.constant 48 : index
      %swap3A_502 = tpu.vector_load %arg7[%swap3A_499, %swap3A_500, %swap3A_501] {strides = array<i32>} : memref<2x256x64xf32, #tpu.memory_space<vmem>>, vector<1x1x16xf32>,
      %swap3A_503 = vector.shape_cast %swap3A_502 : vector<1x1x16xf32> to vector<16xf32>
      %swap3A_504 = vector.shape_cast %mul3A_495 : vector<16xf32> to vector<1x1x16xf32>
      tpu.vector_store %arg7[%swap3A_499, %swap3A_500, %swap3A_501], %swap3A_504 {strides = array<i32>} : memref<2x256x64xf32, #tpu.memory_space<vmem>>, vector<1x1x16xf32>,
      %add3A_505 = arith.constant 2 : i32
      %add3A_506 = arith.addi %mul3A_346, %add3A_505 : i32
      %get3A_507 = arith.constant 0 : i32
      %get3A_508 = arith.index_cast %get3A_507 : i32 to index
      %get3A_509 = arith.index_cast %add3A_506 : i32 to index
      %get3A_510 = arith.constant 0 : index
      %get3A_511 = tpu.vector_load %arg6[%get3A_508, %get3A_509, %get3A_510] {strides = array<i32>} : memref<2x256x64xf32, #tpu.memory_space<vmem>>, vector<1x1x16xf32>,
      %get3A_512 = vector.shape_cast %get3A_511 : vector<1x1x16xf32> to vector<16xf32>
      %mul3A_513 = arith.constant 8.000000e+00 : f32
      %mul3A_514 = vector.broadcast %mul3A_513 : f32 to vector<16xf32>
      %mul3A_515 = arith.mulf %get3A_512, %mul3A_514 : vector<16xf32>
      %add3A_516 = arith.constant 2 : i32
      %add3A_517 = arith.addi %mul3A_346, %add3A_516 : i32
      %swap3A_518 = arith.constant 0 : i32
      %swap3A_519 = arith.index_cast %swap3A_518 : i32 to index
      %swap3A_520 = arith.index_cast %add3A_517 : i32 to index
      %swap3A_521 = arith.constant 0 : index
      %swap3A_522 = tpu.vector_load %arg7[%swap3A_519, %swap3A_520, %swap3A_521] {strides = array<i32>} : memref<2x256x64xf32, #tpu.memory_space<vmem>>, vector<1x1x16xf32>,
      %swap3A_523 = vector.shape_cast %swap3A_522 : vector<1x1x16xf32> to vector<16xf32>
      %swap3A_524 = vector.shape_cast %mul3A_515 : vector<16xf32> to vector<1x1x16xf32>
      tpu.vector_store %arg7[%swap3A_519, %swap3A_520, %swap3A_521], %swap3A_524 {strides = array<i32>} : memref<2x256x64xf32, #tpu.memory_space<vmem>>, vector<1x1x16xf32>,
      %add3A_525 = arith.constant 2 : i32
      %add3A_526 = arith.addi %mul3A_346, %add3A_525 : i32
      %get3A_527 = arith.constant 0 : i32
      %get3A_528 = arith.index_cast %get3A_527 : i32 to index
      %get3A_529 = arith.index_cast %add3A_526 : i32 to index
      %get3A_530 = arith.constant 16 : index
      %get3A_531 = tpu.vector_load %arg6[%get3A_528, %get3A_529, %get3A_530] {strides = array<i32>} : memref<2x256x64xf32, #tpu.memory_space<vmem>>, vector<1x1x16xf32>,
      %get3A_532 = vector.shape_cast %get3A_531 : vector<1x1x16xf32> to vector<16xf32>
      %mul3A_533 = arith.constant 8.000000e+00 : f32
      %mul3A_534 = vector.broadcast %mul3A_533 : f32 to vector<16xf32>
      %mul3A_535 = arith.mulf %get3A_532, %mul3A_534 : vector<16xf32>
      %add3A_536 = arith.constant 2 : i32
      %add3A_537 = arith.addi %mul3A_346, %add3A_536 : i32
      %swap3A_538 = arith.constant 0 : i32
      %swap3A_539 = arith.index_cast %swap3A_538 : i32 to index
      %swap3A_540 = arith.index_cast %add3A_537 : i32 to index
      %swap3A_541 = arith.constant 16 : index
      %swap3A_542 = tpu.vector_load %arg7[%swap3A_539, %swap3A_540, %swap3A_541] {strides = array<i32>} : memref<2x256x64xf32, #tpu.memory_space<vmem>>, vector<1x1x16xf32>,
      %swap3A_543 = vector.shape_cast %swap3A_542 : vector<1x1x16xf32> to vector<16xf32>
      %swap3A_544 = vector.shape_cast %mul3A_535 : vector<16xf32> to vector<1x1x16xf32>
      tpu.vector_store %arg7[%swap3A_539, %swap3A_540, %swap3A_541], %swap3A_544 {strides = array<i32>} : memref<2x256x64xf32, #tpu.memory_space<vmem>>, vector<1x1x16xf32>,
      %add3A_545 = arith.constant 2 : i32
      %add3A_546 = arith.addi %mul3A_346, %add3A_545 : i32
      %get3A_547 = arith.constant 0 : i32
      %get3A_548 = arith.index_cast %get3A_547 : i32 to index
      %get3A_549 = arith.index_cast %add3A_546 : i32 to index
      %get3A_550 = arith.constant 32 : index
      %get3A_551 = tpu.vector_load %arg6[%get3A_548, %get3A_549, %get3A_550] {strides = array<i32>} : memref<2x256x64xf32, #tpu.memory_space<vmem>>, vector<1x1x16xf32>,
      %get3A_552 = vector.shape_cast %get3A_551 : vector<1x1x16xf32> to vector<16xf32>
      %mul3A_553 = arith.constant 8.000000e+00 : f32
      %mul3A_554 = vector.broadcast %mul3A_553 : f32 to vector<16xf32>
      %mul3A_555 = arith.mulf %get3A_552, %mul3A_554 : vector<16xf32>
      %add3A_556 = arith.constant 2 : i32
      %add3A_557 = arith.addi %mul3A_346, %add3A_556 : i32
      %swap3A_558 = arith.constant 0 : i32
      %swap3A_559 = arith.index_cast %swap3A_558 : i32 to index
      %swap3A_560 = arith.index_cast %add3A_557 : i32 to index
      %swap3A_561 = arith.constant 32 : index
      %swap3A_562 = tpu.vector_load %arg7[%swap3A_559, %swap3A_560, %swap3A_561] {strides = array<i32>} : memref<2x256x64xf32, #tpu.memory_space<vmem>>, vector<1x1x16xf32>,
      %swap3A_563 = vector.shape_cast %swap3A_562 : vector<1x1x16xf32> to vector<16xf32>
      %swap3A_564 = vector.shape_cast %mul3A_555 : vector<16xf32> to vector<1x1x16xf32>
      tpu.vector_store %arg7[%swap3A_559, %swap3A_560, %swap3A_561], %swap3A_564 {strides = array<i32>} : memref<2x256x64xf32, #tpu.memory_space<vmem>>, vector<1x1x16xf32>,
      %add3A_565 = arith.constant 2 : i32
      %add3A_566 = arith.addi %mul3A_346, %add3A_565 : i32
      %get3A_567 = arith.constant 0 : i32
      %get3A_568 = arith.index_cast %get3A_567 : i32 to index
      %get3A_569 = arith.index_cast %add3A_566 : i32 to index
      %get3A_570 = arith.constant 48 : index
      %get3A_571 = tpu.vector_load %arg6[%get3A_568, %get3A_569, %get3A_570] {strides = array<i32>} : memref<2x256x64xf32, #tpu.memory_space<vmem>>, vector<1x1x16xf32>,
      %get3A_572 = vector.shape_cast %get3A_571 : vector<1x1x16xf32> to vector<16xf32>
      %mul3A_573 = arith.constant 8.000000e+00 : f32
      %mul3A_574 = vector.broadcast %mul3A_573 : f32 to vector<16xf32>
      %mul3A_575 = arith.mulf %get3A_572, %mul3A_574 : vector<16xf32>
      %add3A_576 = arith.constant 2 : i32
      %add3A_577 = arith.addi %mul3A_346, %add3A_576 : i32
      %swap3A_578 = arith.constant 0 : i32
      %swap3A_579 = arith.index_cast %swap3A_578 : i32 to index
      %swap3A_580 = arith.index_cast %add3A_577 : i32 to index
      %swap3A_581 = arith.constant 48 : index
      %swap3A_582 = tpu.vector_load %arg7[%swap3A_579, %swap3A_580, %swap3A_581] {strides = array<i32>} : memref<2x256x64xf32, #tpu.memory_space<vmem>>, vector<1x1x16xf32>,
      %swap3A_583 = vector.shape_cast %swap3A_582 : vector<1x1x16xf32> to vector<16xf32>
      %swap3A_584 = vector.shape_cast %mul3A_575 : vector<16xf32> to vector<1x1x16xf32>
      tpu.vector_store %arg7[%swap3A_579, %swap3A_580, %swap3A_581], %swap3A_584 {strides = array<i32>} : memref<2x256x64xf32, #tpu.memory_space<vmem>>, vector<1x1x16xf32>,
      %add3A_585 = arith.constant 3 : i32
      %add3A_586 = arith.addi %mul3A_346, %add3A_585 : i32
      %get3A_587 = arith.constant 0 : i32
      %get3A_588 = arith.index_cast %get3A_587 : i32 to index
      %get3A_589 = arith.index_cast %add3A_586 : i32 to index
      %get3A_590 = arith.constant 0 : index
      %get3A_591 = tpu.vector_load %arg6[%get3A_588, %get3A_589, %get3A_590] {strides = array<i32>} : memref<2x256x64xf32, #tpu.memory_space<vmem>>, vector<1x1x16xf32>,
      %get3A_592 = vector.shape_cast %get3A_591 : vector<1x1x16xf32> to vector<16xf32>
      %mul3A_593 = arith.constant 8.000000e+00 : f32
      %mul3A_594 = vector.broadcast %mul3A_593 : f32 to vector<16xf32>
      %mul3A_595 = arith.mulf %get3A_592, %mul3A_594 : vector<16xf32>
      %add3A_596 = arith.constant 3 : i32
      %add3A_597 = arith.addi %mul3A_346, %add3A_596 : i32
      %swap3A_598 = arith.constant 0 : i32
      %swap3A_599 = arith.index_cast %swap3A_598 : i32 to index
      %swap3A_600 = arith.index_cast %add3A_597 : i32 to index
      %swap3A_601 = arith.constant 0 : index
      %swap3A_602 = tpu.vector_load %arg7[%swap3A_599, %swap3A_600, %swap3A_601] {strides = array<i32>} : memref<2x256x64xf32, #tpu.memory_space<vmem>>, vector<1x1x16xf32>,
      %swap3A_603 = vector.shape_cast %swap3A_602 : vector<1x1x16xf32> to vector<16xf32>
      %swap3A_604 = vector.shape_cast %mul3A_595 : vector<16xf32> to vector<1x1x16xf32>
      tpu.vector_store %arg7[%swap3A_599, %swap3A_600, %swap3A_601], %swap3A_604 {strides = array<i32>} : memref<2x256x64xf32, #tpu.memory_space<vmem>>, vector<1x1x16xf32>,
      %add3A_605 = arith.constant 3 : i32
      %add3A_606 = arith.addi %mul3A_346, %add3A_605 : i32
      %get3A_607 = arith.constant 0 : i32
      %get3A_608 = arith.index_cast %get3A_607 : i32 to index
      %get3A_609 = arith.index_cast %add3A_606 : i32 to index
      %get3A_610 = arith.constant 16 : index
      %get3A_611 = tpu.vector_load %arg6[%get3A_608, %get3A_609, %get3A_610] {strides = array<i32>} : memref<2x256x64xf32, #tpu.memory_space<vmem>>, vector<1x1x16xf32>,
      %get3A_612 = vector.shape_cast %get3A_611 : vector<1x1x16xf32> to vector<16xf32>
      %mul3A_613 = arith.constant 8.000000e+00 : f32
      %mul3A_614 = vector.broadcast %mul3A_613 : f32 to vector<16xf32>
      %mul3A_615 = arith.mulf %get3A_612, %mul3A_614 : vector<16xf32>
      %add3A_616 = arith.constant 3 : i32
      %add3A_617 = arith.addi %mul3A_346, %add3A_616 : i32
      %swap3A_618 = arith.constant 0 : i32
      %swap3A_619 = arith.index_cast %swap3A_618 : i32 to index
      %swap3A_620 = arith.index_cast %add3A_617 : i32 to index
      %swap3A_621 = arith.constant 16 : index
      %swap3A_622 = tpu.vector_load %arg7[%swap3A_619, %swap3A_620, %swap3A_621] {strides = array<i32>} : memref<2x256x64xf32, #tpu.memory_space<vmem>>, vector<1x1x16xf32>,
      %swap3A_623 = vector.shape_cast %swap3A_622 : vector<1x1x16xf32> to vector<16xf32>
      %swap3A_624 = vector.shape_cast %mul3A_615 : vector<16xf32> to vector<1x1x16xf32>
      tpu.vector_store %arg7[%swap3A_619, %swap3A_620, %swap3A_621], %swap3A_624 {strides = array<i32>} : memref<2x256x64xf32, #tpu.memory_space<vmem>>, vector<1x1x16xf32>,
      %add3A_625 = arith.constant 3 : i32
      %add3A_626 = arith.addi %mul3A_346, %add3A_625 : i32
      %get3A_627 = arith.constant 0 : i32
      %get3A_628 = arith.index_cast %get3A_627 : i32 to index
      %get3A_629 = arith.index_cast %add3A_626 : i32 to index
      %get3A_630 = arith.constant 32 : index
      %get3A_631 = tpu.vector_load %arg6[%get3A_628, %get3A_629, %get3A_630] {strides = array<i32>} : memref<2x256x64xf32, #tpu.memory_space<vmem>>, vector<1x1x16xf32>,
      %get3A_632 = vector.shape_cast %get3A_631 : vector<1x1x16xf32> to vector<16xf32>
      %mul3A_633 = arith.constant 8.000000e+00 : f32
      %mul3A_634 = vector.broadcast %mul3A_633 : f32 to vector<16xf32>
      %mul3A_635 = arith.mulf %get3A_632, %mul3A_634 : vector<16xf32>
      %add3A_636 = arith.constant 3 : i32
      %add3A_637 = arith.addi %mul3A_346, %add3A_636 : i32
      %swap3A_638 = arith.constant 0 : i32
      %swap3A_639 = arith.index_cast %swap3A_638 : i32 to index
      %swap3A_640 = arith.index_cast %add3A_637 : i32 to index
      %swap3A_641 = arith.constant 32 : index
      %swap3A_642 = tpu.vector_load %arg7[%swap3A_639, %swap3A_640, %swap3A_641] {strides = array<i32>} : memref<2x256x64xf32, #tpu.memory_space<vmem>>, vector<1x1x16xf32>,
      %swap3A_643 = vector.shape_cast %swap3A_642 : vector<1x1x16xf32> to vector<16xf32>
      %swap3A_644 = vector.shape_cast %mul3A_635 : vector<16xf32> to vector<1x1x16xf32>
      tpu.vector_store %arg7[%swap3A_639, %swap3A_640, %swap3A_641], %swap3A_644 {strides = array<i32>} : memref<2x256x64xf32, #tpu.memory_space<vmem>>, vector<1x1x16xf32>,
      %add3A_645 = arith.constant 3 : i32
      %add3A_646 = arith.addi %mul3A_346, %add3A_645 : i32
      %get3A_647 = arith.constant 0 : i32
      %get3A_648 = arith.index_cast %get3A_647 : i32 to index
      %get3A_649 = arith.index_cast %add3A_646 : i32 to index
      %get3A_650 = arith.constant 48 : index
      %get3A_651 = tpu.vector_load %arg6[%get3A_648, %get3A_649, %get3A_650] {strides = array<i32>} : memref<2x256x64xf32, #tpu.memory_space<vmem>>, vector<1x1x16xf32>,
      %get3A_652 = vector.shape_cast %get3A_651 : vector<1x1x16xf32> to vector<16xf32>
      %mul3A_653 = arith.constant 8.000000e+00 : f32
      %mul3A_654 = vector.broadcast %mul3A_653 : f32 to vector<16xf32>
      %mul3A_655 = arith.mulf %get3A_652, %mul3A_654 : vector<16xf32>
      %add3A_656 = arith.constant 3 : i32
      %add3A_657 = arith.addi %mul3A_346, %add3A_656 : i32
      %swap3A_658 = arith.constant 0 : i32
      %swap3A_659 = arith.index_cast %swap3A_658 : i32 to index
      %swap3A_660 = arith.index_cast %add3A_657 : i32 to index
      %swap3A_661 = arith.constant 48 : index
      %swap3A_662 = tpu.vector_load %arg7[%swap3A_659, %swap3A_660, %swap3A_661] {strides = array<i32>} : memref<2x256x64xf32, #tpu.memory_space<vmem>>, vector<1x1x16xf32>,
      %swap3A_663 = vector.shape_cast %swap3A_662 : vector<1x1x16xf32> to vector<16xf32>
      %swap3A_664 = vector.shape_cast %mul3A_655 : vector<16xf32> to vector<1x1x16xf32>
      tpu.vector_store %arg7[%swap3A_659, %swap3A_660, %swap3A_661], %swap3A_664 {strides = array<i32>} : memref<2x256x64xf32, #tpu.memory_space<vmem>>, vector<1x1x16xf32>,
      %add3A_665 = arith.constant 4 : i32
      %add3A_666 = arith.addi %mul3A_346, %add3A_665 : i32
      %get3A_667 = arith.constant 0 : i32
      %get3A_668 = arith.index_cast %get3A_667 : i32 to index
      %get3A_669 = arith.index_cast %add3A_666 : i32 to index
      %get3A_670 = arith.constant 0 : index
      %get3A_671 = tpu.vector_load %arg6[%get3A_668, %get3A_669, %get3A_670] {strides = array<i32>} : memref<2x256x64xf32, #tpu.memory_space<vmem>>, vector<1x1x16xf32>,
      %get3A_672 = vector.shape_cast %get3A_671 : vector<1x1x16xf32> to vector<16xf32>
      %mul3A_673 = arith.constant 8.000000e+00 : f32
      %mul3A_674 = vector.broadcast %mul3A_673 : f32 to vector<16xf32>
      %mul3A_675 = arith.mulf %get3A_672, %mul3A_674 : vector<16xf32>
      %add3A_676 = arith.constant 4 : i32
      %add3A_677 = arith.addi %mul3A_346, %add3A_676 : i32
      %swap3A_678 = arith.constant 0 : i32
      %swap3A_679 = arith.index_cast %swap3A_678 : i32 to index
      %swap3A_680 = arith.index_cast %add3A_677 : i32 to index
      %swap3A_681 = arith.constant 0 : index
      %swap3A_682 = tpu.vector_load %arg7[%swap3A_679, %swap3A_680, %swap3A_681] {strides = array<i32>} : memref<2x256x64xf32, #tpu.memory_space<vmem>>, vector<1x1x16xf32>,
      %swap3A_683 = vector.shape_cast %swap3A_682 : vector<1x1x16xf32> to vector<16xf32>
      %swap3A_684 = vector.shape_cast %mul3A_675 : vector<16xf32> to vector<1x1x16xf32>
      tpu.vector_store %arg7[%swap3A_679, %swap3A_680, %swap3A_681], %swap3A_684 {strides = array<i32>} : memref<2x256x64xf32, #tpu.memory_space<vmem>>, vector<1x1x16xf32>,
      %add3A_685 = arith.constant 4 : i32
      %add3A_686 = arith.addi %mul3A_346, %add3A_685 : i32
      %get3A_687 = arith.constant 0 : i32
      %get3A_688 = arith.index_cast %get3A_687 : i32 to index
      %get3A_689 = arith.index_cast %add3A_686 : i32 to index
      %get3A_690 = arith.constant 16 : index
      %get3A_691 = tpu.vector_load %arg6[%get3A_688, %get3A_689, %get3A_690] {strides = array<i32>} : memref<2x256x64xf32, #tpu.memory_space<vmem>>, vector<1x1x16xf32>,
      %get3A_692 = vector.shape_cast %get3A_691 : vector<1x1x16xf32> to vector<16xf32>
      %mul3A_693 = arith.constant 8.000000e+00 : f32
      %mul3A_694 = vector.broadcast %mul3A_693 : f32 to vector<16xf32>
      %mul3A_695 = arith.mulf %get3A_692, %mul3A_694 : vector<16xf32>
      %add3A_696 = arith.constant 4 : i32
      %add3A_697 = arith.addi %mul3A_346, %add3A_696 : i32
      %swap3A_698 = arith.constant 0 : i32
      %swap3A_699 = arith.index_cast %swap3A_698 : i32 to index
      %swap3A_700 = arith.index_cast %add3A_697 : i32 to index
      %swap3A_701 = arith.constant 16 : index
      %swap3A_702 = tpu.vector_load %arg7[%swap3A_699, %swap3A_700, %swap3A_701] {strides = array<i32>} : memref<2x256x64xf32, #tpu.memory_space<vmem>>, vector<1x1x16xf32>,
      %swap3A_703 = vector.shape_cast %swap3A_702 : vector<1x1x16xf32> to vector<16xf32>
      %swap3A_704 = vector.shape_cast %mul3A_695 : vector<16xf32> to vector<1x1x16xf32>
      tpu.vector_store %arg7[%swap3A_699, %swap3A_700, %swap3A_701], %swap3A_704 {strides = array<i32>} : memref<2x256x64xf32, #tpu.memory_space<vmem>>, vector<1x1x16xf32>,
      %add3A_705 = arith.constant 4 : i32
      %add3A_706 = arith.addi %mul3A_346, %add3A_705 : i32
      %get3A_707 = arith.constant 0 : i32
      %get3A_708 = arith.index_cast %get3A_707 : i32 to index
      %get3A_709 = arith.index_cast %add3A_706 : i32 to index
      %get3A_710 = arith.constant 32 : index
      %get3A_711 = tpu.vector_load %arg6[%get3A_708, %get3A_709, %get3A_710] {strides = array<i32>} : memref<2x256x64xf32, #tpu.memory_space<vmem>>, vector<1x1x16xf32>,
      %get3A_712 = vector.shape_cast %get3A_711 : vector<1x1x16xf32> to vector<16xf32>
      %mul3A_713 = arith.constant 8.000000e+00 : f32
      %mul3A_714 = vector.broadcast %mul3A_713 : f32 to vector<16xf32>
      %mul3A_715 = arith.mulf %get3A_712, %mul3A_714 : vector<16xf32>
      %add3A_716 = arith.constant 4 : i32
      %add3A_717 = arith.addi %mul3A_346, %add3A_716 : i32
      %swap3A_718 = arith.constant 0 : i32
      %swap3A_719 = arith.index_cast %swap3A_718 : i32 to index
      %swap3A_720 = arith.index_cast %add3A_717 : i32 to index
      %swap3A_721 = arith.constant 32 : index
      %swap3A_722 = tpu.vector_load %arg7[%swap3A_719, %swap3A_720, %swap3A_721] {strides = array<i32>} : memref<2x256x64xf32, #tpu.memory_space<vmem>>, vector<1x1x16xf32>,
      %swap3A_723 = vector.shape_cast %swap3A_722 : vector<1x1x16xf32> to vector<16xf32>
      %swap3A_724 = vector.shape_cast %mul3A_715 : vector<16xf32> to vector<1x1x16xf32>
      tpu.vector_store %arg7[%swap3A_719, %swap3A_720, %swap3A_721], %swap3A_724 {strides = array<i32>} : memref<2x256x64xf32, #tpu.memory_space<vmem>>, vector<1x1x16xf32>,
      %add3A_725 = arith.constant 4 : i32
      %add3A_726 = arith.addi %mul3A_346, %add3A_725 : i32
      %get3A_727 = arith.constant 0 : i32
      %get3A_728 = arith.index_cast %get3A_727 : i32 to index
      %get3A_729 = arith.index_cast %add3A_726 : i32 to index
      %get3A_730 = arith.constant 48 : index
      %get3A_731 = tpu.vector_load %arg6[%get3A_728, %get3A_729, %get3A_730] {strides = array<i32>} : memref<2x256x64xf32, #tpu.memory_space<vmem>>, vector<1x1x16xf32>,
      %get3A_732 = vector.shape_cast %get3A_731 : vector<1x1x16xf32> to vector<16xf32>
      %mul3A_733 = arith.constant 8.000000e+00 : f32
      %mul3A_734 = vector.broadcast %mul3A_733 : f32 to vector<16xf32>
      %mul3A_735 = arith.mulf %get3A_732, %mul3A_734 : vector<16xf32>
      %add3A_736 = arith.constant 4 : i32
      %add3A_737 = arith.addi %mul3A_346, %add3A_736 : i32
      %swap3A_738 = arith.constant 0 : i32
      %swap3A_739 = arith.index_cast %swap3A_738 : i32 to index
      %swap3A_740 = arith.index_cast %add3A_737 : i32 to index
      %swap3A_741 = arith.constant 48 : index
      %swap3A_742 = tpu.vector_load %arg7[%swap3A_739, %swap3A_740, %swap3A_741] {strides = array<i32>} : memref<2x256x64xf32, #tpu.memory_space<vmem>>, vector<1x1x16xf32>,
      %swap3A_743 = vector.shape_cast %swap3A_742 : vector<1x1x16xf32> to vector<16xf32>
      %swap3A_744 = vector.shape_cast %mul3A_735 : vector<16xf32> to vector<1x1x16xf32>
      tpu.vector_store %arg7[%swap3A_739, %swap3A_740, %swap3A_741], %swap3A_744 {strides = array<i32>} : memref<2x256x64xf32, #tpu.memory_space<vmem>>, vector<1x1x16xf32>,
      %add3A_745 = arith.constant 5 : i32
      %add3A_746 = arith.addi %mul3A_346, %add3A_745 : i32
      %get3A_747 = arith.constant 0 : i32
      %get3A_748 = arith.index_cast %get3A_747 : i32 to index
      %get3A_749 = arith.index_cast %add3A_746 : i32 to index
      %get3A_750 = arith.constant 0 : index
      %get3A_751 = tpu.vector_load %arg6[%get3A_748, %get3A_749, %get3A_750] {strides = array<i32>} : memref<2x256x64xf32, #tpu.memory_space<vmem>>, vector<1x1x16xf32>,
      %get3A_752 = vector.shape_cast %get3A_751 : vector<1x1x16xf32> to vector<16xf32>
      %mul3A_753 = arith.constant 8.000000e+00 : f32
      %mul3A_754 = vector.broadcast %mul3A_753 : f32 to vector<16xf32>
      %mul3A_755 = arith.mulf %get3A_752, %mul3A_754 : vector<16xf32>
      %add3A_756 = arith.constant 5 : i32
      %add3A_757 = arith.addi %mul3A_346, %add3A_756 : i32
      %swap3A_758 = arith.constant 0 : i32
      %swap3A_759 = arith.index_cast %swap3A_758 : i32 to index
      %swap3A_760 = arith.index_cast %add3A_757 : i32 to index
      %swap3A_761 = arith.constant 0 : index
      %swap3A_762 = tpu.vector_load %arg7[%swap3A_759, %swap3A_760, %swap3A_761] {strides = array<i32>} : memref<2x256x64xf32, #tpu.memory_space<vmem>>, vector<1x1x16xf32>,
      %swap3A_763 = vector.shape_cast %swap3A_762 : vector<1x1x16xf32> to vector<16xf32>
      %swap3A_764 = vector.shape_cast %mul3A_755 : vector<16xf32> to vector<1x1x16xf32>
      tpu.vector_store %arg7[%swap3A_759, %swap3A_760, %swap3A_761], %swap3A_764 {strides = array<i32>} : memref<2x256x64xf32, #tpu.memory_space<vmem>>, vector<1x1x16xf32>,
      %add3A_765 = arith.constant 5 : i32
      %add3A_766 = arith.addi %mul3A_346, %add3A_765 : i32
      %get3A_767 = arith.constant 0 : i32
      %get3A_768 = arith.index_cast %get3A_767 : i32 to index
      %get3A_769 = arith.index_cast %add3A_766 : i32 to index
      %get3A_770 = arith.constant 16 : index
      %get3A_771 = tpu.vector_load %arg6[%get3A_768, %get3A_769, %get3A_770] {strides = array<i32>} : memref<2x256x64xf32, #tpu.memory_space<vmem>>, vector<1x1x16xf32>,
      %get3A_772 = vector.shape_cast %get3A_771 : vector<1x1x16xf32> to vector<16xf32>
      %mul3A_773 = arith.constant 8.000000e+00 : f32
      %mul3A_774 = vector.broadcast %mul3A_773 : f32 to vector<16xf32>
      %mul3A_775 = arith.mulf %get3A_772, %mul3A_774 : vector<16xf32>
      %add3A_776 = arith.constant 5 : i32
      %add3A_777 = arith.addi %mul3A_346, %add3A_776 : i32
      %swap3A_778 = arith.constant 0 : i32
      %swap3A_779 = arith.index_cast %swap3A_778 : i32 to index
      %swap3A_780 = arith.index_cast %add3A_777 : i32 to index
      %swap3A_781 = arith.constant 16 : index
      %swap3A_782 = tpu.vector_load %arg7[%swap3A_779, %swap3A_780, %swap3A_781] {strides = array<i32>} : memref<2x256x64xf32, #tpu.memory_space<vmem>>, vector<1x1x16xf32>,
      %swap3A_783 = vector.shape_cast %swap3A_782 : vector<1x1x16xf32> to vector<16xf32>
      %swap3A_784 = vector.shape_cast %mul3A_775 : vector<16xf32> to vector<1x1x16xf32>
      tpu.vector_store %arg7[%swap3A_779, %swap3A_780, %swap3A_781], %swap3A_784 {strides = array<i32>} : memref<2x256x64xf32, #tpu.memory_space<vmem>>, vector<1x1x16xf32>,
      %add3A_785 = arith.constant 5 : i32
      %add3A_786 = arith.addi %mul3A_346, %add3A_785 : i32
      %get3A_787 = arith.constant 0 : i32
      %get3A_788 = arith.index_cast %get3A_787 : i32 to index
      %get3A_789 = arith.index_cast %add3A_786 : i32 to index
      %get3A_790 = arith.constant 32 : index
      %get3A_791 = tpu.vector_load %arg6[%get3A_788, %get3A_789, %get3A_790] {strides = array<i32>} : memref<2x256x64xf32, #tpu.memory_space<vmem>>, vector<1x1x16xf32>,
      %get3A_792 = vector.shape_cast %get3A_791 : vector<1x1x16xf32> to vector<16xf32>
      %mul3A_793 = arith.constant 8.000000e+00 : f32
      %mul3A_794 = vector.broadcast %mul3A_793 : f32 to vector<16xf32>
      %mul3A_795 = arith.mulf %get3A_792, %mul3A_794 : vector<16xf32>
      %add3A_796 = arith.constant 5 : i32
      %add3A_797 = arith.addi %mul3A_346, %add3A_796 : i32
      %swap3A_798 = arith.constant 0 : i32
      %swap3A_799 = arith.index_cast %swap3A_798 : i32 to index
      %swap3A_800 = arith.index_cast %add3A_797 : i32 to index
      %swap3A_801 = arith.constant 32 : index
      %swap3A_802 = tpu.vector_load %arg7[%swap3A_799, %swap3A_800, %swap3A_801] {strides = array<i32>} : memref<2x256x64xf32, #tpu.memory_space<vmem>>, vector<1x1x16xf32>,
      %swap3A_803 = vector.shape_cast %swap3A_802 : vector<1x1x16xf32> to vector<16xf32>
      %swap3A_804 = vector.shape_cast %mul3A_795 : vector<16xf32> to vector<1x1x16xf32>
      tpu.vector_store %arg7[%swap3A_799, %swap3A_800, %swap3A_801], %swap3A_804 {strides = array<i32>} : memref<2x256x64xf32, #tpu.memory_space<vmem>>, vector<1x1x16xf32>,
      %add3A_805 = arith.constant 5 : i32
      %add3A_806 = arith.addi %mul3A_346, %add3A_805 : i32
      %get3A_807 = arith.constant 0 : i32
      %get3A_808 = arith.index_cast %get3A_807 : i32 to index
      %get3A_809 = arith.index_cast %add3A_806 : i32 to index
      %get3A_810 = arith.constant 48 : index
      %get3A_811 = tpu.vector_load %arg6[%get3A_808, %get3A_809, %get3A_810] {strides = array<i32>} : memref<2x256x64xf32, #tpu.memory_space<vmem>>, vector<1x1x16xf32>,
      %get3A_812 = vector.shape_cast %get3A_811 : vector<1x1x16xf32> to vector<16xf32>
      %mul3A_813 = arith.constant 8.000000e+00 : f32
      %mul3A_814 = vector.broadcast %mul3A_813 : f32 to vector<16xf32>
      %mul3A_815 = arith.mulf %get3A_812, %mul3A_814 : vector<16xf32>
      %add3A_816 = arith.constant 5 : i32
      %add3A_817 = arith.addi %mul3A_346, %add3A_816 : i32
      %swap3A_818 = arith.constant 0 : i32
      %swap3A_819 = arith.index_cast %swap3A_818 : i32 to index
      %swap3A_820 = arith.index_cast %add3A_817 : i32 to index
      %swap3A_821 = arith.constant 48 : index
      %swap3A_822 = tpu.vector_load %arg7[%swap3A_819, %swap3A_820, %swap3A_821] {strides = array<i32>} : memref<2x256x64xf32, #tpu.memory_space<vmem>>, vector<1x1x16xf32>,
      %swap3A_823 = vector.shape_cast %swap3A_822 : vector<1x1x16xf32> to vector<16xf32>
      %swap3A_824 = vector.shape_cast %mul3A_815 : vector<16xf32> to vector<1x1x16xf32>
      tpu.vector_store %arg7[%swap3A_819, %swap3A_820, %swap3A_821], %swap3A_824 {strides = array<i32>} : memref<2x256x64xf32, #tpu.memory_space<vmem>>, vector<1x1x16xf32>,
      %add3A_825 = arith.constant 6 : i32
      %add3A_826 = arith.addi %mul3A_346, %add3A_825 : i32
      %get3A_827 = arith.constant 0 : i32
      %get3A_828 = arith.index_cast %get3A_827 : i32 to index
      %get3A_829 = arith.index_cast %add3A_826 : i32 to index
      %get3A_830 = arith.constant 0 : index
      %get3A_831 = tpu.vector_load %arg6[%get3A_828, %get3A_829, %get3A_830] {strides = array<i32>} : memref<2x256x64xf32, #tpu.memory_space<vmem>>, vector<1x1x16xf32>,
      %get3A_832 = vector.shape_cast %get3A_831 : vector<1x1x16xf32> to vector<16xf32>
      %mul3A_833 = arith.constant 8.000000e+00 : f32
      %mul3A_834 = vector.broadcast %mul3A_833 : f32 to vector<16xf32>
      %mul3A_835 = arith.mulf %get3A_832, %mul3A_834 : vector<16xf32>
      %add3A_836 = arith.constant 6 : i32
      %add3A_837 = arith.addi %mul3A_346, %add3A_836 : i32
      %swap3A_838 = arith.constant 0 : i32
      %swap3A_839 = arith.index_cast %swap3A_838 : i32 to index
      %swap3A_840 = arith.index_cast %add3A_837 : i32 to index
      %swap3A_841 = arith.constant 0 : index
      %swap3A_842 = tpu.vector_load %arg7[%swap3A_839, %swap3A_840, %swap3A_841] {strides = array<i32>} : memref<2x256x64xf32, #tpu.memory_space<vmem>>, vector<1x1x16xf32>,
      %swap3A_843 = vector.shape_cast %swap3A_842 : vector<1x1x16xf32> to vector<16xf32>
      %swap3A_844 = vector.shape_cast %mul3A_835 : vector<16xf32> to vector<1x1x16xf32>
      tpu.vector_store %arg7[%swap3A_839, %swap3A_840, %swap3A_841], %swap3A_844 {strides = array<i32>} : memref<2x256x64xf32, #tpu.memory_space<vmem>>, vector<1x1x16xf32>,
      %add3A_845 = arith.constant 6 : i32
      %add3A_846 = arith.addi %mul3A_346, %add3A_845 : i32
      %get3A_847 = arith.constant 0 : i32
      %get3A_848 = arith.index_cast %get3A_847 : i32 to index
      %get3A_849 = arith.index_cast %add3A_846 : i32 to index
      %get3A_850 = arith.constant 16 : index
      %get3A_851 = tpu.vector_load %arg6[%get3A_848, %get3A_849, %get3A_850] {strides = array<i32>} : memref<2x256x64xf32, #tpu.memory_space<vmem>>, vector<1x1x16xf32>,
      %get3A_852 = vector.shape_cast %get3A_851 : vector<1x1x16xf32> to vector<16xf32>
      %mul3A_853 = arith.constant 8.000000e+00 : f32
      %mul3A_854 = vector.broadcast %mul3A_853 : f32 to vector<16xf32>
      %mul3A_855 = arith.mulf %get3A_852, %mul3A_854 : vector<16xf32>
      %add3A_856 = arith.constant 6 : i32
      %add3A_857 = arith.addi %mul3A_346, %add3A_856 : i32
      %swap3A_858 = arith.constant 0 : i32
      %swap3A_859 = arith.index_cast %swap3A_858 : i32 to index
      %swap3A_860 = arith.index_cast %add3A_857 : i32 to index
      %swap3A_861 = arith.constant 16 : index
      %swap3A_862 = tpu.vector_load %arg7[%swap3A_859, %swap3A_860, %swap3A_861] {strides = array<i32>} : memref<2x256x64xf32, #tpu.memory_space<vmem>>, vector<1x1x16xf32>,
      %swap3A_863 = vector.shape_cast %swap3A_862 : vector<1x1x16xf32> to vector<16xf32>
      %swap3A_864 = vector.shape_cast %mul3A_855 : vector<16xf32> to vector<1x1x16xf32>
      tpu.vector_store %arg7[%swap3A_859, %swap3A_860, %swap3A_861], %swap3A_864 {strides = array<i32>} : memref<2x256x64xf32, #tpu.memory_space<vmem>>, vector<1x1x16xf32>,
      %add3A_865 = arith.constant 6 : i32
      %add3A_866 = arith.addi %mul3A_346, %add3A_865 : i32
      %get3A_867 = arith.constant 0 : i32
      %get3A_868 = arith.index_cast %get3A_867 : i32 to index
      %get3A_869 = arith.index_cast %add3A_866 : i32 to index
      %get3A_870 = arith.constant 32 : index
      %get3A_871 = tpu.vector_load %arg6[%get3A_868, %get3A_869, %get3A_870] {strides = array<i32>} : memref<2x256x64xf32, #tpu.memory_space<vmem>>, vector<1x1x16xf32>,
      %get3A_872 = vector.shape_cast %get3A_871 : vector<1x1x16xf32> to vector<16xf32>
      %mul3A_873 = arith.constant 8.000000e+00 : f32
      %mul3A_874 = vector.broadcast %mul3A_873 : f32 to vector<16xf32>
      %mul3A_875 = arith.mulf %get3A_872, %mul3A_874 : vector<16xf32>
      %add3A_876 = arith.constant 6 : i32
      %add3A_877 = arith.addi %mul3A_346, %add3A_876 : i32
      %swap3A_878 = arith.constant 0 : i32
      %swap3A_879 = arith.index_cast %swap3A_878 : i32 to index
      %swap3A_880 = arith.index_cast %add3A_877 : i32 to index
      %swap3A_881 = arith.constant 32 : index
      %swap3A_882 = tpu.vector_load %arg7[%swap3A_879, %swap3A_880, %swap3A_881] {strides = array<i32>} : memref<2x256x64xf32, #tpu.memory_space<vmem>>, vector<1x1x16xf32>,
      %swap3A_883 = vector.shape_cast %swap3A_882 : vector<1x1x16xf32> to vector<16xf32>
      %swap3A_884 = vector.shape_cast %mul3A_875 : vector<16xf32> to vector<1x1x16xf32>
      tpu.vector_store %arg7[%swap3A_879, %swap3A_880, %swap3A_881], %swap3A_884 {strides = array<i32>} : memref<2x256x64xf32, #tpu.memory_space<vmem>>, vector<1x1x16xf32>,
      %add3A_885 = arith.constant 6 : i32
      %add3A_886 = arith.addi %mul3A_346, %add3A_885 : i32
      %get3A_887 = arith.constant 0 : i32
      %get3A_888 = arith.index_cast %get3A_887 : i32 to index
      %get3A_889 = arith.index_cast %add3A_886 : i32 to index
      %get3A_890 = arith.constant 48 : index
      %get3A_891 = tpu.vector_load %arg6[%get3A_888, %get3A_889, %get3A_890] {strides = array<i32>} : memref<2x256x64xf32, #tpu.memory_space<vmem>>, vector<1x1x16xf32>,
      %get3A_892 = vector.shape_cast %get3A_891 : vector<1x1x16xf32> to vector<16xf32>
      %mul3A_893 = arith.constant 8.000000e+00 : f32
      %mul3A_894 = vector.broadcast %mul3A_893 : f32 to vector<16xf32>
      %mul3A_895 = arith.mulf %get3A_892, %mul3A_894 : vector<16xf32>
      %add3A_896 = arith.constant 6 : i32
      %add3A_897 = arith.addi %mul3A_346, %add3A_896 : i32
      %swap3A_898 = arith.constant 0 : i32
      %swap3A_899 = arith.index_cast %swap3A_898 : i32 to index
      %swap3A_900 = arith.index_cast %add3A_897 : i32 to index
      %swap3A_901 = arith.constant 48 : index
      %swap3A_902 = tpu.vector_load %arg7[%swap3A_899, %swap3A_900, %swap3A_901] {strides = array<i32>} : memref<2x256x64xf32, #tpu.memory_space<vmem>>, vector<1x1x16xf32>,
      %swap3A_903 = vector.shape_cast %swap3A_902 : vector<1x1x16xf32> to vector<16xf32>
      %swap3A_904 = vector.shape_cast %mul3A_895 : vector<16xf32> to vector<1x1x16xf32>
      tpu.vector_store %arg7[%swap3A_899, %swap3A_900, %swap3A_901], %swap3A_904 {strides = array<i32>} : memref<2x256x64xf32, #tpu.memory_space<vmem>>, vector<1x1x16xf32>,
      %add3A_905 = arith.constant 7 : i32
      %add3A_906 = arith.addi %mul3A_346, %add3A_905 : i32
      %get3A_907 = arith.constant 0 : i32
      %get3A_908 = arith.index_cast %get3A_907 : i32 to index
      %get3A_909 = arith.index_cast %add3A_906 : i32 to index
      %get3A_910 = arith.constant 0 : index
      %get3A_911 = tpu.vector_load %arg6[%get3A_908, %get3A_909, %get3A_910] {strides = array<i32>} : memref<2x256x64xf32, #tpu.memory_space<vmem>>, vector<1x1x16xf32>,
      %get3A_912 = vector.shape_cast %get3A_911 : vector<1x1x16xf32> to vector<16xf32>
      %mul3A_913 = arith.constant 8.000000e+00 : f32
      %mul3A_914 = vector.broadcast %mul3A_913 : f32 to vector<16xf32>
      %mul3A_915 = arith.mulf %get3A_912, %mul3A_914 : vector<16xf32>
      %add3A_916 = arith.constant 7 : i32
      %add3A_917 = arith.addi %mul3A_346, %add3A_916 : i32
      %swap3A_918 = arith.constant 0 : i32
      %swap3A_919 = arith.index_cast %swap3A_918 : i32 to index
      %swap3A_920 = arith.index_cast %add3A_917 : i32 to index
      %swap3A_921 = arith.constant 0 : index
      %swap3A_922 = tpu.vector_load %arg7[%swap3A_919, %swap3A_920, %swap3A_921] {strides = array<i32>} : memref<2x256x64xf32, #tpu.memory_space<vmem>>, vector<1x1x16xf32>,
      %swap3A_923 = vector.shape_cast %swap3A_922 : vector<1x1x16xf32> to vector<16xf32>
      %swap3A_924 = vector.shape_cast %mul3A_915 : vector<16xf32> to vector<1x1x16xf32>
      tpu.vector_store %arg7[%swap3A_919, %swap3A_920, %swap3A_921], %swap3A_924 {strides = array<i32>} : memref<2x256x64xf32, #tpu.memory_space<vmem>>, vector<1x1x16xf32>,
      %add3A_925 = arith.constant 7 : i32
      %add3A_926 = arith.addi %mul3A_346, %add3A_925 : i32
      %get3A_927 = arith.constant 0 : i32
      %get3A_928 = arith.index_cast %get3A_927 : i32 to index
      %get3A_929 = arith.index_cast %add3A_926 : i32 to index
      %get3A_930 = arith.constant 16 : index
      %get3A_931 = tpu.vector_load %arg6[%get3A_928, %get3A_929, %get3A_930] {strides = array<i32>} : memref<2x256x64xf32, #tpu.memory_space<vmem>>, vector<1x1x16xf32>,
      %get3A_932 = vector.shape_cast %get3A_931 : vector<1x1x16xf32> to vector<16xf32>
      %mul3A_933 = arith.constant 8.000000e+00 : f32
      %mul3A_934 = vector.broadcast %mul3A_933 : f32 to vector<16xf32>
      %mul3A_935 = arith.mulf %get3A_932, %mul3A_934 : vector<16xf32>
      %add3A_936 = arith.constant 7 : i32
      %add3A_937 = arith.addi %mul3A_346, %add3A_936 : i32
      %swap3A_938 = arith.constant 0 : i32
      %swap3A_939 = arith.index_cast %swap3A_938 : i32 to index
      %swap3A_940 = arith.index_cast %add3A_937 : i32 to index
      %swap3A_941 = arith.constant 16 : index
      %swap3A_942 = tpu.vector_load %arg7[%swap3A_939, %swap3A_940, %swap3A_941] {strides = array<i32>} : memref<2x256x64xf32, #tpu.memory_space<vmem>>, vector<1x1x16xf32>,
      %swap3A_943 = vector.shape_cast %swap3A_942 : vector<1x1x16xf32> to vector<16xf32>
      %swap3A_944 = vector.shape_cast %mul3A_935 : vector<16xf32> to vector<1x1x16xf32>
      tpu.vector_store %arg7[%swap3A_939, %swap3A_940, %swap3A_941], %swap3A_944 {strides = array<i32>} : memref<2x256x64xf32, #tpu.memory_space<vmem>>, vector<1x1x16xf32>,
      %add3A_945 = arith.constant 7 : i32
      %add3A_946 = arith.addi %mul3A_346, %add3A_945 : i32
      %get3A_947 = arith.constant 0 : i32
      %get3A_948 = arith.index_cast %get3A_947 : i32 to index
      %get3A_949 = arith.index_cast %add3A_946 : i32 to index
      %get3A_950 = arith.constant 32 : index
      %get3A_951 = tpu.vector_load %arg6[%get3A_948, %get3A_949, %get3A_950] {strides = array<i32>} : memref<2x256x64xf32, #tpu.memory_space<vmem>>, vector<1x1x16xf32>,
      %get3A_952 = vector.shape_cast %get3A_951 : vector<1x1x16xf32> to vector<16xf32>
      %mul3A_953 = arith.constant 8.000000e+00 : f32
      %mul3A_954 = vector.broadcast %mul3A_953 : f32 to vector<16xf32>
      %mul3A_955 = arith.mulf %get3A_952, %mul3A_954 : vector<16xf32>
      %add3A_956 = arith.constant 7 : i32
      %add3A_957 = arith.addi %mul3A_346, %add3A_956 : i32
      %swap3A_958 = arith.constant 0 : i32
      %swap3A_959 = arith.index_cast %swap3A_958 : i32 to index
      %swap3A_960 = arith.index_cast %add3A_957 : i32 to index
      %swap3A_961 = arith.constant 32 : index
      %swap3A_962 = tpu.vector_load %arg7[%swap3A_959, %swap3A_960, %swap3A_961] {strides = array<i32>} : memref<2x256x64xf32, #tpu.memory_space<vmem>>, vector<1x1x16xf32>,
      %swap3A_963 = vector.shape_cast %swap3A_962 : vector<1x1x16xf32> to vector<16xf32>
      %swap3A_964 = vector.shape_cast %mul3A_955 : vector<16xf32> to vector<1x1x16xf32>
      tpu.vector_store %arg7[%swap3A_959, %swap3A_960, %swap3A_961], %swap3A_964 {strides = array<i32>} : memref<2x256x64xf32, #tpu.memory_space<vmem>>, vector<1x1x16xf32>,
      %add3A_965 = arith.constant 7 : i32
      %add3A_966 = arith.addi %mul3A_346, %add3A_965 : i32
      %get3A_967 = arith.constant 0 : i32
      %get3A_968 = arith.index_cast %get3A_967 : i32 to index
      %get3A_969 = arith.index_cast %add3A_966 : i32 to index
      %get3A_970 = arith.constant 48 : index
      %get3A_971 = tpu.vector_load %arg6[%get3A_968, %get3A_969, %get3A_970] {strides = array<i32>} : memref<2x256x64xf32, #tpu.memory_space<vmem>>, vector<1x1x16xf32>,
      %get3A_972 = vector.shape_cast %get3A_971 : vector<1x1x16xf32> to vector<16xf32>
      %mul3A_973 = arith.constant 8.000000e+00 : f32
      %mul3A_974 = vector.broadcast %mul3A_973 : f32 to vector<16xf32>
      %mul3A_975 = arith.mulf %get3A_972, %mul3A_974 : vector<16xf32>
      %add3A_976 = arith.constant 7 : i32
      %add3A_977 = arith.addi %mul3A_346, %add3A_976 : i32
      %swap3A_978 = arith.constant 0 : i32
      %swap3A_979 = arith.index_cast %swap3A_978 : i32 to index
      %swap3A_980 = arith.index_cast %add3A_977 : i32 to index
      %swap3A_981 = arith.constant 48 : index
      %swap3A_982 = tpu.vector_load %arg7[%swap3A_979, %swap3A_980, %swap3A_981] {strides = array<i32>} : memref<2x256x64xf32, #tpu.memory_space<vmem>>, vector<1x1x16xf32>,
      %swap3A_983 = vector.shape_cast %swap3A_982 : vector<1x1x16xf32> to vector<16xf32>
      %swap3A_984 = vector.shape_cast %mul3A_975 : vector<16xf32> to vector<1x1x16xf32>
      tpu.vector_store %arg7[%swap3A_979, %swap3A_980, %swap3A_981], %swap3A_984 {strides = array<i32>} : memref<2x256x64xf32, #tpu.memory_space<vmem>>, vector<1x1x16xf32>,
    }
    %scan3A_79 = arith.constant 32 : i32
    %add3A_80 = arith.constant 0 : i32
    %add3A_81 = arith.addi %mul3A_2, %add3A_80 : i32
    %dma_start3A_82 = arith.constant 0 : i32
    %dma_start3A_83 = arith.constant 0 : i32
    %dma_start3A_84 = arith.constant 0 : i32
    %dma_start3A_85 = tpu.memref_slice %arg7[%dma_start3A_82, %dma_start3A_83, %dma_start3A_84] : memref<2x256x64xf32, #tpu.memory_space<vmem>> -> memref<1x256x64xf32, #tpu.memory_space<vmem>>
    %dma_start3A_86 = tpu.memref_squeeze %dma_start3A_85 : memref<1x256x64xf32, #tpu.memory_space<vmem>> -> memref<256x64xf32, #tpu.memory_space<vmem>>
    %dma_start3A_87 = arith.constant 0 : i32
    %dma_start3A_88 = tpu.memref_slice %arg4[%add3A_81, %dma_start3A_87] : memref<819200x128xf32, #tpu.memory_space<hbm>> -> memref<256x64xf32, #tpu.memory_space<hbm>>
    %dma_start3A_89 = arith.constant 0 : i32
    %dma_start3A_90 = tpu.memref_slice %arg4[%add3A_81, %dma_start3A_89] : memref<819200x128xf32, #tpu.memory_space<hbm>> -> memref<256x64xf32, #tpu.memory_space<hbm>>
    %dma_start3A_91 = arith.constant 0 : i32
    %dma_start3A_92 = arith.constant 0 : i32
    %dma_start3A_93 = tpu.memref_slice %arg7[%dma_start3A_82, %dma_start3A_91, %dma_start3A_92] : memref<2x256x64xf32, #tpu.memory_space<vmem>> -> memref<1x256x64xf32, #tpu.memory_space<vmem>>
    %dma_start3A_94 = tpu.memref_squeeze %dma_start3A_93 : memref<1x256x64xf32, #tpu.memory_space<vmem>> -> memref<256x64xf32, #tpu.memory_space<vmem>>
    tpu.enqueue_dma source(%dma_start3A_94 : memref<256x64xf32, #tpu.memory_space<vmem>>) target(%dma_start3A_90 : memref<256x64xf32, #tpu.memory_space<hbm>>) target_semaphore(%arg10 : memref<!tpu.dma_semaphore, #tpu.memory_space<semaphore_mem>>)
    %dma_start3A_95 = arith.constant 4 : i32
    %dma_start3A_96 = arith.constant 0 : i32
    %dma_start3A_97 = arith.constant 0 : i32
    %dma_start3A_98 = arith.constant 0 : i32
    %dma_start3A_99 = tpu.memref_slice %arg6[%dma_start3A_96, %dma_start3A_97, %dma_start3A_98] : memref<2x256x64xf32, #tpu.memory_space<vmem>> -> memref<1x128x64xf32, #tpu.memory_space<vmem>>
    %dma_start3A_100 = tpu.memref_squeeze %dma_start3A_99 : memref<1x128x64xf32, #tpu.memory_space<vmem>> -> memref<128x64xf32, #tpu.memory_space<vmem>>
    %dma_start3A_101 = arith.constant 0 : i32
    %dma_start3A_102 = tpu.memref_slice %arg5[%dma_start3A_95, %dma_start3A_101] : memref<200x128xi32, #tpu.memory_space<vmem>> -> memref<1x128xi32, #tpu.memory_space<vmem>>
    %dma_start3A_103 = tpu.memref_squeeze %dma_start3A_102 : memref<1x128xi32, #tpu.memory_space<vmem>> -> memref<128xi32, #tpu.memory_space<vmem>>
    %dma_start3A_104 = arith.constant 0 : i32
    %dma_start3A_105 = arith.constant 0 : i32
    %dma_start3A_106 = tpu.memref_slice %arg2[%dma_start3A_104, %dma_start3A_105] : memref<2000000x64xf32, #tpu.memory_space<hbm>> -> memref<2000000x64xf32, #tpu.memory_space<hbm>>
    tpu.enqueue_indirect_dma source(%dma_start3A_106 : memref<2000000x64xf32, #tpu.memory_space<hbm>>) target(%dma_start3A_100 : memref<128x64xf32, #tpu.memory_space<vmem>>) offsets(%dma_start3A_103 : memref<128xi32, #tpu.memory_space<vmem>>) semaphore(%arg8 : memref<!tpu.dma_semaphore, #tpu.memory_space<semaphore_mem>>)
    %dma_start3A_107 = arith.constant 5 : i32
    %dma_start3A_108 = arith.constant 0 : i32
    %dma_start3A_109 = arith.constant 128 : i32
    %dma_start3A_110 = arith.constant 0 : i32
    %dma_start3A_111 = tpu.memref_slice %arg6[%dma_start3A_108, %dma_start3A_109, %dma_start3A_110] : memref<2x256x64xf32, #tpu.memory_space<vmem>> -> memref<1x128x64xf32, #tpu.memory_space<vmem>>
    %dma_start3A_112 = tpu.memref_squeeze %dma_start3A_111 : memref<1x128x64xf32, #tpu.memory_space<vmem>> -> memref<128x64xf32, #tpu.memory_space<vmem>>
    %dma_start3A_113 = arith.constant 0 : i32
    %dma_start3A_114 = tpu.memref_slice %arg5[%dma_start3A_107, %dma_start3A_113] : memref<200x128xi32, #tpu.memory_space<vmem>> -> memref<1x128xi32, #tpu.memory_space<vmem>>
    %dma_start3A_115 = tpu.memref_squeeze %dma_start3A_114 : memref<1x128xi32, #tpu.memory_space<vmem>> -> memref<128xi32, #tpu.memory_space<vmem>>
    %dma_start3A_116 = arith.constant 0 : i32
    %dma_start3A_117 = arith.constant 0 : i32
    %dma_start3A_118 = tpu.memref_slice %arg2[%dma_start3A_116, %dma_start3A_117] : memref<2000000x64xf32, #tpu.memory_space<hbm>> -> memref<2000000x64xf32, #tpu.memory_space<hbm>>
    tpu.enqueue_indirect_dma source(%dma_start3A_118 : memref<2000000x64xf32, #tpu.memory_space<hbm>>) target(%dma_start3A_112 : memref<128x64xf32, #tpu.memory_space<vmem>>) offsets(%dma_start3A_115 : memref<128xi32, #tpu.memory_space<vmem>>) semaphore(%arg8 : memref<!tpu.dma_semaphore, #tpu.memory_space<semaphore_mem>>)
    %dma_wait3A_119 = arith.constant 0 : i32
    %dma_wait3A_120 = arith.constant 1 : i32
    %dma_wait3A_121 = arith.constant 0 : i32
    %dma_wait3A_122 = arith.constant 0 : i32
    %dma_wait3A_123 = tpu.memref_slice %arg6[%dma_wait3A_120, %dma_wait3A_121, %dma_wait3A_122] : memref<2x256x64xf32, #tpu.memory_space<vmem>> -> memref<1x128x64xf32, #tpu.memory_space<vmem>>
    %dma_wait3A_124 = tpu.memref_squeeze %dma_wait3A_123 : memref<1x128x64xf32, #tpu.memory_space<vmem>> -> memref<128x64xf32, #tpu.memory_space<vmem>>
    %dma_wait3A_125 = arith.constant 0 : i32
    %dma_wait3A_126 = tpu.memref_slice %arg5[%dma_wait3A_119, %dma_wait3A_125] : memref<200x128xi32, #tpu.memory_space<vmem>> -> memref<1x128xi32, #tpu.memory_space<vmem>>
    %dma_wait3A_127 = tpu.memref_squeeze %dma_wait3A_126 : memref<1x128xi32, #tpu.memory_space<vmem>> -> memref<128xi32, #tpu.memory_space<vmem>>
    %dma_wait3A_128 = arith.constant 0 : i32
    %dma_wait3A_129 = arith.constant 0 : i32
    %dma_wait3A_130 = tpu.memref_slice %arg2[%dma_wait3A_128, %dma_wait3A_129] : memref<2000000x64xf32, #tpu.memory_space<hbm>> -> memref<2000000x64xf32, #tpu.memory_space<hbm>>
    tpu.wait_indirect_dma semaphore(%arg9 : memref<!tpu.dma_semaphore, #tpu.memory_space<semaphore_mem>>) src(%dma_wait3A_130 : memref<2000000x64xf32, #tpu.memory_space<hbm>>) dst(%dma_wait3A_124 : memref<128x64xf32, #tpu.memory_space<vmem>>)
    %dma_wait3A_131 = arith.constant 1 : i32
    %dma_wait3A_132 = arith.constant 1 : i32
    %dma_wait3A_133 = arith.constant 128 : i32
    %dma_wait3A_134 = arith.constant 0 : i32
    %dma_wait3A_135 = tpu.memref_slice %arg6[%dma_wait3A_132, %dma_wait3A_133, %dma_wait3A_134] : memref<2x256x64xf32, #tpu.memory_space<vmem>> -> memref<1x128x64xf32, #tpu.memory_space<vmem>>
    %dma_wait3A_136 = tpu.memref_squeeze %dma_wait3A_135 : memref<1x128x64xf32, #tpu.memory_space<vmem>> -> memref<128x64xf32, #tpu.memory_space<vmem>>
    %dma_wait3A_137 = arith.constant 0 : i32
    %dma_wait3A_138 = tpu.memref_slice %arg5[%dma_wait3A_131, %dma_wait3A_137] : memref<200x128xi32, #tpu.memory_space<vmem>> -> memref<1x128xi32, #tpu.memory_space<vmem>>
    %dma_wait3A_139 = tpu.memref_squeeze %dma_wait3A_138 : memref<1x128xi32, #tpu.memory_space<vmem>> -> memref<128xi32, #tpu.memory_space<vmem>>
    %dma_wait3A_140 = arith.constant 0 : i32
    %dma_wait3A_141 = arith.constant 0 : i32
    %dma_wait3A_142 = tpu.memref_slice %arg2[%dma_wait3A_140, %dma_wait3A_141] : memref<2000000x64xf32, #tpu.memory_space<hbm>> -> memref<2000000x64xf32, #tpu.memory_space<hbm>>
    tpu.wait_indirect_dma semaphore(%arg9 : memref<!tpu.dma_semaphore, #tpu.memory_space<semaphore_mem>>) src(%dma_wait3A_142 : memref<2000000x64xf32, #tpu.memory_space<hbm>>) dst(%dma_wait3A_136 : memref<128x64xf32, #tpu.memory_space<vmem>>)
    %scan3A_143 = arith.constant 0 : i32
    %scan3A_144 = arith.constant 0 : i32
    %scan3A_145 = arith.constant 32 : i32
    %scan3A_146 = arith.addi %scan3A_144, %scan3A_145 : i32
    %scan3A_147 = arith.constant 1 : i32
    scf.for %scan3A_344 = %scan3A_144 to %scan3A_146 step %scan3A_147  : i32 {
      %mul3A_345 = arith.constant 8 : i32
      %mul3A_346 = arith.muli %scan3A_344, %mul3A_345 : i32
      %add3A_347 = arith.constant 0 : i32
      %add3A_348 = arith.addi %mul3A_346, %add3A_347 : i32
      %get3A = arith.constant 1 : i32
      %get3A_349 = arith.index_cast %get3A : i32 to index
      %get3A_350 = arith.index_cast %add3A_348 : i32 to index
      %get3A_351 = arith.constant 0 : index
      %get3A_352 = tpu.vector_load %arg6[%get3A_349, %get3A_350, %get3A_351] {strides = array<i32>} : memref<2x256x64xf32, #tpu.memory_space<vmem>>, vector<1x1x16xf32>,
      %get3A_353 = vector.shape_cast %get3A_352 : vector<1x1x16xf32> to vector<16xf32>
      %mul3A_354 = arith.constant 8.000000e+00 : f32
      %mul3A_355 = vector.broadcast %mul3A_354 : f32 to vector<16xf32>
      %mul3A_356 = arith.mulf %get3A_353, %mul3A_355 : vector<16xf32>
      %add3A_357 = arith.constant 0 : i32
      %add3A_358 = arith.addi %mul3A_346, %add3A_357 : i32
      %swap3A = arith.constant 1 : i32
      %swap3A_359 = arith.index_cast %swap3A : i32 to index
      %swap3A_360 = arith.index_cast %add3A_358 : i32 to index
      %swap3A_361 = arith.constant 0 : index
      %swap3A_362 = tpu.vector_load %arg7[%swap3A_359, %swap3A_360, %swap3A_361] {strides = array<i32>} : memref<2x256x64xf32, #tpu.memory_space<vmem>>, vector<1x1x16xf32>,
      %swap3A_363 = vector.shape_cast %swap3A_362 : vector<1x1x16xf32> to vector<16xf32>
      %swap3A_364 = vector.shape_cast %mul3A_356 : vector<16xf32> to vector<1x1x16xf32>
      tpu.vector_store %arg7[%swap3A_359, %swap3A_360, %swap3A_361], %swap3A_364 {strides = array<i32>} : memref<2x256x64xf32, #tpu.memory_space<vmem>>, vector<1x1x16xf32>,
      %add3A_365 = arith.constant 0 : i32
      %add3A_366 = arith.addi %mul3A_346, %add3A_365 : i32
      %get3A_367 = arith.constant 1 : i32
      %get3A_368 = arith.index_cast %get3A_367 : i32 to index
      %get3A_369 = arith.index_cast %add3A_366 : i32 to index
      %get3A_370 = arith.constant 16 : index
      %get3A_371 = tpu.vector_load %arg6[%get3A_368, %get3A_369, %get3A_370] {strides = array<i32>} : memref<2x256x64xf32, #tpu.memory_space<vmem>>, vector<1x1x16xf32>,
      %get3A_372 = vector.shape_cast %get3A_371 : vector<1x1x16xf32> to vector<16xf32>
      %mul3A_373 = arith.constant 8.000000e+00 : f32
      %mul3A_374 = vector.broadcast %mul3A_373 : f32 to vector<16xf32>
      %mul3A_375 = arith.mulf %get3A_372, %mul3A_374 : vector<16xf32>
      %add3A_376 = arith.constant 0 : i32
      %add3A_377 = arith.addi %mul3A_346, %add3A_376 : i32
      %swap3A_378 = arith.constant 1 : i32
      %swap3A_379 = arith.index_cast %swap3A_378 : i32 to index
      %swap3A_380 = arith.index_cast %add3A_377 : i32 to index
      %swap3A_381 = arith.constant 16 : index
      %swap3A_382 = tpu.vector_load %arg7[%swap3A_379, %swap3A_380, %swap3A_381] {strides = array<i32>} : memref<2x256x64xf32, #tpu.memory_space<vmem>>, vector<1x1x16xf32>,
      %swap3A_383 = vector.shape_cast %swap3A_382 : vector<1x1x16xf32> to vector<16xf32>
      %swap3A_384 = vector.shape_cast %mul3A_375 : vector<16xf32> to vector<1x1x16xf32>
      tpu.vector_store %arg7[%swap3A_379, %swap3A_380, %swap3A_381], %swap3A_384 {strides = array<i32>} : memref<2x256x64xf32, #tpu.memory_space<vmem>>, vector<1x1x16xf32>,
      %add3A_385 = arith.constant 0 : i32
      %add3A_386 = arith.addi %mul3A_346, %add3A_385 : i32
      %get3A_387 = arith.constant 1 : i32
      %get3A_388 = arith.index_cast %get3A_387 : i32 to index
      %get3A_389 = arith.index_cast %add3A_386 : i32 to index
      %get3A_390 = arith.constant 32 : index
      %get3A_391 = tpu.vector_load %arg6[%get3A_388, %get3A_389, %get3A_390] {strides = array<i32>} : memref<2x256x64xf32, #tpu.memory_space<vmem>>, vector<1x1x16xf32>,
      %get3A_392 = vector.shape_cast %get3A_391 : vector<1x1x16xf32> to vector<16xf32>
      %mul3A_393 = arith.constant 8.000000e+00 : f32
      %mul3A_394 = vector.broadcast %mul3A_393 : f32 to vector<16xf32>
      %mul3A_395 = arith.mulf %get3A_392, %mul3A_394 : vector<16xf32>
      %add3A_396 = arith.constant 0 : i32
      %add3A_397 = arith.addi %mul3A_346, %add3A_396 : i32
      %swap3A_398 = arith.constant 1 : i32
      %swap3A_399 = arith.index_cast %swap3A_398 : i32 to index
      %swap3A_400 = arith.index_cast %add3A_397 : i32 to index
      %swap3A_401 = arith.constant 32 : index
      %swap3A_402 = tpu.vector_load %arg7[%swap3A_399, %swap3A_400, %swap3A_401] {strides = array<i32>} : memref<2x256x64xf32, #tpu.memory_space<vmem>>, vector<1x1x16xf32>,
      %swap3A_403 = vector.shape_cast %swap3A_402 : vector<1x1x16xf32> to vector<16xf32>
      %swap3A_404 = vector.shape_cast %mul3A_395 : vector<16xf32> to vector<1x1x16xf32>
      tpu.vector_store %arg7[%swap3A_399, %swap3A_400, %swap3A_401], %swap3A_404 {strides = array<i32>} : memref<2x256x64xf32, #tpu.memory_space<vmem>>, vector<1x1x16xf32>,
      %add3A_405 = arith.constant 0 : i32
      %add3A_406 = arith.addi %mul3A_346, %add3A_405 : i32
      %get3A_407 = arith.constant 1 : i32
      %get3A_408 = arith.index_cast %get3A_407 : i32 to index
      %get3A_409 = arith.index_cast %add3A_406 : i32 to index
      %get3A_410 = arith.constant 48 : index
      %get3A_411 = tpu.vector_load %arg6[%get3A_408, %get3A_409, %get3A_410] {strides = array<i32>} : memref<2x256x64xf32, #tpu.memory_space<vmem>>, vector<1x1x16xf32>,
      %get3A_412 = vector.shape_cast %get3A_411 : vector<1x1x16xf32> to vector<16xf32>
      %mul3A_413 = arith.constant 8.000000e+00 : f32
      %mul3A_414 = vector.broadcast %mul3A_413 : f32 to vector<16xf32>
      %mul3A_415 = arith.mulf %get3A_412, %mul3A_414 : vector<16xf32>
      %add3A_416 = arith.constant 0 : i32
      %add3A_417 = arith.addi %mul3A_346, %add3A_416 : i32
      %swap3A_418 = arith.constant 1 : i32
      %swap3A_419 = arith.index_cast %swap3A_418 : i32 to index
      %swap3A_420 = arith.index_cast %add3A_417 : i32 to index
      %swap3A_421 = arith.constant 48 : index
      %swap3A_422 = tpu.vector_load %arg7[%swap3A_419, %swap3A_420, %swap3A_421] {strides = array<i32>} : memref<2x256x64xf32, #tpu.memory_space<vmem>>, vector<1x1x16xf32>,
      %swap3A_423 = vector.shape_cast %swap3A_422 : vector<1x1x16xf32> to vector<16xf32>
      %swap3A_424 = vector.shape_cast %mul3A_415 : vector<16xf32> to vector<1x1x16xf32>
      tpu.vector_store %arg7[%swap3A_419, %swap3A_420, %swap3A_421], %swap3A_424 {strides = array<i32>} : memref<2x256x64xf32, #tpu.memory_space<vmem>>, vector<1x1x16xf32>,
      %add3A_425 = arith.constant 1 : i32
      %add3A_426 = arith.addi %mul3A_346, %add3A_425 : i32
      %get3A_427 = arith.constant 1 : i32
      %get3A_428 = arith.index_cast %get3A_427 : i32 to index
      %get3A_429 = arith.index_cast %add3A_426 : i32 to index
      %get3A_430 = arith.constant 0 : index
      %get3A_431 = tpu.vector_load %arg6[%get3A_428, %get3A_429, %get3A_430] {strides = array<i32>} : memref<2x256x64xf32, #tpu.memory_space<vmem>>, vector<1x1x16xf32>,
      %get3A_432 = vector.shape_cast %get3A_431 : vector<1x1x16xf32> to vector<16xf32>
      %mul3A_433 = arith.constant 8.000000e+00 : f32
      %mul3A_434 = vector.broadcast %mul3A_433 : f32 to vector<16xf32>
      %mul3A_435 = arith.mulf %get3A_432, %mul3A_434 : vector<16xf32>
      %add3A_436 = arith.constant 1 : i32
      %add3A_437 = arith.addi %mul3A_346, %add3A_436 : i32
      %swap3A_438 = arith.constant 1 : i32
      %swap3A_439 = arith.index_cast %swap3A_438 : i32 to index
      %swap3A_440 = arith.index_cast %add3A_437 : i32 to index
      %swap3A_441 = arith.constant 0 : index
      %swap3A_442 = tpu.vector_load %arg7[%swap3A_439, %swap3A_440, %swap3A_441] {strides = array<i32>} : memref<2x256x64xf32, #tpu.memory_space<vmem>>, vector<1x1x16xf32>,
      %swap3A_443 = vector.shape_cast %swap3A_442 : vector<1x1x16xf32> to vector<16xf32>
      %swap3A_444 = vector.shape_cast %mul3A_435 : vector<16xf32> to vector<1x1x16xf32>
      tpu.vector_store %arg7[%swap3A_439, %swap3A_440, %swap3A_441], %swap3A_444 {strides = array<i32>} : memref<2x256x64xf32, #tpu.memory_space<vmem>>, vector<1x1x16xf32>,
      %add3A_445 = arith.constant 1 : i32
      %add3A_446 = arith.addi %mul3A_346, %add3A_445 : i32
      %get3A_447 = arith.constant 1 : i32
      %get3A_448 = arith.index_cast %get3A_447 : i32 to index
      %get3A_449 = arith.index_cast %add3A_446 : i32 to index
      %get3A_450 = arith.constant 16 : index
      %get3A_451 = tpu.vector_load %arg6[%get3A_448, %get3A_449, %get3A_450] {strides = array<i32>} : memref<2x256x64xf32, #tpu.memory_space<vmem>>, vector<1x1x16xf32>,
      %get3A_452 = vector.shape_cast %get3A_451 : vector<1x1x16xf32> to vector<16xf32>
      %mul3A_453 = arith.constant 8.000000e+00 : f32
      %mul3A_454 = vector.broadcast %mul3A_453 : f32 to vector<16xf32>
      %mul3A_455 = arith.mulf %get3A_452, %mul3A_454 : vector<16xf32>
      %add3A_456 = arith.constant 1 : i32
      %add3A_457 = arith.addi %mul3A_346, %add3A_456 : i32
      %swap3A_458 = arith.constant 1 : i32
      %swap3A_459 = arith.index_cast %swap3A_458 : i32 to index
      %swap3A_460 = arith.index_cast %add3A_457 : i32 to index
      %swap3A_461 = arith.constant 16 : index
      %swap3A_462 = tpu.vector_load %arg7[%swap3A_459, %swap3A_460, %swap3A_461] {strides = array<i32>} : memref<2x256x64xf32, #tpu.memory_space<vmem>>, vector<1x1x16xf32>,
      %swap3A_463 = vector.shape_cast %swap3A_462 : vector<1x1x16xf32> to vector<16xf32>
      %swap3A_464 = vector.shape_cast %mul3A_455 : vector<16xf32> to vector<1x1x16xf32>
      tpu.vector_store %arg7[%swap3A_459, %swap3A_460, %swap3A_461], %swap3A_464 {strides = array<i32>} : memref<2x256x64xf32, #tpu.memory_space<vmem>>, vector<1x1x16xf32>,
      %add3A_465 = arith.constant 1 : i32
      %add3A_466 = arith.addi %mul3A_346, %add3A_465 : i32
      %get3A_467 = arith.constant 1 : i32
      %get3A_468 = arith.index_cast %get3A_467 : i32 to index
      %get3A_469 = arith.index_cast %add3A_466 : i32 to index
      %get3A_470 = arith.constant 32 : index
      %get3A_471 = tpu.vector_load %arg6[%get3A_468, %get3A_469, %get3A_470] {strides = array<i32>} : memref<2x256x64xf32, #tpu.memory_space<vmem>>, vector<1x1x16xf32>,
      %get3A_472 = vector.shape_cast %get3A_471 : vector<1x1x16xf32> to vector<16xf32>
      %mul3A_473 = arith.constant 8.000000e+00 : f32
      %mul3A_474 = vector.broadcast %mul3A_473 : f32 to vector<16xf32>
      %mul3A_475 = arith.mulf %get3A_472, %mul3A_474 : vector<16xf32>
      %add3A_476 = arith.constant 1 : i32
      %add3A_477 = arith.addi %mul3A_346, %add3A_476 : i32
      %swap3A_478 = arith.constant 1 : i32
      %swap3A_479 = arith.index_cast %swap3A_478 : i32 to index
      %swap3A_480 = arith.index_cast %add3A_477 : i32 to index
      %swap3A_481 = arith.constant 32 : index
      %swap3A_482 = tpu.vector_load %arg7[%swap3A_479, %swap3A_480, %swap3A_481] {strides = array<i32>} : memref<2x256x64xf32, #tpu.memory_space<vmem>>, vector<1x1x16xf32>,
      %swap3A_483 = vector.shape_cast %swap3A_482 : vector<1x1x16xf32> to vector<16xf32>
      %swap3A_484 = vector.shape_cast %mul3A_475 : vector<16xf32> to vector<1x1x16xf32>
      tpu.vector_store %arg7[%swap3A_479, %swap3A_480, %swap3A_481], %swap3A_484 {strides = array<i32>} : memref<2x256x64xf32, #tpu.memory_space<vmem>>, vector<1x1x16xf32>,
      %add3A_485 = arith.constant 1 : i32
      %add3A_486 = arith.addi %mul3A_346, %add3A_485 : i32
      %get3A_487 = arith.constant 1 : i32
      %get3A_488 = arith.index_cast %get3A_487 : i32 to index
      %get3A_489 = arith.index_cast %add3A_486 : i32 to index
      %get3A_490 = arith.constant 48 : index
      %get3A_491 = tpu.vector_load %arg6[%get3A_488, %get3A_489, %get3A_490] {strides = array<i32>} : memref<2x256x64xf32, #tpu.memory_space<vmem>>, vector<1x1x16xf32>,
      %get3A_492 = vector.shape_cast %get3A_491 : vector<1x1x16xf32> to vector<16xf32>
      %mul3A_493 = arith.constant 8.000000e+00 : f32
      %mul3A_494 = vector.broadcast %mul3A_493 : f32 to vector<16xf32>
      %mul3A_495 = arith.mulf %get3A_492, %mul3A_494 : vector<16xf32>
      %add3A_496 = arith.constant 1 : i32
      %add3A_497 = arith.addi %mul3A_346, %add3A_496 : i32
      %swap3A_498 = arith.constant 1 : i32
      %swap3A_499 = arith.index_cast %swap3A_498 : i32 to index
      %swap3A_500 = arith.index_cast %add3A_497 : i32 to index
      %swap3A_501 = arith.constant 48 : index
      %swap3A_502 = tpu.vector_load %arg7[%swap3A_499, %swap3A_500, %swap3A_501] {strides = array<i32>} : memref<2x256x64xf32, #tpu.memory_space<vmem>>, vector<1x1x16xf32>,
      %swap3A_503 = vector.shape_cast %swap3A_502 : vector<1x1x16xf32> to vector<16xf32>
      %swap3A_504 = vector.shape_cast %mul3A_495 : vector<16xf32> to vector<1x1x16xf32>
      tpu.vector_store %arg7[%swap3A_499, %swap3A_500, %swap3A_501], %swap3A_504 {strides = array<i32>} : memref<2x256x64xf32, #tpu.memory_space<vmem>>, vector<1x1x16xf32>,
      %add3A_505 = arith.constant 2 : i32
      %add3A_506 = arith.addi %mul3A_346, %add3A_505 : i32
      %get3A_507 = arith.constant 1 : i32
      %get3A_508 = arith.index_cast %get3A_507 : i32 to index
      %get3A_509 = arith.index_cast %add3A_506 : i32 to index
      %get3A_510 = arith.constant 0 : index
      %get3A_511 = tpu.vector_load %arg6[%get3A_508, %get3A_509, %get3A_510] {strides = array<i32>} : memref<2x256x64xf32, #tpu.memory_space<vmem>>, vector<1x1x16xf32>,
      %get3A_512 = vector.shape_cast %get3A_511 : vector<1x1x16xf32> to vector<16xf32>
      %mul3A_513 = arith.constant 8.000000e+00 : f32
      %mul3A_514 = vector.broadcast %mul3A_513 : f32 to vector<16xf32>
      %mul3A_515 = arith.mulf %get3A_512, %mul3A_514 : vector<16xf32>
      %add3A_516 = arith.constant 2 : i32
      %add3A_517 = arith.addi %mul3A_346, %add3A_516 : i32
      %swap3A_518 = arith.constant 1 : i32
      %swap3A_519 = arith.index_cast %swap3A_518 : i32 to index
      %swap3A_520 = arith.index_cast %add3A_517 : i32 to index
      %swap3A_521 = arith.constant 0 : index
      %swap3A_522 = tpu.vector_load %arg7[%swap3A_519, %swap3A_520, %swap3A_521] {strides = array<i32>} : memref<2x256x64xf32, #tpu.memory_space<vmem>>, vector<1x1x16xf32>,
      %swap3A_523 = vector.shape_cast %swap3A_522 : vector<1x1x16xf32> to vector<16xf32>
      %swap3A_524 = vector.shape_cast %mul3A_515 : vector<16xf32> to vector<1x1x16xf32>
      tpu.vector_store %arg7[%swap3A_519, %swap3A_520, %swap3A_521], %swap3A_524 {strides = array<i32>} : memref<2x256x64xf32, #tpu.memory_space<vmem>>, vector<1x1x16xf32>,
      %add3A_525 = arith.constant 2 : i32
      %add3A_526 = arith.addi %mul3A_346, %add3A_525 : i32
      %get3A_527 = arith.constant 1 : i32
      %get3A_528 = arith.index_cast %get3A_527 : i32 to index
      %get3A_529 = arith.index_cast %add3A_526 : i32 to index
      %get3A_530 = arith.constant 16 : index
      %get3A_531 = tpu.vector_load %arg6[%get3A_528, %get3A_529, %get3A_530] {strides = array<i32>} : memref<2x256x64xf32, #tpu.memory_space<vmem>>, vector<1x1x16xf32>,
      %get3A_532 = vector.shape_cast %get3A_531 : vector<1x1x16xf32> to vector<16xf32>
      %mul3A_533 = arith.constant 8.000000e+00 : f32
      %mul3A_534 = vector.broadcast %mul3A_533 : f32 to vector<16xf32>
      %mul3A_535 = arith.mulf %get3A_532, %mul3A_534 : vector<16xf32>
      %add3A_536 = arith.constant 2 : i32
      %add3A_537 = arith.addi %mul3A_346, %add3A_536 : i32
      %swap3A_538 = arith.constant 1 : i32
      %swap3A_539 = arith.index_cast %swap3A_538 : i32 to index
      %swap3A_540 = arith.index_cast %add3A_537 : i32 to index
      %swap3A_541 = arith.constant 16 : index
      %swap3A_542 = tpu.vector_load %arg7[%swap3A_539, %swap3A_540, %swap3A_541] {strides = array<i32>} : memref<2x256x64xf32, #tpu.memory_space<vmem>>, vector<1x1x16xf32>,
      %swap3A_543 = vector.shape_cast %swap3A_542 : vector<1x1x16xf32> to vector<16xf32>
      %swap3A_544 = vector.shape_cast %mul3A_535 : vector<16xf32> to vector<1x1x16xf32>
      tpu.vector_store %arg7[%swap3A_539, %swap3A_540, %swap3A_541], %swap3A_544 {strides = array<i32>} : memref<2x256x64xf32, #tpu.memory_space<vmem>>, vector<1x1x16xf32>,
      %add3A_545 = arith.constant 2 : i32
      %add3A_546 = arith.addi %mul3A_346, %add3A_545 : i32
      %get3A_547 = arith.constant 1 : i32
      %get3A_548 = arith.index_cast %get3A_547 : i32 to index
      %get3A_549 = arith.index_cast %add3A_546 : i32 to index
      %get3A_550 = arith.constant 32 : index
      %get3A_551 = tpu.vector_load %arg6[%get3A_548, %get3A_549, %get3A_550] {strides = array<i32>} : memref<2x256x64xf32, #tpu.memory_space<vmem>>, vector<1x1x16xf32>,
      %get3A_552 = vector.shape_cast %get3A_551 : vector<1x1x16xf32> to vector<16xf32>
      %mul3A_553 = arith.constant 8.000000e+00 : f32
      %mul3A_554 = vector.broadcast %mul3A_553 : f32 to vector<16xf32>
      %mul3A_555 = arith.mulf %get3A_552, %mul3A_554 : vector<16xf32>
      %add3A_556 = arith.constant 2 : i32
      %add3A_557 = arith.addi %mul3A_346, %add3A_556 : i32
      %swap3A_558 = arith.constant 1 : i32
      %swap3A_559 = arith.index_cast %swap3A_558 : i32 to index
      %swap3A_560 = arith.index_cast %add3A_557 : i32 to index
      %swap3A_561 = arith.constant 32 : index
      %swap3A_562 = tpu.vector_load %arg7[%swap3A_559, %swap3A_560, %swap3A_561] {strides = array<i32>} : memref<2x256x64xf32, #tpu.memory_space<vmem>>, vector<1x1x16xf32>,
      %swap3A_563 = vector.shape_cast %swap3A_562 : vector<1x1x16xf32> to vector<16xf32>
      %swap3A_564 = vector.shape_cast %mul3A_555 : vector<16xf32> to vector<1x1x16xf32>
      tpu.vector_store %arg7[%swap3A_559, %swap3A_560, %swap3A_561], %swap3A_564 {strides = array<i32>} : memref<2x256x64xf32, #tpu.memory_space<vmem>>, vector<1x1x16xf32>,
      %add3A_565 = arith.constant 2 : i32
      %add3A_566 = arith.addi %mul3A_346, %add3A_565 : i32
      %get3A_567 = arith.constant 1 : i32
      %get3A_568 = arith.index_cast %get3A_567 : i32 to index
      %get3A_569 = arith.index_cast %add3A_566 : i32 to index
      %get3A_570 = arith.constant 48 : index
      %get3A_571 = tpu.vector_load %arg6[%get3A_568, %get3A_569, %get3A_570] {strides = array<i32>} : memref<2x256x64xf32, #tpu.memory_space<vmem>>, vector<1x1x16xf32>,
      %get3A_572 = vector.shape_cast %get3A_571 : vector<1x1x16xf32> to vector<16xf32>
      %mul3A_573 = arith.constant 8.000000e+00 : f32
      %mul3A_574 = vector.broadcast %mul3A_573 : f32 to vector<16xf32>
      %mul3A_575 = arith.mulf %get3A_572, %mul3A_574 : vector<16xf32>
      %add3A_576 = arith.constant 2 : i32
      %add3A_577 = arith.addi %mul3A_346, %add3A_576 : i32
      %swap3A_578 = arith.constant 1 : i32
      %swap3A_579 = arith.index_cast %swap3A_578 : i32 to index
      %swap3A_580 = arith.index_cast %add3A_577 : i32 to index
      %swap3A_581 = arith.constant 48 : index
      %swap3A_582 = tpu.vector_load %arg7[%swap3A_579, %swap3A_580, %swap3A_581] {strides = array<i32>} : memref<2x256x64xf32, #tpu.memory_space<vmem>>, vector<1x1x16xf32>,
      %swap3A_583 = vector.shape_cast %swap3A_582 : vector<1x1x16xf32> to vector<16xf32>
      %swap3A_584 = vector.shape_cast %mul3A_575 : vector<16xf32> to vector<1x1x16xf32>
      tpu.vector_store %arg7[%swap3A_579, %swap3A_580, %swap3A_581], %swap3A_584 {strides = array<i32>} : memref<2x256x64xf32, #tpu.memory_space<vmem>>, vector<1x1x16xf32>,
      %add3A_585 = arith.constant 3 : i32
      %add3A_586 = arith.addi %mul3A_346, %add3A_585 : i32
      %get3A_587 = arith.constant 1 : i32
      %get3A_588 = arith.index_cast %get3A_587 : i32 to index
      %get3A_589 = arith.index_cast %add3A_586 : i32 to index
      %get3A_590 = arith.constant 0 : index
      %get3A_591 = tpu.vector_load %arg6[%get3A_588, %get3A_589, %get3A_590] {strides = array<i32>} : memref<2x256x64xf32, #tpu.memory_space<vmem>>, vector<1x1x16xf32>,
      %get3A_592 = vector.shape_cast %get3A_591 : vector<1x1x16xf32> to vector<16xf32>
      %mul3A_593 = arith.constant 8.000000e+00 : f32
      %mul3A_594 = vector.broadcast %mul3A_593 : f32 to vector<16xf32>
      %mul3A_595 = arith.mulf %get3A_592, %mul3A_594 : vector<16xf32>
      %add3A_596 = arith.constant 3 : i32
      %add3A_597 = arith.addi %mul3A_346, %add3A_596 : i32
      %swap3A_598 = arith.constant 1 : i32
      %swap3A_599 = arith.index_cast %swap3A_598 : i32 to index
      %swap3A_600 = arith.index_cast %add3A_597 : i32 to index
      %swap3A_601 = arith.constant 0 : index
      %swap3A_602 = tpu.vector_load %arg7[%swap3A_599, %swap3A_600, %swap3A_601] {strides = array<i32>} : memref<2x256x64xf32, #tpu.memory_space<vmem>>, vector<1x1x16xf32>,
      %swap3A_603 = vector.shape_cast %swap3A_602 : vector<1x1x16xf32> to vector<16xf32>
      %swap3A_604 = vector.shape_cast %mul3A_595 : vector<16xf32> to vector<1x1x16xf32>
      tpu.vector_store %arg7[%swap3A_599, %swap3A_600, %swap3A_601], %swap3A_604 {strides = array<i32>} : memref<2x256x64xf32, #tpu.memory_space<vmem>>, vector<1x1x16xf32>,
      %add3A_605 = arith.constant 3 : i32
      %add3A_606 = arith.addi %mul3A_346, %add3A_605 : i32
      %get3A_607 = arith.constant 1 : i32
      %get3A_608 = arith.index_cast %get3A_607 : i32 to index
      %get3A_609 = arith.index_cast %add3A_606 : i32 to index
      %get3A_610 = arith.constant 16 : index
      %get3A_611 = tpu.vector_load %arg6[%get3A_608, %get3A_609, %get3A_610] {strides = array<i32>} : memref<2x256x64xf32, #tpu.memory_space<vmem>>, vector<1x1x16xf32>,
      %get3A_612 = vector.shape_cast %get3A_611 : vector<1x1x16xf32> to vector<16xf32>
      %mul3A_613 = arith.constant 8.000000e+00 : f32
      %mul3A_614 = vector.broadcast %mul3A_613 : f32 to vector<16xf32>
      %mul3A_615 = arith.mulf %get3A_612, %mul3A_614 : vector<16xf32>
      %add3A_616 = arith.constant 3 : i32
      %add3A_617 = arith.addi %mul3A_346, %add3A_616 : i32
      %swap3A_618 = arith.constant 1 : i32
      %swap3A_619 = arith.index_cast %swap3A_618 : i32 to index
      %swap3A_620 = arith.index_cast %add3A_617 : i32 to index
      %swap3A_621 = arith.constant 16 : index
      %swap3A_622 = tpu.vector_load %arg7[%swap3A_619, %swap3A_620, %swap3A_621] {strides = array<i32>} : memref<2x256x64xf32, #tpu.memory_space<vmem>>, vector<1x1x16xf32>,
      %swap3A_623 = vector.shape_cast %swap3A_622 : vector<1x1x16xf32> to vector<16xf32>
      %swap3A_624 = vector.shape_cast %mul3A_615 : vector<16xf32> to vector<1x1x16xf32>
      tpu.vector_store %arg7[%swap3A_619, %swap3A_620, %swap3A_621], %swap3A_624 {strides = array<i32>} : memref<2x256x64xf32, #tpu.memory_space<vmem>>, vector<1x1x16xf32>,
      %add3A_625 = arith.constant 3 : i32
      %add3A_626 = arith.addi %mul3A_346, %add3A_625 : i32
      %get3A_627 = arith.constant 1 : i32
      %get3A_628 = arith.index_cast %get3A_627 : i32 to index
      %get3A_629 = arith.index_cast %add3A_626 : i32 to index
      %get3A_630 = arith.constant 32 : index
      %get3A_631 = tpu.vector_load %arg6[%get3A_628, %get3A_629, %get3A_630] {strides = array<i32>} : memref<2x256x64xf32, #tpu.memory_space<vmem>>, vector<1x1x16xf32>,
      %get3A_632 = vector.shape_cast %get3A_631 : vector<1x1x16xf32> to vector<16xf32>
      %mul3A_633 = arith.constant 8.000000e+00 : f32
      %mul3A_634 = vector.broadcast %mul3A_633 : f32 to vector<16xf32>
      %mul3A_635 = arith.mulf %get3A_632, %mul3A_634 : vector<16xf32>
      %add3A_636 = arith.constant 3 : i32
      %add3A_637 = arith.addi %mul3A_346, %add3A_636 : i32
      %swap3A_638 = arith.constant 1 : i32
      %swap3A_639 = arith.index_cast %swap3A_638 : i32 to index
      %swap3A_640 = arith.index_cast %add3A_637 : i32 to index
      %swap3A_641 = arith.constant 32 : index
      %swap3A_642 = tpu.vector_load %arg7[%swap3A_639, %swap3A_640, %swap3A_641] {strides = array<i32>} : memref<2x256x64xf32, #tpu.memory_space<vmem>>, vector<1x1x16xf32>,
      %swap3A_643 = vector.shape_cast %swap3A_642 : vector<1x1x16xf32> to vector<16xf32>
      %swap3A_644 = vector.shape_cast %mul3A_635 : vector<16xf32> to vector<1x1x16xf32>
      tpu.vector_store %arg7[%swap3A_639, %swap3A_640, %swap3A_641], %swap3A_644 {strides = array<i32>} : memref<2x256x64xf32, #tpu.memory_space<vmem>>, vector<1x1x16xf32>,
      %add3A_645 = arith.constant 3 : i32
      %add3A_646 = arith.addi %mul3A_346, %add3A_645 : i32
      %get3A_647 = arith.constant 1 : i32
      %get3A_648 = arith.index_cast %get3A_647 : i32 to index
      %get3A_649 = arith.index_cast %add3A_646 : i32 to index
      %get3A_650 = arith.constant 48 : index
      %get3A_651 = tpu.vector_load %arg6[%get3A_648, %get3A_649, %get3A_650] {strides = array<i32>} : memref<2x256x64xf32, #tpu.memory_space<vmem>>, vector<1x1x16xf32>,
      %get3A_652 = vector.shape_cast %get3A_651 : vector<1x1x16xf32> to vector<16xf32>
      %mul3A_653 = arith.constant 8.000000e+00 : f32
      %mul3A_654 = vector.broadcast %mul3A_653 : f32 to vector<16xf32>
      %mul3A_655 = arith.mulf %get3A_652, %mul3A_654 : vector<16xf32>
      %add3A_656 = arith.constant 3 : i32
      %add3A_657 = arith.addi %mul3A_346, %add3A_656 : i32
      %swap3A_658 = arith.constant 1 : i32
      %swap3A_659 = arith.index_cast %swap3A_658 : i32 to index
      %swap3A_660 = arith.index_cast %add3A_657 : i32 to index
      %swap3A_661 = arith.constant 48 : index
      %swap3A_662 = tpu.vector_load %arg7[%swap3A_659, %swap3A_660, %swap3A_661] {strides = array<i32>} : memref<2x256x64xf32, #tpu.memory_space<vmem>>, vector<1x1x16xf32>,
      %swap3A_663 = vector.shape_cast %swap3A_662 : vector<1x1x16xf32> to vector<16xf32>
      %swap3A_664 = vector.shape_cast %mul3A_655 : vector<16xf32> to vector<1x1x16xf32>
      tpu.vector_store %arg7[%swap3A_659, %swap3A_660, %swap3A_661], %swap3A_664 {strides = array<i32>} : memref<2x256x64xf32, #tpu.memory_space<vmem>>, vector<1x1x16xf32>,
      %add3A_665 = arith.constant 4 : i32
      %add3A_666 = arith.addi %mul3A_346, %add3A_665 : i32
      %get3A_667 = arith.constant 1 : i32
      %get3A_668 = arith.index_cast %get3A_667 : i32 to index
      %get3A_669 = arith.index_cast %add3A_666 : i32 to index
      %get3A_670 = arith.constant 0 : index
      %get3A_671 = tpu.vector_load %arg6[%get3A_668, %get3A_669, %get3A_670] {strides = array<i32>} : memref<2x256x64xf32, #tpu.memory_space<vmem>>, vector<1x1x16xf32>,
      %get3A_672 = vector.shape_cast %get3A_671 : vector<1x1x16xf32> to vector<16xf32>
      %mul3A_673 = arith.constant 8.000000e+00 : f32
      %mul3A_674 = vector.broadcast %mul3A_673 : f32 to vector<16xf32>
      %mul3A_675 = arith.mulf %get3A_672, %mul3A_674 : vector<16xf32>
      %add3A_676 = arith.constant 4 : i32
      %add3A_677 = arith.addi %mul3A_346, %add3A_676 : i32
      %swap3A_678 = arith.constant 1 : i32
      %swap3A_679 = arith.index_cast %swap3A_678 : i32 to index
      %swap3A_680 = arith.index_cast %add3A_677 : i32 to index
      %swap3A_681 = arith.constant 0 : index
      %swap3A_682 = tpu.vector_load %arg7[%swap3A_679, %swap3A_680, %swap3A_681] {strides = array<i32>} : memref<2x256x64xf32, #tpu.memory_space<vmem>>, vector<1x1x16xf32>,
      %swap3A_683 = vector.shape_cast %swap3A_682 : vector<1x1x16xf32> to vector<16xf32>
      %swap3A_684 = vector.shape_cast %mul3A_675 : vector<16xf32> to vector<1x1x16xf32>
      tpu.vector_store %arg7[%swap3A_679, %swap3A_680, %swap3A_681], %swap3A_684 {strides = array<i32>} : memref<2x256x64xf32, #tpu.memory_space<vmem>>, vector<1x1x16xf32>,
      %add3A_685 = arith.constant 4 : i32
      %add3A_686 = arith.addi %mul3A_346, %add3A_685 : i32
      %get3A_687 = arith.constant 1 : i32
      %get3A_688 = arith.index_cast %get3A_687 : i32 to index
      %get3A_689 = arith.index_cast %add3A_686 : i32 to index
      %get3A_690 = arith.constant 16 : index
      %get3A_691 = tpu.vector_load %arg6[%get3A_688, %get3A_689, %get3A_690] {strides = array<i32>} : memref<2x256x64xf32, #tpu.memory_space<vmem>>, vector<1x1x16xf32>,
      %get3A_692 = vector.shape_cast %get3A_691 : vector<1x1x16xf32> to vector<16xf32>
      %mul3A_693 = arith.constant 8.000000e+00 : f32
      %mul3A_694 = vector.broadcast %mul3A_693 : f32 to vector<16xf32>
      %mul3A_695 = arith.mulf %get3A_692, %mul3A_694 : vector<16xf32>
      %add3A_696 = arith.constant 4 : i32
      %add3A_697 = arith.addi %mul3A_346, %add3A_696 : i32
      %swap3A_698 = arith.constant 1 : i32
      %swap3A_699 = arith.index_cast %swap3A_698 : i32 to index
      %swap3A_700 = arith.index_cast %add3A_697 : i32 to index
      %swap3A_701 = arith.constant 16 : index
      %swap3A_702 = tpu.vector_load %arg7[%swap3A_699, %swap3A_700, %swap3A_701] {strides = array<i32>} : memref<2x256x64xf32, #tpu.memory_space<vmem>>, vector<1x1x16xf32>,
      %swap3A_703 = vector.shape_cast %swap3A_702 : vector<1x1x16xf32> to vector<16xf32>
      %swap3A_704 = vector.shape_cast %mul3A_695 : vector<16xf32> to vector<1x1x16xf32>
      tpu.vector_store %arg7[%swap3A_699, %swap3A_700, %swap3A_701], %swap3A_704 {strides = array<i32>} : memref<2x256x64xf32, #tpu.memory_space<vmem>>, vector<1x1x16xf32>,
      %add3A_705 = arith.constant 4 : i32
      %add3A_706 = arith.addi %mul3A_346, %add3A_705 : i32
      %get3A_707 = arith.constant 1 : i32
      %get3A_708 = arith.index_cast %get3A_707 : i32 to index
      %get3A_709 = arith.index_cast %add3A_706 : i32 to index
      %get3A_710 = arith.constant 32 : index
      %get3A_711 = tpu.vector_load %arg6[%get3A_708, %get3A_709, %get3A_710] {strides = array<i32>} : memref<2x256x64xf32, #tpu.memory_space<vmem>>, vector<1x1x16xf32>,
      %get3A_712 = vector.shape_cast %get3A_711 : vector<1x1x16xf32> to vector<16xf32>
      %mul3A_713 = arith.constant 8.000000e+00 : f32
      %mul3A_714 = vector.broadcast %mul3A_713 : f32 to vector<16xf32>
      %mul3A_715 = arith.mulf %get3A_712, %mul3A_714 : vector<16xf32>
      %add3A_716 = arith.constant 4 : i32
      %add3A_717 = arith.addi %mul3A_346, %add3A_716 : i32
      %swap3A_718 = arith.constant 1 : i32
      %swap3A_719 = arith.index_cast %swap3A_718 : i32 to index
      %swap3A_720 = arith.index_cast %add3A_717 : i32 to index
      %swap3A_721 = arith.constant 32 : index
      %swap3A_722 = tpu.vector_load %arg7[%swap3A_719, %swap3A_720, %swap3A_721] {strides = array<i32>} : memref<2x256x64xf32, #tpu.memory_space<vmem>>, vector<1x1x16xf32>,
      %swap3A_723 = vector.shape_cast %swap3A_722 : vector<1x1x16xf32> to vector<16xf32>
      %swap3A_724 = vector.shape_cast %mul3A_715 : vector<16xf32> to vector<1x1x16xf32>
      tpu.vector_store %arg7[%swap3A_719, %swap3A_720, %swap3A_721], %swap3A_724 {strides = array<i32>} : memref<2x256x64xf32, #tpu.memory_space<vmem>>, vector<1x1x16xf32>,
      %add3A_725 = arith.constant 4 : i32
      %add3A_726 = arith.addi %mul3A_346, %add3A_725 : i32
      %get3A_727 = arith.constant 1 : i32
      %get3A_728 = arith.index_cast %get3A_727 : i32 to index
      %get3A_729 = arith.index_cast %add3A_726 : i32 to index
      %get3A_730 = arith.constant 48 : index
      %get3A_731 = tpu.vector_load %arg6[%get3A_728, %get3A_729, %get3A_730] {strides = array<i32>} : memref<2x256x64xf32, #tpu.memory_space<vmem>>, vector<1x1x16xf32>,
      %get3A_732 = vector.shape_cast %get3A_731 : vector<1x1x16xf32> to vector<16xf32>
      %mul3A_733 = arith.constant 8.000000e+00 : f32
      %mul3A_734 = vector.broadcast %mul3A_733 : f32 to vector<16xf32>
      %mul3A_735 = arith.mulf %get3A_732, %mul3A_734 : vector<16xf32>
      %add3A_736 = arith.constant 4 : i32
      %add3A_737 = arith.addi %mul3A_346, %add3A_736 : i32
      %swap3A_738 = arith.constant 1 : i32
      %swap3A_739 = arith.index_cast %swap3A_738 : i32 to index
      %swap3A_740 = arith.index_cast %add3A_737 : i32 to index
      %swap3A_741 = arith.constant 48 : index
      %swap3A_742 = tpu.vector_load %arg7[%swap3A_739, %swap3A_740, %swap3A_741] {strides = array<i32>} : memref<2x256x64xf32, #tpu.memory_space<vmem>>, vector<1x1x16xf32>,
      %swap3A_743 = vector.shape_cast %swap3A_742 : vector<1x1x16xf32> to vector<16xf32>
      %swap3A_744 = vector.shape_cast %mul3A_735 : vector<16xf32> to vector<1x1x16xf32>
      tpu.vector_store %arg7[%swap3A_739, %swap3A_740, %swap3A_741], %swap3A_744 {strides = array<i32>} : memref<2x256x64xf32, #tpu.memory_space<vmem>>, vector<1x1x16xf32>,
      %add3A_745 = arith.constant 5 : i32
      %add3A_746 = arith.addi %mul3A_346, %add3A_745 : i32
      %get3A_747 = arith.constant 1 : i32
      %get3A_748 = arith.index_cast %get3A_747 : i32 to index
      %get3A_749 = arith.index_cast %add3A_746 : i32 to index
      %get3A_750 = arith.constant 0 : index
      %get3A_751 = tpu.vector_load %arg6[%get3A_748, %get3A_749, %get3A_750] {strides = array<i32>} : memref<2x256x64xf32, #tpu.memory_space<vmem>>, vector<1x1x16xf32>,
      %get3A_752 = vector.shape_cast %get3A_751 : vector<1x1x16xf32> to vector<16xf32>
      %mul3A_753 = arith.constant 8.000000e+00 : f32
      %mul3A_754 = vector.broadcast %mul3A_753 : f32 to vector<16xf32>
      %mul3A_755 = arith.mulf %get3A_752, %mul3A_754 : vector<16xf32>
      %add3A_756 = arith.constant 5 : i32
      %add3A_757 = arith.addi %mul3A_346, %add3A_756 : i32
      %swap3A_758 = arith.constant 1 : i32
      %swap3A_759 = arith.index_cast %swap3A_758 : i32 to index
      %swap3A_760 = arith.index_cast %add3A_757 : i32 to index
      %swap3A_761 = arith.constant 0 : index
      %swap3A_762 = tpu.vector_load %arg7[%swap3A_759, %swap3A_760, %swap3A_761] {strides = array<i32>} : memref<2x256x64xf32, #tpu.memory_space<vmem>>, vector<1x1x16xf32>,
      %swap3A_763 = vector.shape_cast %swap3A_762 : vector<1x1x16xf32> to vector<16xf32>
      %swap3A_764 = vector.shape_cast %mul3A_755 : vector<16xf32> to vector<1x1x16xf32>
      tpu.vector_store %arg7[%swap3A_759, %swap3A_760, %swap3A_761], %swap3A_764 {strides = array<i32>} : memref<2x256x64xf32, #tpu.memory_space<vmem>>, vector<1x1x16xf32>,
      %add3A_765 = arith.constant 5 : i32
      %add3A_766 = arith.addi %mul3A_346, %add3A_765 : i32
      %get3A_767 = arith.constant 1 : i32
      %get3A_768 = arith.index_cast %get3A_767 : i32 to index
      %get3A_769 = arith.index_cast %add3A_766 : i32 to index
      %get3A_770 = arith.constant 16 : index
      %get3A_771 = tpu.vector_load %arg6[%get3A_768, %get3A_769, %get3A_770] {strides = array<i32>} : memref<2x256x64xf32, #tpu.memory_space<vmem>>, vector<1x1x16xf32>,
      %get3A_772 = vector.shape_cast %get3A_771 : vector<1x1x16xf32> to vector<16xf32>
      %mul3A_773 = arith.constant 8.000000e+00 : f32
      %mul3A_774 = vector.broadcast %mul3A_773 : f32 to vector<16xf32>
      %mul3A_775 = arith.mulf %get3A_772, %mul3A_774 : vector<16xf32>
      %add3A_776 = arith.constant 5 : i32
      %add3A_777 = arith.addi %mul3A_346, %add3A_776 : i32
      %swap3A_778 = arith.constant 1 : i32
      %swap3A_779 = arith.index_cast %swap3A_778 : i32 to index
      %swap3A_780 = arith.index_cast %add3A_777 : i32 to index
      %swap3A_781 = arith.constant 16 : index
      %swap3A_782 = tpu.vector_load %arg7[%swap3A_779, %swap3A_780, %swap3A_781] {strides = array<i32>} : memref<2x256x64xf32, #tpu.memory_space<vmem>>, vector<1x1x16xf32>,
      %swap3A_783 = vector.shape_cast %swap3A_782 : vector<1x1x16xf32> to vector<16xf32>
      %swap3A_784 = vector.shape_cast %mul3A_775 : vector<16xf32> to vector<1x1x16xf32>
      tpu.vector_store %arg7[%swap3A_779, %swap3A_780, %swap3A_781], %swap3A_784 {strides = array<i32>} : memref<2x256x64xf32, #tpu.memory_space<vmem>>, vector<1x1x16xf32>,
      %add3A_785 = arith.constant 5 : i32
      %add3A_786 = arith.addi %mul3A_346, %add3A_785 : i32
      %get3A_787 = arith.constant 1 : i32
      %get3A_788 = arith.index_cast %get3A_787 : i32 to index
      %get3A_789 = arith.index_cast %add3A_786 : i32 to index
      %get3A_790 = arith.constant 32 : index
      %get3A_791 = tpu.vector_load %arg6[%get3A_788, %get3A_789, %get3A_790] {strides = array<i32>} : memref<2x256x64xf32, #tpu.memory_space<vmem>>, vector<1x1x16xf32>,
      %get3A_792 = vector.shape_cast %get3A_791 : vector<1x1x16xf32> to vector<16xf32>
      %mul3A_793 = arith.constant 8.000000e+00 : f32
      %mul3A_794 = vector.broadcast %mul3A_793 : f32 to vector<16xf32>
      %mul3A_795 = arith.mulf %get3A_792, %mul3A_794 : vector<16xf32>
      %add3A_796 = arith.constant 5 : i32
      %add3A_797 = arith.addi %mul3A_346, %add3A_796 : i32
      %swap3A_798 = arith.constant 1 : i32
      %swap3A_799 = arith.index_cast %swap3A_798 : i32 to index
      %swap3A_800 = arith.index_cast %add3A_797 : i32 to index
      %swap3A_801 = arith.constant 32 : index
      %swap3A_802 = tpu.vector_load %arg7[%swap3A_799, %swap3A_800, %swap3A_801] {strides = array<i32>} : memref<2x256x64xf32, #tpu.memory_space<vmem>>, vector<1x1x16xf32>,
      %swap3A_803 = vector.shape_cast %swap3A_802 : vector<1x1x16xf32> to vector<16xf32>
      %swap3A_804 = vector.shape_cast %mul3A_795 : vector<16xf32> to vector<1x1x16xf32>
      tpu.vector_store %arg7[%swap3A_799, %swap3A_800, %swap3A_801], %swap3A_804 {strides = array<i32>} : memref<2x256x64xf32, #tpu.memory_space<vmem>>, vector<1x1x16xf32>,
      %add3A_805 = arith.constant 5 : i32
      %add3A_806 = arith.addi %mul3A_346, %add3A_805 : i32
      %get3A_807 = arith.constant 1 : i32
      %get3A_808 = arith.index_cast %get3A_807 : i32 to index
      %get3A_809 = arith.index_cast %add3A_806 : i32 to index
      %get3A_810 = arith.constant 48 : index
      %get3A_811 = tpu.vector_load %arg6[%get3A_808, %get3A_809, %get3A_810] {strides = array<i32>} : memref<2x256x64xf32, #tpu.memory_space<vmem>>, vector<1x1x16xf32>,
      %get3A_812 = vector.shape_cast %get3A_811 : vector<1x1x16xf32> to vector<16xf32>
      %mul3A_813 = arith.constant 8.000000e+00 : f32
      %mul3A_814 = vector.broadcast %mul3A_813 : f32 to vector<16xf32>
      %mul3A_815 = arith.mulf %get3A_812, %mul3A_814 : vector<16xf32>
      %add3A_816 = arith.constant 5 : i32
      %add3A_817 = arith.addi %mul3A_346, %add3A_816 : i32
      %swap3A_818 = arith.constant 1 : i32
      %swap3A_819 = arith.index_cast %swap3A_818 : i32 to index
      %swap3A_820 = arith.index_cast %add3A_817 : i32 to index
      %swap3A_821 = arith.constant 48 : index
      %swap3A_822 = tpu.vector_load %arg7[%swap3A_819, %swap3A_820, %swap3A_821] {strides = array<i32>} : memref<2x256x64xf32, #tpu.memory_space<vmem>>, vector<1x1x16xf32>,
      %swap3A_823 = vector.shape_cast %swap3A_822 : vector<1x1x16xf32> to vector<16xf32>
      %swap3A_824 = vector.shape_cast %mul3A_815 : vector<16xf32> to vector<1x1x16xf32>
      tpu.vector_store %arg7[%swap3A_819, %swap3A_820, %swap3A_821], %swap3A_824 {strides = array<i32>} : memref<2x256x64xf32, #tpu.memory_space<vmem>>, vector<1x1x16xf32>,
      %add3A_825 = arith.constant 6 : i32
      %add3A_826 = arith.addi %mul3A_346, %add3A_825 : i32
      %get3A_827 = arith.constant 1 : i32
      %get3A_828 = arith.index_cast %get3A_827 : i32 to index
      %get3A_829 = arith.index_cast %add3A_826 : i32 to index
      %get3A_830 = arith.constant 0 : index
      %get3A_831 = tpu.vector_load %arg6[%get3A_828, %get3A_829, %get3A_830] {strides = array<i32>} : memref<2x256x64xf32, #tpu.memory_space<vmem>>, vector<1x1x16xf32>,
      %get3A_832 = vector.shape_cast %get3A_831 : vector<1x1x16xf32> to vector<16xf32>
      %mul3A_833 = arith.constant 8.000000e+00 : f32
      %mul3A_834 = vector.broadcast %mul3A_833 : f32 to vector<16xf32>
      %mul3A_835 = arith.mulf %get3A_832, %mul3A_834 : vector<16xf32>
      %add3A_836 = arith.constant 6 : i32
      %add3A_837 = arith.addi %mul3A_346, %add3A_836 : i32
      %swap3A_838 = arith.constant 1 : i32
      %swap3A_839 = arith.index_cast %swap3A_838 : i32 to index
      %swap3A_840 = arith.index_cast %add3A_837 : i32 to index
      %swap3A_841 = arith.constant 0 : index
      %swap3A_842 = tpu.vector_load %arg7[%swap3A_839, %swap3A_840, %swap3A_841] {strides = array<i32>} : memref<2x256x64xf32, #tpu.memory_space<vmem>>, vector<1x1x16xf32>,
      %swap3A_843 = vector.shape_cast %swap3A_842 : vector<1x1x16xf32> to vector<16xf32>
      %swap3A_844 = vector.shape_cast %mul3A_835 : vector<16xf32> to vector<1x1x16xf32>
      tpu.vector_store %arg7[%swap3A_839, %swap3A_840, %swap3A_841], %swap3A_844 {strides = array<i32>} : memref<2x256x64xf32, #tpu.memory_space<vmem>>, vector<1x1x16xf32>,
      %add3A_845 = arith.constant 6 : i32
      %add3A_846 = arith.addi %mul3A_346, %add3A_845 : i32
      %get3A_847 = arith.constant 1 : i32
      %get3A_848 = arith.index_cast %get3A_847 : i32 to index
      %get3A_849 = arith.index_cast %add3A_846 : i32 to index
      %get3A_850 = arith.constant 16 : index
      %get3A_851 = tpu.vector_load %arg6[%get3A_848, %get3A_849, %get3A_850] {strides = array<i32>} : memref<2x256x64xf32, #tpu.memory_space<vmem>>, vector<1x1x16xf32>,
      %get3A_852 = vector.shape_cast %get3A_851 : vector<1x1x16xf32> to vector<16xf32>
      %mul3A_853 = arith.constant 8.000000e+00 : f32
      %mul3A_854 = vector.broadcast %mul3A_853 : f32 to vector<16xf32>
      %mul3A_855 = arith.mulf %get3A_852, %mul3A_854 : vector<16xf32>
      %add3A_856 = arith.constant 6 : i32
      %add3A_857 = arith.addi %mul3A_346, %add3A_856 : i32
      %swap3A_858 = arith.constant 1 : i32
      %swap3A_859 = arith.index_cast %swap3A_858 : i32 to index
      %swap3A_860 = arith.index_cast %add3A_857 : i32 to index
      %swap3A_861 = arith.constant 16 : index
      %swap3A_862 = tpu.vector_load %arg7[%swap3A_859, %swap3A_860, %swap3A_861] {strides = array<i32>} : memref<2x256x64xf32, #tpu.memory_space<vmem>>, vector<1x1x16xf32>,
      %swap3A_863 = vector.shape_cast %swap3A_862 : vector<1x1x16xf32> to vector<16xf32>
      %swap3A_864 = vector.shape_cast %mul3A_855 : vector<16xf32> to vector<1x1x16xf32>
      tpu.vector_store %arg7[%swap3A_859, %swap3A_860, %swap3A_861], %swap3A_864 {strides = array<i32>} : memref<2x256x64xf32, #tpu.memory_space<vmem>>, vector<1x1x16xf32>,
      %add3A_865 = arith.constant 6 : i32
      %add3A_866 = arith.addi %mul3A_346, %add3A_865 : i32
      %get3A_867 = arith.constant 1 : i32
      %get3A_868 = arith.index_cast %get3A_867 : i32 to index
      %get3A_869 = arith.index_cast %add3A_866 : i32 to index
      %get3A_870 = arith.constant 32 : index
      %get3A_871 = tpu.vector_load %arg6[%get3A_868, %get3A_869, %get3A_870] {strides = array<i32>} : memref<2x256x64xf32, #tpu.memory_space<vmem>>, vector<1x1x16xf32>,
      %get3A_872 = vector.shape_cast %get3A_871 : vector<1x1x16xf32> to vector<16xf32>
      %mul3A_873 = arith.constant 8.000000e+00 : f32
      %mul3A_874 = vector.broadcast %mul3A_873 : f32 to vector<16xf32>
      %mul3A_875 = arith.mulf %get3A_872, %mul3A_874 : vector<16xf32>
      %add3A_876 = arith.constant 6 : i32
      %add3A_877 = arith.addi %mul3A_346, %add3A_876 : i32
      %swap3A_878 = arith.constant 1 : i32
      %swap3A_879 = arith.index_cast %swap3A_878 : i32 to index
      %swap3A_880 = arith.index_cast %add3A_877 : i32 to index
      %swap3A_881 = arith.constant 32 : index
      %swap3A_882 = tpu.vector_load %arg7[%swap3A_879, %swap3A_880, %swap3A_881] {strides = array<i32>} : memref<2x256x64xf32, #tpu.memory_space<vmem>>, vector<1x1x16xf32>,
      %swap3A_883 = vector.shape_cast %swap3A_882 : vector<1x1x16xf32> to vector<16xf32>
      %swap3A_884 = vector.shape_cast %mul3A_875 : vector<16xf32> to vector<1x1x16xf32>
      tpu.vector_store %arg7[%swap3A_879, %swap3A_880, %swap3A_881], %swap3A_884 {strides = array<i32>} : memref<2x256x64xf32, #tpu.memory_space<vmem>>, vector<1x1x16xf32>,
      %add3A_885 = arith.constant 6 : i32
      %add3A_886 = arith.addi %mul3A_346, %add3A_885 : i32
      %get3A_887 = arith.constant 1 : i32
      %get3A_888 = arith.index_cast %get3A_887 : i32 to index
      %get3A_889 = arith.index_cast %add3A_886 : i32 to index
      %get3A_890 = arith.constant 48 : index
      %get3A_891 = tpu.vector_load %arg6[%get3A_888, %get3A_889, %get3A_890] {strides = array<i32>} : memref<2x256x64xf32, #tpu.memory_space<vmem>>, vector<1x1x16xf32>,
      %get3A_892 = vector.shape_cast %get3A_891 : vector<1x1x16xf32> to vector<16xf32>
      %mul3A_893 = arith.constant 8.000000e+00 : f32
      %mul3A_894 = vector.broadcast %mul3A_893 : f32 to vector<16xf32>
      %mul3A_895 = arith.mulf %get3A_892, %mul3A_894 : vector<16xf32>
      %add3A_896 = arith.constant 6 : i32
      %add3A_897 = arith.addi %mul3A_346, %add3A_896 : i32
      %swap3A_898 = arith.constant 1 : i32
      %swap3A_899 = arith.index_cast %swap3A_898 : i32 to index
      %swap3A_900 = arith.index_cast %add3A_897 : i32 to index
      %swap3A_901 = arith.constant 48 : index
      %swap3A_902 = tpu.vector_load %arg7[%swap3A_899, %swap3A_900, %swap3A_901] {strides = array<i32>} : memref<2x256x64xf32, #tpu.memory_space<vmem>>, vector<1x1x16xf32>,
      %swap3A_903 = vector.shape_cast %swap3A_902 : vector<1x1x16xf32> to vector<16xf32>
      %swap3A_904 = vector.shape_cast %mul3A_895 : vector<16xf32> to vector<1x1x16xf32>
      tpu.vector_store %arg7[%swap3A_899, %swap3A_900, %swap3A_901], %swap3A_904 {strides = array<i32>} : memref<2x256x64xf32, #tpu.memory_space<vmem>>, vector<1x1x16xf32>,
      %add3A_905 = arith.constant 7 : i32
      %add3A_906 = arith.addi %mul3A_346, %add3A_905 : i32
      %get3A_907 = arith.constant 1 : i32
      %get3A_908 = arith.index_cast %get3A_907 : i32 to index
      %get3A_909 = arith.index_cast %add3A_906 : i32 to index
      %get3A_910 = arith.constant 0 : index
      %get3A_911 = tpu.vector_load %arg6[%get3A_908, %get3A_909, %get3A_910] {strides = array<i32>} : memref<2x256x64xf32, #tpu.memory_space<vmem>>, vector<1x1x16xf32>,
      %get3A_912 = vector.shape_cast %get3A_911 : vector<1x1x16xf32> to vector<16xf32>
      %mul3A_913 = arith.constant 8.000000e+00 : f32
      %mul3A_914 = vector.broadcast %mul3A_913 : f32 to vector<16xf32>
      %mul3A_915 = arith.mulf %get3A_912, %mul3A_914 : vector<16xf32>
      %add3A_916 = arith.constant 7 : i32
      %add3A_917 = arith.addi %mul3A_346, %add3A_916 : i32
      %swap3A_918 = arith.constant 1 : i32
      %swap3A_919 = arith.index_cast %swap3A_918 : i32 to index
      %swap3A_920 = arith.index_cast %add3A_917 : i32 to index
      %swap3A_921 = arith.constant 0 : index
      %swap3A_922 = tpu.vector_load %arg7[%swap3A_919, %swap3A_920, %swap3A_921] {strides = array<i32>} : memref<2x256x64xf32, #tpu.memory_space<vmem>>, vector<1x1x16xf32>,
      %swap3A_923 = vector.shape_cast %swap3A_922 : vector<1x1x16xf32> to vector<16xf32>
      %swap3A_924 = vector.shape_cast %mul3A_915 : vector<16xf32> to vector<1x1x16xf32>
      tpu.vector_store %arg7[%swap3A_919, %swap3A_920, %swap3A_921], %swap3A_924 {strides = array<i32>} : memref<2x256x64xf32, #tpu.memory_space<vmem>>, vector<1x1x16xf32>,
      %add3A_925 = arith.constant 7 : i32
      %add3A_926 = arith.addi %mul3A_346, %add3A_925 : i32
      %get3A_927 = arith.constant 1 : i32
      %get3A_928 = arith.index_cast %get3A_927 : i32 to index
      %get3A_929 = arith.index_cast %add3A_926 : i32 to index
      %get3A_930 = arith.constant 16 : index
      %get3A_931 = tpu.vector_load %arg6[%get3A_928, %get3A_929, %get3A_930] {strides = array<i32>} : memref<2x256x64xf32, #tpu.memory_space<vmem>>, vector<1x1x16xf32>,
      %get3A_932 = vector.shape_cast %get3A_931 : vector<1x1x16xf32> to vector<16xf32>
      %mul3A_933 = arith.constant 8.000000e+00 : f32
      %mul3A_934 = vector.broadcast %mul3A_933 : f32 to vector<16xf32>
      %mul3A_935 = arith.mulf %get3A_932, %mul3A_934 : vector<16xf32>
      %add3A_936 = arith.constant 7 : i32
      %add3A_937 = arith.addi %mul3A_346, %add3A_936 : i32
      %swap3A_938 = arith.constant 1 : i32
      %swap3A_939 = arith.index_cast %swap3A_938 : i32 to index
      %swap3A_940 = arith.index_cast %add3A_937 : i32 to index
      %swap3A_941 = arith.constant 16 : index
      %swap3A_942 = tpu.vector_load %arg7[%swap3A_939, %swap3A_940, %swap3A_941] {strides = array<i32>} : memref<2x256x64xf32, #tpu.memory_space<vmem>>, vector<1x1x16xf32>,
      %swap3A_943 = vector.shape_cast %swap3A_942 : vector<1x1x16xf32> to vector<16xf32>
      %swap3A_944 = vector.shape_cast %mul3A_935 : vector<16xf32> to vector<1x1x16xf32>
      tpu.vector_store %arg7[%swap3A_939, %swap3A_940, %swap3A_941], %swap3A_944 {strides = array<i32>} : memref<2x256x64xf32, #tpu.memory_space<vmem>>, vector<1x1x16xf32>,
      %add3A_945 = arith.constant 7 : i32
      %add3A_946 = arith.addi %mul3A_346, %add3A_945 : i32
      %get3A_947 = arith.constant 1 : i32
      %get3A_948 = arith.index_cast %get3A_947 : i32 to index
      %get3A_949 = arith.index_cast %add3A_946 : i32 to index
      %get3A_950 = arith.constant 32 : index
      %get3A_951 = tpu.vector_load %arg6[%get3A_948, %get3A_949, %get3A_950] {strides = array<i32>} : memref<2x256x64xf32, #tpu.memory_space<vmem>>, vector<1x1x16xf32>,
      %get3A_952 = vector.shape_cast %get3A_951 : vector<1x1x16xf32> to vector<16xf32>
      %mul3A_953 = arith.constant 8.000000e+00 : f32
      %mul3A_954 = vector.broadcast %mul3A_953 : f32 to vector<16xf32>
      %mul3A_955 = arith.mulf %get3A_952, %mul3A_954 : vector<16xf32>
      %add3A_956 = arith.constant 7 : i32
      %add3A_957 = arith.addi %mul3A_346, %add3A_956 : i32
      %swap3A_958 = arith.constant 1 : i32
      %swap3A_959 = arith.index_cast %swap3A_958 : i32 to index
      %swap3A_960 = arith.index_cast %add3A_957 : i32 to index
      %swap3A_961 = arith.constant 32 : index
      %swap3A_962 = tpu.vector_load %arg7[%swap3A_959, %swap3A_960, %swap3A_961] {strides = array<i32>} : memref<2x256x64xf32, #tpu.memory_space<vmem>>, vector<1x1x16xf32>,
      %swap3A_963 = vector.shape_cast %swap3A_962 : vector<1x1x16xf32> to vector<16xf32>
      %swap3A_964 = vector.shape_cast %mul3A_955 : vector<16xf32> to vector<1x1x16xf32>
      tpu.vector_store %arg7[%swap3A_959, %swap3A_960, %swap3A_961], %swap3A_964 {strides = array<i32>} : memref<2x256x64xf32, #tpu.memory_space<vmem>>, vector<1x1x16xf32>,
      %add3A_965 = arith.constant 7 : i32
      %add3A_966 = arith.addi %mul3A_346, %add3A_965 : i32
      %get3A_967 = arith.constant 1 : i32
      %get3A_968 = arith.index_cast %get3A_967 : i32 to index
      %get3A_969 = arith.index_cast %add3A_966 : i32 to index
      %get3A_970 = arith.constant 48 : index
      %get3A_971 = tpu.vector_load %arg6[%get3A_968, %get3A_969, %get3A_970] {strides = array<i32>} : memref<2x256x64xf32, #tpu.memory_space<vmem>>, vector<1x1x16xf32>,
      %get3A_972 = vector.shape_cast %get3A_971 : vector<1x1x16xf32> to vector<16xf32>
      %mul3A_973 = arith.constant 8.000000e+00 : f32
      %mul3A_974 = vector.broadcast %mul3A_973 : f32 to vector<16xf32>
      %mul3A_975 = arith.mulf %get3A_972, %mul3A_974 : vector<16xf32>
      %add3A_976 = arith.constant 7 : i32
      %add3A_977 = arith.addi %mul3A_346, %add3A_976 : i32
      %swap3A_978 = arith.constant 1 : i32
      %swap3A_979 = arith.index_cast %swap3A_978 : i32 to index
      %swap3A_980 = arith.index_cast %add3A_977 : i32 to index
      %swap3A_981 = arith.constant 48 : index
      %swap3A_982 = tpu.vector_load %arg7[%swap3A_979, %swap3A_980, %swap3A_981] {strides = array<i32>} : memref<2x256x64xf32, #tpu.memory_space<vmem>>, vector<1x1x16xf32>,
      %swap3A_983 = vector.shape_cast %swap3A_982 : vector<1x1x16xf32> to vector<16xf32>
      %swap3A_984 = vector.shape_cast %mul3A_975 : vector<16xf32> to vector<1x1x16xf32>
      tpu.vector_store %arg7[%swap3A_979, %swap3A_980, %swap3A_981], %swap3A_984 {strides = array<i32>} : memref<2x256x64xf32, #tpu.memory_space<vmem>>, vector<1x1x16xf32>,
    }
    %scan3A_148 = arith.constant 32 : i32
    %add3A_149 = arith.constant 256 : i32
    %add3A_150 = arith.addi %mul3A_2, %add3A_149 : i32
    %dma_start3A_151 = arith.constant 1 : i32
    %dma_start3A_152 = arith.constant 0 : i32
    %dma_start3A_153 = arith.constant 0 : i32
    %dma_start3A_154 = tpu.memref_slice %arg7[%dma_start3A_151, %dma_start3A_152, %dma_start3A_153] : memref<2x256x64xf32, #tpu.memory_space<vmem>> -> memref<1x256x64xf32, #tpu.memory_space<vmem>>
    %dma_start3A_155 = tpu.memref_squeeze %dma_start3A_154 : memref<1x256x64xf32, #tpu.memory_space<vmem>> -> memref<256x64xf32, #tpu.memory_space<vmem>>
    %dma_start3A_156 = arith.constant 0 : i32
    %dma_start3A_157 = tpu.memref_slice %arg4[%add3A_150, %dma_start3A_156] : memref<819200x128xf32, #tpu.memory_space<hbm>> -> memref<256x64xf32, #tpu.memory_space<hbm>>
    %dma_start3A_158 = arith.constant 0 : i32
    %dma_start3A_159 = tpu.memref_slice %arg4[%add3A_150, %dma_start3A_158] : memref<819200x128xf32, #tpu.memory_space<hbm>> -> memref<256x64xf32, #tpu.memory_space<hbm>>
    %dma_start3A_160 = arith.constant 0 : i32
    %dma_start3A_161 = arith.constant 0 : i32
    %dma_start3A_162 = tpu.memref_slice %arg7[%dma_start3A_151, %dma_start3A_160, %dma_start3A_161] : memref<2x256x64xf32, #tpu.memory_space<vmem>> -> memref<1x256x64xf32, #tpu.memory_space<vmem>>
    %dma_start3A_163 = tpu.memref_squeeze %dma_start3A_162 : memref<1x256x64xf32, #tpu.memory_space<vmem>> -> memref<256x64xf32, #tpu.memory_space<vmem>>
    tpu.enqueue_dma source(%dma_start3A_163 : memref<256x64xf32, #tpu.memory_space<vmem>>) target(%dma_start3A_159 : memref<256x64xf32, #tpu.memory_space<hbm>>) target_semaphore(%arg11 : memref<!tpu.dma_semaphore, #tpu.memory_space<semaphore_mem>>)
    %dma_start3A_164 = arith.constant 6 : i32
    %dma_start3A_165 = arith.constant 1 : i32
    %dma_start3A_166 = arith.constant 0 : i32
    %dma_start3A_167 = arith.constant 0 : i32
    %dma_start3A_168 = tpu.memref_slice %arg6[%dma_start3A_165, %dma_start3A_166, %dma_start3A_167] : memref<2x256x64xf32, #tpu.memory_space<vmem>> -> memref<1x128x64xf32, #tpu.memory_space<vmem>>
    %dma_start3A_169 = tpu.memref_squeeze %dma_start3A_168 : memref<1x128x64xf32, #tpu.memory_space<vmem>> -> memref<128x64xf32, #tpu.memory_space<vmem>>
    %dma_start3A_170 = arith.constant 0 : i32
    %dma_start3A_171 = tpu.memref_slice %arg5[%dma_start3A_164, %dma_start3A_170] : memref<200x128xi32, #tpu.memory_space<vmem>> -> memref<1x128xi32, #tpu.memory_space<vmem>>
    %dma_start3A_172 = tpu.memref_squeeze %dma_start3A_171 : memref<1x128xi32, #tpu.memory_space<vmem>> -> memref<128xi32, #tpu.memory_space<vmem>>
    %dma_start3A_173 = arith.constant 0 : i32
    %dma_start3A_174 = arith.constant 0 : i32
    %dma_start3A_175 = tpu.memref_slice %arg2[%dma_start3A_173, %dma_start3A_174] : memref<2000000x64xf32, #tpu.memory_space<hbm>> -> memref<2000000x64xf32, #tpu.memory_space<hbm>>
    tpu.enqueue_indirect_dma source(%dma_start3A_175 : memref<2000000x64xf32, #tpu.memory_space<hbm>>) target(%dma_start3A_169 : memref<128x64xf32, #tpu.memory_space<vmem>>) offsets(%dma_start3A_172 : memref<128xi32, #tpu.memory_space<vmem>>) semaphore(%arg9 : memref<!tpu.dma_semaphore, #tpu.memory_space<semaphore_mem>>)
    %dma_start3A_176 = arith.constant 7 : i32
    %dma_start3A_177 = arith.constant 1 : i32
    %dma_start3A_178 = arith.constant 128 : i32
    %dma_start3A_179 = arith.constant 0 : i32
    %dma_start3A_180 = tpu.memref_slice %arg6[%dma_start3A_177, %dma_start3A_178, %dma_start3A_179] : memref<2x256x64xf32, #tpu.memory_space<vmem>> -> memref<1x128x64xf32, #tpu.memory_space<vmem>>
    %dma_start3A_181 = tpu.memref_squeeze %dma_start3A_180 : memref<1x128x64xf32, #tpu.memory_space<vmem>> -> memref<128x64xf32, #tpu.memory_space<vmem>>
    %dma_start3A_182 = arith.constant 0 : i32
    %dma_start3A_183 = tpu.memref_slice %arg5[%dma_start3A_176, %dma_start3A_182] : memref<200x128xi32, #tpu.memory_space<vmem>> -> memref<1x128xi32, #tpu.memory_space<vmem>>
    %dma_start3A_184 = tpu.memref_squeeze %dma_start3A_183 : memref<1x128xi32, #tpu.memory_space<vmem>> -> memref<128xi32, #tpu.memory_space<vmem>>
    %dma_start3A_185 = arith.constant 0 : i32
    %dma_start3A_186 = arith.constant 0 : i32
    %dma_start3A_187 = tpu.memref_slice %arg2[%dma_start3A_185, %dma_start3A_186] : memref<2000000x64xf32, #tpu.memory_space<hbm>> -> memref<2000000x64xf32, #tpu.memory_space<hbm>>
    tpu.enqueue_indirect_dma source(%dma_start3A_187 : memref<2000000x64xf32, #tpu.memory_space<hbm>>) target(%dma_start3A_181 : memref<128x64xf32, #tpu.memory_space<vmem>>) offsets(%dma_start3A_184 : memref<128xi32, #tpu.memory_space<vmem>>) semaphore(%arg9 : memref<!tpu.dma_semaphore, #tpu.memory_space<semaphore_mem>>)
    %scan3A_188 = arith.constant 0 : i32
    %scan3A_189 = arith.constant 0 : i32
    %scan3A_190 = arith.constant 48 : i32
    %scan3A_191 = arith.addi %scan3A_189, %scan3A_190 : i32
    %scan3A_192 = arith.constant 1 : i32
    scf.for %scan3A_344 = %scan3A_189 to %scan3A_191 step %scan3A_192  : i32 {
      %mul3A_345 = arith.constant 2 : i32
      %mul3A_346 = arith.muli %scan3A_344, %mul3A_345 : i32
      %add3A_347 = arith.constant 2 : i32
      %add3A_348 = arith.addi %add3A_347, %mul3A_346 : i32
      %add3A_349 = arith.constant 0 : i32
      %add3A_350 = arith.addi %add3A_348, %add3A_349 : i32
      %dma_wait3A_351 = arith.constant 0 : i32
      %dma_wait3A_352 = arith.constant 0 : i32
      %dma_wait3A_353 = arith.constant 0 : i32
      %dma_wait3A_354 = arith.constant 0 : i32
      %dma_wait3A_355 = tpu.memref_slice %arg6[%dma_wait3A_352, %dma_wait3A_353, %dma_wait3A_354] : memref<2x256x64xf32, #tpu.memory_space<vmem>> -> memref<1x128x64xf32, #tpu.memory_space<vmem>>
      %dma_wait3A_356 = tpu.memref_squeeze %dma_wait3A_355 : memref<1x128x64xf32, #tpu.memory_space<vmem>> -> memref<128x64xf32, #tpu.memory_space<vmem>>
      %dma_wait3A_357 = arith.constant 0 : i32
      %dma_wait3A_358 = tpu.memref_slice %arg5[%dma_wait3A_351, %dma_wait3A_357] : memref<200x128xi32, #tpu.memory_space<vmem>> -> memref<1x128xi32, #tpu.memory_space<vmem>>
      %dma_wait3A_359 = tpu.memref_squeeze %dma_wait3A_358 : memref<1x128xi32, #tpu.memory_space<vmem>> -> memref<128xi32, #tpu.memory_space<vmem>>
      %dma_wait3A_360 = arith.constant 0 : i32
      %dma_wait3A_361 = arith.constant 0 : i32
      %dma_wait3A_362 = tpu.memref_slice %arg2[%dma_wait3A_360, %dma_wait3A_361] : memref<2000000x64xf32, #tpu.memory_space<hbm>> -> memref<2000000x64xf32, #tpu.memory_space<hbm>>
      tpu.wait_indirect_dma semaphore(%arg8 : memref<!tpu.dma_semaphore, #tpu.memory_space<semaphore_mem>>) src(%dma_wait3A_362 : memref<2000000x64xf32, #tpu.memory_space<hbm>>) dst(%dma_wait3A_356 : memref<128x64xf32, #tpu.memory_space<vmem>>)
      %dma_wait3A_363 = arith.constant 1 : i32
      %dma_wait3A_364 = arith.constant 0 : i32
      %dma_wait3A_365 = arith.constant 128 : i32
      %dma_wait3A_366 = arith.constant 0 : i32
      %dma_wait3A_367 = tpu.memref_slice %arg6[%dma_wait3A_364, %dma_wait3A_365, %dma_wait3A_366] : memref<2x256x64xf32, #tpu.memory_space<vmem>> -> memref<1x128x64xf32, #tpu.memory_space<vmem>>
      %dma_wait3A_368 = tpu.memref_squeeze %dma_wait3A_367 : memref<1x128x64xf32, #tpu.memory_space<vmem>> -> memref<128x64xf32, #tpu.memory_space<vmem>>
      %dma_wait3A_369 = arith.constant 0 : i32
      %dma_wait3A_370 = tpu.memref_slice %arg5[%dma_wait3A_363, %dma_wait3A_369] : memref<200x128xi32, #tpu.memory_space<vmem>> -> memref<1x128xi32, #tpu.memory_space<vmem>>
      %dma_wait3A_371 = tpu.memref_squeeze %dma_wait3A_370 : memref<1x128xi32, #tpu.memory_space<vmem>> -> memref<128xi32, #tpu.memory_space<vmem>>
      %dma_wait3A_372 = arith.constant 0 : i32
      %dma_wait3A_373 = arith.constant 0 : i32
      %dma_wait3A_374 = tpu.memref_slice %arg2[%dma_wait3A_372, %dma_wait3A_373] : memref<2000000x64xf32, #tpu.memory_space<hbm>> -> memref<2000000x64xf32, #tpu.memory_space<hbm>>
      tpu.wait_indirect_dma semaphore(%arg8 : memref<!tpu.dma_semaphore, #tpu.memory_space<semaphore_mem>>) src(%dma_wait3A_374 : memref<2000000x64xf32, #tpu.memory_space<hbm>>) dst(%dma_wait3A_368 : memref<128x64xf32, #tpu.memory_space<vmem>>)
      %add3A_375 = arith.constant 0 : i32
      %add3A_376 = arith.addi %mul3A_2, %add3A_375 : i32
      %dma_wait3A_377 = arith.constant 0 : i32
      %dma_wait3A_378 = arith.constant 0 : i32
      %dma_wait3A_379 = arith.constant 0 : i32
      %dma_wait3A_380 = tpu.memref_slice %arg7[%dma_wait3A_377, %dma_wait3A_378, %dma_wait3A_379] : memref<2x256x64xf32, #tpu.memory_space<vmem>> -> memref<1x256x64xf32, #tpu.memory_space<vmem>>
      %dma_wait3A_381 = tpu.memref_squeeze %dma_wait3A_380 : memref<1x256x64xf32, #tpu.memory_space<vmem>> -> memref<256x64xf32, #tpu.memory_space<vmem>>
      %dma_wait3A_382 = arith.constant 0 : i32
      %dma_wait3A_383 = tpu.memref_slice %arg4[%add3A_376, %dma_wait3A_382] : memref<819200x128xf32, #tpu.memory_space<hbm>> -> memref<256x64xf32, #tpu.memory_space<hbm>>
      %dma_wait3A_384 = arith.constant 0 : i32
      %dma_wait3A_385 = tpu.memref_slice %arg4[%add3A_376, %dma_wait3A_384] : memref<819200x128xf32, #tpu.memory_space<hbm>> -> memref<256x64xf32, #tpu.memory_space<hbm>>
      %dma_wait3A_386 = arith.constant 0 : i32
      %dma_wait3A_387 = arith.constant 0 : i32
      %dma_wait3A_388 = tpu.memref_slice %arg7[%dma_wait3A_377, %dma_wait3A_386, %dma_wait3A_387] : memref<2x256x64xf32, #tpu.memory_space<vmem>> -> memref<1x256x64xf32, #tpu.memory_space<vmem>>
      %dma_wait3A_389 = tpu.memref_squeeze %dma_wait3A_388 : memref<1x256x64xf32, #tpu.memory_space<vmem>> -> memref<256x64xf32, #tpu.memory_space<vmem>>
      tpu.wait_dma2 semaphore(%arg10 : memref<!tpu.dma_semaphore, #tpu.memory_space<semaphore_mem>>) src(%dma_wait3A_389 : memref<256x64xf32, #tpu.memory_space<vmem>>) dst(%dma_wait3A_385 : memref<256x64xf32, #tpu.memory_space<hbm>>)
      %scan3A_390 = arith.constant 0 : i32
      %scan3A_391 = arith.constant 0 : i32
      %scan3A_392 = arith.constant 32 : i32
      %scan3A_393 = arith.addi %scan3A_391, %scan3A_392 : i32
      %scan3A_394 = arith.constant 1 : i32
      scf.for %scan3A_539 = %scan3A_391 to %scan3A_393 step %scan3A_394  : i32 {
        %mul3A_540 = arith.constant 8 : i32
        %mul3A_541 = arith.muli %scan3A_539, %mul3A_540 : i32
        %add3A_542 = arith.constant 0 : i32
        %add3A_543 = arith.addi %mul3A_541, %add3A_542 : i32
        %get3A = arith.constant 0 : i32
        %get3A_544 = arith.index_cast %get3A : i32 to index
        %get3A_545 = arith.index_cast %add3A_543 : i32 to index
        %get3A_546 = arith.constant 0 : index
        %get3A_547 = tpu.vector_load %arg6[%get3A_544, %get3A_545, %get3A_546] {strides = array<i32>} : memref<2x256x64xf32, #tpu.memory_space<vmem>>, vector<1x1x16xf32>,
        %get3A_548 = vector.shape_cast %get3A_547 : vector<1x1x16xf32> to vector<16xf32>
        %mul3A_549 = arith.constant 8.000000e+00 : f32
        %mul3A_550 = vector.broadcast %mul3A_549 : f32 to vector<16xf32>
        %mul3A_551 = arith.mulf %get3A_548, %mul3A_550 : vector<16xf32>
        %add3A_552 = arith.constant 0 : i32
        %add3A_553 = arith.addi %mul3A_541, %add3A_552 : i32
        %swap3A = arith.constant 0 : i32
        %swap3A_554 = arith.index_cast %swap3A : i32 to index
        %swap3A_555 = arith.index_cast %add3A_553 : i32 to index
        %swap3A_556 = arith.constant 0 : index
        %swap3A_557 = tpu.vector_load %arg7[%swap3A_554, %swap3A_555, %swap3A_556] {strides = array<i32>} : memref<2x256x64xf32, #tpu.memory_space<vmem>>, vector<1x1x16xf32>,
        %swap3A_558 = vector.shape_cast %swap3A_557 : vector<1x1x16xf32> to vector<16xf32>
        %swap3A_559 = vector.shape_cast %mul3A_551 : vector<16xf32> to vector<1x1x16xf32>
        tpu.vector_store %arg7[%swap3A_554, %swap3A_555, %swap3A_556], %swap3A_559 {strides = array<i32>} : memref<2x256x64xf32, #tpu.memory_space<vmem>>, vector<1x1x16xf32>,
        %add3A_560 = arith.constant 0 : i32
        %add3A_561 = arith.addi %mul3A_541, %add3A_560 : i32
        %get3A_562 = arith.constant 0 : i32
        %get3A_563 = arith.index_cast %get3A_562 : i32 to index
        %get3A_564 = arith.index_cast %add3A_561 : i32 to index
        %get3A_565 = arith.constant 16 : index
        %get3A_566 = tpu.vector_load %arg6[%get3A_563, %get3A_564, %get3A_565] {strides = array<i32>} : memref<2x256x64xf32, #tpu.memory_space<vmem>>, vector<1x1x16xf32>,
        %get3A_567 = vector.shape_cast %get3A_566 : vector<1x1x16xf32> to vector<16xf32>
        %mul3A_568 = arith.constant 8.000000e+00 : f32
        %mul3A_569 = vector.broadcast %mul3A_568 : f32 to vector<16xf32>
        %mul3A_570 = arith.mulf %get3A_567, %mul3A_569 : vector<16xf32>
        %add3A_571 = arith.constant 0 : i32
        %add3A_572 = arith.addi %mul3A_541, %add3A_571 : i32
        %swap3A_573 = arith.constant 0 : i32
        %swap3A_574 = arith.index_cast %swap3A_573 : i32 to index
        %swap3A_575 = arith.index_cast %add3A_572 : i32 to index
        %swap3A_576 = arith.constant 16 : index
        %swap3A_577 = tpu.vector_load %arg7[%swap3A_574, %swap3A_575, %swap3A_576] {strides = array<i32>} : memref<2x256x64xf32, #tpu.memory_space<vmem>>, vector<1x1x16xf32>,
        %swap3A_578 = vector.shape_cast %swap3A_577 : vector<1x1x16xf32> to vector<16xf32>
        %swap3A_579 = vector.shape_cast %mul3A_570 : vector<16xf32> to vector<1x1x16xf32>
        tpu.vector_store %arg7[%swap3A_574, %swap3A_575, %swap3A_576], %swap3A_579 {strides = array<i32>} : memref<2x256x64xf32, #tpu.memory_space<vmem>>, vector<1x1x16xf32>,
        %add3A_580 = arith.constant 0 : i32
        %add3A_581 = arith.addi %mul3A_541, %add3A_580 : i32
        %get3A_582 = arith.constant 0 : i32
        %get3A_583 = arith.index_cast %get3A_582 : i32 to index
        %get3A_584 = arith.index_cast %add3A_581 : i32 to index
        %get3A_585 = arith.constant 32 : index
        %get3A_586 = tpu.vector_load %arg6[%get3A_583, %get3A_584, %get3A_585] {strides = array<i32>} : memref<2x256x64xf32, #tpu.memory_space<vmem>>, vector<1x1x16xf32>,
        %get3A_587 = vector.shape_cast %get3A_586 : vector<1x1x16xf32> to vector<16xf32>
        %mul3A_588 = arith.constant 8.000000e+00 : f32
        %mul3A_589 = vector.broadcast %mul3A_588 : f32 to vector<16xf32>
        %mul3A_590 = arith.mulf %get3A_587, %mul3A_589 : vector<16xf32>
        %add3A_591 = arith.constant 0 : i32
        %add3A_592 = arith.addi %mul3A_541, %add3A_591 : i32
        %swap3A_593 = arith.constant 0 : i32
        %swap3A_594 = arith.index_cast %swap3A_593 : i32 to index
        %swap3A_595 = arith.index_cast %add3A_592 : i32 to index
        %swap3A_596 = arith.constant 32 : index
        %swap3A_597 = tpu.vector_load %arg7[%swap3A_594, %swap3A_595, %swap3A_596] {strides = array<i32>} : memref<2x256x64xf32, #tpu.memory_space<vmem>>, vector<1x1x16xf32>,
        %swap3A_598 = vector.shape_cast %swap3A_597 : vector<1x1x16xf32> to vector<16xf32>
        %swap3A_599 = vector.shape_cast %mul3A_590 : vector<16xf32> to vector<1x1x16xf32>
        tpu.vector_store %arg7[%swap3A_594, %swap3A_595, %swap3A_596], %swap3A_599 {strides = array<i32>} : memref<2x256x64xf32, #tpu.memory_space<vmem>>, vector<1x1x16xf32>,
        %add3A_600 = arith.constant 0 : i32
        %add3A_601 = arith.addi %mul3A_541, %add3A_600 : i32
        %get3A_602 = arith.constant 0 : i32
        %get3A_603 = arith.index_cast %get3A_602 : i32 to index
        %get3A_604 = arith.index_cast %add3A_601 : i32 to index
        %get3A_605 = arith.constant 48 : index
        %get3A_606 = tpu.vector_load %arg6[%get3A_603, %get3A_604, %get3A_605] {strides = array<i32>} : memref<2x256x64xf32, #tpu.memory_space<vmem>>, vector<1x1x16xf32>,
        %get3A_607 = vector.shape_cast %get3A_606 : vector<1x1x16xf32> to vector<16xf32>
        %mul3A_608 = arith.constant 8.000000e+00 : f32
        %mul3A_609 = vector.broadcast %mul3A_608 : f32 to vector<16xf32>
        %mul3A_610 = arith.mulf %get3A_607, %mul3A_609 : vector<16xf32>
        %add3A_611 = arith.constant 0 : i32
        %add3A_612 = arith.addi %mul3A_541, %add3A_611 : i32
        %swap3A_613 = arith.constant 0 : i32
        %swap3A_614 = arith.index_cast %swap3A_613 : i32 to index
        %swap3A_615 = arith.index_cast %add3A_612 : i32 to index
        %swap3A_616 = arith.constant 48 : index
        %swap3A_617 = tpu.vector_load %arg7[%swap3A_614, %swap3A_615, %swap3A_616] {strides = array<i32>} : memref<2x256x64xf32, #tpu.memory_space<vmem>>, vector<1x1x16xf32>,
        %swap3A_618 = vector.shape_cast %swap3A_617 : vector<1x1x16xf32> to vector<16xf32>
        %swap3A_619 = vector.shape_cast %mul3A_610 : vector<16xf32> to vector<1x1x16xf32>
        tpu.vector_store %arg7[%swap3A_614, %swap3A_615, %swap3A_616], %swap3A_619 {strides = array<i32>} : memref<2x256x64xf32, #tpu.memory_space<vmem>>, vector<1x1x16xf32>,
        %add3A_620 = arith.constant 1 : i32
        %add3A_621 = arith.addi %mul3A_541, %add3A_620 : i32
        %get3A_622 = arith.constant 0 : i32
        %get3A_623 = arith.index_cast %get3A_622 : i32 to index
        %get3A_624 = arith.index_cast %add3A_621 : i32 to index
        %get3A_625 = arith.constant 0 : index
        %get3A_626 = tpu.vector_load %arg6[%get3A_623, %get3A_624, %get3A_625] {strides = array<i32>} : memref<2x256x64xf32, #tpu.memory_space<vmem>>, vector<1x1x16xf32>,
        %get3A_627 = vector.shape_cast %get3A_626 : vector<1x1x16xf32> to vector<16xf32>
        %mul3A_628 = arith.constant 8.000000e+00 : f32
        %mul3A_629 = vector.broadcast %mul3A_628 : f32 to vector<16xf32>
        %mul3A_630 = arith.mulf %get3A_627, %mul3A_629 : vector<16xf32>
        %add3A_631 = arith.constant 1 : i32
        %add3A_632 = arith.addi %mul3A_541, %add3A_631 : i32
        %swap3A_633 = arith.constant 0 : i32
        %swap3A_634 = arith.index_cast %swap3A_633 : i32 to index
        %swap3A_635 = arith.index_cast %add3A_632 : i32 to index
        %swap3A_636 = arith.constant 0 : index
        %swap3A_637 = tpu.vector_load %arg7[%swap3A_634, %swap3A_635, %swap3A_636] {strides = array<i32>} : memref<2x256x64xf32, #tpu.memory_space<vmem>>, vector<1x1x16xf32>,
        %swap3A_638 = vector.shape_cast %swap3A_637 : vector<1x1x16xf32> to vector<16xf32>
        %swap3A_639 = vector.shape_cast %mul3A_630 : vector<16xf32> to vector<1x1x16xf32>
        tpu.vector_store %arg7[%swap3A_634, %swap3A_635, %swap3A_636], %swap3A_639 {strides = array<i32>} : memref<2x256x64xf32, #tpu.memory_space<vmem>>, vector<1x1x16xf32>,
        %add3A_640 = arith.constant 1 : i32
        %add3A_641 = arith.addi %mul3A_541, %add3A_640 : i32
        %get3A_642 = arith.constant 0 : i32
        %get3A_643 = arith.index_cast %get3A_642 : i32 to index
        %get3A_644 = arith.index_cast %add3A_641 : i32 to index
        %get3A_645 = arith.constant 16 : index
        %get3A_646 = tpu.vector_load %arg6[%get3A_643, %get3A_644, %get3A_645] {strides = array<i32>} : memref<2x256x64xf32, #tpu.memory_space<vmem>>, vector<1x1x16xf32>,
        %get3A_647 = vector.shape_cast %get3A_646 : vector<1x1x16xf32> to vector<16xf32>
        %mul3A_648 = arith.constant 8.000000e+00 : f32
        %mul3A_649 = vector.broadcast %mul3A_648 : f32 to vector<16xf32>
        %mul3A_650 = arith.mulf %get3A_647, %mul3A_649 : vector<16xf32>
        %add3A_651 = arith.constant 1 : i32
        %add3A_652 = arith.addi %mul3A_541, %add3A_651 : i32
        %swap3A_653 = arith.constant 0 : i32
        %swap3A_654 = arith.index_cast %swap3A_653 : i32 to index
        %swap3A_655 = arith.index_cast %add3A_652 : i32 to index
        %swap3A_656 = arith.constant 16 : index
        %swap3A_657 = tpu.vector_load %arg7[%swap3A_654, %swap3A_655, %swap3A_656] {strides = array<i32>} : memref<2x256x64xf32, #tpu.memory_space<vmem>>, vector<1x1x16xf32>,
        %swap3A_658 = vector.shape_cast %swap3A_657 : vector<1x1x16xf32> to vector<16xf32>
        %swap3A_659 = vector.shape_cast %mul3A_650 : vector<16xf32> to vector<1x1x16xf32>
        tpu.vector_store %arg7[%swap3A_654, %swap3A_655, %swap3A_656], %swap3A_659 {strides = array<i32>} : memref<2x256x64xf32, #tpu.memory_space<vmem>>, vector<1x1x16xf32>,
        %add3A_660 = arith.constant 1 : i32
        %add3A_661 = arith.addi %mul3A_541, %add3A_660 : i32
        %get3A_662 = arith.constant 0 : i32
        %get3A_663 = arith.index_cast %get3A_662 : i32 to index
        %get3A_664 = arith.index_cast %add3A_661 : i32 to index
        %get3A_665 = arith.constant 32 : index
        %get3A_666 = tpu.vector_load %arg6[%get3A_663, %get3A_664, %get3A_665] {strides = array<i32>} : memref<2x256x64xf32, #tpu.memory_space<vmem>>, vector<1x1x16xf32>,
        %get3A_667 = vector.shape_cast %get3A_666 : vector<1x1x16xf32> to vector<16xf32>
        %mul3A_668 = arith.constant 8.000000e+00 : f32
        %mul3A_669 = vector.broadcast %mul3A_668 : f32 to vector<16xf32>
        %mul3A_670 = arith.mulf %get3A_667, %mul3A_669 : vector<16xf32>
        %add3A_671 = arith.constant 1 : i32
        %add3A_672 = arith.addi %mul3A_541, %add3A_671 : i32
        %swap3A_673 = arith.constant 0 : i32
        %swap3A_674 = arith.index_cast %swap3A_673 : i32 to index
        %swap3A_675 = arith.index_cast %add3A_672 : i32 to index
        %swap3A_676 = arith.constant 32 : index
        %swap3A_677 = tpu.vector_load %arg7[%swap3A_674, %swap3A_675, %swap3A_676] {strides = array<i32>} : memref<2x256x64xf32, #tpu.memory_space<vmem>>, vector<1x1x16xf32>,
        %swap3A_678 = vector.shape_cast %swap3A_677 : vector<1x1x16xf32> to vector<16xf32>
        %swap3A_679 = vector.shape_cast %mul3A_670 : vector<16xf32> to vector<1x1x16xf32>
        tpu.vector_store %arg7[%swap3A_674, %swap3A_675, %swap3A_676], %swap3A_679 {strides = array<i32>} : memref<2x256x64xf32, #tpu.memory_space<vmem>>, vector<1x1x16xf32>,
        %add3A_680 = arith.constant 1 : i32
        %add3A_681 = arith.addi %mul3A_541, %add3A_680 : i32
        %get3A_682 = arith.constant 0 : i32
        %get3A_683 = arith.index_cast %get3A_682 : i32 to index
        %get3A_684 = arith.index_cast %add3A_681 : i32 to index
        %get3A_685 = arith.constant 48 : index
        %get3A_686 = tpu.vector_load %arg6[%get3A_683, %get3A_684, %get3A_685] {strides = array<i32>} : memref<2x256x64xf32, #tpu.memory_space<vmem>>, vector<1x1x16xf32>,
        %get3A_687 = vector.shape_cast %get3A_686 : vector<1x1x16xf32> to vector<16xf32>
        %mul3A_688 = arith.constant 8.000000e+00 : f32
        %mul3A_689 = vector.broadcast %mul3A_688 : f32 to vector<16xf32>
        %mul3A_690 = arith.mulf %get3A_687, %mul3A_689 : vector<16xf32>
        %add3A_691 = arith.constant 1 : i32
        %add3A_692 = arith.addi %mul3A_541, %add3A_691 : i32
        %swap3A_693 = arith.constant 0 : i32
        %swap3A_694 = arith.index_cast %swap3A_693 : i32 to index
        %swap3A_695 = arith.index_cast %add3A_692 : i32 to index
        %swap3A_696 = arith.constant 48 : index
        %swap3A_697 = tpu.vector_load %arg7[%swap3A_694, %swap3A_695, %swap3A_696] {strides = array<i32>} : memref<2x256x64xf32, #tpu.memory_space<vmem>>, vector<1x1x16xf32>,
        %swap3A_698 = vector.shape_cast %swap3A_697 : vector<1x1x16xf32> to vector<16xf32>
        %swap3A_699 = vector.shape_cast %mul3A_690 : vector<16xf32> to vector<1x1x16xf32>
        tpu.vector_store %arg7[%swap3A_694, %swap3A_695, %swap3A_696], %swap3A_699 {strides = array<i32>} : memref<2x256x64xf32, #tpu.memory_space<vmem>>, vector<1x1x16xf32>,
        %add3A_700 = arith.constant 2 : i32
        %add3A_701 = arith.addi %mul3A_541, %add3A_700 : i32
        %get3A_702 = arith.constant 0 : i32
        %get3A_703 = arith.index_cast %get3A_702 : i32 to index
        %get3A_704 = arith.index_cast %add3A_701 : i32 to index
        %get3A_705 = arith.constant 0 : index
        %get3A_706 = tpu.vector_load %arg6[%get3A_703, %get3A_704, %get3A_705] {strides = array<i32>} : memref<2x256x64xf32, #tpu.memory_space<vmem>>, vector<1x1x16xf32>,
        %get3A_707 = vector.shape_cast %get3A_706 : vector<1x1x16xf32> to vector<16xf32>
        %mul3A_708 = arith.constant 8.000000e+00 : f32
        %mul3A_709 = vector.broadcast %mul3A_708 : f32 to vector<16xf32>
        %mul3A_710 = arith.mulf %get3A_707, %mul3A_709 : vector<16xf32>
        %add3A_711 = arith.constant 2 : i32
        %add3A_712 = arith.addi %mul3A_541, %add3A_711 : i32
        %swap3A_713 = arith.constant 0 : i32
        %swap3A_714 = arith.index_cast %swap3A_713 : i32 to index
        %swap3A_715 = arith.index_cast %add3A_712 : i32 to index
        %swap3A_716 = arith.constant 0 : index
        %swap3A_717 = tpu.vector_load %arg7[%swap3A_714, %swap3A_715, %swap3A_716] {strides = array<i32>} : memref<2x256x64xf32, #tpu.memory_space<vmem>>, vector<1x1x16xf32>,
        %swap3A_718 = vector.shape_cast %swap3A_717 : vector<1x1x16xf32> to vector<16xf32>
        %swap3A_719 = vector.shape_cast %mul3A_710 : vector<16xf32> to vector<1x1x16xf32>
        tpu.vector_store %arg7[%swap3A_714, %swap3A_715, %swap3A_716], %swap3A_719 {strides = array<i32>} : memref<2x256x64xf32, #tpu.memory_space<vmem>>, vector<1x1x16xf32>,
        %add3A_720 = arith.constant 2 : i32
        %add3A_721 = arith.addi %mul3A_541, %add3A_720 : i32
        %get3A_722 = arith.constant 0 : i32
        %get3A_723 = arith.index_cast %get3A_722 : i32 to index
        %get3A_724 = arith.index_cast %add3A_721 : i32 to index
        %get3A_725 = arith.constant 16 : index
        %get3A_726 = tpu.vector_load %arg6[%get3A_723, %get3A_724, %get3A_725] {strides = array<i32>} : memref<2x256x64xf32, #tpu.memory_space<vmem>>, vector<1x1x16xf32>,
        %get3A_727 = vector.shape_cast %get3A_726 : vector<1x1x16xf32> to vector<16xf32>
        %mul3A_728 = arith.constant 8.000000e+00 : f32
        %mul3A_729 = vector.broadcast %mul3A_728 : f32 to vector<16xf32>
        %mul3A_730 = arith.mulf %get3A_727, %mul3A_729 : vector<16xf32>
        %add3A_731 = arith.constant 2 : i32
        %add3A_732 = arith.addi %mul3A_541, %add3A_731 : i32
        %swap3A_733 = arith.constant 0 : i32
        %swap3A_734 = arith.index_cast %swap3A_733 : i32 to index
        %swap3A_735 = arith.index_cast %add3A_732 : i32 to index
        %swap3A_736 = arith.constant 16 : index
        %swap3A_737 = tpu.vector_load %arg7[%swap3A_734, %swap3A_735, %swap3A_736] {strides = array<i32>} : memref<2x256x64xf32, #tpu.memory_space<vmem>>, vector<1x1x16xf32>,
        %swap3A_738 = vector.shape_cast %swap3A_737 : vector<1x1x16xf32> to vector<16xf32>
        %swap3A_739 = vector.shape_cast %mul3A_730 : vector<16xf32> to vector<1x1x16xf32>
        tpu.vector_store %arg7[%swap3A_734, %swap3A_735, %swap3A_736], %swap3A_739 {strides = array<i32>} : memref<2x256x64xf32, #tpu.memory_space<vmem>>, vector<1x1x16xf32>,
        %add3A_740 = arith.constant 2 : i32
        %add3A_741 = arith.addi %mul3A_541, %add3A_740 : i32
        %get3A_742 = arith.constant 0 : i32
        %get3A_743 = arith.index_cast %get3A_742 : i32 to index
        %get3A_744 = arith.index_cast %add3A_741 : i32 to index
        %get3A_745 = arith.constant 32 : index
        %get3A_746 = tpu.vector_load %arg6[%get3A_743, %get3A_744, %get3A_745] {strides = array<i32>} : memref<2x256x64xf32, #tpu.memory_space<vmem>>, vector<1x1x16xf32>,
        %get3A_747 = vector.shape_cast %get3A_746 : vector<1x1x16xf32> to vector<16xf32>
        %mul3A_748 = arith.constant 8.000000e+00 : f32
        %mul3A_749 = vector.broadcast %mul3A_748 : f32 to vector<16xf32>
        %mul3A_750 = arith.mulf %get3A_747, %mul3A_749 : vector<16xf32>
        %add3A_751 = arith.constant 2 : i32
        %add3A_752 = arith.addi %mul3A_541, %add3A_751 : i32
        %swap3A_753 = arith.constant 0 : i32
        %swap3A_754 = arith.index_cast %swap3A_753 : i32 to index
        %swap3A_755 = arith.index_cast %add3A_752 : i32 to index
        %swap3A_756 = arith.constant 32 : index
        %swap3A_757 = tpu.vector_load %arg7[%swap3A_754, %swap3A_755, %swap3A_756] {strides = array<i32>} : memref<2x256x64xf32, #tpu.memory_space<vmem>>, vector<1x1x16xf32>,
        %swap3A_758 = vector.shape_cast %swap3A_757 : vector<1x1x16xf32> to vector<16xf32>
        %swap3A_759 = vector.shape_cast %mul3A_750 : vector<16xf32> to vector<1x1x16xf32>
        tpu.vector_store %arg7[%swap3A_754, %swap3A_755, %swap3A_756], %swap3A_759 {strides = array<i32>} : memref<2x256x64xf32, #tpu.memory_space<vmem>>, vector<1x1x16xf32>,
        %add3A_760 = arith.constant 2 : i32
        %add3A_761 = arith.addi %mul3A_541, %add3A_760 : i32
        %get3A_762 = arith.constant 0 : i32
        %get3A_763 = arith.index_cast %get3A_762 : i32 to index
        %get3A_764 = arith.index_cast %add3A_761 : i32 to index
        %get3A_765 = arith.constant 48 : index
        %get3A_766 = tpu.vector_load %arg6[%get3A_763, %get3A_764, %get3A_765] {strides = array<i32>} : memref<2x256x64xf32, #tpu.memory_space<vmem>>, vector<1x1x16xf32>,
        %get3A_767 = vector.shape_cast %get3A_766 : vector<1x1x16xf32> to vector<16xf32>
        %mul3A_768 = arith.constant 8.000000e+00 : f32
        %mul3A_769 = vector.broadcast %mul3A_768 : f32 to vector<16xf32>
        %mul3A_770 = arith.mulf %get3A_767, %mul3A_769 : vector<16xf32>
        %add3A_771 = arith.constant 2 : i32
        %add3A_772 = arith.addi %mul3A_541, %add3A_771 : i32
        %swap3A_773 = arith.constant 0 : i32
        %swap3A_774 = arith.index_cast %swap3A_773 : i32 to index
        %swap3A_775 = arith.index_cast %add3A_772 : i32 to index
        %swap3A_776 = arith.constant 48 : index
        %swap3A_777 = tpu.vector_load %arg7[%swap3A_774, %swap3A_775, %swap3A_776] {strides = array<i32>} : memref<2x256x64xf32, #tpu.memory_space<vmem>>, vector<1x1x16xf32>,
        %swap3A_778 = vector.shape_cast %swap3A_777 : vector<1x1x16xf32> to vector<16xf32>
        %swap3A_779 = vector.shape_cast %mul3A_770 : vector<16xf32> to vector<1x1x16xf32>
        tpu.vector_store %arg7[%swap3A_774, %swap3A_775, %swap3A_776], %swap3A_779 {strides = array<i32>} : memref<2x256x64xf32, #tpu.memory_space<vmem>>, vector<1x1x16xf32>,
        %add3A_780 = arith.constant 3 : i32
        %add3A_781 = arith.addi %mul3A_541, %add3A_780 : i32
        %get3A_782 = arith.constant 0 : i32
        %get3A_783 = arith.index_cast %get3A_782 : i32 to index
        %get3A_784 = arith.index_cast %add3A_781 : i32 to index
        %get3A_785 = arith.constant 0 : index
        %get3A_786 = tpu.vector_load %arg6[%get3A_783, %get3A_784, %get3A_785] {strides = array<i32>} : memref<2x256x64xf32, #tpu.memory_space<vmem>>, vector<1x1x16xf32>,
        %get3A_787 = vector.shape_cast %get3A_786 : vector<1x1x16xf32> to vector<16xf32>
        %mul3A_788 = arith.constant 8.000000e+00 : f32
        %mul3A_789 = vector.broadcast %mul3A_788 : f32 to vector<16xf32>
        %mul3A_790 = arith.mulf %get3A_787, %mul3A_789 : vector<16xf32>
        %add3A_791 = arith.constant 3 : i32
        %add3A_792 = arith.addi %mul3A_541, %add3A_791 : i32
        %swap3A_793 = arith.constant 0 : i32
        %swap3A_794 = arith.index_cast %swap3A_793 : i32 to index
        %swap3A_795 = arith.index_cast %add3A_792 : i32 to index
        %swap3A_796 = arith.constant 0 : index
        %swap3A_797 = tpu.vector_load %arg7[%swap3A_794, %swap3A_795, %swap3A_796] {strides = array<i32>} : memref<2x256x64xf32, #tpu.memory_space<vmem>>, vector<1x1x16xf32>,
        %swap3A_798 = vector.shape_cast %swap3A_797 : vector<1x1x16xf32> to vector<16xf32>
        %swap3A_799 = vector.shape_cast %mul3A_790 : vector<16xf32> to vector<1x1x16xf32>
        tpu.vector_store %arg7[%swap3A_794, %swap3A_795, %swap3A_796], %swap3A_799 {strides = array<i32>} : memref<2x256x64xf32, #tpu.memory_space<vmem>>, vector<1x1x16xf32>,
        %add3A_800 = arith.constant 3 : i32
        %add3A_801 = arith.addi %mul3A_541, %add3A_800 : i32
        %get3A_802 = arith.constant 0 : i32
        %get3A_803 = arith.index_cast %get3A_802 : i32 to index
        %get3A_804 = arith.index_cast %add3A_801 : i32 to index
        %get3A_805 = arith.constant 16 : index
        %get3A_806 = tpu.vector_load %arg6[%get3A_803, %get3A_804, %get3A_805] {strides = array<i32>} : memref<2x256x64xf32, #tpu.memory_space<vmem>>, vector<1x1x16xf32>,
        %get3A_807 = vector.shape_cast %get3A_806 : vector<1x1x16xf32> to vector<16xf32>
        %mul3A_808 = arith.constant 8.000000e+00 : f32
        %mul3A_809 = vector.broadcast %mul3A_808 : f32 to vector<16xf32>
        %mul3A_810 = arith.mulf %get3A_807, %mul3A_809 : vector<16xf32>
        %add3A_811 = arith.constant 3 : i32
        %add3A_812 = arith.addi %mul3A_541, %add3A_811 : i32
        %swap3A_813 = arith.constant 0 : i32
        %swap3A_814 = arith.index_cast %swap3A_813 : i32 to index
        %swap3A_815 = arith.index_cast %add3A_812 : i32 to index
        %swap3A_816 = arith.constant 16 : index
        %swap3A_817 = tpu.vector_load %arg7[%swap3A_814, %swap3A_815, %swap3A_816] {strides = array<i32>} : memref<2x256x64xf32, #tpu.memory_space<vmem>>, vector<1x1x16xf32>,
        %swap3A_818 = vector.shape_cast %swap3A_817 : vector<1x1x16xf32> to vector<16xf32>
        %swap3A_819 = vector.shape_cast %mul3A_810 : vector<16xf32> to vector<1x1x16xf32>
        tpu.vector_store %arg7[%swap3A_814, %swap3A_815, %swap3A_816], %swap3A_819 {strides = array<i32>} : memref<2x256x64xf32, #tpu.memory_space<vmem>>, vector<1x1x16xf32>,
        %add3A_820 = arith.constant 3 : i32
        %add3A_821 = arith.addi %mul3A_541, %add3A_820 : i32
        %get3A_822 = arith.constant 0 : i32
        %get3A_823 = arith.index_cast %get3A_822 : i32 to index
        %get3A_824 = arith.index_cast %add3A_821 : i32 to index
        %get3A_825 = arith.constant 32 : index
        %get3A_826 = tpu.vector_load %arg6[%get3A_823, %get3A_824, %get3A_825] {strides = array<i32>} : memref<2x256x64xf32, #tpu.memory_space<vmem>>, vector<1x1x16xf32>,
        %get3A_827 = vector.shape_cast %get3A_826 : vector<1x1x16xf32> to vector<16xf32>
        %mul3A_828 = arith.constant 8.000000e+00 : f32
        %mul3A_829 = vector.broadcast %mul3A_828 : f32 to vector<16xf32>
        %mul3A_830 = arith.mulf %get3A_827, %mul3A_829 : vector<16xf32>
        %add3A_831 = arith.constant 3 : i32
        %add3A_832 = arith.addi %mul3A_541, %add3A_831 : i32
        %swap3A_833 = arith.constant 0 : i32
        %swap3A_834 = arith.index_cast %swap3A_833 : i32 to index
        %swap3A_835 = arith.index_cast %add3A_832 : i32 to index
        %swap3A_836 = arith.constant 32 : index
        %swap3A_837 = tpu.vector_load %arg7[%swap3A_834, %swap3A_835, %swap3A_836] {strides = array<i32>} : memref<2x256x64xf32, #tpu.memory_space<vmem>>, vector<1x1x16xf32>,
        %swap3A_838 = vector.shape_cast %swap3A_837 : vector<1x1x16xf32> to vector<16xf32>
        %swap3A_839 = vector.shape_cast %mul3A_830 : vector<16xf32> to vector<1x1x16xf32>
        tpu.vector_store %arg7[%swap3A_834, %swap3A_835, %swap3A_836], %swap3A_839 {strides = array<i32>} : memref<2x256x64xf32, #tpu.memory_space<vmem>>, vector<1x1x16xf32>,
        %add3A_840 = arith.constant 3 : i32
        %add3A_841 = arith.addi %mul3A_541, %add3A_840 : i32
        %get3A_842 = arith.constant 0 : i32
        %get3A_843 = arith.index_cast %get3A_842 : i32 to index
        %get3A_844 = arith.index_cast %add3A_841 : i32 to index
        %get3A_845 = arith.constant 48 : index
        %get3A_846 = tpu.vector_load %arg6[%get3A_843, %get3A_844, %get3A_845] {strides = array<i32>} : memref<2x256x64xf32, #tpu.memory_space<vmem>>, vector<1x1x16xf32>,
        %get3A_847 = vector.shape_cast %get3A_846 : vector<1x1x16xf32> to vector<16xf32>
        %mul3A_848 = arith.constant 8.000000e+00 : f32
        %mul3A_849 = vector.broadcast %mul3A_848 : f32 to vector<16xf32>
        %mul3A_850 = arith.mulf %get3A_847, %mul3A_849 : vector<16xf32>
        %add3A_851 = arith.constant 3 : i32
        %add3A_852 = arith.addi %mul3A_541, %add3A_851 : i32
        %swap3A_853 = arith.constant 0 : i32
        %swap3A_854 = arith.index_cast %swap3A_853 : i32 to index
        %swap3A_855 = arith.index_cast %add3A_852 : i32 to index
        %swap3A_856 = arith.constant 48 : index
        %swap3A_857 = tpu.vector_load %arg7[%swap3A_854, %swap3A_855, %swap3A_856] {strides = array<i32>} : memref<2x256x64xf32, #tpu.memory_space<vmem>>, vector<1x1x16xf32>,
        %swap3A_858 = vector.shape_cast %swap3A_857 : vector<1x1x16xf32> to vector<16xf32>
        %swap3A_859 = vector.shape_cast %mul3A_850 : vector<16xf32> to vector<1x1x16xf32>
        tpu.vector_store %arg7[%swap3A_854, %swap3A_855, %swap3A_856], %swap3A_859 {strides = array<i32>} : memref<2x256x64xf32, #tpu.memory_space<vmem>>, vector<1x1x16xf32>,
        %add3A_860 = arith.constant 4 : i32
        %add3A_861 = arith.addi %mul3A_541, %add3A_860 : i32
        %get3A_862 = arith.constant 0 : i32
        %get3A_863 = arith.index_cast %get3A_862 : i32 to index
        %get3A_864 = arith.index_cast %add3A_861 : i32 to index
        %get3A_865 = arith.constant 0 : index
        %get3A_866 = tpu.vector_load %arg6[%get3A_863, %get3A_864, %get3A_865] {strides = array<i32>} : memref<2x256x64xf32, #tpu.memory_space<vmem>>, vector<1x1x16xf32>,
        %get3A_867 = vector.shape_cast %get3A_866 : vector<1x1x16xf32> to vector<16xf32>
        %mul3A_868 = arith.constant 8.000000e+00 : f32
        %mul3A_869 = vector.broadcast %mul3A_868 : f32 to vector<16xf32>
        %mul3A_870 = arith.mulf %get3A_867, %mul3A_869 : vector<16xf32>
        %add3A_871 = arith.constant 4 : i32
        %add3A_872 = arith.addi %mul3A_541, %add3A_871 : i32
        %swap3A_873 = arith.constant 0 : i32
        %swap3A_874 = arith.index_cast %swap3A_873 : i32 to index
        %swap3A_875 = arith.index_cast %add3A_872 : i32 to index
        %swap3A_876 = arith.constant 0 : index
        %swap3A_877 = tpu.vector_load %arg7[%swap3A_874, %swap3A_875, %swap3A_876] {strides = array<i32>} : memref<2x256x64xf32, #tpu.memory_space<vmem>>, vector<1x1x16xf32>,
        %swap3A_878 = vector.shape_cast %swap3A_877 : vector<1x1x16xf32> to vector<16xf32>
        %swap3A_879 = vector.shape_cast %mul3A_870 : vector<16xf32> to vector<1x1x16xf32>
        tpu.vector_store %arg7[%swap3A_874, %swap3A_875, %swap3A_876], %swap3A_879 {strides = array<i32>} : memref<2x256x64xf32, #tpu.memory_space<vmem>>, vector<1x1x16xf32>,
        %add3A_880 = arith.constant 4 : i32
        %add3A_881 = arith.addi %mul3A_541, %add3A_880 : i32
        %get3A_882 = arith.constant 0 : i32
        %get3A_883 = arith.index_cast %get3A_882 : i32 to index
        %get3A_884 = arith.index_cast %add3A_881 : i32 to index
        %get3A_885 = arith.constant 16 : index
        %get3A_886 = tpu.vector_load %arg6[%get3A_883, %get3A_884, %get3A_885] {strides = array<i32>} : memref<2x256x64xf32, #tpu.memory_space<vmem>>, vector<1x1x16xf32>,
        %get3A_887 = vector.shape_cast %get3A_886 : vector<1x1x16xf32> to vector<16xf32>
        %mul3A_888 = arith.constant 8.000000e+00 : f32
        %mul3A_889 = vector.broadcast %mul3A_888 : f32 to vector<16xf32>
        %mul3A_890 = arith.mulf %get3A_887, %mul3A_889 : vector<16xf32>
        %add3A_891 = arith.constant 4 : i32
        %add3A_892 = arith.addi %mul3A_541, %add3A_891 : i32
        %swap3A_893 = arith.constant 0 : i32
        %swap3A_894 = arith.index_cast %swap3A_893 : i32 to index
        %swap3A_895 = arith.index_cast %add3A_892 : i32 to index
        %swap3A_896 = arith.constant 16 : index
        %swap3A_897 = tpu.vector_load %arg7[%swap3A_894, %swap3A_895, %swap3A_896] {strides = array<i32>} : memref<2x256x64xf32, #tpu.memory_space<vmem>>, vector<1x1x16xf32>,
        %swap3A_898 = vector.shape_cast %swap3A_897 : vector<1x1x16xf32> to vector<16xf32>
        %swap3A_899 = vector.shape_cast %mul3A_890 : vector<16xf32> to vector<1x1x16xf32>
        tpu.vector_store %arg7[%swap3A_894, %swap3A_895, %swap3A_896], %swap3A_899 {strides = array<i32>} : memref<2x256x64xf32, #tpu.memory_space<vmem>>, vector<1x1x16xf32>,
        %add3A_900 = arith.constant 4 : i32
        %add3A_901 = arith.addi %mul3A_541, %add3A_900 : i32
        %get3A_902 = arith.constant 0 : i32
        %get3A_903 = arith.index_cast %get3A_902 : i32 to index
        %get3A_904 = arith.index_cast %add3A_901 : i32 to index
        %get3A_905 = arith.constant 32 : index
        %get3A_906 = tpu.vector_load %arg6[%get3A_903, %get3A_904, %get3A_905] {strides = array<i32>} : memref<2x256x64xf32, #tpu.memory_space<vmem>>, vector<1x1x16xf32>,
        %get3A_907 = vector.shape_cast %get3A_906 : vector<1x1x16xf32> to vector<16xf32>
        %mul3A_908 = arith.constant 8.000000e+00 : f32
        %mul3A_909 = vector.broadcast %mul3A_908 : f32 to vector<16xf32>
        %mul3A_910 = arith.mulf %get3A_907, %mul3A_909 : vector<16xf32>
        %add3A_911 = arith.constant 4 : i32
        %add3A_912 = arith.addi %mul3A_541, %add3A_911 : i32
        %swap3A_913 = arith.constant 0 : i32
        %swap3A_914 = arith.index_cast %swap3A_913 : i32 to index
        %swap3A_915 = arith.index_cast %add3A_912 : i32 to index
        %swap3A_916 = arith.constant 32 : index
        %swap3A_917 = tpu.vector_load %arg7[%swap3A_914, %swap3A_915, %swap3A_916] {strides = array<i32>} : memref<2x256x64xf32, #tpu.memory_space<vmem>>, vector<1x1x16xf32>,
        %swap3A_918 = vector.shape_cast %swap3A_917 : vector<1x1x16xf32> to vector<16xf32>
        %swap3A_919 = vector.shape_cast %mul3A_910 : vector<16xf32> to vector<1x1x16xf32>
        tpu.vector_store %arg7[%swap3A_914, %swap3A_915, %swap3A_916], %swap3A_919 {strides = array<i32>} : memref<2x256x64xf32, #tpu.memory_space<vmem>>, vector<1x1x16xf32>,
        %add3A_920 = arith.constant 4 : i32
        %add3A_921 = arith.addi %mul3A_541, %add3A_920 : i32
        %get3A_922 = arith.constant 0 : i32
        %get3A_923 = arith.index_cast %get3A_922 : i32 to index
        %get3A_924 = arith.index_cast %add3A_921 : i32 to index
        %get3A_925 = arith.constant 48 : index
        %get3A_926 = tpu.vector_load %arg6[%get3A_923, %get3A_924, %get3A_925] {strides = array<i32>} : memref<2x256x64xf32, #tpu.memory_space<vmem>>, vector<1x1x16xf32>,
        %get3A_927 = vector.shape_cast %get3A_926 : vector<1x1x16xf32> to vector<16xf32>
        %mul3A_928 = arith.constant 8.000000e+00 : f32
        %mul3A_929 = vector.broadcast %mul3A_928 : f32 to vector<16xf32>
        %mul3A_930 = arith.mulf %get3A_927, %mul3A_929 : vector<16xf32>
        %add3A_931 = arith.constant 4 : i32
        %add3A_932 = arith.addi %mul3A_541, %add3A_931 : i32
        %swap3A_933 = arith.constant 0 : i32
        %swap3A_934 = arith.index_cast %swap3A_933 : i32 to index
        %swap3A_935 = arith.index_cast %add3A_932 : i32 to index
        %swap3A_936 = arith.constant 48 : index
        %swap3A_937 = tpu.vector_load %arg7[%swap3A_934, %swap3A_935, %swap3A_936] {strides = array<i32>} : memref<2x256x64xf32, #tpu.memory_space<vmem>>, vector<1x1x16xf32>,
        %swap3A_938 = vector.shape_cast %swap3A_937 : vector<1x1x16xf32> to vector<16xf32>
        %swap3A_939 = vector.shape_cast %mul3A_930 : vector<16xf32> to vector<1x1x16xf32>
        tpu.vector_store %arg7[%swap3A_934, %swap3A_935, %swap3A_936], %swap3A_939 {strides = array<i32>} : memref<2x256x64xf32, #tpu.memory_space<vmem>>, vector<1x1x16xf32>,
        %add3A_940 = arith.constant 5 : i32
        %add3A_941 = arith.addi %mul3A_541, %add3A_940 : i32
        %get3A_942 = arith.constant 0 : i32
        %get3A_943 = arith.index_cast %get3A_942 : i32 to index
        %get3A_944 = arith.index_cast %add3A_941 : i32 to index
        %get3A_945 = arith.constant 0 : index
        %get3A_946 = tpu.vector_load %arg6[%get3A_943, %get3A_944, %get3A_945] {strides = array<i32>} : memref<2x256x64xf32, #tpu.memory_space<vmem>>, vector<1x1x16xf32>,
        %get3A_947 = vector.shape_cast %get3A_946 : vector<1x1x16xf32> to vector<16xf32>
        %mul3A_948 = arith.constant 8.000000e+00 : f32
        %mul3A_949 = vector.broadcast %mul3A_948 : f32 to vector<16xf32>
        %mul3A_950 = arith.mulf %get3A_947, %mul3A_949 : vector<16xf32>
        %add3A_951 = arith.constant 5 : i32
        %add3A_952 = arith.addi %mul3A_541, %add3A_951 : i32
        %swap3A_953 = arith.constant 0 : i32
        %swap3A_954 = arith.index_cast %swap3A_953 : i32 to index
        %swap3A_955 = arith.index_cast %add3A_952 : i32 to index
        %swap3A_956 = arith.constant 0 : index
        %swap3A_957 = tpu.vector_load %arg7[%swap3A_954, %swap3A_955, %swap3A_956] {strides = array<i32>} : memref<2x256x64xf32, #tpu.memory_space<vmem>>, vector<1x1x16xf32>,
        %swap3A_958 = vector.shape_cast %swap3A_957 : vector<1x1x16xf32> to vector<16xf32>
        %swap3A_959 = vector.shape_cast %mul3A_950 : vector<16xf32> to vector<1x1x16xf32>
        tpu.vector_store %arg7[%swap3A_954, %swap3A_955, %swap3A_956], %swap3A_959 {strides = array<i32>} : memref<2x256x64xf32, #tpu.memory_space<vmem>>, vector<1x1x16xf32>,
        %add3A_960 = arith.constant 5 : i32
        %add3A_961 = arith.addi %mul3A_541, %add3A_960 : i32
        %get3A_962 = arith.constant 0 : i32
        %get3A_963 = arith.index_cast %get3A_962 : i32 to index
        %get3A_964 = arith.index_cast %add3A_961 : i32 to index
        %get3A_965 = arith.constant 16 : index
        %get3A_966 = tpu.vector_load %arg6[%get3A_963, %get3A_964, %get3A_965] {strides = array<i32>} : memref<2x256x64xf32, #tpu.memory_space<vmem>>, vector<1x1x16xf32>,
        %get3A_967 = vector.shape_cast %get3A_966 : vector<1x1x16xf32> to vector<16xf32>
        %mul3A_968 = arith.constant 8.000000e+00 : f32
        %mul3A_969 = vector.broadcast %mul3A_968 : f32 to vector<16xf32>
        %mul3A_970 = arith.mulf %get3A_967, %mul3A_969 : vector<16xf32>
        %add3A_971 = arith.constant 5 : i32
        %add3A_972 = arith.addi %mul3A_541, %add3A_971 : i32
        %swap3A_973 = arith.constant 0 : i32
        %swap3A_974 = arith.index_cast %swap3A_973 : i32 to index
        %swap3A_975 = arith.index_cast %add3A_972 : i32 to index
        %swap3A_976 = arith.constant 16 : index
        %swap3A_977 = tpu.vector_load %arg7[%swap3A_974, %swap3A_975, %swap3A_976] {strides = array<i32>} : memref<2x256x64xf32, #tpu.memory_space<vmem>>, vector<1x1x16xf32>,
        %swap3A_978 = vector.shape_cast %swap3A_977 : vector<1x1x16xf32> to vector<16xf32>
        %swap3A_979 = vector.shape_cast %mul3A_970 : vector<16xf32> to vector<1x1x16xf32>
        tpu.vector_store %arg7[%swap3A_974, %swap3A_975, %swap3A_976], %swap3A_979 {strides = array<i32>} : memref<2x256x64xf32, #tpu.memory_space<vmem>>, vector<1x1x16xf32>,
        %add3A_980 = arith.constant 5 : i32
        %add3A_981 = arith.addi %mul3A_541, %add3A_980 : i32
        %get3A_982 = arith.constant 0 : i32
        %get3A_983 = arith.index_cast %get3A_982 : i32 to index
        %get3A_984 = arith.index_cast %add3A_981 : i32 to index
        %get3A_985 = arith.constant 32 : index
        %get3A_986 = tpu.vector_load %arg6[%get3A_983, %get3A_984, %get3A_985] {strides = array<i32>} : memref<2x256x64xf32, #tpu.memory_space<vmem>>, vector<1x1x16xf32>,
        %get3A_987 = vector.shape_cast %get3A_986 : vector<1x1x16xf32> to vector<16xf32>
        %mul3A_988 = arith.constant 8.000000e+00 : f32
        %mul3A_989 = vector.broadcast %mul3A_988 : f32 to vector<16xf32>
        %mul3A_990 = arith.mulf %get3A_987, %mul3A_989 : vector<16xf32>
        %add3A_991 = arith.constant 5 : i32
        %add3A_992 = arith.addi %mul3A_541, %add3A_991 : i32
        %swap3A_993 = arith.constant 0 : i32
        %swap3A_994 = arith.index_cast %swap3A_993 : i32 to index
        %swap3A_995 = arith.index_cast %add3A_992 : i32 to index
        %swap3A_996 = arith.constant 32 : index
        %swap3A_997 = tpu.vector_load %arg7[%swap3A_994, %swap3A_995, %swap3A_996] {strides = array<i32>} : memref<2x256x64xf32, #tpu.memory_space<vmem>>, vector<1x1x16xf32>,
        %swap3A_998 = vector.shape_cast %swap3A_997 : vector<1x1x16xf32> to vector<16xf32>
        %swap3A_999 = vector.shape_cast %mul3A_990 : vector<16xf32> to vector<1x1x16xf32>
        tpu.vector_store %arg7[%swap3A_994, %swap3A_995, %swap3A_996], %swap3A_999 {strides = array<i32>} : memref<2x256x64xf32, #tpu.memory_space<vmem>>, vector<1x1x16xf32>,
        %add3A_1000 = arith.constant 5 : i32
        %add3A_1001 = arith.addi %mul3A_541, %add3A_1000 : i32
        %get3A_1002 = arith.constant 0 : i32
        %get3A_1003 = arith.index_cast %get3A_1002 : i32 to index
        %get3A_1004 = arith.index_cast %add3A_1001 : i32 to index
        %get3A_1005 = arith.constant 48 : index
        %get3A_1006 = tpu.vector_load %arg6[%get3A_1003, %get3A_1004, %get3A_1005] {strides = array<i32>} : memref<2x256x64xf32, #tpu.memory_space<vmem>>, vector<1x1x16xf32>,
        %get3A_1007 = vector.shape_cast %get3A_1006 : vector<1x1x16xf32> to vector<16xf32>
        %mul3A_1008 = arith.constant 8.000000e+00 : f32
        %mul3A_1009 = vector.broadcast %mul3A_1008 : f32 to vector<16xf32>
        %mul3A_1010 = arith.mulf %get3A_1007, %mul3A_1009 : vector<16xf32>
        %add3A_1011 = arith.constant 5 : i32
        %add3A_1012 = arith.addi %mul3A_541, %add3A_1011 : i32
        %swap3A_1013 = arith.constant 0 : i32
        %swap3A_1014 = arith.index_cast %swap3A_1013 : i32 to index
        %swap3A_1015 = arith.index_cast %add3A_1012 : i32 to index
        %swap3A_1016 = arith.constant 48 : index
        %swap3A_1017 = tpu.vector_load %arg7[%swap3A_1014, %swap3A_1015, %swap3A_1016] {strides = array<i32>} : memref<2x256x64xf32, #tpu.memory_space<vmem>>, vector<1x1x16xf32>,
        %swap3A_1018 = vector.shape_cast %swap3A_1017 : vector<1x1x16xf32> to vector<16xf32>
        %swap3A_1019 = vector.shape_cast %mul3A_1010 : vector<16xf32> to vector<1x1x16xf32>
        tpu.vector_store %arg7[%swap3A_1014, %swap3A_1015, %swap3A_1016], %swap3A_1019 {strides = array<i32>} : memref<2x256x64xf32, #tpu.memory_space<vmem>>, vector<1x1x16xf32>,
        %add3A_1020 = arith.constant 6 : i32
        %add3A_1021 = arith.addi %mul3A_541, %add3A_1020 : i32
        %get3A_1022 = arith.constant 0 : i32
        %get3A_1023 = arith.index_cast %get3A_1022 : i32 to index
        %get3A_1024 = arith.index_cast %add3A_1021 : i32 to index
        %get3A_1025 = arith.constant 0 : index
        %get3A_1026 = tpu.vector_load %arg6[%get3A_1023, %get3A_1024, %get3A_1025] {strides = array<i32>} : memref<2x256x64xf32, #tpu.memory_space<vmem>>, vector<1x1x16xf32>,
        %get3A_1027 = vector.shape_cast %get3A_1026 : vector<1x1x16xf32> to vector<16xf32>
        %mul3A_1028 = arith.constant 8.000000e+00 : f32
        %mul3A_1029 = vector.broadcast %mul3A_1028 : f32 to vector<16xf32>
        %mul3A_1030 = arith.mulf %get3A_1027, %mul3A_1029 : vector<16xf32>
        %add3A_1031 = arith.constant 6 : i32
        %add3A_1032 = arith.addi %mul3A_541, %add3A_1031 : i32
        %swap3A_1033 = arith.constant 0 : i32
        %swap3A_1034 = arith.index_cast %swap3A_1033 : i32 to index
        %swap3A_1035 = arith.index_cast %add3A_1032 : i32 to index
        %swap3A_1036 = arith.constant 0 : index
        %swap3A_1037 = tpu.vector_load %arg7[%swap3A_1034, %swap3A_1035, %swap3A_1036] {strides = array<i32>} : memref<2x256x64xf32, #tpu.memory_space<vmem>>, vector<1x1x16xf32>,
        %swap3A_1038 = vector.shape_cast %swap3A_1037 : vector<1x1x16xf32> to vector<16xf32>
        %swap3A_1039 = vector.shape_cast %mul3A_1030 : vector<16xf32> to vector<1x1x16xf32>
        tpu.vector_store %arg7[%swap3A_1034, %swap3A_1035, %swap3A_1036], %swap3A_1039 {strides = array<i32>} : memref<2x256x64xf32, #tpu.memory_space<vmem>>, vector<1x1x16xf32>,
        %add3A_1040 = arith.constant 6 : i32
        %add3A_1041 = arith.addi %mul3A_541, %add3A_1040 : i32
        %get3A_1042 = arith.constant 0 : i32
        %get3A_1043 = arith.index_cast %get3A_1042 : i32 to index
        %get3A_1044 = arith.index_cast %add3A_1041 : i32 to index
        %get3A_1045 = arith.constant 16 : index
        %get3A_1046 = tpu.vector_load %arg6[%get3A_1043, %get3A_1044, %get3A_1045] {strides = array<i32>} : memref<2x256x64xf32, #tpu.memory_space<vmem>>, vector<1x1x16xf32>,
        %get3A_1047 = vector.shape_cast %get3A_1046 : vector<1x1x16xf32> to vector<16xf32>
        %mul3A_1048 = arith.constant 8.000000e+00 : f32
        %mul3A_1049 = vector.broadcast %mul3A_1048 : f32 to vector<16xf32>
        %mul3A_1050 = arith.mulf %get3A_1047, %mul3A_1049 : vector<16xf32>
        %add3A_1051 = arith.constant 6 : i32
        %add3A_1052 = arith.addi %mul3A_541, %add3A_1051 : i32
        %swap3A_1053 = arith.constant 0 : i32
        %swap3A_1054 = arith.index_cast %swap3A_1053 : i32 to index
        %swap3A_1055 = arith.index_cast %add3A_1052 : i32 to index
        %swap3A_1056 = arith.constant 16 : index
        %swap3A_1057 = tpu.vector_load %arg7[%swap3A_1054, %swap3A_1055, %swap3A_1056] {strides = array<i32>} : memref<2x256x64xf32, #tpu.memory_space<vmem>>, vector<1x1x16xf32>,
        %swap3A_1058 = vector.shape_cast %swap3A_1057 : vector<1x1x16xf32> to vector<16xf32>
        %swap3A_1059 = vector.shape_cast %mul3A_1050 : vector<16xf32> to vector<1x1x16xf32>
        tpu.vector_store %arg7[%swap3A_1054, %swap3A_1055, %swap3A_1056], %swap3A_1059 {strides = array<i32>} : memref<2x256x64xf32, #tpu.memory_space<vmem>>, vector<1x1x16xf32>,
        %add3A_1060 = arith.constant 6 : i32
        %add3A_1061 = arith.addi %mul3A_541, %add3A_1060 : i32
        %get3A_1062 = arith.constant 0 : i32
        %get3A_1063 = arith.index_cast %get3A_1062 : i32 to index
        %get3A_1064 = arith.index_cast %add3A_1061 : i32 to index
        %get3A_1065 = arith.constant 32 : index
        %get3A_1066 = tpu.vector_load %arg6[%get3A_1063, %get3A_1064, %get3A_1065] {strides = array<i32>} : memref<2x256x64xf32, #tpu.memory_space<vmem>>, vector<1x1x16xf32>,
        %get3A_1067 = vector.shape_cast %get3A_1066 : vector<1x1x16xf32> to vector<16xf32>
        %mul3A_1068 = arith.constant 8.000000e+00 : f32
        %mul3A_1069 = vector.broadcast %mul3A_1068 : f32 to vector<16xf32>
        %mul3A_1070 = arith.mulf %get3A_1067, %mul3A_1069 : vector<16xf32>
        %add3A_1071 = arith.constant 6 : i32
        %add3A_1072 = arith.addi %mul3A_541, %add3A_1071 : i32
        %swap3A_1073 = arith.constant 0 : i32
        %swap3A_1074 = arith.index_cast %swap3A_1073 : i32 to index
        %swap3A_1075 = arith.index_cast %add3A_1072 : i32 to index
        %swap3A_1076 = arith.constant 32 : index
        %swap3A_1077 = tpu.vector_load %arg7[%swap3A_1074, %swap3A_1075, %swap3A_1076] {strides = array<i32>} : memref<2x256x64xf32, #tpu.memory_space<vmem>>, vector<1x1x16xf32>,
        %swap3A_1078 = vector.shape_cast %swap3A_1077 : vector<1x1x16xf32> to vector<16xf32>
        %swap3A_1079 = vector.shape_cast %mul3A_1070 : vector<16xf32> to vector<1x1x16xf32>
        tpu.vector_store %arg7[%swap3A_1074, %swap3A_1075, %swap3A_1076], %swap3A_1079 {strides = array<i32>} : memref<2x256x64xf32, #tpu.memory_space<vmem>>, vector<1x1x16xf32>,
        %add3A_1080 = arith.constant 6 : i32
        %add3A_1081 = arith.addi %mul3A_541, %add3A_1080 : i32
        %get3A_1082 = arith.constant 0 : i32
        %get3A_1083 = arith.index_cast %get3A_1082 : i32 to index
        %get3A_1084 = arith.index_cast %add3A_1081 : i32 to index
        %get3A_1085 = arith.constant 48 : index
        %get3A_1086 = tpu.vector_load %arg6[%get3A_1083, %get3A_1084, %get3A_1085] {strides = array<i32>} : memref<2x256x64xf32, #tpu.memory_space<vmem>>, vector<1x1x16xf32>,
        %get3A_1087 = vector.shape_cast %get3A_1086 : vector<1x1x16xf32> to vector<16xf32>
        %mul3A_1088 = arith.constant 8.000000e+00 : f32
        %mul3A_1089 = vector.broadcast %mul3A_1088 : f32 to vector<16xf32>
        %mul3A_1090 = arith.mulf %get3A_1087, %mul3A_1089 : vector<16xf32>
        %add3A_1091 = arith.constant 6 : i32
        %add3A_1092 = arith.addi %mul3A_541, %add3A_1091 : i32
        %swap3A_1093 = arith.constant 0 : i32
        %swap3A_1094 = arith.index_cast %swap3A_1093 : i32 to index
        %swap3A_1095 = arith.index_cast %add3A_1092 : i32 to index
        %swap3A_1096 = arith.constant 48 : index
        %swap3A_1097 = tpu.vector_load %arg7[%swap3A_1094, %swap3A_1095, %swap3A_1096] {strides = array<i32>} : memref<2x256x64xf32, #tpu.memory_space<vmem>>, vector<1x1x16xf32>,
        %swap3A_1098 = vector.shape_cast %swap3A_1097 : vector<1x1x16xf32> to vector<16xf32>
        %swap3A_1099 = vector.shape_cast %mul3A_1090 : vector<16xf32> to vector<1x1x16xf32>
        tpu.vector_store %arg7[%swap3A_1094, %swap3A_1095, %swap3A_1096], %swap3A_1099 {strides = array<i32>} : memref<2x256x64xf32, #tpu.memory_space<vmem>>, vector<1x1x16xf32>,
        %add3A_1100 = arith.constant 7 : i32
        %add3A_1101 = arith.addi %mul3A_541, %add3A_1100 : i32
        %get3A_1102 = arith.constant 0 : i32
        %get3A_1103 = arith.index_cast %get3A_1102 : i32 to index
        %get3A_1104 = arith.index_cast %add3A_1101 : i32 to index
        %get3A_1105 = arith.constant 0 : index
        %get3A_1106 = tpu.vector_load %arg6[%get3A_1103, %get3A_1104, %get3A_1105] {strides = array<i32>} : memref<2x256x64xf32, #tpu.memory_space<vmem>>, vector<1x1x16xf32>,
        %get3A_1107 = vector.shape_cast %get3A_1106 : vector<1x1x16xf32> to vector<16xf32>
        %mul3A_1108 = arith.constant 8.000000e+00 : f32
        %mul3A_1109 = vector.broadcast %mul3A_1108 : f32 to vector<16xf32>
        %mul3A_1110 = arith.mulf %get3A_1107, %mul3A_1109 : vector<16xf32>
        %add3A_1111 = arith.constant 7 : i32
        %add3A_1112 = arith.addi %mul3A_541, %add3A_1111 : i32
        %swap3A_1113 = arith.constant 0 : i32
        %swap3A_1114 = arith.index_cast %swap3A_1113 : i32 to index
        %swap3A_1115 = arith.index_cast %add3A_1112 : i32 to index
        %swap3A_1116 = arith.constant 0 : index
        %swap3A_1117 = tpu.vector_load %arg7[%swap3A_1114, %swap3A_1115, %swap3A_1116] {strides = array<i32>} : memref<2x256x64xf32, #tpu.memory_space<vmem>>, vector<1x1x16xf32>,
        %swap3A_1118 = vector.shape_cast %swap3A_1117 : vector<1x1x16xf32> to vector<16xf32>
        %swap3A_1119 = vector.shape_cast %mul3A_1110 : vector<16xf32> to vector<1x1x16xf32>
        tpu.vector_store %arg7[%swap3A_1114, %swap3A_1115, %swap3A_1116], %swap3A_1119 {strides = array<i32>} : memref<2x256x64xf32, #tpu.memory_space<vmem>>, vector<1x1x16xf32>,
        %add3A_1120 = arith.constant 7 : i32
        %add3A_1121 = arith.addi %mul3A_541, %add3A_1120 : i32
        %get3A_1122 = arith.constant 0 : i32
        %get3A_1123 = arith.index_cast %get3A_1122 : i32 to index
        %get3A_1124 = arith.index_cast %add3A_1121 : i32 to index
        %get3A_1125 = arith.constant 16 : index
        %get3A_1126 = tpu.vector_load %arg6[%get3A_1123, %get3A_1124, %get3A_1125] {strides = array<i32>} : memref<2x256x64xf32, #tpu.memory_space<vmem>>, vector<1x1x16xf32>,
        %get3A_1127 = vector.shape_cast %get3A_1126 : vector<1x1x16xf32> to vector<16xf32>
        %mul3A_1128 = arith.constant 8.000000e+00 : f32
        %mul3A_1129 = vector.broadcast %mul3A_1128 : f32 to vector<16xf32>
        %mul3A_1130 = arith.mulf %get3A_1127, %mul3A_1129 : vector<16xf32>
        %add3A_1131 = arith.constant 7 : i32
        %add3A_1132 = arith.addi %mul3A_541, %add3A_1131 : i32
        %swap3A_1133 = arith.constant 0 : i32
        %swap3A_1134 = arith.index_cast %swap3A_1133 : i32 to index
        %swap3A_1135 = arith.index_cast %add3A_1132 : i32 to index
        %swap3A_1136 = arith.constant 16 : index
        %swap3A_1137 = tpu.vector_load %arg7[%swap3A_1134, %swap3A_1135, %swap3A_1136] {strides = array<i32>} : memref<2x256x64xf32, #tpu.memory_space<vmem>>, vector<1x1x16xf32>,
        %swap3A_1138 = vector.shape_cast %swap3A_1137 : vector<1x1x16xf32> to vector<16xf32>
        %swap3A_1139 = vector.shape_cast %mul3A_1130 : vector<16xf32> to vector<1x1x16xf32>
        tpu.vector_store %arg7[%swap3A_1134, %swap3A_1135, %swap3A_1136], %swap3A_1139 {strides = array<i32>} : memref<2x256x64xf32, #tpu.memory_space<vmem>>, vector<1x1x16xf32>,
        %add3A_1140 = arith.constant 7 : i32
        %add3A_1141 = arith.addi %mul3A_541, %add3A_1140 : i32
        %get3A_1142 = arith.constant 0 : i32
        %get3A_1143 = arith.index_cast %get3A_1142 : i32 to index
        %get3A_1144 = arith.index_cast %add3A_1141 : i32 to index
        %get3A_1145 = arith.constant 32 : index
        %get3A_1146 = tpu.vector_load %arg6[%get3A_1143, %get3A_1144, %get3A_1145] {strides = array<i32>} : memref<2x256x64xf32, #tpu.memory_space<vmem>>, vector<1x1x16xf32>,
        %get3A_1147 = vector.shape_cast %get3A_1146 : vector<1x1x16xf32> to vector<16xf32>
        %mul3A_1148 = arith.constant 8.000000e+00 : f32
        %mul3A_1149 = vector.broadcast %mul3A_1148 : f32 to vector<16xf32>
        %mul3A_1150 = arith.mulf %get3A_1147, %mul3A_1149 : vector<16xf32>
        %add3A_1151 = arith.constant 7 : i32
        %add3A_1152 = arith.addi %mul3A_541, %add3A_1151 : i32
        %swap3A_1153 = arith.constant 0 : i32
        %swap3A_1154 = arith.index_cast %swap3A_1153 : i32 to index
        %swap3A_1155 = arith.index_cast %add3A_1152 : i32 to index
        %swap3A_1156 = arith.constant 32 : index
        %swap3A_1157 = tpu.vector_load %arg7[%swap3A_1154, %swap3A_1155, %swap3A_1156] {strides = array<i32>} : memref<2x256x64xf32, #tpu.memory_space<vmem>>, vector<1x1x16xf32>,
        %swap3A_1158 = vector.shape_cast %swap3A_1157 : vector<1x1x16xf32> to vector<16xf32>
        %swap3A_1159 = vector.shape_cast %mul3A_1150 : vector<16xf32> to vector<1x1x16xf32>
        tpu.vector_store %arg7[%swap3A_1154, %swap3A_1155, %swap3A_1156], %swap3A_1159 {strides = array<i32>} : memref<2x256x64xf32, #tpu.memory_space<vmem>>, vector<1x1x16xf32>,
        %add3A_1160 = arith.constant 7 : i32
        %add3A_1161 = arith.addi %mul3A_541, %add3A_1160 : i32
        %get3A_1162 = arith.constant 0 : i32
        %get3A_1163 = arith.index_cast %get3A_1162 : i32 to index
        %get3A_1164 = arith.index_cast %add3A_1161 : i32 to index
        %get3A_1165 = arith.constant 48 : index
        %get3A_1166 = tpu.vector_load %arg6[%get3A_1163, %get3A_1164, %get3A_1165] {strides = array<i32>} : memref<2x256x64xf32, #tpu.memory_space<vmem>>, vector<1x1x16xf32>,
        %get3A_1167 = vector.shape_cast %get3A_1166 : vector<1x1x16xf32> to vector<16xf32>
        %mul3A_1168 = arith.constant 8.000000e+00 : f32
        %mul3A_1169 = vector.broadcast %mul3A_1168 : f32 to vector<16xf32>
        %mul3A_1170 = arith.mulf %get3A_1167, %mul3A_1169 : vector<16xf32>
        %add3A_1171 = arith.constant 7 : i32
        %add3A_1172 = arith.addi %mul3A_541, %add3A_1171 : i32
        %swap3A_1173 = arith.constant 0 : i32
        %swap3A_1174 = arith.index_cast %swap3A_1173 : i32 to index
        %swap3A_1175 = arith.index_cast %add3A_1172 : i32 to index
        %swap3A_1176 = arith.constant 48 : index
        %swap3A_1177 = tpu.vector_load %arg7[%swap3A_1174, %swap3A_1175, %swap3A_1176] {strides = array<i32>} : memref<2x256x64xf32, #tpu.memory_space<vmem>>, vector<1x1x16xf32>,
        %swap3A_1178 = vector.shape_cast %swap3A_1177 : vector<1x1x16xf32> to vector<16xf32>
        %swap3A_1179 = vector.shape_cast %mul3A_1170 : vector<16xf32> to vector<1x1x16xf32>
        tpu.vector_store %arg7[%swap3A_1174, %swap3A_1175, %swap3A_1176], %swap3A_1179 {strides = array<i32>} : memref<2x256x64xf32, #tpu.memory_space<vmem>>, vector<1x1x16xf32>,
      }
      %scan3A_395 = arith.constant 32 : i32
      %mul3A_396 = arith.constant 256 : i32
      %mul3A_397 = arith.muli %add3A_350, %mul3A_396 : i32
      %add3A_398 = arith.addi %mul3A_2, %mul3A_397 : i32
      %dma_start3A_399 = arith.constant 0 : i32
      %dma_start3A_400 = arith.constant 0 : i32
      %dma_start3A_401 = arith.constant 0 : i32
      %dma_start3A_402 = tpu.memref_slice %arg7[%dma_start3A_399, %dma_start3A_400, %dma_start3A_401] : memref<2x256x64xf32, #tpu.memory_space<vmem>> -> memref<1x256x64xf32, #tpu.memory_space<vmem>>
      %dma_start3A_403 = tpu.memref_squeeze %dma_start3A_402 : memref<1x256x64xf32, #tpu.memory_space<vmem>> -> memref<256x64xf32, #tpu.memory_space<vmem>>
      %dma_start3A_404 = arith.constant 0 : i32
      %dma_start3A_405 = tpu.memref_slice %arg4[%add3A_398, %dma_start3A_404] : memref<819200x128xf32, #tpu.memory_space<hbm>> -> memref<256x64xf32, #tpu.memory_space<hbm>>
      %dma_start3A_406 = arith.constant 0 : i32
      %dma_start3A_407 = tpu.memref_slice %arg4[%add3A_398, %dma_start3A_406] : memref<819200x128xf32, #tpu.memory_space<hbm>> -> memref<256x64xf32, #tpu.memory_space<hbm>>
      %dma_start3A_408 = arith.constant 0 : i32
      %dma_start3A_409 = arith.constant 0 : i32
      %dma_start3A_410 = tpu.memref_slice %arg7[%dma_start3A_399, %dma_start3A_408, %dma_start3A_409] : memref<2x256x64xf32, #tpu.memory_space<vmem>> -> memref<1x256x64xf32, #tpu.memory_space<vmem>>
      %dma_start3A_411 = tpu.memref_squeeze %dma_start3A_410 : memref<1x256x64xf32, #tpu.memory_space<vmem>> -> memref<256x64xf32, #tpu.memory_space<vmem>>
      tpu.enqueue_dma source(%dma_start3A_411 : memref<256x64xf32, #tpu.memory_space<vmem>>) target(%dma_start3A_407 : memref<256x64xf32, #tpu.memory_space<hbm>>) target_semaphore(%arg10 : memref<!tpu.dma_semaphore, #tpu.memory_space<semaphore_mem>>)
      %add3A_412 = arith.constant 2 : i32
      %add3A_413 = arith.addi %add3A_350, %add3A_412 : i32
      %mul3A_414 = arith.constant 2 : i32
      %mul3A_415 = arith.muli %add3A_413, %mul3A_414 : i32
      %add3A_416 = arith.constant 0 : i32
      %add3A_417 = arith.addi %mul3A_415, %add3A_416 : i32
      %dma_start3A_418 = arith.constant 0 : i32
      %dma_start3A_419 = arith.constant 0 : i32
      %dma_start3A_420 = arith.constant 0 : i32
      %dma_start3A_421 = tpu.memref_slice %arg6[%dma_start3A_418, %dma_start3A_419, %dma_start3A_420] : memref<2x256x64xf32, #tpu.memory_space<vmem>> -> memref<1x128x64xf32, #tpu.memory_space<vmem>>
      %dma_start3A_422 = tpu.memref_squeeze %dma_start3A_421 : memref<1x128x64xf32, #tpu.memory_space<vmem>> -> memref<128x64xf32, #tpu.memory_space<vmem>>
      %dma_start3A_423 = arith.constant 0 : i32
      %dma_start3A_424 = tpu.memref_slice %arg5[%add3A_417, %dma_start3A_423] : memref<200x128xi32, #tpu.memory_space<vmem>> -> memref<1x128xi32, #tpu.memory_space<vmem>>
      %dma_start3A_425 = tpu.memref_squeeze %dma_start3A_424 : memref<1x128xi32, #tpu.memory_space<vmem>> -> memref<128xi32, #tpu.memory_space<vmem>>
      %dma_start3A_426 = arith.constant 0 : i32
      %dma_start3A_427 = arith.constant 0 : i32
      %dma_start3A_428 = tpu.memref_slice %arg2[%dma_start3A_426, %dma_start3A_427] : memref<2000000x64xf32, #tpu.memory_space<hbm>> -> memref<2000000x64xf32, #tpu.memory_space<hbm>>
      tpu.enqueue_indirect_dma source(%dma_start3A_428 : memref<2000000x64xf32, #tpu.memory_space<hbm>>) target(%dma_start3A_422 : memref<128x64xf32, #tpu.memory_space<vmem>>) offsets(%dma_start3A_425 : memref<128xi32, #tpu.memory_space<vmem>>) semaphore(%arg8 : memref<!tpu.dma_semaphore, #tpu.memory_space<semaphore_mem>>)
      %mul3A_429 = arith.constant 2 : i32
      %mul3A_430 = arith.muli %add3A_413, %mul3A_429 : i32
      %add3A_431 = arith.constant 1 : i32
      %add3A_432 = arith.addi %mul3A_430, %add3A_431 : i32
      %dma_start3A_433 = arith.constant 0 : i32
      %dma_start3A_434 = arith.constant 128 : i32
      %dma_start3A_435 = arith.constant 0 : i32
      %dma_start3A_436 = tpu.memref_slice %arg6[%dma_start3A_433, %dma_start3A_434, %dma_start3A_435] : memref<2x256x64xf32, #tpu.memory_space<vmem>> -> memref<1x128x64xf32, #tpu.memory_space<vmem>>
      %dma_start3A_437 = tpu.memref_squeeze %dma_start3A_436 : memref<1x128x64xf32, #tpu.memory_space<vmem>> -> memref<128x64xf32, #tpu.memory_space<vmem>>
      %dma_start3A_438 = arith.constant 0 : i32
      %dma_start3A_439 = tpu.memref_slice %arg5[%add3A_432, %dma_start3A_438] : memref<200x128xi32, #tpu.memory_space<vmem>> -> memref<1x128xi32, #tpu.memory_space<vmem>>
      %dma_start3A_440 = tpu.memref_squeeze %dma_start3A_439 : memref<1x128xi32, #tpu.memory_space<vmem>> -> memref<128xi32, #tpu.memory_space<vmem>>
      %dma_start3A_441 = arith.constant 0 : i32
      %dma_start3A_442 = arith.constant 0 : i32
      %dma_start3A_443 = tpu.memref_slice %arg2[%dma_start3A_441, %dma_start3A_442] : memref<2000000x64xf32, #tpu.memory_space<hbm>> -> memref<2000000x64xf32, #tpu.memory_space<hbm>>
      tpu.enqueue_indirect_dma source(%dma_start3A_443 : memref<2000000x64xf32, #tpu.memory_space<hbm>>) target(%dma_start3A_437 : memref<128x64xf32, #tpu.memory_space<vmem>>) offsets(%dma_start3A_440 : memref<128xi32, #tpu.memory_space<vmem>>) semaphore(%arg8 : memref<!tpu.dma_semaphore, #tpu.memory_space<semaphore_mem>>)
      %add3A_444 = arith.constant 1 : i32
      %add3A_445 = arith.addi %add3A_348, %add3A_444 : i32
      %dma_wait3A_446 = arith.constant 0 : i32
      %dma_wait3A_447 = arith.constant 1 : i32
      %dma_wait3A_448 = arith.constant 0 : i32
      %dma_wait3A_449 = arith.constant 0 : i32
      %dma_wait3A_450 = tpu.memref_slice %arg6[%dma_wait3A_447, %dma_wait3A_448, %dma_wait3A_449] : memref<2x256x64xf32, #tpu.memory_space<vmem>> -> memref<1x128x64xf32, #tpu.memory_space<vmem>>
      %dma_wait3A_451 = tpu.memref_squeeze %dma_wait3A_450 : memref<1x128x64xf32, #tpu.memory_space<vmem>> -> memref<128x64xf32, #tpu.memory_space<vmem>>
      %dma_wait3A_452 = arith.constant 0 : i32
      %dma_wait3A_453 = tpu.memref_slice %arg5[%dma_wait3A_446, %dma_wait3A_452] : memref<200x128xi32, #tpu.memory_space<vmem>> -> memref<1x128xi32, #tpu.memory_space<vmem>>
      %dma_wait3A_454 = tpu.memref_squeeze %dma_wait3A_453 : memref<1x128xi32, #tpu.memory_space<vmem>> -> memref<128xi32, #tpu.memory_space<vmem>>
      %dma_wait3A_455 = arith.constant 0 : i32
      %dma_wait3A_456 = arith.constant 0 : i32
      %dma_wait3A_457 = tpu.memref_slice %arg2[%dma_wait3A_455, %dma_wait3A_456] : memref<2000000x64xf32, #tpu.memory_space<hbm>> -> memref<2000000x64xf32, #tpu.memory_space<hbm>>
      tpu.wait_indirect_dma semaphore(%arg9 : memref<!tpu.dma_semaphore, #tpu.memory_space<semaphore_mem>>) src(%dma_wait3A_457 : memref<2000000x64xf32, #tpu.memory_space<hbm>>) dst(%dma_wait3A_451 : memref<128x64xf32, #tpu.memory_space<vmem>>)
      %dma_wait3A_458 = arith.constant 1 : i32
      %dma_wait3A_459 = arith.constant 1 : i32
      %dma_wait3A_460 = arith.constant 128 : i32
      %dma_wait3A_461 = arith.constant 0 : i32
      %dma_wait3A_462 = tpu.memref_slice %arg6[%dma_wait3A_459, %dma_wait3A_460, %dma_wait3A_461] : memref<2x256x64xf32, #tpu.memory_space<vmem>> -> memref<1x128x64xf32, #tpu.memory_space<vmem>>
      %dma_wait3A_463 = tpu.memref_squeeze %dma_wait3A_462 : memref<1x128x64xf32, #tpu.memory_space<vmem>> -> memref<128x64xf32, #tpu.memory_space<vmem>>
      %dma_wait3A_464 = arith.constant 0 : i32
      %dma_wait3A_465 = tpu.memref_slice %arg5[%dma_wait3A_458, %dma_wait3A_464] : memref<200x128xi32, #tpu.memory_space<vmem>> -> memref<1x128xi32, #tpu.memory_space<vmem>>
      %dma_wait3A_466 = tpu.memref_squeeze %dma_wait3A_465 : memref<1x128xi32, #tpu.memory_space<vmem>> -> memref<128xi32, #tpu.memory_space<vmem>>
      %dma_wait3A_467 = arith.constant 0 : i32
      %dma_wait3A_468 = arith.constant 0 : i32
      %dma_wait3A_469 = tpu.memref_slice %arg2[%dma_wait3A_467, %dma_wait3A_468] : memref<2000000x64xf32, #tpu.memory_space<hbm>> -> memref<2000000x64xf32, #tpu.memory_space<hbm>>
      tpu.wait_indirect_dma semaphore(%arg9 : memref<!tpu.dma_semaphore, #tpu.memory_space<semaphore_mem>>) src(%dma_wait3A_469 : memref<2000000x64xf32, #tpu.memory_space<hbm>>) dst(%dma_wait3A_463 : memref<128x64xf32, #tpu.memory_space<vmem>>)
      %add3A_470 = arith.constant 0 : i32
      %add3A_471 = arith.addi %mul3A_2, %add3A_470 : i32
      %dma_wait3A_472 = arith.constant 1 : i32
      %dma_wait3A_473 = arith.constant 0 : i32
      %dma_wait3A_474 = arith.constant 0 : i32
      %dma_wait3A_475 = tpu.memref_slice %arg7[%dma_wait3A_472, %dma_wait3A_473, %dma_wait3A_474] : memref<2x256x64xf32, #tpu.memory_space<vmem>> -> memref<1x256x64xf32, #tpu.memory_space<vmem>>
      %dma_wait3A_476 = tpu.memref_squeeze %dma_wait3A_475 : memref<1x256x64xf32, #tpu.memory_space<vmem>> -> memref<256x64xf32, #tpu.memory_space<vmem>>
      %dma_wait3A_477 = arith.constant 0 : i32
      %dma_wait3A_478 = tpu.memref_slice %arg4[%add3A_471, %dma_wait3A_477] : memref<819200x128xf32, #tpu.memory_space<hbm>> -> memref<256x64xf32, #tpu.memory_space<hbm>>
      %dma_wait3A_479 = arith.constant 0 : i32
      %dma_wait3A_480 = tpu.memref_slice %arg4[%add3A_471, %dma_wait3A_479] : memref<819200x128xf32, #tpu.memory_space<hbm>> -> memref<256x64xf32, #tpu.memory_space<hbm>>
      %dma_wait3A_481 = arith.constant 0 : i32
      %dma_wait3A_482 = arith.constant 0 : i32
      %dma_wait3A_483 = tpu.memref_slice %arg7[%dma_wait3A_472, %dma_wait3A_481, %dma_wait3A_482] : memref<2x256x64xf32, #tpu.memory_space<vmem>> -> memref<1x256x64xf32, #tpu.memory_space<vmem>>
      %dma_wait3A_484 = tpu.memref_squeeze %dma_wait3A_483 : memref<1x256x64xf32, #tpu.memory_space<vmem>> -> memref<256x64xf32, #tpu.memory_space<vmem>>
      tpu.wait_dma2 semaphore(%arg11 : memref<!tpu.dma_semaphore, #tpu.memory_space<semaphore_mem>>) src(%dma_wait3A_484 : memref<256x64xf32, #tpu.memory_space<vmem>>) dst(%dma_wait3A_480 : memref<256x64xf32, #tpu.memory_space<hbm>>)
      %scan3A_485 = arith.constant 0 : i32
      %scan3A_486 = arith.constant 0 : i32
      %scan3A_487 = arith.constant 32 : i32
      %scan3A_488 = arith.addi %scan3A_486, %scan3A_487 : i32
      %scan3A_489 = arith.constant 1 : i32
      scf.for %scan3A_539 = %scan3A_486 to %scan3A_488 step %scan3A_489  : i32 {
        %mul3A_540 = arith.constant 8 : i32
        %mul3A_541 = arith.muli %scan3A_539, %mul3A_540 : i32
        %add3A_542 = arith.constant 0 : i32
        %add3A_543 = arith.addi %mul3A_541, %add3A_542 : i32
        %get3A = arith.constant 1 : i32
        %get3A_544 = arith.index_cast %get3A : i32 to index
        %get3A_545 = arith.index_cast %add3A_543 : i32 to index
        %get3A_546 = arith.constant 0 : index
        %get3A_547 = tpu.vector_load %arg6[%get3A_544, %get3A_545, %get3A_546] {strides = array<i32>} : memref<2x256x64xf32, #tpu.memory_space<vmem>>, vector<1x1x16xf32>,
        %get3A_548 = vector.shape_cast %get3A_547 : vector<1x1x16xf32> to vector<16xf32>
        %mul3A_549 = arith.constant 8.000000e+00 : f32
        %mul3A_550 = vector.broadcast %mul3A_549 : f32 to vector<16xf32>
        %mul3A_551 = arith.mulf %get3A_548, %mul3A_550 : vector<16xf32>
        %add3A_552 = arith.constant 0 : i32
        %add3A_553 = arith.addi %mul3A_541, %add3A_552 : i32
        %swap3A = arith.constant 1 : i32
        %swap3A_554 = arith.index_cast %swap3A : i32 to index
        %swap3A_555 = arith.index_cast %add3A_553 : i32 to index
        %swap3A_556 = arith.constant 0 : index
        %swap3A_557 = tpu.vector_load %arg7[%swap3A_554, %swap3A_555, %swap3A_556] {strides = array<i32>} : memref<2x256x64xf32, #tpu.memory_space<vmem>>, vector<1x1x16xf32>,
        %swap3A_558 = vector.shape_cast %swap3A_557 : vector<1x1x16xf32> to vector<16xf32>
        %swap3A_559 = vector.shape_cast %mul3A_551 : vector<16xf32> to vector<1x1x16xf32>
        tpu.vector_store %arg7[%swap3A_554, %swap3A_555, %swap3A_556], %swap3A_559 {strides = array<i32>} : memref<2x256x64xf32, #tpu.memory_space<vmem>>, vector<1x1x16xf32>,
        %add3A_560 = arith.constant 0 : i32
        %add3A_561 = arith.addi %mul3A_541, %add3A_560 : i32
        %get3A_562 = arith.constant 1 : i32
        %get3A_563 = arith.index_cast %get3A_562 : i32 to index
        %get3A_564 = arith.index_cast %add3A_561 : i32 to index
        %get3A_565 = arith.constant 16 : index
        %get3A_566 = tpu.vector_load %arg6[%get3A_563, %get3A_564, %get3A_565] {strides = array<i32>} : memref<2x256x64xf32, #tpu.memory_space<vmem>>, vector<1x1x16xf32>,
        %get3A_567 = vector.shape_cast %get3A_566 : vector<1x1x16xf32> to vector<16xf32>
        %mul3A_568 = arith.constant 8.000000e+00 : f32
        %mul3A_569 = vector.broadcast %mul3A_568 : f32 to vector<16xf32>
        %mul3A_570 = arith.mulf %get3A_567, %mul3A_569 : vector<16xf32>
        %add3A_571 = arith.constant 0 : i32
        %add3A_572 = arith.addi %mul3A_541, %add3A_571 : i32
        %swap3A_573 = arith.constant 1 : i32
        %swap3A_574 = arith.index_cast %swap3A_573 : i32 to index
        %swap3A_575 = arith.index_cast %add3A_572 : i32 to index
        %swap3A_576 = arith.constant 16 : index
        %swap3A_577 = tpu.vector_load %arg7[%swap3A_574, %swap3A_575, %swap3A_576] {strides = array<i32>} : memref<2x256x64xf32, #tpu.memory_space<vmem>>, vector<1x1x16xf32>,
        %swap3A_578 = vector.shape_cast %swap3A_577 : vector<1x1x16xf32> to vector<16xf32>
        %swap3A_579 = vector.shape_cast %mul3A_570 : vector<16xf32> to vector<1x1x16xf32>
        tpu.vector_store %arg7[%swap3A_574, %swap3A_575, %swap3A_576], %swap3A_579 {strides = array<i32>} : memref<2x256x64xf32, #tpu.memory_space<vmem>>, vector<1x1x16xf32>,
        %add3A_580 = arith.constant 0 : i32
        %add3A_581 = arith.addi %mul3A_541, %add3A_580 : i32
        %get3A_582 = arith.constant 1 : i32
        %get3A_583 = arith.index_cast %get3A_582 : i32 to index
        %get3A_584 = arith.index_cast %add3A_581 : i32 to index
        %get3A_585 = arith.constant 32 : index
        %get3A_586 = tpu.vector_load %arg6[%get3A_583, %get3A_584, %get3A_585] {strides = array<i32>} : memref<2x256x64xf32, #tpu.memory_space<vmem>>, vector<1x1x16xf32>,
        %get3A_587 = vector.shape_cast %get3A_586 : vector<1x1x16xf32> to vector<16xf32>
        %mul3A_588 = arith.constant 8.000000e+00 : f32
        %mul3A_589 = vector.broadcast %mul3A_588 : f32 to vector<16xf32>
        %mul3A_590 = arith.mulf %get3A_587, %mul3A_589 : vector<16xf32>
        %add3A_591 = arith.constant 0 : i32
        %add3A_592 = arith.addi %mul3A_541, %add3A_591 : i32
        %swap3A_593 = arith.constant 1 : i32
        %swap3A_594 = arith.index_cast %swap3A_593 : i32 to index
        %swap3A_595 = arith.index_cast %add3A_592 : i32 to index
        %swap3A_596 = arith.constant 32 : index
        %swap3A_597 = tpu.vector_load %arg7[%swap3A_594, %swap3A_595, %swap3A_596] {strides = array<i32>} : memref<2x256x64xf32, #tpu.memory_space<vmem>>, vector<1x1x16xf32>,
        %swap3A_598 = vector.shape_cast %swap3A_597 : vector<1x1x16xf32> to vector<16xf32>
        %swap3A_599 = vector.shape_cast %mul3A_590 : vector<16xf32> to vector<1x1x16xf32>
        tpu.vector_store %arg7[%swap3A_594, %swap3A_595, %swap3A_596], %swap3A_599 {strides = array<i32>} : memref<2x256x64xf32, #tpu.memory_space<vmem>>, vector<1x1x16xf32>,
        %add3A_600 = arith.constant 0 : i32
        %add3A_601 = arith.addi %mul3A_541, %add3A_600 : i32
        %get3A_602 = arith.constant 1 : i32
        %get3A_603 = arith.index_cast %get3A_602 : i32 to index
        %get3A_604 = arith.index_cast %add3A_601 : i32 to index
        %get3A_605 = arith.constant 48 : index
        %get3A_606 = tpu.vector_load %arg6[%get3A_603, %get3A_604, %get3A_605] {strides = array<i32>} : memref<2x256x64xf32, #tpu.memory_space<vmem>>, vector<1x1x16xf32>,
        %get3A_607 = vector.shape_cast %get3A_606 : vector<1x1x16xf32> to vector<16xf32>
        %mul3A_608 = arith.constant 8.000000e+00 : f32
        %mul3A_609 = vector.broadcast %mul3A_608 : f32 to vector<16xf32>
        %mul3A_610 = arith.mulf %get3A_607, %mul3A_609 : vector<16xf32>
        %add3A_611 = arith.constant 0 : i32
        %add3A_612 = arith.addi %mul3A_541, %add3A_611 : i32
        %swap3A_613 = arith.constant 1 : i32
        %swap3A_614 = arith.index_cast %swap3A_613 : i32 to index
        %swap3A_615 = arith.index_cast %add3A_612 : i32 to index
        %swap3A_616 = arith.constant 48 : index
        %swap3A_617 = tpu.vector_load %arg7[%swap3A_614, %swap3A_615, %swap3A_616] {strides = array<i32>} : memref<2x256x64xf32, #tpu.memory_space<vmem>>, vector<1x1x16xf32>,
        %swap3A_618 = vector.shape_cast %swap3A_617 : vector<1x1x16xf32> to vector<16xf32>
        %swap3A_619 = vector.shape_cast %mul3A_610 : vector<16xf32> to vector<1x1x16xf32>
        tpu.vector_store %arg7[%swap3A_614, %swap3A_615, %swap3A_616], %swap3A_619 {strides = array<i32>} : memref<2x256x64xf32, #tpu.memory_space<vmem>>, vector<1x1x16xf32>,
        %add3A_620 = arith.constant 1 : i32
        %add3A_621 = arith.addi %mul3A_541, %add3A_620 : i32
        %get3A_622 = arith.constant 1 : i32
        %get3A_623 = arith.index_cast %get3A_622 : i32 to index
        %get3A_624 = arith.index_cast %add3A_621 : i32 to index
        %get3A_625 = arith.constant 0 : index
        %get3A_626 = tpu.vector_load %arg6[%get3A_623, %get3A_624, %get3A_625] {strides = array<i32>} : memref<2x256x64xf32, #tpu.memory_space<vmem>>, vector<1x1x16xf32>,
        %get3A_627 = vector.shape_cast %get3A_626 : vector<1x1x16xf32> to vector<16xf32>
        %mul3A_628 = arith.constant 8.000000e+00 : f32
        %mul3A_629 = vector.broadcast %mul3A_628 : f32 to vector<16xf32>
        %mul3A_630 = arith.mulf %get3A_627, %mul3A_629 : vector<16xf32>
        %add3A_631 = arith.constant 1 : i32
        %add3A_632 = arith.addi %mul3A_541, %add3A_631 : i32
        %swap3A_633 = arith.constant 1 : i32
        %swap3A_634 = arith.index_cast %swap3A_633 : i32 to index
        %swap3A_635 = arith.index_cast %add3A_632 : i32 to index
        %swap3A_636 = arith.constant 0 : index
        %swap3A_637 = tpu.vector_load %arg7[%swap3A_634, %swap3A_635, %swap3A_636] {strides = array<i32>} : memref<2x256x64xf32, #tpu.memory_space<vmem>>, vector<1x1x16xf32>,
        %swap3A_638 = vector.shape_cast %swap3A_637 : vector<1x1x16xf32> to vector<16xf32>
        %swap3A_639 = vector.shape_cast %mul3A_630 : vector<16xf32> to vector<1x1x16xf32>
        tpu.vector_store %arg7[%swap3A_634, %swap3A_635, %swap3A_636], %swap3A_639 {strides = array<i32>} : memref<2x256x64xf32, #tpu.memory_space<vmem>>, vector<1x1x16xf32>,
        %add3A_640 = arith.constant 1 : i32
        %add3A_641 = arith.addi %mul3A_541, %add3A_640 : i32
        %get3A_642 = arith.constant 1 : i32
        %get3A_643 = arith.index_cast %get3A_642 : i32 to index
        %get3A_644 = arith.index_cast %add3A_641 : i32 to index
        %get3A_645 = arith.constant 16 : index
        %get3A_646 = tpu.vector_load %arg6[%get3A_643, %get3A_644, %get3A_645] {strides = array<i32>} : memref<2x256x64xf32, #tpu.memory_space<vmem>>, vector<1x1x16xf32>,
        %get3A_647 = vector.shape_cast %get3A_646 : vector<1x1x16xf32> to vector<16xf32>
        %mul3A_648 = arith.constant 8.000000e+00 : f32
        %mul3A_649 = vector.broadcast %mul3A_648 : f32 to vector<16xf32>
        %mul3A_650 = arith.mulf %get3A_647, %mul3A_649 : vector<16xf32>
        %add3A_651 = arith.constant 1 : i32
        %add3A_652 = arith.addi %mul3A_541, %add3A_651 : i32
        %swap3A_653 = arith.constant 1 : i32
        %swap3A_654 = arith.index_cast %swap3A_653 : i32 to index
        %swap3A_655 = arith.index_cast %add3A_652 : i32 to index
        %swap3A_656 = arith.constant 16 : index
        %swap3A_657 = tpu.vector_load %arg7[%swap3A_654, %swap3A_655, %swap3A_656] {strides = array<i32>} : memref<2x256x64xf32, #tpu.memory_space<vmem>>, vector<1x1x16xf32>,
        %swap3A_658 = vector.shape_cast %swap3A_657 : vector<1x1x16xf32> to vector<16xf32>
        %swap3A_659 = vector.shape_cast %mul3A_650 : vector<16xf32> to vector<1x1x16xf32>
        tpu.vector_store %arg7[%swap3A_654, %swap3A_655, %swap3A_656], %swap3A_659 {strides = array<i32>} : memref<2x256x64xf32, #tpu.memory_space<vmem>>, vector<1x1x16xf32>,
        %add3A_660 = arith.constant 1 : i32
        %add3A_661 = arith.addi %mul3A_541, %add3A_660 : i32
        %get3A_662 = arith.constant 1 : i32
        %get3A_663 = arith.index_cast %get3A_662 : i32 to index
        %get3A_664 = arith.index_cast %add3A_661 : i32 to index
        %get3A_665 = arith.constant 32 : index
        %get3A_666 = tpu.vector_load %arg6[%get3A_663, %get3A_664, %get3A_665] {strides = array<i32>} : memref<2x256x64xf32, #tpu.memory_space<vmem>>, vector<1x1x16xf32>,
        %get3A_667 = vector.shape_cast %get3A_666 : vector<1x1x16xf32> to vector<16xf32>
        %mul3A_668 = arith.constant 8.000000e+00 : f32
        %mul3A_669 = vector.broadcast %mul3A_668 : f32 to vector<16xf32>
        %mul3A_670 = arith.mulf %get3A_667, %mul3A_669 : vector<16xf32>
        %add3A_671 = arith.constant 1 : i32
        %add3A_672 = arith.addi %mul3A_541, %add3A_671 : i32
        %swap3A_673 = arith.constant 1 : i32
        %swap3A_674 = arith.index_cast %swap3A_673 : i32 to index
        %swap3A_675 = arith.index_cast %add3A_672 : i32 to index
        %swap3A_676 = arith.constant 32 : index
        %swap3A_677 = tpu.vector_load %arg7[%swap3A_674, %swap3A_675, %swap3A_676] {strides = array<i32>} : memref<2x256x64xf32, #tpu.memory_space<vmem>>, vector<1x1x16xf32>,
        %swap3A_678 = vector.shape_cast %swap3A_677 : vector<1x1x16xf32> to vector<16xf32>
        %swap3A_679 = vector.shape_cast %mul3A_670 : vector<16xf32> to vector<1x1x16xf32>
        tpu.vector_store %arg7[%swap3A_674, %swap3A_675, %swap3A_676], %swap3A_679 {strides = array<i32>} : memref<2x256x64xf32, #tpu.memory_space<vmem>>, vector<1x1x16xf32>,
        %add3A_680 = arith.constant 1 : i32
        %add3A_681 = arith.addi %mul3A_541, %add3A_680 : i32
        %get3A_682 = arith.constant 1 : i32
        %get3A_683 = arith.index_cast %get3A_682 : i32 to index
        %get3A_684 = arith.index_cast %add3A_681 : i32 to index
        %get3A_685 = arith.constant 48 : index
        %get3A_686 = tpu.vector_load %arg6[%get3A_683, %get3A_684, %get3A_685] {strides = array<i32>} : memref<2x256x64xf32, #tpu.memory_space<vmem>>, vector<1x1x16xf32>,
        %get3A_687 = vector.shape_cast %get3A_686 : vector<1x1x16xf32> to vector<16xf32>
        %mul3A_688 = arith.constant 8.000000e+00 : f32
        %mul3A_689 = vector.broadcast %mul3A_688 : f32 to vector<16xf32>
        %mul3A_690 = arith.mulf %get3A_687, %mul3A_689 : vector<16xf32>
        %add3A_691 = arith.constant 1 : i32
        %add3A_692 = arith.addi %mul3A_541, %add3A_691 : i32
        %swap3A_693 = arith.constant 1 : i32
        %swap3A_694 = arith.index_cast %swap3A_693 : i32 to index
        %swap3A_695 = arith.index_cast %add3A_692 : i32 to index
        %swap3A_696 = arith.constant 48 : index
        %swap3A_697 = tpu.vector_load %arg7[%swap3A_694, %swap3A_695, %swap3A_696] {strides = array<i32>} : memref<2x256x64xf32, #tpu.memory_space<vmem>>, vector<1x1x16xf32>,
        %swap3A_698 = vector.shape_cast %swap3A_697 : vector<1x1x16xf32> to vector<16xf32>
        %swap3A_699 = vector.shape_cast %mul3A_690 : vector<16xf32> to vector<1x1x16xf32>
        tpu.vector_store %arg7[%swap3A_694, %swap3A_695, %swap3A_696], %swap3A_699 {strides = array<i32>} : memref<2x256x64xf32, #tpu.memory_space<vmem>>, vector<1x1x16xf32>,
        %add3A_700 = arith.constant 2 : i32
        %add3A_701 = arith.addi %mul3A_541, %add3A_700 : i32
        %get3A_702 = arith.constant 1 : i32
        %get3A_703 = arith.index_cast %get3A_702 : i32 to index
        %get3A_704 = arith.index_cast %add3A_701 : i32 to index
        %get3A_705 = arith.constant 0 : index
        %get3A_706 = tpu.vector_load %arg6[%get3A_703, %get3A_704, %get3A_705] {strides = array<i32>} : memref<2x256x64xf32, #tpu.memory_space<vmem>>, vector<1x1x16xf32>,
        %get3A_707 = vector.shape_cast %get3A_706 : vector<1x1x16xf32> to vector<16xf32>
        %mul3A_708 = arith.constant 8.000000e+00 : f32
        %mul3A_709 = vector.broadcast %mul3A_708 : f32 to vector<16xf32>
        %mul3A_710 = arith.mulf %get3A_707, %mul3A_709 : vector<16xf32>
        %add3A_711 = arith.constant 2 : i32
        %add3A_712 = arith.addi %mul3A_541, %add3A_711 : i32
        %swap3A_713 = arith.constant 1 : i32
        %swap3A_714 = arith.index_cast %swap3A_713 : i32 to index
        %swap3A_715 = arith.index_cast %add3A_712 : i32 to index
        %swap3A_716 = arith.constant 0 : index
        %swap3A_717 = tpu.vector_load %arg7[%swap3A_714, %swap3A_715, %swap3A_716] {strides = array<i32>} : memref<2x256x64xf32, #tpu.memory_space<vmem>>, vector<1x1x16xf32>,
        %swap3A_718 = vector.shape_cast %swap3A_717 : vector<1x1x16xf32> to vector<16xf32>
        %swap3A_719 = vector.shape_cast %mul3A_710 : vector<16xf32> to vector<1x1x16xf32>
        tpu.vector_store %arg7[%swap3A_714, %swap3A_715, %swap3A_716], %swap3A_719 {strides = array<i32>} : memref<2x256x64xf32, #tpu.memory_space<vmem>>, vector<1x1x16xf32>,
        %add3A_720 = arith.constant 2 : i32
        %add3A_721 = arith.addi %mul3A_541, %add3A_720 : i32
        %get3A_722 = arith.constant 1 : i32
        %get3A_723 = arith.index_cast %get3A_722 : i32 to index
        %get3A_724 = arith.index_cast %add3A_721 : i32 to index
        %get3A_725 = arith.constant 16 : index
        %get3A_726 = tpu.vector_load %arg6[%get3A_723, %get3A_724, %get3A_725] {strides = array<i32>} : memref<2x256x64xf32, #tpu.memory_space<vmem>>, vector<1x1x16xf32>,
        %get3A_727 = vector.shape_cast %get3A_726 : vector<1x1x16xf32> to vector<16xf32>
        %mul3A_728 = arith.constant 8.000000e+00 : f32
        %mul3A_729 = vector.broadcast %mul3A_728 : f32 to vector<16xf32>
        %mul3A_730 = arith.mulf %get3A_727, %mul3A_729 : vector<16xf32>
        %add3A_731 = arith.constant 2 : i32
        %add3A_732 = arith.addi %mul3A_541, %add3A_731 : i32
        %swap3A_733 = arith.constant 1 : i32
        %swap3A_734 = arith.index_cast %swap3A_733 : i32 to index
        %swap3A_735 = arith.index_cast %add3A_732 : i32 to index
        %swap3A_736 = arith.constant 16 : index
        %swap3A_737 = tpu.vector_load %arg7[%swap3A_734, %swap3A_735, %swap3A_736] {strides = array<i32>} : memref<2x256x64xf32, #tpu.memory_space<vmem>>, vector<1x1x16xf32>,
        %swap3A_738 = vector.shape_cast %swap3A_737 : vector<1x1x16xf32> to vector<16xf32>
        %swap3A_739 = vector.shape_cast %mul3A_730 : vector<16xf32> to vector<1x1x16xf32>
        tpu.vector_store %arg7[%swap3A_734, %swap3A_735, %swap3A_736], %swap3A_739 {strides = array<i32>} : memref<2x256x64xf32, #tpu.memory_space<vmem>>, vector<1x1x16xf32>,
        %add3A_740 = arith.constant 2 : i32
        %add3A_741 = arith.addi %mul3A_541, %add3A_740 : i32
        %get3A_742 = arith.constant 1 : i32
        %get3A_743 = arith.index_cast %get3A_742 : i32 to index
        %get3A_744 = arith.index_cast %add3A_741 : i32 to index
        %get3A_745 = arith.constant 32 : index
        %get3A_746 = tpu.vector_load %arg6[%get3A_743, %get3A_744, %get3A_745] {strides = array<i32>} : memref<2x256x64xf32, #tpu.memory_space<vmem>>, vector<1x1x16xf32>,
        %get3A_747 = vector.shape_cast %get3A_746 : vector<1x1x16xf32> to vector<16xf32>
        %mul3A_748 = arith.constant 8.000000e+00 : f32
        %mul3A_749 = vector.broadcast %mul3A_748 : f32 to vector<16xf32>
        %mul3A_750 = arith.mulf %get3A_747, %mul3A_749 : vector<16xf32>
        %add3A_751 = arith.constant 2 : i32
        %add3A_752 = arith.addi %mul3A_541, %add3A_751 : i32
        %swap3A_753 = arith.constant 1 : i32
        %swap3A_754 = arith.index_cast %swap3A_753 : i32 to index
        %swap3A_755 = arith.index_cast %add3A_752 : i32 to index
        %swap3A_756 = arith.constant 32 : index
        %swap3A_757 = tpu.vector_load %arg7[%swap3A_754, %swap3A_755, %swap3A_756] {strides = array<i32>} : memref<2x256x64xf32, #tpu.memory_space<vmem>>, vector<1x1x16xf32>,
        %swap3A_758 = vector.shape_cast %swap3A_757 : vector<1x1x16xf32> to vector<16xf32>
        %swap3A_759 = vector.shape_cast %mul3A_750 : vector<16xf32> to vector<1x1x16xf32>
        tpu.vector_store %arg7[%swap3A_754, %swap3A_755, %swap3A_756], %swap3A_759 {strides = array<i32>} : memref<2x256x64xf32, #tpu.memory_space<vmem>>, vector<1x1x16xf32>,
        %add3A_760 = arith.constant 2 : i32
        %add3A_761 = arith.addi %mul3A_541, %add3A_760 : i32
        %get3A_762 = arith.constant 1 : i32
        %get3A_763 = arith.index_cast %get3A_762 : i32 to index
        %get3A_764 = arith.index_cast %add3A_761 : i32 to index
        %get3A_765 = arith.constant 48 : index
        %get3A_766 = tpu.vector_load %arg6[%get3A_763, %get3A_764, %get3A_765] {strides = array<i32>} : memref<2x256x64xf32, #tpu.memory_space<vmem>>, vector<1x1x16xf32>,
        %get3A_767 = vector.shape_cast %get3A_766 : vector<1x1x16xf32> to vector<16xf32>
        %mul3A_768 = arith.constant 8.000000e+00 : f32
        %mul3A_769 = vector.broadcast %mul3A_768 : f32 to vector<16xf32>
        %mul3A_770 = arith.mulf %get3A_767, %mul3A_769 : vector<16xf32>
        %add3A_771 = arith.constant 2 : i32
        %add3A_772 = arith.addi %mul3A_541, %add3A_771 : i32
        %swap3A_773 = arith.constant 1 : i32
        %swap3A_774 = arith.index_cast %swap3A_773 : i32 to index
        %swap3A_775 = arith.index_cast %add3A_772 : i32 to index
        %swap3A_776 = arith.constant 48 : index
        %swap3A_777 = tpu.vector_load %arg7[%swap3A_774, %swap3A_775, %swap3A_776] {strides = array<i32>} : memref<2x256x64xf32, #tpu.memory_space<vmem>>, vector<1x1x16xf32>,
        %swap3A_778 = vector.shape_cast %swap3A_777 : vector<1x1x16xf32> to vector<16xf32>
        %swap3A_779 = vector.shape_cast %mul3A_770 : vector<16xf32> to vector<1x1x16xf32>
        tpu.vector_store %arg7[%swap3A_774, %swap3A_775, %swap3A_776], %swap3A_779 {strides = array<i32>} : memref<2x256x64xf32, #tpu.memory_space<vmem>>, vector<1x1x16xf32>,
        %add3A_780 = arith.constant 3 : i32
        %add3A_781 = arith.addi %mul3A_541, %add3A_780 : i32
        %get3A_782 = arith.constant 1 : i32
        %get3A_783 = arith.index_cast %get3A_782 : i32 to index
        %get3A_784 = arith.index_cast %add3A_781 : i32 to index
        %get3A_785 = arith.constant 0 : index
        %get3A_786 = tpu.vector_load %arg6[%get3A_783, %get3A_784, %get3A_785] {strides = array<i32>} : memref<2x256x64xf32, #tpu.memory_space<vmem>>, vector<1x1x16xf32>,
        %get3A_787 = vector.shape_cast %get3A_786 : vector<1x1x16xf32> to vector<16xf32>
        %mul3A_788 = arith.constant 8.000000e+00 : f32
        %mul3A_789 = vector.broadcast %mul3A_788 : f32 to vector<16xf32>
        %mul3A_790 = arith.mulf %get3A_787, %mul3A_789 : vector<16xf32>
        %add3A_791 = arith.constant 3 : i32
        %add3A_792 = arith.addi %mul3A_541, %add3A_791 : i32
        %swap3A_793 = arith.constant 1 : i32
        %swap3A_794 = arith.index_cast %swap3A_793 : i32 to index
        %swap3A_795 = arith.index_cast %add3A_792 : i32 to index
        %swap3A_796 = arith.constant 0 : index
        %swap3A_797 = tpu.vector_load %arg7[%swap3A_794, %swap3A_795, %swap3A_796] {strides = array<i32>} : memref<2x256x64xf32, #tpu.memory_space<vmem>>, vector<1x1x16xf32>,
        %swap3A_798 = vector.shape_cast %swap3A_797 : vector<1x1x16xf32> to vector<16xf32>
        %swap3A_799 = vector.shape_cast %mul3A_790 : vector<16xf32> to vector<1x1x16xf32>
        tpu.vector_store %arg7[%swap3A_794, %swap3A_795, %swap3A_796], %swap3A_799 {strides = array<i32>} : memref<2x256x64xf32, #tpu.memory_space<vmem>>, vector<1x1x16xf32>,
        %add3A_800 = arith.constant 3 : i32
        %add3A_801 = arith.addi %mul3A_541, %add3A_800 : i32
        %get3A_802 = arith.constant 1 : i32
        %get3A_803 = arith.index_cast %get3A_802 : i32 to index
        %get3A_804 = arith.index_cast %add3A_801 : i32 to index
        %get3A_805 = arith.constant 16 : index
        %get3A_806 = tpu.vector_load %arg6[%get3A_803, %get3A_804, %get3A_805] {strides = array<i32>} : memref<2x256x64xf32, #tpu.memory_space<vmem>>, vector<1x1x16xf32>,
        %get3A_807 = vector.shape_cast %get3A_806 : vector<1x1x16xf32> to vector<16xf32>
        %mul3A_808 = arith.constant 8.000000e+00 : f32
        %mul3A_809 = vector.broadcast %mul3A_808 : f32 to vector<16xf32>
        %mul3A_810 = arith.mulf %get3A_807, %mul3A_809 : vector<16xf32>
        %add3A_811 = arith.constant 3 : i32
        %add3A_812 = arith.addi %mul3A_541, %add3A_811 : i32
        %swap3A_813 = arith.constant 1 : i32
        %swap3A_814 = arith.index_cast %swap3A_813 : i32 to index
        %swap3A_815 = arith.index_cast %add3A_812 : i32 to index
        %swap3A_816 = arith.constant 16 : index
        %swap3A_817 = tpu.vector_load %arg7[%swap3A_814, %swap3A_815, %swap3A_816] {strides = array<i32>} : memref<2x256x64xf32, #tpu.memory_space<vmem>>, vector<1x1x16xf32>,
        %swap3A_818 = vector.shape_cast %swap3A_817 : vector<1x1x16xf32> to vector<16xf32>
        %swap3A_819 = vector.shape_cast %mul3A_810 : vector<16xf32> to vector<1x1x16xf32>
        tpu.vector_store %arg7[%swap3A_814, %swap3A_815, %swap3A_816], %swap3A_819 {strides = array<i32>} : memref<2x256x64xf32, #tpu.memory_space<vmem>>, vector<1x1x16xf32>,
        %add3A_820 = arith.constant 3 : i32
        %add3A_821 = arith.addi %mul3A_541, %add3A_820 : i32
        %get3A_822 = arith.constant 1 : i32
        %get3A_823 = arith.index_cast %get3A_822 : i32 to index
        %get3A_824 = arith.index_cast %add3A_821 : i32 to index
        %get3A_825 = arith.constant 32 : index
        %get3A_826 = tpu.vector_load %arg6[%get3A_823, %get3A_824, %get3A_825] {strides = array<i32>} : memref<2x256x64xf32, #tpu.memory_space<vmem>>, vector<1x1x16xf32>,
        %get3A_827 = vector.shape_cast %get3A_826 : vector<1x1x16xf32> to vector<16xf32>
        %mul3A_828 = arith.constant 8.000000e+00 : f32
        %mul3A_829 = vector.broadcast %mul3A_828 : f32 to vector<16xf32>
        %mul3A_830 = arith.mulf %get3A_827, %mul3A_829 : vector<16xf32>
        %add3A_831 = arith.constant 3 : i32
        %add3A_832 = arith.addi %mul3A_541, %add3A_831 : i32
        %swap3A_833 = arith.constant 1 : i32
        %swap3A_834 = arith.index_cast %swap3A_833 : i32 to index
        %swap3A_835 = arith.index_cast %add3A_832 : i32 to index
        %swap3A_836 = arith.constant 32 : index
        %swap3A_837 = tpu.vector_load %arg7[%swap3A_834, %swap3A_835, %swap3A_836] {strides = array<i32>} : memref<2x256x64xf32, #tpu.memory_space<vmem>>, vector<1x1x16xf32>,
        %swap3A_838 = vector.shape_cast %swap3A_837 : vector<1x1x16xf32> to vector<16xf32>
        %swap3A_839 = vector.shape_cast %mul3A_830 : vector<16xf32> to vector<1x1x16xf32>
        tpu.vector_store %arg7[%swap3A_834, %swap3A_835, %swap3A_836], %swap3A_839 {strides = array<i32>} : memref<2x256x64xf32, #tpu.memory_space<vmem>>, vector<1x1x16xf32>,
        %add3A_840 = arith.constant 3 : i32
        %add3A_841 = arith.addi %mul3A_541, %add3A_840 : i32
        %get3A_842 = arith.constant 1 : i32
        %get3A_843 = arith.index_cast %get3A_842 : i32 to index
        %get3A_844 = arith.index_cast %add3A_841 : i32 to index
        %get3A_845 = arith.constant 48 : index
        %get3A_846 = tpu.vector_load %arg6[%get3A_843, %get3A_844, %get3A_845] {strides = array<i32>} : memref<2x256x64xf32, #tpu.memory_space<vmem>>, vector<1x1x16xf32>,
        %get3A_847 = vector.shape_cast %get3A_846 : vector<1x1x16xf32> to vector<16xf32>
        %mul3A_848 = arith.constant 8.000000e+00 : f32
        %mul3A_849 = vector.broadcast %mul3A_848 : f32 to vector<16xf32>
        %mul3A_850 = arith.mulf %get3A_847, %mul3A_849 : vector<16xf32>
        %add3A_851 = arith.constant 3 : i32
        %add3A_852 = arith.addi %mul3A_541, %add3A_851 : i32
        %swap3A_853 = arith.constant 1 : i32
        %swap3A_854 = arith.index_cast %swap3A_853 : i32 to index
        %swap3A_855 = arith.index_cast %add3A_852 : i32 to index
        %swap3A_856 = arith.constant 48 : index
        %swap3A_857 = tpu.vector_load %arg7[%swap3A_854, %swap3A_855, %swap3A_856] {strides = array<i32>} : memref<2x256x64xf32, #tpu.memory_space<vmem>>, vector<1x1x16xf32>,
        %swap3A_858 = vector.shape_cast %swap3A_857 : vector<1x1x16xf32> to vector<16xf32>
        %swap3A_859 = vector.shape_cast %mul3A_850 : vector<16xf32> to vector<1x1x16xf32>
        tpu.vector_store %arg7[%swap3A_854, %swap3A_855, %swap3A_856], %swap3A_859 {strides = array<i32>} : memref<2x256x64xf32, #tpu.memory_space<vmem>>, vector<1x1x16xf32>,
        %add3A_860 = arith.constant 4 : i32
        %add3A_861 = arith.addi %mul3A_541, %add3A_860 : i32
        %get3A_862 = arith.constant 1 : i32
        %get3A_863 = arith.index_cast %get3A_862 : i32 to index
        %get3A_864 = arith.index_cast %add3A_861 : i32 to index
        %get3A_865 = arith.constant 0 : index
        %get3A_866 = tpu.vector_load %arg6[%get3A_863, %get3A_864, %get3A_865] {strides = array<i32>} : memref<2x256x64xf32, #tpu.memory_space<vmem>>, vector<1x1x16xf32>,
        %get3A_867 = vector.shape_cast %get3A_866 : vector<1x1x16xf32> to vector<16xf32>
        %mul3A_868 = arith.constant 8.000000e+00 : f32
        %mul3A_869 = vector.broadcast %mul3A_868 : f32 to vector<16xf32>
        %mul3A_870 = arith.mulf %get3A_867, %mul3A_869 : vector<16xf32>
        %add3A_871 = arith.constant 4 : i32
        %add3A_872 = arith.addi %mul3A_541, %add3A_871 : i32
        %swap3A_873 = arith.constant 1 : i32
        %swap3A_874 = arith.index_cast %swap3A_873 : i32 to index
        %swap3A_875 = arith.index_cast %add3A_872 : i32 to index
        %swap3A_876 = arith.constant 0 : index
        %swap3A_877 = tpu.vector_load %arg7[%swap3A_874, %swap3A_875, %swap3A_876] {strides = array<i32>} : memref<2x256x64xf32, #tpu.memory_space<vmem>>, vector<1x1x16xf32>,
        %swap3A_878 = vector.shape_cast %swap3A_877 : vector<1x1x16xf32> to vector<16xf32>
        %swap3A_879 = vector.shape_cast %mul3A_870 : vector<16xf32> to vector<1x1x16xf32>
        tpu.vector_store %arg7[%swap3A_874, %swap3A_875, %swap3A_876], %swap3A_879 {strides = array<i32>} : memref<2x256x64xf32, #tpu.memory_space<vmem>>, vector<1x1x16xf32>,
        %add3A_880 = arith.constant 4 : i32
        %add3A_881 = arith.addi %mul3A_541, %add3A_880 : i32
        %get3A_882 = arith.constant 1 : i32
        %get3A_883 = arith.index_cast %get3A_882 : i32 to index
        %get3A_884 = arith.index_cast %add3A_881 : i32 to index
        %get3A_885 = arith.constant 16 : index
        %get3A_886 = tpu.vector_load %arg6[%get3A_883, %get3A_884, %get3A_885] {strides = array<i32>} : memref<2x256x64xf32, #tpu.memory_space<vmem>>, vector<1x1x16xf32>,
        %get3A_887 = vector.shape_cast %get3A_886 : vector<1x1x16xf32> to vector<16xf32>
        %mul3A_888 = arith.constant 8.000000e+00 : f32
        %mul3A_889 = vector.broadcast %mul3A_888 : f32 to vector<16xf32>
        %mul3A_890 = arith.mulf %get3A_887, %mul3A_889 : vector<16xf32>
        %add3A_891 = arith.constant 4 : i32
        %add3A_892 = arith.addi %mul3A_541, %add3A_891 : i32
        %swap3A_893 = arith.constant 1 : i32
        %swap3A_894 = arith.index_cast %swap3A_893 : i32 to index
        %swap3A_895 = arith.index_cast %add3A_892 : i32 to index
        %swap3A_896 = arith.constant 16 : index
        %swap3A_897 = tpu.vector_load %arg7[%swap3A_894, %swap3A_895, %swap3A_896] {strides = array<i32>} : memref<2x256x64xf32, #tpu.memory_space<vmem>>, vector<1x1x16xf32>,
        %swap3A_898 = vector.shape_cast %swap3A_897 : vector<1x1x16xf32> to vector<16xf32>
        %swap3A_899 = vector.shape_cast %mul3A_890 : vector<16xf32> to vector<1x1x16xf32>
        tpu.vector_store %arg7[%swap3A_894, %swap3A_895, %swap3A_896], %swap3A_899 {strides = array<i32>} : memref<2x256x64xf32, #tpu.memory_space<vmem>>, vector<1x1x16xf32>,
        %add3A_900 = arith.constant 4 : i32
        %add3A_901 = arith.addi %mul3A_541, %add3A_900 : i32
        %get3A_902 = arith.constant 1 : i32
        %get3A_903 = arith.index_cast %get3A_902 : i32 to index
        %get3A_904 = arith.index_cast %add3A_901 : i32 to index
        %get3A_905 = arith.constant 32 : index
        %get3A_906 = tpu.vector_load %arg6[%get3A_903, %get3A_904, %get3A_905] {strides = array<i32>} : memref<2x256x64xf32, #tpu.memory_space<vmem>>, vector<1x1x16xf32>,
        %get3A_907 = vector.shape_cast %get3A_906 : vector<1x1x16xf32> to vector<16xf32>
        %mul3A_908 = arith.constant 8.000000e+00 : f32
        %mul3A_909 = vector.broadcast %mul3A_908 : f32 to vector<16xf32>
        %mul3A_910 = arith.mulf %get3A_907, %mul3A_909 : vector<16xf32>
        %add3A_911 = arith.constant 4 : i32
        %add3A_912 = arith.addi %mul3A_541, %add3A_911 : i32
        %swap3A_913 = arith.constant 1 : i32
        %swap3A_914 = arith.index_cast %swap3A_913 : i32 to index
        %swap3A_915 = arith.index_cast %add3A_912 : i32 to index
        %swap3A_916 = arith.constant 32 : index
        %swap3A_917 = tpu.vector_load %arg7[%swap3A_914, %swap3A_915, %swap3A_916] {strides = array<i32>} : memref<2x256x64xf32, #tpu.memory_space<vmem>>, vector<1x1x16xf32>,
        %swap3A_918 = vector.shape_cast %swap3A_917 : vector<1x1x16xf32> to vector<16xf32>
        %swap3A_919 = vector.shape_cast %mul3A_910 : vector<16xf32> to vector<1x1x16xf32>
        tpu.vector_store %arg7[%swap3A_914, %swap3A_915, %swap3A_916], %swap3A_919 {strides = array<i32>} : memref<2x256x64xf32, #tpu.memory_space<vmem>>, vector<1x1x16xf32>,
        %add3A_920 = arith.constant 4 : i32
        %add3A_921 = arith.addi %mul3A_541, %add3A_920 : i32
        %get3A_922 = arith.constant 1 : i32
        %get3A_923 = arith.index_cast %get3A_922 : i32 to index
        %get3A_924 = arith.index_cast %add3A_921 : i32 to index
        %get3A_925 = arith.constant 48 : index
        %get3A_926 = tpu.vector_load %arg6[%get3A_923, %get3A_924, %get3A_925] {strides = array<i32>} : memref<2x256x64xf32, #tpu.memory_space<vmem>>, vector<1x1x16xf32>,
        %get3A_927 = vector.shape_cast %get3A_926 : vector<1x1x16xf32> to vector<16xf32>
        %mul3A_928 = arith.constant 8.000000e+00 : f32
        %mul3A_929 = vector.broadcast %mul3A_928 : f32 to vector<16xf32>
        %mul3A_930 = arith.mulf %get3A_927, %mul3A_929 : vector<16xf32>
        %add3A_931 = arith.constant 4 : i32
        %add3A_932 = arith.addi %mul3A_541, %add3A_931 : i32
        %swap3A_933 = arith.constant 1 : i32
        %swap3A_934 = arith.index_cast %swap3A_933 : i32 to index
        %swap3A_935 = arith.index_cast %add3A_932 : i32 to index
        %swap3A_936 = arith.constant 48 : index
        %swap3A_937 = tpu.vector_load %arg7[%swap3A_934, %swap3A_935, %swap3A_936] {strides = array<i32>} : memref<2x256x64xf32, #tpu.memory_space<vmem>>, vector<1x1x16xf32>,
        %swap3A_938 = vector.shape_cast %swap3A_937 : vector<1x1x16xf32> to vector<16xf32>
        %swap3A_939 = vector.shape_cast %mul3A_930 : vector<16xf32> to vector<1x1x16xf32>
        tpu.vector_store %arg7[%swap3A_934, %swap3A_935, %swap3A_936], %swap3A_939 {strides = array<i32>} : memref<2x256x64xf32, #tpu.memory_space<vmem>>, vector<1x1x16xf32>,
        %add3A_940 = arith.constant 5 : i32
        %add3A_941 = arith.addi %mul3A_541, %add3A_940 : i32
        %get3A_942 = arith.constant 1 : i32
        %get3A_943 = arith.index_cast %get3A_942 : i32 to index
        %get3A_944 = arith.index_cast %add3A_941 : i32 to index
        %get3A_945 = arith.constant 0 : index
        %get3A_946 = tpu.vector_load %arg6[%get3A_943, %get3A_944, %get3A_945] {strides = array<i32>} : memref<2x256x64xf32, #tpu.memory_space<vmem>>, vector<1x1x16xf32>,
        %get3A_947 = vector.shape_cast %get3A_946 : vector<1x1x16xf32> to vector<16xf32>
        %mul3A_948 = arith.constant 8.000000e+00 : f32
        %mul3A_949 = vector.broadcast %mul3A_948 : f32 to vector<16xf32>
        %mul3A_950 = arith.mulf %get3A_947, %mul3A_949 : vector<16xf32>
        %add3A_951 = arith.constant 5 : i32
        %add3A_952 = arith.addi %mul3A_541, %add3A_951 : i32
        %swap3A_953 = arith.constant 1 : i32
        %swap3A_954 = arith.index_cast %swap3A_953 : i32 to index
        %swap3A_955 = arith.index_cast %add3A_952 : i32 to index
        %swap3A_956 = arith.constant 0 : index
        %swap3A_957 = tpu.vector_load %arg7[%swap3A_954, %swap3A_955, %swap3A_956] {strides = array<i32>} : memref<2x256x64xf32, #tpu.memory_space<vmem>>, vector<1x1x16xf32>,
        %swap3A_958 = vector.shape_cast %swap3A_957 : vector<1x1x16xf32> to vector<16xf32>
        %swap3A_959 = vector.shape_cast %mul3A_950 : vector<16xf32> to vector<1x1x16xf32>
        tpu.vector_store %arg7[%swap3A_954, %swap3A_955, %swap3A_956], %swap3A_959 {strides = array<i32>} : memref<2x256x64xf32, #tpu.memory_space<vmem>>, vector<1x1x16xf32>,
        %add3A_960 = arith.constant 5 : i32
        %add3A_961 = arith.addi %mul3A_541, %add3A_960 : i32
        %get3A_962 = arith.constant 1 : i32
        %get3A_963 = arith.index_cast %get3A_962 : i32 to index
        %get3A_964 = arith.index_cast %add3A_961 : i32 to index
        %get3A_965 = arith.constant 16 : index
        %get3A_966 = tpu.vector_load %arg6[%get3A_963, %get3A_964, %get3A_965] {strides = array<i32>} : memref<2x256x64xf32, #tpu.memory_space<vmem>>, vector<1x1x16xf32>,
        %get3A_967 = vector.shape_cast %get3A_966 : vector<1x1x16xf32> to vector<16xf32>
        %mul3A_968 = arith.constant 8.000000e+00 : f32
        %mul3A_969 = vector.broadcast %mul3A_968 : f32 to vector<16xf32>
        %mul3A_970 = arith.mulf %get3A_967, %mul3A_969 : vector<16xf32>
        %add3A_971 = arith.constant 5 : i32
        %add3A_972 = arith.addi %mul3A_541, %add3A_971 : i32
        %swap3A_973 = arith.constant 1 : i32
        %swap3A_974 = arith.index_cast %swap3A_973 : i32 to index
        %swap3A_975 = arith.index_cast %add3A_972 : i32 to index
        %swap3A_976 = arith.constant 16 : index
        %swap3A_977 = tpu.vector_load %arg7[%swap3A_974, %swap3A_975, %swap3A_976] {strides = array<i32>} : memref<2x256x64xf32, #tpu.memory_space<vmem>>, vector<1x1x16xf32>,
        %swap3A_978 = vector.shape_cast %swap3A_977 : vector<1x1x16xf32> to vector<16xf32>
        %swap3A_979 = vector.shape_cast %mul3A_970 : vector<16xf32> to vector<1x1x16xf32>
        tpu.vector_store %arg7[%swap3A_974, %swap3A_975, %swap3A_976], %swap3A_979 {strides = array<i32>} : memref<2x256x64xf32, #tpu.memory_space<vmem>>, vector<1x1x16xf32>,
        %add3A_980 = arith.constant 5 : i32
        %add3A_981 = arith.addi %mul3A_541, %add3A_980 : i32
        %get3A_982 = arith.constant 1 : i32
        %get3A_983 = arith.index_cast %get3A_982 : i32 to index
        %get3A_984 = arith.index_cast %add3A_981 : i32 to index
        %get3A_985 = arith.constant 32 : index
        %get3A_986 = tpu.vector_load %arg6[%get3A_983, %get3A_984, %get3A_985] {strides = array<i32>} : memref<2x256x64xf32, #tpu.memory_space<vmem>>, vector<1x1x16xf32>,
        %get3A_987 = vector.shape_cast %get3A_986 : vector<1x1x16xf32> to vector<16xf32>
        %mul3A_988 = arith.constant 8.000000e+00 : f32
        %mul3A_989 = vector.broadcast %mul3A_988 : f32 to vector<16xf32>
        %mul3A_990 = arith.mulf %get3A_987, %mul3A_989 : vector<16xf32>
        %add3A_991 = arith.constant 5 : i32
        %add3A_992 = arith.addi %mul3A_541, %add3A_991 : i32
        %swap3A_993 = arith.constant 1 : i32
        %swap3A_994 = arith.index_cast %swap3A_993 : i32 to index
        %swap3A_995 = arith.index_cast %add3A_992 : i32 to index
        %swap3A_996 = arith.constant 32 : index
        %swap3A_997 = tpu.vector_load %arg7[%swap3A_994, %swap3A_995, %swap3A_996] {strides = array<i32>} : memref<2x256x64xf32, #tpu.memory_space<vmem>>, vector<1x1x16xf32>,
        %swap3A_998 = vector.shape_cast %swap3A_997 : vector<1x1x16xf32> to vector<16xf32>
        %swap3A_999 = vector.shape_cast %mul3A_990 : vector<16xf32> to vector<1x1x16xf32>
        tpu.vector_store %arg7[%swap3A_994, %swap3A_995, %swap3A_996], %swap3A_999 {strides = array<i32>} : memref<2x256x64xf32, #tpu.memory_space<vmem>>, vector<1x1x16xf32>,
        %add3A_1000 = arith.constant 5 : i32
        %add3A_1001 = arith.addi %mul3A_541, %add3A_1000 : i32
        %get3A_1002 = arith.constant 1 : i32
        %get3A_1003 = arith.index_cast %get3A_1002 : i32 to index
        %get3A_1004 = arith.index_cast %add3A_1001 : i32 to index
        %get3A_1005 = arith.constant 48 : index
        %get3A_1006 = tpu.vector_load %arg6[%get3A_1003, %get3A_1004, %get3A_1005] {strides = array<i32>} : memref<2x256x64xf32, #tpu.memory_space<vmem>>, vector<1x1x16xf32>,
        %get3A_1007 = vector.shape_cast %get3A_1006 : vector<1x1x16xf32> to vector<16xf32>
        %mul3A_1008 = arith.constant 8.000000e+00 : f32
        %mul3A_1009 = vector.broadcast %mul3A_1008 : f32 to vector<16xf32>
        %mul3A_1010 = arith.mulf %get3A_1007, %mul3A_1009 : vector<16xf32>
        %add3A_1011 = arith.constant 5 : i32
        %add3A_1012 = arith.addi %mul3A_541, %add3A_1011 : i32
        %swap3A_1013 = arith.constant 1 : i32
        %swap3A_1014 = arith.index_cast %swap3A_1013 : i32 to index
        %swap3A_1015 = arith.index_cast %add3A_1012 : i32 to index
        %swap3A_1016 = arith.constant 48 : index
        %swap3A_1017 = tpu.vector_load %arg7[%swap3A_1014, %swap3A_1015, %swap3A_1016] {strides = array<i32>} : memref<2x256x64xf32, #tpu.memory_space<vmem>>, vector<1x1x16xf32>,
        %swap3A_1018 = vector.shape_cast %swap3A_1017 : vector<1x1x16xf32> to vector<16xf32>
        %swap3A_1019 = vector.shape_cast %mul3A_1010 : vector<16xf32> to vector<1x1x16xf32>
        tpu.vector_store %arg7[%swap3A_1014, %swap3A_1015, %swap3A_1016], %swap3A_1019 {strides = array<i32>} : memref<2x256x64xf32, #tpu.memory_space<vmem>>, vector<1x1x16xf32>,
        %add3A_1020 = arith.constant 6 : i32
        %add3A_1021 = arith.addi %mul3A_541, %add3A_1020 : i32
        %get3A_1022 = arith.constant 1 : i32
        %get3A_1023 = arith.index_cast %get3A_1022 : i32 to index
        %get3A_1024 = arith.index_cast %add3A_1021 : i32 to index
        %get3A_1025 = arith.constant 0 : index
        %get3A_1026 = tpu.vector_load %arg6[%get3A_1023, %get3A_1024, %get3A_1025] {strides = array<i32>} : memref<2x256x64xf32, #tpu.memory_space<vmem>>, vector<1x1x16xf32>,
        %get3A_1027 = vector.shape_cast %get3A_1026 : vector<1x1x16xf32> to vector<16xf32>
        %mul3A_1028 = arith.constant 8.000000e+00 : f32
        %mul3A_1029 = vector.broadcast %mul3A_1028 : f32 to vector<16xf32>
        %mul3A_1030 = arith.mulf %get3A_1027, %mul3A_1029 : vector<16xf32>
        %add3A_1031 = arith.constant 6 : i32
        %add3A_1032 = arith.addi %mul3A_541, %add3A_1031 : i32
        %swap3A_1033 = arith.constant 1 : i32
        %swap3A_1034 = arith.index_cast %swap3A_1033 : i32 to index
        %swap3A_1035 = arith.index_cast %add3A_1032 : i32 to index
        %swap3A_1036 = arith.constant 0 : index
        %swap3A_1037 = tpu.vector_load %arg7[%swap3A_1034, %swap3A_1035, %swap3A_1036] {strides = array<i32>} : memref<2x256x64xf32, #tpu.memory_space<vmem>>, vector<1x1x16xf32>,
        %swap3A_1038 = vector.shape_cast %swap3A_1037 : vector<1x1x16xf32> to vector<16xf32>
        %swap3A_1039 = vector.shape_cast %mul3A_1030 : vector<16xf32> to vector<1x1x16xf32>
        tpu.vector_store %arg7[%swap3A_1034, %swap3A_1035, %swap3A_1036], %swap3A_1039 {strides = array<i32>} : memref<2x256x64xf32, #tpu.memory_space<vmem>>, vector<1x1x16xf32>,
        %add3A_1040 = arith.constant 6 : i32
        %add3A_1041 = arith.addi %mul3A_541, %add3A_1040 : i32
        %get3A_1042 = arith.constant 1 : i32
        %get3A_1043 = arith.index_cast %get3A_1042 : i32 to index
        %get3A_1044 = arith.index_cast %add3A_1041 : i32 to index
        %get3A_1045 = arith.constant 16 : index
        %get3A_1046 = tpu.vector_load %arg6[%get3A_1043, %get3A_1044, %get3A_1045] {strides = array<i32>} : memref<2x256x64xf32, #tpu.memory_space<vmem>>, vector<1x1x16xf32>,
        %get3A_1047 = vector.shape_cast %get3A_1046 : vector<1x1x16xf32> to vector<16xf32>
        %mul3A_1048 = arith.constant 8.000000e+00 : f32
        %mul3A_1049 = vector.broadcast %mul3A_1048 : f32 to vector<16xf32>
        %mul3A_1050 = arith.mulf %get3A_1047, %mul3A_1049 : vector<16xf32>
        %add3A_1051 = arith.constant 6 : i32
        %add3A_1052 = arith.addi %mul3A_541, %add3A_1051 : i32
        %swap3A_1053 = arith.constant 1 : i32
        %swap3A_1054 = arith.index_cast %swap3A_1053 : i32 to index
        %swap3A_1055 = arith.index_cast %add3A_1052 : i32 to index
        %swap3A_1056 = arith.constant 16 : index
        %swap3A_1057 = tpu.vector_load %arg7[%swap3A_1054, %swap3A_1055, %swap3A_1056] {strides = array<i32>} : memref<2x256x64xf32, #tpu.memory_space<vmem>>, vector<1x1x16xf32>,
        %swap3A_1058 = vector.shape_cast %swap3A_1057 : vector<1x1x16xf32> to vector<16xf32>
        %swap3A_1059 = vector.shape_cast %mul3A_1050 : vector<16xf32> to vector<1x1x16xf32>
        tpu.vector_store %arg7[%swap3A_1054, %swap3A_1055, %swap3A_1056], %swap3A_1059 {strides = array<i32>} : memref<2x256x64xf32, #tpu.memory_space<vmem>>, vector<1x1x16xf32>,
        %add3A_1060 = arith.constant 6 : i32
        %add3A_1061 = arith.addi %mul3A_541, %add3A_1060 : i32
        %get3A_1062 = arith.constant 1 : i32
        %get3A_1063 = arith.index_cast %get3A_1062 : i32 to index
        %get3A_1064 = arith.index_cast %add3A_1061 : i32 to index
        %get3A_1065 = arith.constant 32 : index
        %get3A_1066 = tpu.vector_load %arg6[%get3A_1063, %get3A_1064, %get3A_1065] {strides = array<i32>} : memref<2x256x64xf32, #tpu.memory_space<vmem>>, vector<1x1x16xf32>,
        %get3A_1067 = vector.shape_cast %get3A_1066 : vector<1x1x16xf32> to vector<16xf32>
        %mul3A_1068 = arith.constant 8.000000e+00 : f32
        %mul3A_1069 = vector.broadcast %mul3A_1068 : f32 to vector<16xf32>
        %mul3A_1070 = arith.mulf %get3A_1067, %mul3A_1069 : vector<16xf32>
        %add3A_1071 = arith.constant 6 : i32
        %add3A_1072 = arith.addi %mul3A_541, %add3A_1071 : i32
        %swap3A_1073 = arith.constant 1 : i32
        %swap3A_1074 = arith.index_cast %swap3A_1073 : i32 to index
        %swap3A_1075 = arith.index_cast %add3A_1072 : i32 to index
        %swap3A_1076 = arith.constant 32 : index
        %swap3A_1077 = tpu.vector_load %arg7[%swap3A_1074, %swap3A_1075, %swap3A_1076] {strides = array<i32>} : memref<2x256x64xf32, #tpu.memory_space<vmem>>, vector<1x1x16xf32>,
        %swap3A_1078 = vector.shape_cast %swap3A_1077 : vector<1x1x16xf32> to vector<16xf32>
        %swap3A_1079 = vector.shape_cast %mul3A_1070 : vector<16xf32> to vector<1x1x16xf32>
        tpu.vector_store %arg7[%swap3A_1074, %swap3A_1075, %swap3A_1076], %swap3A_1079 {strides = array<i32>} : memref<2x256x64xf32, #tpu.memory_space<vmem>>, vector<1x1x16xf32>,
        %add3A_1080 = arith.constant 6 : i32
        %add3A_1081 = arith.addi %mul3A_541, %add3A_1080 : i32
        %get3A_1082 = arith.constant 1 : i32
        %get3A_1083 = arith.index_cast %get3A_1082 : i32 to index
        %get3A_1084 = arith.index_cast %add3A_1081 : i32 to index
        %get3A_1085 = arith.constant 48 : index
        %get3A_1086 = tpu.vector_load %arg6[%get3A_1083, %get3A_1084, %get3A_1085] {strides = array<i32>} : memref<2x256x64xf32, #tpu.memory_space<vmem>>, vector<1x1x16xf32>,
        %get3A_1087 = vector.shape_cast %get3A_1086 : vector<1x1x16xf32> to vector<16xf32>
        %mul3A_1088 = arith.constant 8.000000e+00 : f32
        %mul3A_1089 = vector.broadcast %mul3A_1088 : f32 to vector<16xf32>
        %mul3A_1090 = arith.mulf %get3A_1087, %mul3A_1089 : vector<16xf32>
        %add3A_1091 = arith.constant 6 : i32
        %add3A_1092 = arith.addi %mul3A_541, %add3A_1091 : i32
        %swap3A_1093 = arith.constant 1 : i32
        %swap3A_1094 = arith.index_cast %swap3A_1093 : i32 to index
        %swap3A_1095 = arith.index_cast %add3A_1092 : i32 to index
        %swap3A_1096 = arith.constant 48 : index
        %swap3A_1097 = tpu.vector_load %arg7[%swap3A_1094, %swap3A_1095, %swap3A_1096] {strides = array<i32>} : memref<2x256x64xf32, #tpu.memory_space<vmem>>, vector<1x1x16xf32>,
        %swap3A_1098 = vector.shape_cast %swap3A_1097 : vector<1x1x16xf32> to vector<16xf32>
        %swap3A_1099 = vector.shape_cast %mul3A_1090 : vector<16xf32> to vector<1x1x16xf32>
        tpu.vector_store %arg7[%swap3A_1094, %swap3A_1095, %swap3A_1096], %swap3A_1099 {strides = array<i32>} : memref<2x256x64xf32, #tpu.memory_space<vmem>>, vector<1x1x16xf32>,
        %add3A_1100 = arith.constant 7 : i32
        %add3A_1101 = arith.addi %mul3A_541, %add3A_1100 : i32
        %get3A_1102 = arith.constant 1 : i32
        %get3A_1103 = arith.index_cast %get3A_1102 : i32 to index
        %get3A_1104 = arith.index_cast %add3A_1101 : i32 to index
        %get3A_1105 = arith.constant 0 : index
        %get3A_1106 = tpu.vector_load %arg6[%get3A_1103, %get3A_1104, %get3A_1105] {strides = array<i32>} : memref<2x256x64xf32, #tpu.memory_space<vmem>>, vector<1x1x16xf32>,
        %get3A_1107 = vector.shape_cast %get3A_1106 : vector<1x1x16xf32> to vector<16xf32>
        %mul3A_1108 = arith.constant 8.000000e+00 : f32
        %mul3A_1109 = vector.broadcast %mul3A_1108 : f32 to vector<16xf32>
        %mul3A_1110 = arith.mulf %get3A_1107, %mul3A_1109 : vector<16xf32>
        %add3A_1111 = arith.constant 7 : i32
        %add3A_1112 = arith.addi %mul3A_541, %add3A_1111 : i32
        %swap3A_1113 = arith.constant 1 : i32
        %swap3A_1114 = arith.index_cast %swap3A_1113 : i32 to index
        %swap3A_1115 = arith.index_cast %add3A_1112 : i32 to index
        %swap3A_1116 = arith.constant 0 : index
        %swap3A_1117 = tpu.vector_load %arg7[%swap3A_1114, %swap3A_1115, %swap3A_1116] {strides = array<i32>} : memref<2x256x64xf32, #tpu.memory_space<vmem>>, vector<1x1x16xf32>,
        %swap3A_1118 = vector.shape_cast %swap3A_1117 : vector<1x1x16xf32> to vector<16xf32>
        %swap3A_1119 = vector.shape_cast %mul3A_1110 : vector<16xf32> to vector<1x1x16xf32>
        tpu.vector_store %arg7[%swap3A_1114, %swap3A_1115, %swap3A_1116], %swap3A_1119 {strides = array<i32>} : memref<2x256x64xf32, #tpu.memory_space<vmem>>, vector<1x1x16xf32>,
        %add3A_1120 = arith.constant 7 : i32
        %add3A_1121 = arith.addi %mul3A_541, %add3A_1120 : i32
        %get3A_1122 = arith.constant 1 : i32
        %get3A_1123 = arith.index_cast %get3A_1122 : i32 to index
        %get3A_1124 = arith.index_cast %add3A_1121 : i32 to index
        %get3A_1125 = arith.constant 16 : index
        %get3A_1126 = tpu.vector_load %arg6[%get3A_1123, %get3A_1124, %get3A_1125] {strides = array<i32>} : memref<2x256x64xf32, #tpu.memory_space<vmem>>, vector<1x1x16xf32>,
        %get3A_1127 = vector.shape_cast %get3A_1126 : vector<1x1x16xf32> to vector<16xf32>
        %mul3A_1128 = arith.constant 8.000000e+00 : f32
        %mul3A_1129 = vector.broadcast %mul3A_1128 : f32 to vector<16xf32>
        %mul3A_1130 = arith.mulf %get3A_1127, %mul3A_1129 : vector<16xf32>
        %add3A_1131 = arith.constant 7 : i32
        %add3A_1132 = arith.addi %mul3A_541, %add3A_1131 : i32
        %swap3A_1133 = arith.constant 1 : i32
        %swap3A_1134 = arith.index_cast %swap3A_1133 : i32 to index
        %swap3A_1135 = arith.index_cast %add3A_1132 : i32 to index
        %swap3A_1136 = arith.constant 16 : index
        %swap3A_1137 = tpu.vector_load %arg7[%swap3A_1134, %swap3A_1135, %swap3A_1136] {strides = array<i32>} : memref<2x256x64xf32, #tpu.memory_space<vmem>>, vector<1x1x16xf32>,
        %swap3A_1138 = vector.shape_cast %swap3A_1137 : vector<1x1x16xf32> to vector<16xf32>
        %swap3A_1139 = vector.shape_cast %mul3A_1130 : vector<16xf32> to vector<1x1x16xf32>
        tpu.vector_store %arg7[%swap3A_1134, %swap3A_1135, %swap3A_1136], %swap3A_1139 {strides = array<i32>} : memref<2x256x64xf32, #tpu.memory_space<vmem>>, vector<1x1x16xf32>,
        %add3A_1140 = arith.constant 7 : i32
        %add3A_1141 = arith.addi %mul3A_541, %add3A_1140 : i32
        %get3A_1142 = arith.constant 1 : i32
        %get3A_1143 = arith.index_cast %get3A_1142 : i32 to index
        %get3A_1144 = arith.index_cast %add3A_1141 : i32 to index
        %get3A_1145 = arith.constant 32 : index
        %get3A_1146 = tpu.vector_load %arg6[%get3A_1143, %get3A_1144, %get3A_1145] {strides = array<i32>} : memref<2x256x64xf32, #tpu.memory_space<vmem>>, vector<1x1x16xf32>,
        %get3A_1147 = vector.shape_cast %get3A_1146 : vector<1x1x16xf32> to vector<16xf32>
        %mul3A_1148 = arith.constant 8.000000e+00 : f32
        %mul3A_1149 = vector.broadcast %mul3A_1148 : f32 to vector<16xf32>
        %mul3A_1150 = arith.mulf %get3A_1147, %mul3A_1149 : vector<16xf32>
        %add3A_1151 = arith.constant 7 : i32
        %add3A_1152 = arith.addi %mul3A_541, %add3A_1151 : i32
        %swap3A_1153 = arith.constant 1 : i32
        %swap3A_1154 = arith.index_cast %swap3A_1153 : i32 to index
        %swap3A_1155 = arith.index_cast %add3A_1152 : i32 to index
        %swap3A_1156 = arith.constant 32 : index
        %swap3A_1157 = tpu.vector_load %arg7[%swap3A_1154, %swap3A_1155, %swap3A_1156] {strides = array<i32>} : memref<2x256x64xf32, #tpu.memory_space<vmem>>, vector<1x1x16xf32>,
        %swap3A_1158 = vector.shape_cast %swap3A_1157 : vector<1x1x16xf32> to vector<16xf32>
        %swap3A_1159 = vector.shape_cast %mul3A_1150 : vector<16xf32> to vector<1x1x16xf32>
        tpu.vector_store %arg7[%swap3A_1154, %swap3A_1155, %swap3A_1156], %swap3A_1159 {strides = array<i32>} : memref<2x256x64xf32, #tpu.memory_space<vmem>>, vector<1x1x16xf32>,
        %add3A_1160 = arith.constant 7 : i32
        %add3A_1161 = arith.addi %mul3A_541, %add3A_1160 : i32
        %get3A_1162 = arith.constant 1 : i32
        %get3A_1163 = arith.index_cast %get3A_1162 : i32 to index
        %get3A_1164 = arith.index_cast %add3A_1161 : i32 to index
        %get3A_1165 = arith.constant 48 : index
        %get3A_1166 = tpu.vector_load %arg6[%get3A_1163, %get3A_1164, %get3A_1165] {strides = array<i32>} : memref<2x256x64xf32, #tpu.memory_space<vmem>>, vector<1x1x16xf32>,
        %get3A_1167 = vector.shape_cast %get3A_1166 : vector<1x1x16xf32> to vector<16xf32>
        %mul3A_1168 = arith.constant 8.000000e+00 : f32
        %mul3A_1169 = vector.broadcast %mul3A_1168 : f32 to vector<16xf32>
        %mul3A_1170 = arith.mulf %get3A_1167, %mul3A_1169 : vector<16xf32>
        %add3A_1171 = arith.constant 7 : i32
        %add3A_1172 = arith.addi %mul3A_541, %add3A_1171 : i32
        %swap3A_1173 = arith.constant 1 : i32
        %swap3A_1174 = arith.index_cast %swap3A_1173 : i32 to index
        %swap3A_1175 = arith.index_cast %add3A_1172 : i32 to index
        %swap3A_1176 = arith.constant 48 : index
        %swap3A_1177 = tpu.vector_load %arg7[%swap3A_1174, %swap3A_1175, %swap3A_1176] {strides = array<i32>} : memref<2x256x64xf32, #tpu.memory_space<vmem>>, vector<1x1x16xf32>,
        %swap3A_1178 = vector.shape_cast %swap3A_1177 : vector<1x1x16xf32> to vector<16xf32>
        %swap3A_1179 = vector.shape_cast %mul3A_1170 : vector<16xf32> to vector<1x1x16xf32>
        tpu.vector_store %arg7[%swap3A_1174, %swap3A_1175, %swap3A_1176], %swap3A_1179 {strides = array<i32>} : memref<2x256x64xf32, #tpu.memory_space<vmem>>, vector<1x1x16xf32>,
      }
      %scan3A_490 = arith.constant 32 : i32
      %mul3A_491 = arith.constant 256 : i32
      %mul3A_492 = arith.muli %add3A_445, %mul3A_491 : i32
      %add3A_493 = arith.addi %mul3A_2, %mul3A_492 : i32
      %dma_start3A_494 = arith.constant 1 : i32
      %dma_start3A_495 = arith.constant 0 : i32
      %dma_start3A_496 = arith.constant 0 : i32
      %dma_start3A_497 = tpu.memref_slice %arg7[%dma_start3A_494, %dma_start3A_495, %dma_start3A_496] : memref<2x256x64xf32, #tpu.memory_space<vmem>> -> memref<1x256x64xf32, #tpu.memory_space<vmem>>
      %dma_start3A_498 = tpu.memref_squeeze %dma_start3A_497 : memref<1x256x64xf32, #tpu.memory_space<vmem>> -> memref<256x64xf32, #tpu.memory_space<vmem>>
      %dma_start3A_499 = arith.constant 0 : i32
      %dma_start3A_500 = tpu.memref_slice %arg4[%add3A_493, %dma_start3A_499] : memref<819200x128xf32, #tpu.memory_space<hbm>> -> memref<256x64xf32, #tpu.memory_space<hbm>>
      %dma_start3A_501 = arith.constant 0 : i32
      %dma_start3A_502 = tpu.memref_slice %arg4[%add3A_493, %dma_start3A_501] : memref<819200x128xf32, #tpu.memory_space<hbm>> -> memref<256x64xf32, #tpu.memory_space<hbm>>
      %dma_start3A_503 = arith.constant 0 : i32
      %dma_start3A_504 = arith.constant 0 : i32
      %dma_start3A_505 = tpu.memref_slice %arg7[%dma_start3A_494, %dma_start3A_503, %dma_start3A_504] : memref<2x256x64xf32, #tpu.memory_space<vmem>> -> memref<1x256x64xf32, #tpu.memory_space<vmem>>
      %dma_start3A_506 = tpu.memref_squeeze %dma_start3A_505 : memref<1x256x64xf32, #tpu.memory_space<vmem>> -> memref<256x64xf32, #tpu.memory_space<vmem>>
      tpu.enqueue_dma source(%dma_start3A_506 : memref<256x64xf32, #tpu.memory_space<vmem>>) target(%dma_start3A_502 : memref<256x64xf32, #tpu.memory_space<hbm>>) target_semaphore(%arg11 : memref<!tpu.dma_semaphore, #tpu.memory_space<semaphore_mem>>)
      %add3A_507 = arith.constant 2 : i32
      %add3A_508 = arith.addi %add3A_445, %add3A_507 : i32
      %mul3A_509 = arith.constant 2 : i32
      %mul3A_510 = arith.muli %add3A_508, %mul3A_509 : i32
      %add3A_511 = arith.constant 0 : i32
      %add3A_512 = arith.addi %mul3A_510, %add3A_511 : i32
      %dma_start3A_513 = arith.constant 1 : i32
      %dma_start3A_514 = arith.constant 0 : i32
      %dma_start3A_515 = arith.constant 0 : i32
      %dma_start3A_516 = tpu.memref_slice %arg6[%dma_start3A_513, %dma_start3A_514, %dma_start3A_515] : memref<2x256x64xf32, #tpu.memory_space<vmem>> -> memref<1x128x64xf32, #tpu.memory_space<vmem>>
      %dma_start3A_517 = tpu.memref_squeeze %dma_start3A_516 : memref<1x128x64xf32, #tpu.memory_space<vmem>> -> memref<128x64xf32, #tpu.memory_space<vmem>>
      %dma_start3A_518 = arith.constant 0 : i32
      %dma_start3A_519 = tpu.memref_slice %arg5[%add3A_512, %dma_start3A_518] : memref<200x128xi32, #tpu.memory_space<vmem>> -> memref<1x128xi32, #tpu.memory_space<vmem>>
      %dma_start3A_520 = tpu.memref_squeeze %dma_start3A_519 : memref<1x128xi32, #tpu.memory_space<vmem>> -> memref<128xi32, #tpu.memory_space<vmem>>
      %dma_start3A_521 = arith.constant 0 : i32
      %dma_start3A_522 = arith.constant 0 : i32
      %dma_start3A_523 = tpu.memref_slice %arg2[%dma_start3A_521, %dma_start3A_522] : memref<2000000x64xf32, #tpu.memory_space<hbm>> -> memref<2000000x64xf32, #tpu.memory_space<hbm>>
      tpu.enqueue_indirect_dma source(%dma_start3A_523 : memref<2000000x64xf32, #tpu.memory_space<hbm>>) target(%dma_start3A_517 : memref<128x64xf32, #tpu.memory_space<vmem>>) offsets(%dma_start3A_520 : memref<128xi32, #tpu.memory_space<vmem>>) semaphore(%arg9 : memref<!tpu.dma_semaphore, #tpu.memory_space<semaphore_mem>>)
      %mul3A_524 = arith.constant 2 : i32
      %mul3A_525 = arith.muli %add3A_508, %mul3A_524 : i32
      %add3A_526 = arith.constant 1 : i32
      %add3A_527 = arith.addi %mul3A_525, %add3A_526 : i32
      %dma_start3A_528 = arith.constant 1 : i32
      %dma_start3A_529 = arith.constant 128 : i32
      %dma_start3A_530 = arith.constant 0 : i32
      %dma_start3A_531 = tpu.memref_slice %arg6[%dma_start3A_528, %dma_start3A_529, %dma_start3A_530] : memref<2x256x64xf32, #tpu.memory_space<vmem>> -> memref<1x128x64xf32, #tpu.memory_space<vmem>>
      %dma_start3A_532 = tpu.memref_squeeze %dma_start3A_531 : memref<1x128x64xf32, #tpu.memory_space<vmem>> -> memref<128x64xf32, #tpu.memory_space<vmem>>
      %dma_start3A_533 = arith.constant 0 : i32
      %dma_start3A_534 = tpu.memref_slice %arg5[%add3A_527, %dma_start3A_533] : memref<200x128xi32, #tpu.memory_space<vmem>> -> memref<1x128xi32, #tpu.memory_space<vmem>>
      %dma_start3A_535 = tpu.memref_squeeze %dma_start3A_534 : memref<1x128xi32, #tpu.memory_space<vmem>> -> memref<128xi32, #tpu.memory_space<vmem>>
      %dma_start3A_536 = arith.constant 0 : i32
      %dma_start3A_537 = arith.constant 0 : i32
      %dma_start3A_538 = tpu.memref_slice %arg2[%dma_start3A_536, %dma_start3A_537] : memref<2000000x64xf32, #tpu.memory_space<hbm>> -> memref<2000000x64xf32, #tpu.memory_space<hbm>>
      tpu.enqueue_indirect_dma source(%dma_start3A_538 : memref<2000000x64xf32, #tpu.memory_space<hbm>>) target(%dma_start3A_532 : memref<128x64xf32, #tpu.memory_space<vmem>>) offsets(%dma_start3A_535 : memref<128xi32, #tpu.memory_space<vmem>>) semaphore(%arg9 : memref<!tpu.dma_semaphore, #tpu.memory_space<semaphore_mem>>)
    }
    %scan3A_193 = arith.constant 48 : i32
    %dma_wait3A_194 = arith.constant 0 : i32
    %dma_wait3A_195 = arith.constant 0 : i32
    %dma_wait3A_196 = arith.constant 0 : i32
    %dma_wait3A_197 = arith.constant 0 : i32
    %dma_wait3A_198 = tpu.memref_slice %arg6[%dma_wait3A_195, %dma_wait3A_196, %dma_wait3A_197] : memref<2x256x64xf32, #tpu.memory_space<vmem>> -> memref<1x128x64xf32, #tpu.memory_space<vmem>>
    %dma_wait3A_199 = tpu.memref_squeeze %dma_wait3A_198 : memref<1x128x64xf32, #tpu.memory_space<vmem>> -> memref<128x64xf32, #tpu.memory_space<vmem>>
    %dma_wait3A_200 = arith.constant 0 : i32
    %dma_wait3A_201 = tpu.memref_slice %arg5[%dma_wait3A_194, %dma_wait3A_200] : memref<200x128xi32, #tpu.memory_space<vmem>> -> memref<1x128xi32, #tpu.memory_space<vmem>>
    %dma_wait3A_202 = tpu.memref_squeeze %dma_wait3A_201 : memref<1x128xi32, #tpu.memory_space<vmem>> -> memref<128xi32, #tpu.memory_space<vmem>>
    %dma_wait3A_203 = arith.constant 0 : i32
    %dma_wait3A_204 = arith.constant 0 : i32
    %dma_wait3A_205 = tpu.memref_slice %arg2[%dma_wait3A_203, %dma_wait3A_204] : memref<2000000x64xf32, #tpu.memory_space<hbm>> -> memref<2000000x64xf32, #tpu.memory_space<hbm>>
    tpu.wait_indirect_dma semaphore(%arg8 : memref<!tpu.dma_semaphore, #tpu.memory_space<semaphore_mem>>) src(%dma_wait3A_205 : memref<2000000x64xf32, #tpu.memory_space<hbm>>) dst(%dma_wait3A_199 : memref<128x64xf32, #tpu.memory_space<vmem>>)
    %dma_wait3A_206 = arith.constant 1 : i32
    %dma_wait3A_207 = arith.constant 0 : i32
    %dma_wait3A_208 = arith.constant 128 : i32
    %dma_wait3A_209 = arith.constant 0 : i32
    %dma_wait3A_210 = tpu.memref_slice %arg6[%dma_wait3A_207, %dma_wait3A_208, %dma_wait3A_209] : memref<2x256x64xf32, #tpu.memory_space<vmem>> -> memref<1x128x64xf32, #tpu.memory_space<vmem>>
    %dma_wait3A_211 = tpu.memref_squeeze %dma_wait3A_210 : memref<1x128x64xf32, #tpu.memory_space<vmem>> -> memref<128x64xf32, #tpu.memory_space<vmem>>
    %dma_wait3A_212 = arith.constant 0 : i32
    %dma_wait3A_213 = tpu.memref_slice %arg5[%dma_wait3A_206, %dma_wait3A_212] : memref<200x128xi32, #tpu.memory_space<vmem>> -> memref<1x128xi32, #tpu.memory_space<vmem>>
    %dma_wait3A_214 = tpu.memref_squeeze %dma_wait3A_213 : memref<1x128xi32, #tpu.memory_space<vmem>> -> memref<128xi32, #tpu.memory_space<vmem>>
    %dma_wait3A_215 = arith.constant 0 : i32
    %dma_wait3A_216 = arith.constant 0 : i32
    %dma_wait3A_217 = tpu.memref_slice %arg2[%dma_wait3A_215, %dma_wait3A_216] : memref<2000000x64xf32, #tpu.memory_space<hbm>> -> memref<2000000x64xf32, #tpu.memory_space<hbm>>
    tpu.wait_indirect_dma semaphore(%arg8 : memref<!tpu.dma_semaphore, #tpu.memory_space<semaphore_mem>>) src(%dma_wait3A_217 : memref<2000000x64xf32, #tpu.memory_space<hbm>>) dst(%dma_wait3A_211 : memref<128x64xf32, #tpu.memory_space<vmem>>)
    %add3A_218 = arith.constant 0 : i32
    %add3A_219 = arith.addi %mul3A_2, %add3A_218 : i32
    %dma_wait3A_220 = arith.constant 0 : i32
    %dma_wait3A_221 = arith.constant 0 : i32
    %dma_wait3A_222 = arith.constant 0 : i32
    %dma_wait3A_223 = tpu.memref_slice %arg7[%dma_wait3A_220, %dma_wait3A_221, %dma_wait3A_222] : memref<2x256x64xf32, #tpu.memory_space<vmem>> -> memref<1x256x64xf32, #tpu.memory_space<vmem>>
    %dma_wait3A_224 = tpu.memref_squeeze %dma_wait3A_223 : memref<1x256x64xf32, #tpu.memory_space<vmem>> -> memref<256x64xf32, #tpu.memory_space<vmem>>
    %dma_wait3A_225 = arith.constant 0 : i32
    %dma_wait3A_226 = tpu.memref_slice %arg4[%add3A_219, %dma_wait3A_225] : memref<819200x128xf32, #tpu.memory_space<hbm>> -> memref<256x64xf32, #tpu.memory_space<hbm>>
    %dma_wait3A_227 = arith.constant 0 : i32
    %dma_wait3A_228 = tpu.memref_slice %arg4[%add3A_219, %dma_wait3A_227] : memref<819200x128xf32, #tpu.memory_space<hbm>> -> memref<256x64xf32, #tpu.memory_space<hbm>>
    %dma_wait3A_229 = arith.constant 0 : i32
    %dma_wait3A_230 = arith.constant 0 : i32
    %dma_wait3A_231 = tpu.memref_slice %arg7[%dma_wait3A_220, %dma_wait3A_229, %dma_wait3A_230] : memref<2x256x64xf32, #tpu.memory_space<vmem>> -> memref<1x256x64xf32, #tpu.memory_space<vmem>>
    %dma_wait3A_232 = tpu.memref_squeeze %dma_wait3A_231 : memref<1x256x64xf32, #tpu.memory_space<vmem>> -> memref<256x64xf32, #tpu.memory_space<vmem>>
    tpu.wait_dma2 semaphore(%arg10 : memref<!tpu.dma_semaphore, #tpu.memory_space<semaphore_mem>>) src(%dma_wait3A_232 : memref<256x64xf32, #tpu.memory_space<vmem>>) dst(%dma_wait3A_228 : memref<256x64xf32, #tpu.memory_space<hbm>>)
    %scan3A_233 = arith.constant 0 : i32
    %scan3A_234 = arith.constant 0 : i32
    %scan3A_235 = arith.constant 32 : i32
    %scan3A_236 = arith.addi %scan3A_234, %scan3A_235 : i32
    %scan3A_237 = arith.constant 1 : i32
    scf.for %scan3A_344 = %scan3A_234 to %scan3A_236 step %scan3A_237  : i32 {
      %mul3A_345 = arith.constant 8 : i32
      %mul3A_346 = arith.muli %scan3A_344, %mul3A_345 : i32
      %add3A_347 = arith.constant 0 : i32
      %add3A_348 = arith.addi %mul3A_346, %add3A_347 : i32
      %get3A = arith.constant 0 : i32
      %get3A_349 = arith.index_cast %get3A : i32 to index
      %get3A_350 = arith.index_cast %add3A_348 : i32 to index
      %get3A_351 = arith.constant 0 : index
      %get3A_352 = tpu.vector_load %arg6[%get3A_349, %get3A_350, %get3A_351] {strides = array<i32>} : memref<2x256x64xf32, #tpu.memory_space<vmem>>, vector<1x1x16xf32>,
      %get3A_353 = vector.shape_cast %get3A_352 : vector<1x1x16xf32> to vector<16xf32>
      %mul3A_354 = arith.constant 8.000000e+00 : f32
      %mul3A_355 = vector.broadcast %mul3A_354 : f32 to vector<16xf32>
      %mul3A_356 = arith.mulf %get3A_353, %mul3A_355 : vector<16xf32>
      %add3A_357 = arith.constant 0 : i32
      %add3A_358 = arith.addi %mul3A_346, %add3A_357 : i32
      %swap3A = arith.constant 0 : i32
      %swap3A_359 = arith.index_cast %swap3A : i32 to index
      %swap3A_360 = arith.index_cast %add3A_358 : i32 to index
      %swap3A_361 = arith.constant 0 : index
      %swap3A_362 = tpu.vector_load %arg7[%swap3A_359, %swap3A_360, %swap3A_361] {strides = array<i32>} : memref<2x256x64xf32, #tpu.memory_space<vmem>>, vector<1x1x16xf32>,
      %swap3A_363 = vector.shape_cast %swap3A_362 : vector<1x1x16xf32> to vector<16xf32>
      %swap3A_364 = vector.shape_cast %mul3A_356 : vector<16xf32> to vector<1x1x16xf32>
      tpu.vector_store %arg7[%swap3A_359, %swap3A_360, %swap3A_361], %swap3A_364 {strides = array<i32>} : memref<2x256x64xf32, #tpu.memory_space<vmem>>, vector<1x1x16xf32>,
      %add3A_365 = arith.constant 0 : i32
      %add3A_366 = arith.addi %mul3A_346, %add3A_365 : i32
      %get3A_367 = arith.constant 0 : i32
      %get3A_368 = arith.index_cast %get3A_367 : i32 to index
      %get3A_369 = arith.index_cast %add3A_366 : i32 to index
      %get3A_370 = arith.constant 16 : index
      %get3A_371 = tpu.vector_load %arg6[%get3A_368, %get3A_369, %get3A_370] {strides = array<i32>} : memref<2x256x64xf32, #tpu.memory_space<vmem>>, vector<1x1x16xf32>,
      %get3A_372 = vector.shape_cast %get3A_371 : vector<1x1x16xf32> to vector<16xf32>
      %mul3A_373 = arith.constant 8.000000e+00 : f32
      %mul3A_374 = vector.broadcast %mul3A_373 : f32 to vector<16xf32>
      %mul3A_375 = arith.mulf %get3A_372, %mul3A_374 : vector<16xf32>
      %add3A_376 = arith.constant 0 : i32
      %add3A_377 = arith.addi %mul3A_346, %add3A_376 : i32
      %swap3A_378 = arith.constant 0 : i32
      %swap3A_379 = arith.index_cast %swap3A_378 : i32 to index
      %swap3A_380 = arith.index_cast %add3A_377 : i32 to index
      %swap3A_381 = arith.constant 16 : index
      %swap3A_382 = tpu.vector_load %arg7[%swap3A_379, %swap3A_380, %swap3A_381] {strides = array<i32>} : memref<2x256x64xf32, #tpu.memory_space<vmem>>, vector<1x1x16xf32>,
      %swap3A_383 = vector.shape_cast %swap3A_382 : vector<1x1x16xf32> to vector<16xf32>
      %swap3A_384 = vector.shape_cast %mul3A_375 : vector<16xf32> to vector<1x1x16xf32>
      tpu.vector_store %arg7[%swap3A_379, %swap3A_380, %swap3A_381], %swap3A_384 {strides = array<i32>} : memref<2x256x64xf32, #tpu.memory_space<vmem>>, vector<1x1x16xf32>,
      %add3A_385 = arith.constant 0 : i32
      %add3A_386 = arith.addi %mul3A_346, %add3A_385 : i32
      %get3A_387 = arith.constant 0 : i32
      %get3A_388 = arith.index_cast %get3A_387 : i32 to index
      %get3A_389 = arith.index_cast %add3A_386 : i32 to index
      %get3A_390 = arith.constant 32 : index
      %get3A_391 = tpu.vector_load %arg6[%get3A_388, %get3A_389, %get3A_390] {strides = array<i32>} : memref<2x256x64xf32, #tpu.memory_space<vmem>>, vector<1x1x16xf32>,
      %get3A_392 = vector.shape_cast %get3A_391 : vector<1x1x16xf32> to vector<16xf32>
      %mul3A_393 = arith.constant 8.000000e+00 : f32
      %mul3A_394 = vector.broadcast %mul3A_393 : f32 to vector<16xf32>
      %mul3A_395 = arith.mulf %get3A_392, %mul3A_394 : vector<16xf32>
      %add3A_396 = arith.constant 0 : i32
      %add3A_397 = arith.addi %mul3A_346, %add3A_396 : i32
      %swap3A_398 = arith.constant 0 : i32
      %swap3A_399 = arith.index_cast %swap3A_398 : i32 to index
      %swap3A_400 = arith.index_cast %add3A_397 : i32 to index
      %swap3A_401 = arith.constant 32 : index
      %swap3A_402 = tpu.vector_load %arg7[%swap3A_399, %swap3A_400, %swap3A_401] {strides = array<i32>} : memref<2x256x64xf32, #tpu.memory_space<vmem>>, vector<1x1x16xf32>,
      %swap3A_403 = vector.shape_cast %swap3A_402 : vector<1x1x16xf32> to vector<16xf32>
      %swap3A_404 = vector.shape_cast %mul3A_395 : vector<16xf32> to vector<1x1x16xf32>
      tpu.vector_store %arg7[%swap3A_399, %swap3A_400, %swap3A_401], %swap3A_404 {strides = array<i32>} : memref<2x256x64xf32, #tpu.memory_space<vmem>>, vector<1x1x16xf32>,
      %add3A_405 = arith.constant 0 : i32
      %add3A_406 = arith.addi %mul3A_346, %add3A_405 : i32
      %get3A_407 = arith.constant 0 : i32
      %get3A_408 = arith.index_cast %get3A_407 : i32 to index
      %get3A_409 = arith.index_cast %add3A_406 : i32 to index
      %get3A_410 = arith.constant 48 : index
      %get3A_411 = tpu.vector_load %arg6[%get3A_408, %get3A_409, %get3A_410] {strides = array<i32>} : memref<2x256x64xf32, #tpu.memory_space<vmem>>, vector<1x1x16xf32>,
      %get3A_412 = vector.shape_cast %get3A_411 : vector<1x1x16xf32> to vector<16xf32>
      %mul3A_413 = arith.constant 8.000000e+00 : f32
      %mul3A_414 = vector.broadcast %mul3A_413 : f32 to vector<16xf32>
      %mul3A_415 = arith.mulf %get3A_412, %mul3A_414 : vector<16xf32>
      %add3A_416 = arith.constant 0 : i32
      %add3A_417 = arith.addi %mul3A_346, %add3A_416 : i32
      %swap3A_418 = arith.constant 0 : i32
      %swap3A_419 = arith.index_cast %swap3A_418 : i32 to index
      %swap3A_420 = arith.index_cast %add3A_417 : i32 to index
      %swap3A_421 = arith.constant 48 : index
      %swap3A_422 = tpu.vector_load %arg7[%swap3A_419, %swap3A_420, %swap3A_421] {strides = array<i32>} : memref<2x256x64xf32, #tpu.memory_space<vmem>>, vector<1x1x16xf32>,
      %swap3A_423 = vector.shape_cast %swap3A_422 : vector<1x1x16xf32> to vector<16xf32>
      %swap3A_424 = vector.shape_cast %mul3A_415 : vector<16xf32> to vector<1x1x16xf32>
      tpu.vector_store %arg7[%swap3A_419, %swap3A_420, %swap3A_421], %swap3A_424 {strides = array<i32>} : memref<2x256x64xf32, #tpu.memory_space<vmem>>, vector<1x1x16xf32>,
      %add3A_425 = arith.constant 1 : i32
      %add3A_426 = arith.addi %mul3A_346, %add3A_425 : i32
      %get3A_427 = arith.constant 0 : i32
      %get3A_428 = arith.index_cast %get3A_427 : i32 to index
      %get3A_429 = arith.index_cast %add3A_426 : i32 to index
      %get3A_430 = arith.constant 0 : index
      %get3A_431 = tpu.vector_load %arg6[%get3A_428, %get3A_429, %get3A_430] {strides = array<i32>} : memref<2x256x64xf32, #tpu.memory_space<vmem>>, vector<1x1x16xf32>,
      %get3A_432 = vector.shape_cast %get3A_431 : vector<1x1x16xf32> to vector<16xf32>
      %mul3A_433 = arith.constant 8.000000e+00 : f32
      %mul3A_434 = vector.broadcast %mul3A_433 : f32 to vector<16xf32>
      %mul3A_435 = arith.mulf %get3A_432, %mul3A_434 : vector<16xf32>
      %add3A_436 = arith.constant 1 : i32
      %add3A_437 = arith.addi %mul3A_346, %add3A_436 : i32
      %swap3A_438 = arith.constant 0 : i32
      %swap3A_439 = arith.index_cast %swap3A_438 : i32 to index
      %swap3A_440 = arith.index_cast %add3A_437 : i32 to index
      %swap3A_441 = arith.constant 0 : index
      %swap3A_442 = tpu.vector_load %arg7[%swap3A_439, %swap3A_440, %swap3A_441] {strides = array<i32>} : memref<2x256x64xf32, #tpu.memory_space<vmem>>, vector<1x1x16xf32>,
      %swap3A_443 = vector.shape_cast %swap3A_442 : vector<1x1x16xf32> to vector<16xf32>
      %swap3A_444 = vector.shape_cast %mul3A_435 : vector<16xf32> to vector<1x1x16xf32>
      tpu.vector_store %arg7[%swap3A_439, %swap3A_440, %swap3A_441], %swap3A_444 {strides = array<i32>} : memref<2x256x64xf32, #tpu.memory_space<vmem>>, vector<1x1x16xf32>,
      %add3A_445 = arith.constant 1 : i32
      %add3A_446 = arith.addi %mul3A_346, %add3A_445 : i32
      %get3A_447 = arith.constant 0 : i32
      %get3A_448 = arith.index_cast %get3A_447 : i32 to index
      %get3A_449 = arith.index_cast %add3A_446 : i32 to index
      %get3A_450 = arith.constant 16 : index
      %get3A_451 = tpu.vector_load %arg6[%get3A_448, %get3A_449, %get3A_450] {strides = array<i32>} : memref<2x256x64xf32, #tpu.memory_space<vmem>>, vector<1x1x16xf32>,
      %get3A_452 = vector.shape_cast %get3A_451 : vector<1x1x16xf32> to vector<16xf32>
      %mul3A_453 = arith.constant 8.000000e+00 : f32
      %mul3A_454 = vector.broadcast %mul3A_453 : f32 to vector<16xf32>
      %mul3A_455 = arith.mulf %get3A_452, %mul3A_454 : vector<16xf32>
      %add3A_456 = arith.constant 1 : i32
      %add3A_457 = arith.addi %mul3A_346, %add3A_456 : i32
      %swap3A_458 = arith.constant 0 : i32
      %swap3A_459 = arith.index_cast %swap3A_458 : i32 to index
      %swap3A_460 = arith.index_cast %add3A_457 : i32 to index
      %swap3A_461 = arith.constant 16 : index
      %swap3A_462 = tpu.vector_load %arg7[%swap3A_459, %swap3A_460, %swap3A_461] {strides = array<i32>} : memref<2x256x64xf32, #tpu.memory_space<vmem>>, vector<1x1x16xf32>,
      %swap3A_463 = vector.shape_cast %swap3A_462 : vector<1x1x16xf32> to vector<16xf32>
      %swap3A_464 = vector.shape_cast %mul3A_455 : vector<16xf32> to vector<1x1x16xf32>
      tpu.vector_store %arg7[%swap3A_459, %swap3A_460, %swap3A_461], %swap3A_464 {strides = array<i32>} : memref<2x256x64xf32, #tpu.memory_space<vmem>>, vector<1x1x16xf32>,
      %add3A_465 = arith.constant 1 : i32
      %add3A_466 = arith.addi %mul3A_346, %add3A_465 : i32
      %get3A_467 = arith.constant 0 : i32
      %get3A_468 = arith.index_cast %get3A_467 : i32 to index
      %get3A_469 = arith.index_cast %add3A_466 : i32 to index
      %get3A_470 = arith.constant 32 : index
      %get3A_471 = tpu.vector_load %arg6[%get3A_468, %get3A_469, %get3A_470] {strides = array<i32>} : memref<2x256x64xf32, #tpu.memory_space<vmem>>, vector<1x1x16xf32>,
      %get3A_472 = vector.shape_cast %get3A_471 : vector<1x1x16xf32> to vector<16xf32>
      %mul3A_473 = arith.constant 8.000000e+00 : f32
      %mul3A_474 = vector.broadcast %mul3A_473 : f32 to vector<16xf32>
      %mul3A_475 = arith.mulf %get3A_472, %mul3A_474 : vector<16xf32>
      %add3A_476 = arith.constant 1 : i32
      %add3A_477 = arith.addi %mul3A_346, %add3A_476 : i32
      %swap3A_478 = arith.constant 0 : i32
      %swap3A_479 = arith.index_cast %swap3A_478 : i32 to index
      %swap3A_480 = arith.index_cast %add3A_477 : i32 to index
      %swap3A_481 = arith.constant 32 : index
      %swap3A_482 = tpu.vector_load %arg7[%swap3A_479, %swap3A_480, %swap3A_481] {strides = array<i32>} : memref<2x256x64xf32, #tpu.memory_space<vmem>>, vector<1x1x16xf32>,
      %swap3A_483 = vector.shape_cast %swap3A_482 : vector<1x1x16xf32> to vector<16xf32>
      %swap3A_484 = vector.shape_cast %mul3A_475 : vector<16xf32> to vector<1x1x16xf32>
      tpu.vector_store %arg7[%swap3A_479, %swap3A_480, %swap3A_481], %swap3A_484 {strides = array<i32>} : memref<2x256x64xf32, #tpu.memory_space<vmem>>, vector<1x1x16xf32>,
      %add3A_485 = arith.constant 1 : i32
      %add3A_486 = arith.addi %mul3A_346, %add3A_485 : i32
      %get3A_487 = arith.constant 0 : i32
      %get3A_488 = arith.index_cast %get3A_487 : i32 to index
      %get3A_489 = arith.index_cast %add3A_486 : i32 to index
      %get3A_490 = arith.constant 48 : index
      %get3A_491 = tpu.vector_load %arg6[%get3A_488, %get3A_489, %get3A_490] {strides = array<i32>} : memref<2x256x64xf32, #tpu.memory_space<vmem>>, vector<1x1x16xf32>,
      %get3A_492 = vector.shape_cast %get3A_491 : vector<1x1x16xf32> to vector<16xf32>
      %mul3A_493 = arith.constant 8.000000e+00 : f32
      %mul3A_494 = vector.broadcast %mul3A_493 : f32 to vector<16xf32>
      %mul3A_495 = arith.mulf %get3A_492, %mul3A_494 : vector<16xf32>
      %add3A_496 = arith.constant 1 : i32
      %add3A_497 = arith.addi %mul3A_346, %add3A_496 : i32
      %swap3A_498 = arith.constant 0 : i32
      %swap3A_499 = arith.index_cast %swap3A_498 : i32 to index
      %swap3A_500 = arith.index_cast %add3A_497 : i32 to index
      %swap3A_501 = arith.constant 48 : index
      %swap3A_502 = tpu.vector_load %arg7[%swap3A_499, %swap3A_500, %swap3A_501] {strides = array<i32>} : memref<2x256x64xf32, #tpu.memory_space<vmem>>, vector<1x1x16xf32>,
      %swap3A_503 = vector.shape_cast %swap3A_502 : vector<1x1x16xf32> to vector<16xf32>
      %swap3A_504 = vector.shape_cast %mul3A_495 : vector<16xf32> to vector<1x1x16xf32>
      tpu.vector_store %arg7[%swap3A_499, %swap3A_500, %swap3A_501], %swap3A_504 {strides = array<i32>} : memref<2x256x64xf32, #tpu.memory_space<vmem>>, vector<1x1x16xf32>,
      %add3A_505 = arith.constant 2 : i32
      %add3A_506 = arith.addi %mul3A_346, %add3A_505 : i32
      %get3A_507 = arith.constant 0 : i32
      %get3A_508 = arith.index_cast %get3A_507 : i32 to index
      %get3A_509 = arith.index_cast %add3A_506 : i32 to index
      %get3A_510 = arith.constant 0 : index
      %get3A_511 = tpu.vector_load %arg6[%get3A_508, %get3A_509, %get3A_510] {strides = array<i32>} : memref<2x256x64xf32, #tpu.memory_space<vmem>>, vector<1x1x16xf32>,
      %get3A_512 = vector.shape_cast %get3A_511 : vector<1x1x16xf32> to vector<16xf32>
      %mul3A_513 = arith.constant 8.000000e+00 : f32
      %mul3A_514 = vector.broadcast %mul3A_513 : f32 to vector<16xf32>
      %mul3A_515 = arith.mulf %get3A_512, %mul3A_514 : vector<16xf32>
      %add3A_516 = arith.constant 2 : i32
      %add3A_517 = arith.addi %mul3A_346, %add3A_516 : i32
      %swap3A_518 = arith.constant 0 : i32
      %swap3A_519 = arith.index_cast %swap3A_518 : i32 to index
      %swap3A_520 = arith.index_cast %add3A_517 : i32 to index
      %swap3A_521 = arith.constant 0 : index
      %swap3A_522 = tpu.vector_load %arg7[%swap3A_519, %swap3A_520, %swap3A_521] {strides = array<i32>} : memref<2x256x64xf32, #tpu.memory_space<vmem>>, vector<1x1x16xf32>,
      %swap3A_523 = vector.shape_cast %swap3A_522 : vector<1x1x16xf32> to vector<16xf32>
      %swap3A_524 = vector.shape_cast %mul3A_515 : vector<16xf32> to vector<1x1x16xf32>
      tpu.vector_store %arg7[%swap3A_519, %swap3A_520, %swap3A_521], %swap3A_524 {strides = array<i32>} : memref<2x256x64xf32, #tpu.memory_space<vmem>>, vector<1x1x16xf32>,
      %add3A_525 = arith.constant 2 : i32
      %add3A_526 = arith.addi %mul3A_346, %add3A_525 : i32
      %get3A_527 = arith.constant 0 : i32
      %get3A_528 = arith.index_cast %get3A_527 : i32 to index
      %get3A_529 = arith.index_cast %add3A_526 : i32 to index
      %get3A_530 = arith.constant 16 : index
      %get3A_531 = tpu.vector_load %arg6[%get3A_528, %get3A_529, %get3A_530] {strides = array<i32>} : memref<2x256x64xf32, #tpu.memory_space<vmem>>, vector<1x1x16xf32>,
      %get3A_532 = vector.shape_cast %get3A_531 : vector<1x1x16xf32> to vector<16xf32>
      %mul3A_533 = arith.constant 8.000000e+00 : f32
      %mul3A_534 = vector.broadcast %mul3A_533 : f32 to vector<16xf32>
      %mul3A_535 = arith.mulf %get3A_532, %mul3A_534 : vector<16xf32>
      %add3A_536 = arith.constant 2 : i32
      %add3A_537 = arith.addi %mul3A_346, %add3A_536 : i32
      %swap3A_538 = arith.constant 0 : i32
      %swap3A_539 = arith.index_cast %swap3A_538 : i32 to index
      %swap3A_540 = arith.index_cast %add3A_537 : i32 to index
      %swap3A_541 = arith.constant 16 : index
      %swap3A_542 = tpu.vector_load %arg7[%swap3A_539, %swap3A_540, %swap3A_541] {strides = array<i32>} : memref<2x256x64xf32, #tpu.memory_space<vmem>>, vector<1x1x16xf32>,
      %swap3A_543 = vector.shape_cast %swap3A_542 : vector<1x1x16xf32> to vector<16xf32>
      %swap3A_544 = vector.shape_cast %mul3A_535 : vector<16xf32> to vector<1x1x16xf32>
      tpu.vector_store %arg7[%swap3A_539, %swap3A_540, %swap3A_541], %swap3A_544 {strides = array<i32>} : memref<2x256x64xf32, #tpu.memory_space<vmem>>, vector<1x1x16xf32>,
      %add3A_545 = arith.constant 2 : i32
      %add3A_546 = arith.addi %mul3A_346, %add3A_545 : i32
      %get3A_547 = arith.constant 0 : i32
      %get3A_548 = arith.index_cast %get3A_547 : i32 to index
      %get3A_549 = arith.index_cast %add3A_546 : i32 to index
      %get3A_550 = arith.constant 32 : index
      %get3A_551 = tpu.vector_load %arg6[%get3A_548, %get3A_549, %get3A_550] {strides = array<i32>} : memref<2x256x64xf32, #tpu.memory_space<vmem>>, vector<1x1x16xf32>,
      %get3A_552 = vector.shape_cast %get3A_551 : vector<1x1x16xf32> to vector<16xf32>
      %mul3A_553 = arith.constant 8.000000e+00 : f32
      %mul3A_554 = vector.broadcast %mul3A_553 : f32 to vector<16xf32>
      %mul3A_555 = arith.mulf %get3A_552, %mul3A_554 : vector<16xf32>
      %add3A_556 = arith.constant 2 : i32
      %add3A_557 = arith.addi %mul3A_346, %add3A_556 : i32
      %swap3A_558 = arith.constant 0 : i32
      %swap3A_559 = arith.index_cast %swap3A_558 : i32 to index
      %swap3A_560 = arith.index_cast %add3A_557 : i32 to index
      %swap3A_561 = arith.constant 32 : index
      %swap3A_562 = tpu.vector_load %arg7[%swap3A_559, %swap3A_560, %swap3A_561] {strides = array<i32>} : memref<2x256x64xf32, #tpu.memory_space<vmem>>, vector<1x1x16xf32>,
      %swap3A_563 = vector.shape_cast %swap3A_562 : vector<1x1x16xf32> to vector<16xf32>
      %swap3A_564 = vector.shape_cast %mul3A_555 : vector<16xf32> to vector<1x1x16xf32>
      tpu.vector_store %arg7[%swap3A_559, %swap3A_560, %swap3A_561], %swap3A_564 {strides = array<i32>} : memref<2x256x64xf32, #tpu.memory_space<vmem>>, vector<1x1x16xf32>,
      %add3A_565 = arith.constant 2 : i32
      %add3A_566 = arith.addi %mul3A_346, %add3A_565 : i32
      %get3A_567 = arith.constant 0 : i32
      %get3A_568 = arith.index_cast %get3A_567 : i32 to index
      %get3A_569 = arith.index_cast %add3A_566 : i32 to index
      %get3A_570 = arith.constant 48 : index
      %get3A_571 = tpu.vector_load %arg6[%get3A_568, %get3A_569, %get3A_570] {strides = array<i32>} : memref<2x256x64xf32, #tpu.memory_space<vmem>>, vector<1x1x16xf32>,
      %get3A_572 = vector.shape_cast %get3A_571 : vector<1x1x16xf32> to vector<16xf32>
      %mul3A_573 = arith.constant 8.000000e+00 : f32
      %mul3A_574 = vector.broadcast %mul3A_573 : f32 to vector<16xf32>
      %mul3A_575 = arith.mulf %get3A_572, %mul3A_574 : vector<16xf32>
      %add3A_576 = arith.constant 2 : i32
      %add3A_577 = arith.addi %mul3A_346, %add3A_576 : i32
      %swap3A_578 = arith.constant 0 : i32
      %swap3A_579 = arith.index_cast %swap3A_578 : i32 to index
      %swap3A_580 = arith.index_cast %add3A_577 : i32 to index
      %swap3A_581 = arith.constant 48 : index
      %swap3A_582 = tpu.vector_load %arg7[%swap3A_579, %swap3A_580, %swap3A_581] {strides = array<i32>} : memref<2x256x64xf32, #tpu.memory_space<vmem>>, vector<1x1x16xf32>,
      %swap3A_583 = vector.shape_cast %swap3A_582 : vector<1x1x16xf32> to vector<16xf32>
      %swap3A_584 = vector.shape_cast %mul3A_575 : vector<16xf32> to vector<1x1x16xf32>
      tpu.vector_store %arg7[%swap3A_579, %swap3A_580, %swap3A_581], %swap3A_584 {strides = array<i32>} : memref<2x256x64xf32, #tpu.memory_space<vmem>>, vector<1x1x16xf32>,
      %add3A_585 = arith.constant 3 : i32
      %add3A_586 = arith.addi %mul3A_346, %add3A_585 : i32
      %get3A_587 = arith.constant 0 : i32
      %get3A_588 = arith.index_cast %get3A_587 : i32 to index
      %get3A_589 = arith.index_cast %add3A_586 : i32 to index
      %get3A_590 = arith.constant 0 : index
      %get3A_591 = tpu.vector_load %arg6[%get3A_588, %get3A_589, %get3A_590] {strides = array<i32>} : memref<2x256x64xf32, #tpu.memory_space<vmem>>, vector<1x1x16xf32>,
      %get3A_592 = vector.shape_cast %get3A_591 : vector<1x1x16xf32> to vector<16xf32>
      %mul3A_593 = arith.constant 8.000000e+00 : f32
      %mul3A_594 = vector.broadcast %mul3A_593 : f32 to vector<16xf32>
      %mul3A_595 = arith.mulf %get3A_592, %mul3A_594 : vector<16xf32>
      %add3A_596 = arith.constant 3 : i32
      %add3A_597 = arith.addi %mul3A_346, %add3A_596 : i32
      %swap3A_598 = arith.constant 0 : i32
      %swap3A_599 = arith.index_cast %swap3A_598 : i32 to index
      %swap3A_600 = arith.index_cast %add3A_597 : i32 to index
      %swap3A_601 = arith.constant 0 : index
      %swap3A_602 = tpu.vector_load %arg7[%swap3A_599, %swap3A_600, %swap3A_601] {strides = array<i32>} : memref<2x256x64xf32, #tpu.memory_space<vmem>>, vector<1x1x16xf32>,
      %swap3A_603 = vector.shape_cast %swap3A_602 : vector<1x1x16xf32> to vector<16xf32>
      %swap3A_604 = vector.shape_cast %mul3A_595 : vector<16xf32> to vector<1x1x16xf32>
      tpu.vector_store %arg7[%swap3A_599, %swap3A_600, %swap3A_601], %swap3A_604 {strides = array<i32>} : memref<2x256x64xf32, #tpu.memory_space<vmem>>, vector<1x1x16xf32>,
      %add3A_605 = arith.constant 3 : i32
      %add3A_606 = arith.addi %mul3A_346, %add3A_605 : i32
      %get3A_607 = arith.constant 0 : i32
      %get3A_608 = arith.index_cast %get3A_607 : i32 to index
      %get3A_609 = arith.index_cast %add3A_606 : i32 to index
      %get3A_610 = arith.constant 16 : index
      %get3A_611 = tpu.vector_load %arg6[%get3A_608, %get3A_609, %get3A_610] {strides = array<i32>} : memref<2x256x64xf32, #tpu.memory_space<vmem>>, vector<1x1x16xf32>,
      %get3A_612 = vector.shape_cast %get3A_611 : vector<1x1x16xf32> to vector<16xf32>
      %mul3A_613 = arith.constant 8.000000e+00 : f32
      %mul3A_614 = vector.broadcast %mul3A_613 : f32 to vector<16xf32>
      %mul3A_615 = arith.mulf %get3A_612, %mul3A_614 : vector<16xf32>
      %add3A_616 = arith.constant 3 : i32
      %add3A_617 = arith.addi %mul3A_346, %add3A_616 : i32
      %swap3A_618 = arith.constant 0 : i32
      %swap3A_619 = arith.index_cast %swap3A_618 : i32 to index
      %swap3A_620 = arith.index_cast %add3A_617 : i32 to index
      %swap3A_621 = arith.constant 16 : index
      %swap3A_622 = tpu.vector_load %arg7[%swap3A_619, %swap3A_620, %swap3A_621] {strides = array<i32>} : memref<2x256x64xf32, #tpu.memory_space<vmem>>, vector<1x1x16xf32>,
      %swap3A_623 = vector.shape_cast %swap3A_622 : vector<1x1x16xf32> to vector<16xf32>
      %swap3A_624 = vector.shape_cast %mul3A_615 : vector<16xf32> to vector<1x1x16xf32>
      tpu.vector_store %arg7[%swap3A_619, %swap3A_620, %swap3A_621], %swap3A_624 {strides = array<i32>} : memref<2x256x64xf32, #tpu.memory_space<vmem>>, vector<1x1x16xf32>,
      %add3A_625 = arith.constant 3 : i32
      %add3A_626 = arith.addi %mul3A_346, %add3A_625 : i32
      %get3A_627 = arith.constant 0 : i32
      %get3A_628 = arith.index_cast %get3A_627 : i32 to index
      %get3A_629 = arith.index_cast %add3A_626 : i32 to index
      %get3A_630 = arith.constant 32 : index
      %get3A_631 = tpu.vector_load %arg6[%get3A_628, %get3A_629, %get3A_630] {strides = array<i32>} : memref<2x256x64xf32, #tpu.memory_space<vmem>>, vector<1x1x16xf32>,
      %get3A_632 = vector.shape_cast %get3A_631 : vector<1x1x16xf32> to vector<16xf32>
      %mul3A_633 = arith.constant 8.000000e+00 : f32
      %mul3A_634 = vector.broadcast %mul3A_633 : f32 to vector<16xf32>
      %mul3A_635 = arith.mulf %get3A_632, %mul3A_634 : vector<16xf32>
      %add3A_636 = arith.constant 3 : i32
      %add3A_637 = arith.addi %mul3A_346, %add3A_636 : i32
      %swap3A_638 = arith.constant 0 : i32
      %swap3A_639 = arith.index_cast %swap3A_638 : i32 to index
      %swap3A_640 = arith.index_cast %add3A_637 : i32 to index
      %swap3A_641 = arith.constant 32 : index
      %swap3A_642 = tpu.vector_load %arg7[%swap3A_639, %swap3A_640, %swap3A_641] {strides = array<i32>} : memref<2x256x64xf32, #tpu.memory_space<vmem>>, vector<1x1x16xf32>,
      %swap3A_643 = vector.shape_cast %swap3A_642 : vector<1x1x16xf32> to vector<16xf32>
      %swap3A_644 = vector.shape_cast %mul3A_635 : vector<16xf32> to vector<1x1x16xf32>
      tpu.vector_store %arg7[%swap3A_639, %swap3A_640, %swap3A_641], %swap3A_644 {strides = array<i32>} : memref<2x256x64xf32, #tpu.memory_space<vmem>>, vector<1x1x16xf32>,
      %add3A_645 = arith.constant 3 : i32
      %add3A_646 = arith.addi %mul3A_346, %add3A_645 : i32
      %get3A_647 = arith.constant 0 : i32
      %get3A_648 = arith.index_cast %get3A_647 : i32 to index
      %get3A_649 = arith.index_cast %add3A_646 : i32 to index
      %get3A_650 = arith.constant 48 : index
      %get3A_651 = tpu.vector_load %arg6[%get3A_648, %get3A_649, %get3A_650] {strides = array<i32>} : memref<2x256x64xf32, #tpu.memory_space<vmem>>, vector<1x1x16xf32>,
      %get3A_652 = vector.shape_cast %get3A_651 : vector<1x1x16xf32> to vector<16xf32>
      %mul3A_653 = arith.constant 8.000000e+00 : f32
      %mul3A_654 = vector.broadcast %mul3A_653 : f32 to vector<16xf32>
      %mul3A_655 = arith.mulf %get3A_652, %mul3A_654 : vector<16xf32>
      %add3A_656 = arith.constant 3 : i32
      %add3A_657 = arith.addi %mul3A_346, %add3A_656 : i32
      %swap3A_658 = arith.constant 0 : i32
      %swap3A_659 = arith.index_cast %swap3A_658 : i32 to index
      %swap3A_660 = arith.index_cast %add3A_657 : i32 to index
      %swap3A_661 = arith.constant 48 : index
      %swap3A_662 = tpu.vector_load %arg7[%swap3A_659, %swap3A_660, %swap3A_661] {strides = array<i32>} : memref<2x256x64xf32, #tpu.memory_space<vmem>>, vector<1x1x16xf32>,
      %swap3A_663 = vector.shape_cast %swap3A_662 : vector<1x1x16xf32> to vector<16xf32>
      %swap3A_664 = vector.shape_cast %mul3A_655 : vector<16xf32> to vector<1x1x16xf32>
      tpu.vector_store %arg7[%swap3A_659, %swap3A_660, %swap3A_661], %swap3A_664 {strides = array<i32>} : memref<2x256x64xf32, #tpu.memory_space<vmem>>, vector<1x1x16xf32>,
      %add3A_665 = arith.constant 4 : i32
      %add3A_666 = arith.addi %mul3A_346, %add3A_665 : i32
      %get3A_667 = arith.constant 0 : i32
      %get3A_668 = arith.index_cast %get3A_667 : i32 to index
      %get3A_669 = arith.index_cast %add3A_666 : i32 to index
      %get3A_670 = arith.constant 0 : index
      %get3A_671 = tpu.vector_load %arg6[%get3A_668, %get3A_669, %get3A_670] {strides = array<i32>} : memref<2x256x64xf32, #tpu.memory_space<vmem>>, vector<1x1x16xf32>,
      %get3A_672 = vector.shape_cast %get3A_671 : vector<1x1x16xf32> to vector<16xf32>
      %mul3A_673 = arith.constant 8.000000e+00 : f32
      %mul3A_674 = vector.broadcast %mul3A_673 : f32 to vector<16xf32>
      %mul3A_675 = arith.mulf %get3A_672, %mul3A_674 : vector<16xf32>
      %add3A_676 = arith.constant 4 : i32
      %add3A_677 = arith.addi %mul3A_346, %add3A_676 : i32
      %swap3A_678 = arith.constant 0 : i32
      %swap3A_679 = arith.index_cast %swap3A_678 : i32 to index
      %swap3A_680 = arith.index_cast %add3A_677 : i32 to index
      %swap3A_681 = arith.constant 0 : index
      %swap3A_682 = tpu.vector_load %arg7[%swap3A_679, %swap3A_680, %swap3A_681] {strides = array<i32>} : memref<2x256x64xf32, #tpu.memory_space<vmem>>, vector<1x1x16xf32>,
      %swap3A_683 = vector.shape_cast %swap3A_682 : vector<1x1x16xf32> to vector<16xf32>
      %swap3A_684 = vector.shape_cast %mul3A_675 : vector<16xf32> to vector<1x1x16xf32>
      tpu.vector_store %arg7[%swap3A_679, %swap3A_680, %swap3A_681], %swap3A_684 {strides = array<i32>} : memref<2x256x64xf32, #tpu.memory_space<vmem>>, vector<1x1x16xf32>,
      %add3A_685 = arith.constant 4 : i32
      %add3A_686 = arith.addi %mul3A_346, %add3A_685 : i32
      %get3A_687 = arith.constant 0 : i32
      %get3A_688 = arith.index_cast %get3A_687 : i32 to index
      %get3A_689 = arith.index_cast %add3A_686 : i32 to index
      %get3A_690 = arith.constant 16 : index
      %get3A_691 = tpu.vector_load %arg6[%get3A_688, %get3A_689, %get3A_690] {strides = array<i32>} : memref<2x256x64xf32, #tpu.memory_space<vmem>>, vector<1x1x16xf32>,
      %get3A_692 = vector.shape_cast %get3A_691 : vector<1x1x16xf32> to vector<16xf32>
      %mul3A_693 = arith.constant 8.000000e+00 : f32
      %mul3A_694 = vector.broadcast %mul3A_693 : f32 to vector<16xf32>
      %mul3A_695 = arith.mulf %get3A_692, %mul3A_694 : vector<16xf32>
      %add3A_696 = arith.constant 4 : i32
      %add3A_697 = arith.addi %mul3A_346, %add3A_696 : i32
      %swap3A_698 = arith.constant 0 : i32
      %swap3A_699 = arith.index_cast %swap3A_698 : i32 to index
      %swap3A_700 = arith.index_cast %add3A_697 : i32 to index
      %swap3A_701 = arith.constant 16 : index
      %swap3A_702 = tpu.vector_load %arg7[%swap3A_699, %swap3A_700, %swap3A_701] {strides = array<i32>} : memref<2x256x64xf32, #tpu.memory_space<vmem>>, vector<1x1x16xf32>,
      %swap3A_703 = vector.shape_cast %swap3A_702 : vector<1x1x16xf32> to vector<16xf32>
      %swap3A_704 = vector.shape_cast %mul3A_695 : vector<16xf32> to vector<1x1x16xf32>
      tpu.vector_store %arg7[%swap3A_699, %swap3A_700, %swap3A_701], %swap3A_704 {strides = array<i32>} : memref<2x256x64xf32, #tpu.memory_space<vmem>>, vector<1x1x16xf32>,
      %add3A_705 = arith.constant 4 : i32
      %add3A_706 = arith.addi %mul3A_346, %add3A_705 : i32
      %get3A_707 = arith.constant 0 : i32
      %get3A_708 = arith.index_cast %get3A_707 : i32 to index
      %get3A_709 = arith.index_cast %add3A_706 : i32 to index
      %get3A_710 = arith.constant 32 : index
      %get3A_711 = tpu.vector_load %arg6[%get3A_708, %get3A_709, %get3A_710] {strides = array<i32>} : memref<2x256x64xf32, #tpu.memory_space<vmem>>, vector<1x1x16xf32>,
      %get3A_712 = vector.shape_cast %get3A_711 : vector<1x1x16xf32> to vector<16xf32>
      %mul3A_713 = arith.constant 8.000000e+00 : f32
      %mul3A_714 = vector.broadcast %mul3A_713 : f32 to vector<16xf32>
      %mul3A_715 = arith.mulf %get3A_712, %mul3A_714 : vector<16xf32>
      %add3A_716 = arith.constant 4 : i32
      %add3A_717 = arith.addi %mul3A_346, %add3A_716 : i32
      %swap3A_718 = arith.constant 0 : i32
      %swap3A_719 = arith.index_cast %swap3A_718 : i32 to index
      %swap3A_720 = arith.index_cast %add3A_717 : i32 to index
      %swap3A_721 = arith.constant 32 : index
      %swap3A_722 = tpu.vector_load %arg7[%swap3A_719, %swap3A_720, %swap3A_721] {strides = array<i32>} : memref<2x256x64xf32, #tpu.memory_space<vmem>>, vector<1x1x16xf32>,
      %swap3A_723 = vector.shape_cast %swap3A_722 : vector<1x1x16xf32> to vector<16xf32>
      %swap3A_724 = vector.shape_cast %mul3A_715 : vector<16xf32> to vector<1x1x16xf32>
      tpu.vector_store %arg7[%swap3A_719, %swap3A_720, %swap3A_721], %swap3A_724 {strides = array<i32>} : memref<2x256x64xf32, #tpu.memory_space<vmem>>, vector<1x1x16xf32>,
      %add3A_725 = arith.constant 4 : i32
      %add3A_726 = arith.addi %mul3A_346, %add3A_725 : i32
      %get3A_727 = arith.constant 0 : i32
      %get3A_728 = arith.index_cast %get3A_727 : i32 to index
      %get3A_729 = arith.index_cast %add3A_726 : i32 to index
      %get3A_730 = arith.constant 48 : index
      %get3A_731 = tpu.vector_load %arg6[%get3A_728, %get3A_729, %get3A_730] {strides = array<i32>} : memref<2x256x64xf32, #tpu.memory_space<vmem>>, vector<1x1x16xf32>,
      %get3A_732 = vector.shape_cast %get3A_731 : vector<1x1x16xf32> to vector<16xf32>
      %mul3A_733 = arith.constant 8.000000e+00 : f32
      %mul3A_734 = vector.broadcast %mul3A_733 : f32 to vector<16xf32>
      %mul3A_735 = arith.mulf %get3A_732, %mul3A_734 : vector<16xf32>
      %add3A_736 = arith.constant 4 : i32
      %add3A_737 = arith.addi %mul3A_346, %add3A_736 : i32
      %swap3A_738 = arith.constant 0 : i32
      %swap3A_739 = arith.index_cast %swap3A_738 : i32 to index
      %swap3A_740 = arith.index_cast %add3A_737 : i32 to index
      %swap3A_741 = arith.constant 48 : index
      %swap3A_742 = tpu.vector_load %arg7[%swap3A_739, %swap3A_740, %swap3A_741] {strides = array<i32>} : memref<2x256x64xf32, #tpu.memory_space<vmem>>, vector<1x1x16xf32>,
      %swap3A_743 = vector.shape_cast %swap3A_742 : vector<1x1x16xf32> to vector<16xf32>
      %swap3A_744 = vector.shape_cast %mul3A_735 : vector<16xf32> to vector<1x1x16xf32>
      tpu.vector_store %arg7[%swap3A_739, %swap3A_740, %swap3A_741], %swap3A_744 {strides = array<i32>} : memref<2x256x64xf32, #tpu.memory_space<vmem>>, vector<1x1x16xf32>,
      %add3A_745 = arith.constant 5 : i32
      %add3A_746 = arith.addi %mul3A_346, %add3A_745 : i32
      %get3A_747 = arith.constant 0 : i32
      %get3A_748 = arith.index_cast %get3A_747 : i32 to index
      %get3A_749 = arith.index_cast %add3A_746 : i32 to index
      %get3A_750 = arith.constant 0 : index
      %get3A_751 = tpu.vector_load %arg6[%get3A_748, %get3A_749, %get3A_750] {strides = array<i32>} : memref<2x256x64xf32, #tpu.memory_space<vmem>>, vector<1x1x16xf32>,
      %get3A_752 = vector.shape_cast %get3A_751 : vector<1x1x16xf32> to vector<16xf32>
      %mul3A_753 = arith.constant 8.000000e+00 : f32
      %mul3A_754 = vector.broadcast %mul3A_753 : f32 to vector<16xf32>
      %mul3A_755 = arith.mulf %get3A_752, %mul3A_754 : vector<16xf32>
      %add3A_756 = arith.constant 5 : i32
      %add3A_757 = arith.addi %mul3A_346, %add3A_756 : i32
      %swap3A_758 = arith.constant 0 : i32
      %swap3A_759 = arith.index_cast %swap3A_758 : i32 to index
      %swap3A_760 = arith.index_cast %add3A_757 : i32 to index
      %swap3A_761 = arith.constant 0 : index
      %swap3A_762 = tpu.vector_load %arg7[%swap3A_759, %swap3A_760, %swap3A_761] {strides = array<i32>} : memref<2x256x64xf32, #tpu.memory_space<vmem>>, vector<1x1x16xf32>,
      %swap3A_763 = vector.shape_cast %swap3A_762 : vector<1x1x16xf32> to vector<16xf32>
      %swap3A_764 = vector.shape_cast %mul3A_755 : vector<16xf32> to vector<1x1x16xf32>
      tpu.vector_store %arg7[%swap3A_759, %swap3A_760, %swap3A_761], %swap3A_764 {strides = array<i32>} : memref<2x256x64xf32, #tpu.memory_space<vmem>>, vector<1x1x16xf32>,
      %add3A_765 = arith.constant 5 : i32
      %add3A_766 = arith.addi %mul3A_346, %add3A_765 : i32
      %get3A_767 = arith.constant 0 : i32
      %get3A_768 = arith.index_cast %get3A_767 : i32 to index
      %get3A_769 = arith.index_cast %add3A_766 : i32 to index
      %get3A_770 = arith.constant 16 : index
      %get3A_771 = tpu.vector_load %arg6[%get3A_768, %get3A_769, %get3A_770] {strides = array<i32>} : memref<2x256x64xf32, #tpu.memory_space<vmem>>, vector<1x1x16xf32>,
      %get3A_772 = vector.shape_cast %get3A_771 : vector<1x1x16xf32> to vector<16xf32>
      %mul3A_773 = arith.constant 8.000000e+00 : f32
      %mul3A_774 = vector.broadcast %mul3A_773 : f32 to vector<16xf32>
      %mul3A_775 = arith.mulf %get3A_772, %mul3A_774 : vector<16xf32>
      %add3A_776 = arith.constant 5 : i32
      %add3A_777 = arith.addi %mul3A_346, %add3A_776 : i32
      %swap3A_778 = arith.constant 0 : i32
      %swap3A_779 = arith.index_cast %swap3A_778 : i32 to index
      %swap3A_780 = arith.index_cast %add3A_777 : i32 to index
      %swap3A_781 = arith.constant 16 : index
      %swap3A_782 = tpu.vector_load %arg7[%swap3A_779, %swap3A_780, %swap3A_781] {strides = array<i32>} : memref<2x256x64xf32, #tpu.memory_space<vmem>>, vector<1x1x16xf32>,
      %swap3A_783 = vector.shape_cast %swap3A_782 : vector<1x1x16xf32> to vector<16xf32>
      %swap3A_784 = vector.shape_cast %mul3A_775 : vector<16xf32> to vector<1x1x16xf32>
      tpu.vector_store %arg7[%swap3A_779, %swap3A_780, %swap3A_781], %swap3A_784 {strides = array<i32>} : memref<2x256x64xf32, #tpu.memory_space<vmem>>, vector<1x1x16xf32>,
      %add3A_785 = arith.constant 5 : i32
      %add3A_786 = arith.addi %mul3A_346, %add3A_785 : i32
      %get3A_787 = arith.constant 0 : i32
      %get3A_788 = arith.index_cast %get3A_787 : i32 to index
      %get3A_789 = arith.index_cast %add3A_786 : i32 to index
      %get3A_790 = arith.constant 32 : index
      %get3A_791 = tpu.vector_load %arg6[%get3A_788, %get3A_789, %get3A_790] {strides = array<i32>} : memref<2x256x64xf32, #tpu.memory_space<vmem>>, vector<1x1x16xf32>,
      %get3A_792 = vector.shape_cast %get3A_791 : vector<1x1x16xf32> to vector<16xf32>
      %mul3A_793 = arith.constant 8.000000e+00 : f32
      %mul3A_794 = vector.broadcast %mul3A_793 : f32 to vector<16xf32>
      %mul3A_795 = arith.mulf %get3A_792, %mul3A_794 : vector<16xf32>
      %add3A_796 = arith.constant 5 : i32
      %add3A_797 = arith.addi %mul3A_346, %add3A_796 : i32
      %swap3A_798 = arith.constant 0 : i32
      %swap3A_799 = arith.index_cast %swap3A_798 : i32 to index
      %swap3A_800 = arith.index_cast %add3A_797 : i32 to index
      %swap3A_801 = arith.constant 32 : index
      %swap3A_802 = tpu.vector_load %arg7[%swap3A_799, %swap3A_800, %swap3A_801] {strides = array<i32>} : memref<2x256x64xf32, #tpu.memory_space<vmem>>, vector<1x1x16xf32>,
      %swap3A_803 = vector.shape_cast %swap3A_802 : vector<1x1x16xf32> to vector<16xf32>
      %swap3A_804 = vector.shape_cast %mul3A_795 : vector<16xf32> to vector<1x1x16xf32>
      tpu.vector_store %arg7[%swap3A_799, %swap3A_800, %swap3A_801], %swap3A_804 {strides = array<i32>} : memref<2x256x64xf32, #tpu.memory_space<vmem>>, vector<1x1x16xf32>,
      %add3A_805 = arith.constant 5 : i32
      %add3A_806 = arith.addi %mul3A_346, %add3A_805 : i32
      %get3A_807 = arith.constant 0 : i32
      %get3A_808 = arith.index_cast %get3A_807 : i32 to index
      %get3A_809 = arith.index_cast %add3A_806 : i32 to index
      %get3A_810 = arith.constant 48 : index
      %get3A_811 = tpu.vector_load %arg6[%get3A_808, %get3A_809, %get3A_810] {strides = array<i32>} : memref<2x256x64xf32, #tpu.memory_space<vmem>>, vector<1x1x16xf32>,
      %get3A_812 = vector.shape_cast %get3A_811 : vector<1x1x16xf32> to vector<16xf32>
      %mul3A_813 = arith.constant 8.000000e+00 : f32
      %mul3A_814 = vector.broadcast %mul3A_813 : f32 to vector<16xf32>
      %mul3A_815 = arith.mulf %get3A_812, %mul3A_814 : vector<16xf32>
      %add3A_816 = arith.constant 5 : i32
      %add3A_817 = arith.addi %mul3A_346, %add3A_816 : i32
      %swap3A_818 = arith.constant 0 : i32
      %swap3A_819 = arith.index_cast %swap3A_818 : i32 to index
      %swap3A_820 = arith.index_cast %add3A_817 : i32 to index
      %swap3A_821 = arith.constant 48 : index
      %swap3A_822 = tpu.vector_load %arg7[%swap3A_819, %swap3A_820, %swap3A_821] {strides = array<i32>} : memref<2x256x64xf32, #tpu.memory_space<vmem>>, vector<1x1x16xf32>,
      %swap3A_823 = vector.shape_cast %swap3A_822 : vector<1x1x16xf32> to vector<16xf32>
      %swap3A_824 = vector.shape_cast %mul3A_815 : vector<16xf32> to vector<1x1x16xf32>
      tpu.vector_store %arg7[%swap3A_819, %swap3A_820, %swap3A_821], %swap3A_824 {strides = array<i32>} : memref<2x256x64xf32, #tpu.memory_space<vmem>>, vector<1x1x16xf32>,
      %add3A_825 = arith.constant 6 : i32
      %add3A_826 = arith.addi %mul3A_346, %add3A_825 : i32
      %get3A_827 = arith.constant 0 : i32
      %get3A_828 = arith.index_cast %get3A_827 : i32 to index
      %get3A_829 = arith.index_cast %add3A_826 : i32 to index
      %get3A_830 = arith.constant 0 : index
      %get3A_831 = tpu.vector_load %arg6[%get3A_828, %get3A_829, %get3A_830] {strides = array<i32>} : memref<2x256x64xf32, #tpu.memory_space<vmem>>, vector<1x1x16xf32>,
      %get3A_832 = vector.shape_cast %get3A_831 : vector<1x1x16xf32> to vector<16xf32>
      %mul3A_833 = arith.constant 8.000000e+00 : f32
      %mul3A_834 = vector.broadcast %mul3A_833 : f32 to vector<16xf32>
      %mul3A_835 = arith.mulf %get3A_832, %mul3A_834 : vector<16xf32>
      %add3A_836 = arith.constant 6 : i32
      %add3A_837 = arith.addi %mul3A_346, %add3A_836 : i32
      %swap3A_838 = arith.constant 0 : i32
      %swap3A_839 = arith.index_cast %swap3A_838 : i32 to index
      %swap3A_840 = arith.index_cast %add3A_837 : i32 to index
      %swap3A_841 = arith.constant 0 : index
      %swap3A_842 = tpu.vector_load %arg7[%swap3A_839, %swap3A_840, %swap3A_841] {strides = array<i32>} : memref<2x256x64xf32, #tpu.memory_space<vmem>>, vector<1x1x16xf32>,
      %swap3A_843 = vector.shape_cast %swap3A_842 : vector<1x1x16xf32> to vector<16xf32>
      %swap3A_844 = vector.shape_cast %mul3A_835 : vector<16xf32> to vector<1x1x16xf32>
      tpu.vector_store %arg7[%swap3A_839, %swap3A_840, %swap3A_841], %swap3A_844 {strides = array<i32>} : memref<2x256x64xf32, #tpu.memory_space<vmem>>, vector<1x1x16xf32>,
      %add3A_845 = arith.constant 6 : i32
      %add3A_846 = arith.addi %mul3A_346, %add3A_845 : i32
      %get3A_847 = arith.constant 0 : i32
      %get3A_848 = arith.index_cast %get3A_847 : i32 to index
      %get3A_849 = arith.index_cast %add3A_846 : i32 to index
      %get3A_850 = arith.constant 16 : index
      %get3A_851 = tpu.vector_load %arg6[%get3A_848, %get3A_849, %get3A_850] {strides = array<i32>} : memref<2x256x64xf32, #tpu.memory_space<vmem>>, vector<1x1x16xf32>,
      %get3A_852 = vector.shape_cast %get3A_851 : vector<1x1x16xf32> to vector<16xf32>
      %mul3A_853 = arith.constant 8.000000e+00 : f32
      %mul3A_854 = vector.broadcast %mul3A_853 : f32 to vector<16xf32>
      %mul3A_855 = arith.mulf %get3A_852, %mul3A_854 : vector<16xf32>
      %add3A_856 = arith.constant 6 : i32
      %add3A_857 = arith.addi %mul3A_346, %add3A_856 : i32
      %swap3A_858 = arith.constant 0 : i32
      %swap3A_859 = arith.index_cast %swap3A_858 : i32 to index
      %swap3A_860 = arith.index_cast %add3A_857 : i32 to index
      %swap3A_861 = arith.constant 16 : index
      %swap3A_862 = tpu.vector_load %arg7[%swap3A_859, %swap3A_860, %swap3A_861] {strides = array<i32>} : memref<2x256x64xf32, #tpu.memory_space<vmem>>, vector<1x1x16xf32>,
      %swap3A_863 = vector.shape_cast %swap3A_862 : vector<1x1x16xf32> to vector<16xf32>
      %swap3A_864 = vector.shape_cast %mul3A_855 : vector<16xf32> to vector<1x1x16xf32>
      tpu.vector_store %arg7[%swap3A_859, %swap3A_860, %swap3A_861], %swap3A_864 {strides = array<i32>} : memref<2x256x64xf32, #tpu.memory_space<vmem>>, vector<1x1x16xf32>,
      %add3A_865 = arith.constant 6 : i32
      %add3A_866 = arith.addi %mul3A_346, %add3A_865 : i32
      %get3A_867 = arith.constant 0 : i32
      %get3A_868 = arith.index_cast %get3A_867 : i32 to index
      %get3A_869 = arith.index_cast %add3A_866 : i32 to index
      %get3A_870 = arith.constant 32 : index
      %get3A_871 = tpu.vector_load %arg6[%get3A_868, %get3A_869, %get3A_870] {strides = array<i32>} : memref<2x256x64xf32, #tpu.memory_space<vmem>>, vector<1x1x16xf32>,
      %get3A_872 = vector.shape_cast %get3A_871 : vector<1x1x16xf32> to vector<16xf32>
      %mul3A_873 = arith.constant 8.000000e+00 : f32
      %mul3A_874 = vector.broadcast %mul3A_873 : f32 to vector<16xf32>
      %mul3A_875 = arith.mulf %get3A_872, %mul3A_874 : vector<16xf32>
      %add3A_876 = arith.constant 6 : i32
      %add3A_877 = arith.addi %mul3A_346, %add3A_876 : i32
      %swap3A_878 = arith.constant 0 : i32
      %swap3A_879 = arith.index_cast %swap3A_878 : i32 to index
      %swap3A_880 = arith.index_cast %add3A_877 : i32 to index
      %swap3A_881 = arith.constant 32 : index
      %swap3A_882 = tpu.vector_load %arg7[%swap3A_879, %swap3A_880, %swap3A_881] {strides = array<i32>} : memref<2x256x64xf32, #tpu.memory_space<vmem>>, vector<1x1x16xf32>,
      %swap3A_883 = vector.shape_cast %swap3A_882 : vector<1x1x16xf32> to vector<16xf32>
      %swap3A_884 = vector.shape_cast %mul3A_875 : vector<16xf32> to vector<1x1x16xf32>
      tpu.vector_store %arg7[%swap3A_879, %swap3A_880, %swap3A_881], %swap3A_884 {strides = array<i32>} : memref<2x256x64xf32, #tpu.memory_space<vmem>>, vector<1x1x16xf32>,
      %add3A_885 = arith.constant 6 : i32
      %add3A_886 = arith.addi %mul3A_346, %add3A_885 : i32
      %get3A_887 = arith.constant 0 : i32
      %get3A_888 = arith.index_cast %get3A_887 : i32 to index
      %get3A_889 = arith.index_cast %add3A_886 : i32 to index
      %get3A_890 = arith.constant 48 : index
      %get3A_891 = tpu.vector_load %arg6[%get3A_888, %get3A_889, %get3A_890] {strides = array<i32>} : memref<2x256x64xf32, #tpu.memory_space<vmem>>, vector<1x1x16xf32>,
      %get3A_892 = vector.shape_cast %get3A_891 : vector<1x1x16xf32> to vector<16xf32>
      %mul3A_893 = arith.constant 8.000000e+00 : f32
      %mul3A_894 = vector.broadcast %mul3A_893 : f32 to vector<16xf32>
      %mul3A_895 = arith.mulf %get3A_892, %mul3A_894 : vector<16xf32>
      %add3A_896 = arith.constant 6 : i32
      %add3A_897 = arith.addi %mul3A_346, %add3A_896 : i32
      %swap3A_898 = arith.constant 0 : i32
      %swap3A_899 = arith.index_cast %swap3A_898 : i32 to index
      %swap3A_900 = arith.index_cast %add3A_897 : i32 to index
      %swap3A_901 = arith.constant 48 : index
      %swap3A_902 = tpu.vector_load %arg7[%swap3A_899, %swap3A_900, %swap3A_901] {strides = array<i32>} : memref<2x256x64xf32, #tpu.memory_space<vmem>>, vector<1x1x16xf32>,
      %swap3A_903 = vector.shape_cast %swap3A_902 : vector<1x1x16xf32> to vector<16xf32>
      %swap3A_904 = vector.shape_cast %mul3A_895 : vector<16xf32> to vector<1x1x16xf32>
      tpu.vector_store %arg7[%swap3A_899, %swap3A_900, %swap3A_901], %swap3A_904 {strides = array<i32>} : memref<2x256x64xf32, #tpu.memory_space<vmem>>, vector<1x1x16xf32>,
      %add3A_905 = arith.constant 7 : i32
      %add3A_906 = arith.addi %mul3A_346, %add3A_905 : i32
      %get3A_907 = arith.constant 0 : i32
      %get3A_908 = arith.index_cast %get3A_907 : i32 to index
      %get3A_909 = arith.index_cast %add3A_906 : i32 to index
      %get3A_910 = arith.constant 0 : index
      %get3A_911 = tpu.vector_load %arg6[%get3A_908, %get3A_909, %get3A_910] {strides = array<i32>} : memref<2x256x64xf32, #tpu.memory_space<vmem>>, vector<1x1x16xf32>,
      %get3A_912 = vector.shape_cast %get3A_911 : vector<1x1x16xf32> to vector<16xf32>
      %mul3A_913 = arith.constant 8.000000e+00 : f32
      %mul3A_914 = vector.broadcast %mul3A_913 : f32 to vector<16xf32>
      %mul3A_915 = arith.mulf %get3A_912, %mul3A_914 : vector<16xf32>
      %add3A_916 = arith.constant 7 : i32
      %add3A_917 = arith.addi %mul3A_346, %add3A_916 : i32
      %swap3A_918 = arith.constant 0 : i32
      %swap3A_919 = arith.index_cast %swap3A_918 : i32 to index
      %swap3A_920 = arith.index_cast %add3A_917 : i32 to index
      %swap3A_921 = arith.constant 0 : index
      %swap3A_922 = tpu.vector_load %arg7[%swap3A_919, %swap3A_920, %swap3A_921] {strides = array<i32>} : memref<2x256x64xf32, #tpu.memory_space<vmem>>, vector<1x1x16xf32>,
      %swap3A_923 = vector.shape_cast %swap3A_922 : vector<1x1x16xf32> to vector<16xf32>
      %swap3A_924 = vector.shape_cast %mul3A_915 : vector<16xf32> to vector<1x1x16xf32>
      tpu.vector_store %arg7[%swap3A_919, %swap3A_920, %swap3A_921], %swap3A_924 {strides = array<i32>} : memref<2x256x64xf32, #tpu.memory_space<vmem>>, vector<1x1x16xf32>,
      %add3A_925 = arith.constant 7 : i32
      %add3A_926 = arith.addi %mul3A_346, %add3A_925 : i32
      %get3A_927 = arith.constant 0 : i32
      %get3A_928 = arith.index_cast %get3A_927 : i32 to index
      %get3A_929 = arith.index_cast %add3A_926 : i32 to index
      %get3A_930 = arith.constant 16 : index
      %get3A_931 = tpu.vector_load %arg6[%get3A_928, %get3A_929, %get3A_930] {strides = array<i32>} : memref<2x256x64xf32, #tpu.memory_space<vmem>>, vector<1x1x16xf32>,
      %get3A_932 = vector.shape_cast %get3A_931 : vector<1x1x16xf32> to vector<16xf32>
      %mul3A_933 = arith.constant 8.000000e+00 : f32
      %mul3A_934 = vector.broadcast %mul3A_933 : f32 to vector<16xf32>
      %mul3A_935 = arith.mulf %get3A_932, %mul3A_934 : vector<16xf32>
      %add3A_936 = arith.constant 7 : i32
      %add3A_937 = arith.addi %mul3A_346, %add3A_936 : i32
      %swap3A_938 = arith.constant 0 : i32
      %swap3A_939 = arith.index_cast %swap3A_938 : i32 to index
      %swap3A_940 = arith.index_cast %add3A_937 : i32 to index
      %swap3A_941 = arith.constant 16 : index
      %swap3A_942 = tpu.vector_load %arg7[%swap3A_939, %swap3A_940, %swap3A_941] {strides = array<i32>} : memref<2x256x64xf32, #tpu.memory_space<vmem>>, vector<1x1x16xf32>,
      %swap3A_943 = vector.shape_cast %swap3A_942 : vector<1x1x16xf32> to vector<16xf32>
      %swap3A_944 = vector.shape_cast %mul3A_935 : vector<16xf32> to vector<1x1x16xf32>
      tpu.vector_store %arg7[%swap3A_939, %swap3A_940, %swap3A_941], %swap3A_944 {strides = array<i32>} : memref<2x256x64xf32, #tpu.memory_space<vmem>>, vector<1x1x16xf32>,
      %add3A_945 = arith.constant 7 : i32
      %add3A_946 = arith.addi %mul3A_346, %add3A_945 : i32
      %get3A_947 = arith.constant 0 : i32
      %get3A_948 = arith.index_cast %get3A_947 : i32 to index
      %get3A_949 = arith.index_cast %add3A_946 : i32 to index
      %get3A_950 = arith.constant 32 : index
      %get3A_951 = tpu.vector_load %arg6[%get3A_948, %get3A_949, %get3A_950] {strides = array<i32>} : memref<2x256x64xf32, #tpu.memory_space<vmem>>, vector<1x1x16xf32>,
      %get3A_952 = vector.shape_cast %get3A_951 : vector<1x1x16xf32> to vector<16xf32>
      %mul3A_953 = arith.constant 8.000000e+00 : f32
      %mul3A_954 = vector.broadcast %mul3A_953 : f32 to vector<16xf32>
      %mul3A_955 = arith.mulf %get3A_952, %mul3A_954 : vector<16xf32>
      %add3A_956 = arith.constant 7 : i32
      %add3A_957 = arith.addi %mul3A_346, %add3A_956 : i32
      %swap3A_958 = arith.constant 0 : i32
      %swap3A_959 = arith.index_cast %swap3A_958 : i32 to index
      %swap3A_960 = arith.index_cast %add3A_957 : i32 to index
      %swap3A_961 = arith.constant 32 : index
      %swap3A_962 = tpu.vector_load %arg7[%swap3A_959, %swap3A_960, %swap3A_961] {strides = array<i32>} : memref<2x256x64xf32, #tpu.memory_space<vmem>>, vector<1x1x16xf32>,
      %swap3A_963 = vector.shape_cast %swap3A_962 : vector<1x1x16xf32> to vector<16xf32>
      %swap3A_964 = vector.shape_cast %mul3A_955 : vector<16xf32> to vector<1x1x16xf32>
      tpu.vector_store %arg7[%swap3A_959, %swap3A_960, %swap3A_961], %swap3A_964 {strides = array<i32>} : memref<2x256x64xf32, #tpu.memory_space<vmem>>, vector<1x1x16xf32>,
      %add3A_965 = arith.constant 7 : i32
      %add3A_966 = arith.addi %mul3A_346, %add3A_965 : i32
      %get3A_967 = arith.constant 0 : i32
      %get3A_968 = arith.index_cast %get3A_967 : i32 to index
      %get3A_969 = arith.index_cast %add3A_966 : i32 to index
      %get3A_970 = arith.constant 48 : index
      %get3A_971 = tpu.vector_load %arg6[%get3A_968, %get3A_969, %get3A_970] {strides = array<i32>} : memref<2x256x64xf32, #tpu.memory_space<vmem>>, vector<1x1x16xf32>,
      %get3A_972 = vector.shape_cast %get3A_971 : vector<1x1x16xf32> to vector<16xf32>
      %mul3A_973 = arith.constant 8.000000e+00 : f32
      %mul3A_974 = vector.broadcast %mul3A_973 : f32 to vector<16xf32>
      %mul3A_975 = arith.mulf %get3A_972, %mul3A_974 : vector<16xf32>
      %add3A_976 = arith.constant 7 : i32
      %add3A_977 = arith.addi %mul3A_346, %add3A_976 : i32
      %swap3A_978 = arith.constant 0 : i32
      %swap3A_979 = arith.index_cast %swap3A_978 : i32 to index
      %swap3A_980 = arith.index_cast %add3A_977 : i32 to index
      %swap3A_981 = arith.constant 48 : index
      %swap3A_982 = tpu.vector_load %arg7[%swap3A_979, %swap3A_980, %swap3A_981] {strides = array<i32>} : memref<2x256x64xf32, #tpu.memory_space<vmem>>, vector<1x1x16xf32>,
      %swap3A_983 = vector.shape_cast %swap3A_982 : vector<1x1x16xf32> to vector<16xf32>
      %swap3A_984 = vector.shape_cast %mul3A_975 : vector<16xf32> to vector<1x1x16xf32>
      tpu.vector_store %arg7[%swap3A_979, %swap3A_980, %swap3A_981], %swap3A_984 {strides = array<i32>} : memref<2x256x64xf32, #tpu.memory_space<vmem>>, vector<1x1x16xf32>,
    }
    %scan3A_238 = arith.constant 32 : i32
    %add3A_239 = arith.constant 25088 : i32
    %add3A_240 = arith.addi %mul3A_2, %add3A_239 : i32
    %dma_start3A_241 = arith.constant 0 : i32
    %dma_start3A_242 = arith.constant 0 : i32
    %dma_start3A_243 = arith.constant 0 : i32
    %dma_start3A_244 = tpu.memref_slice %arg7[%dma_start3A_241, %dma_start3A_242, %dma_start3A_243] : memref<2x256x64xf32, #tpu.memory_space<vmem>> -> memref<1x256x64xf32, #tpu.memory_space<vmem>>
    %dma_start3A_245 = tpu.memref_squeeze %dma_start3A_244 : memref<1x256x64xf32, #tpu.memory_space<vmem>> -> memref<256x64xf32, #tpu.memory_space<vmem>>
    %dma_start3A_246 = arith.constant 0 : i32
    %dma_start3A_247 = tpu.memref_slice %arg4[%add3A_240, %dma_start3A_246] : memref<819200x128xf32, #tpu.memory_space<hbm>> -> memref<256x64xf32, #tpu.memory_space<hbm>>
    %dma_start3A_248 = arith.constant 0 : i32
    %dma_start3A_249 = tpu.memref_slice %arg4[%add3A_240, %dma_start3A_248] : memref<819200x128xf32, #tpu.memory_space<hbm>> -> memref<256x64xf32, #tpu.memory_space<hbm>>
    %dma_start3A_250 = arith.constant 0 : i32
    %dma_start3A_251 = arith.constant 0 : i32
    %dma_start3A_252 = tpu.memref_slice %arg7[%dma_start3A_241, %dma_start3A_250, %dma_start3A_251] : memref<2x256x64xf32, #tpu.memory_space<vmem>> -> memref<1x256x64xf32, #tpu.memory_space<vmem>>
    %dma_start3A_253 = tpu.memref_squeeze %dma_start3A_252 : memref<1x256x64xf32, #tpu.memory_space<vmem>> -> memref<256x64xf32, #tpu.memory_space<vmem>>
    tpu.enqueue_dma source(%dma_start3A_253 : memref<256x64xf32, #tpu.memory_space<vmem>>) target(%dma_start3A_249 : memref<256x64xf32, #tpu.memory_space<hbm>>) target_semaphore(%arg10 : memref<!tpu.dma_semaphore, #tpu.memory_space<semaphore_mem>>)
    %dma_wait3A_254 = arith.constant 0 : i32
    %dma_wait3A_255 = arith.constant 1 : i32
    %dma_wait3A_256 = arith.constant 0 : i32
    %dma_wait3A_257 = arith.constant 0 : i32
    %dma_wait3A_258 = tpu.memref_slice %arg6[%dma_wait3A_255, %dma_wait3A_256, %dma_wait3A_257] : memref<2x256x64xf32, #tpu.memory_space<vmem>> -> memref<1x128x64xf32, #tpu.memory_space<vmem>>
    %dma_wait3A_259 = tpu.memref_squeeze %dma_wait3A_258 : memref<1x128x64xf32, #tpu.memory_space<vmem>> -> memref<128x64xf32, #tpu.memory_space<vmem>>
    %dma_wait3A_260 = arith.constant 0 : i32
    %dma_wait3A_261 = tpu.memref_slice %arg5[%dma_wait3A_254, %dma_wait3A_260] : memref<200x128xi32, #tpu.memory_space<vmem>> -> memref<1x128xi32, #tpu.memory_space<vmem>>
    %dma_wait3A_262 = tpu.memref_squeeze %dma_wait3A_261 : memref<1x128xi32, #tpu.memory_space<vmem>> -> memref<128xi32, #tpu.memory_space<vmem>>
    %dma_wait3A_263 = arith.constant 0 : i32
    %dma_wait3A_264 = arith.constant 0 : i32
    %dma_wait3A_265 = tpu.memref_slice %arg2[%dma_wait3A_263, %dma_wait3A_264] : memref<2000000x64xf32, #tpu.memory_space<hbm>> -> memref<2000000x64xf32, #tpu.memory_space<hbm>>
    tpu.wait_indirect_dma semaphore(%arg9 : memref<!tpu.dma_semaphore, #tpu.memory_space<semaphore_mem>>) src(%dma_wait3A_265 : memref<2000000x64xf32, #tpu.memory_space<hbm>>) dst(%dma_wait3A_259 : memref<128x64xf32, #tpu.memory_space<vmem>>)
    %dma_wait3A_266 = arith.constant 1 : i32
    %dma_wait3A_267 = arith.constant 1 : i32
    %dma_wait3A_268 = arith.constant 128 : i32
    %dma_wait3A_269 = arith.constant 0 : i32
    %dma_wait3A_270 = tpu.memref_slice %arg6[%dma_wait3A_267, %dma_wait3A_268, %dma_wait3A_269] : memref<2x256x64xf32, #tpu.memory_space<vmem>> -> memref<1x128x64xf32, #tpu.memory_space<vmem>>
    %dma_wait3A_271 = tpu.memref_squeeze %dma_wait3A_270 : memref<1x128x64xf32, #tpu.memory_space<vmem>> -> memref<128x64xf32, #tpu.memory_space<vmem>>
    %dma_wait3A_272 = arith.constant 0 : i32
    %dma_wait3A_273 = tpu.memref_slice %arg5[%dma_wait3A_266, %dma_wait3A_272] : memref<200x128xi32, #tpu.memory_space<vmem>> -> memref<1x128xi32, #tpu.memory_space<vmem>>
    %dma_wait3A_274 = tpu.memref_squeeze %dma_wait3A_273 : memref<1x128xi32, #tpu.memory_space<vmem>> -> memref<128xi32, #tpu.memory_space<vmem>>
    %dma_wait3A_275 = arith.constant 0 : i32
    %dma_wait3A_276 = arith.constant 0 : i32
    %dma_wait3A_277 = tpu.memref_slice %arg2[%dma_wait3A_275, %dma_wait3A_276] : memref<2000000x64xf32, #tpu.memory_space<hbm>> -> memref<2000000x64xf32, #tpu.memory_space<hbm>>
    tpu.wait_indirect_dma semaphore(%arg9 : memref<!tpu.dma_semaphore, #tpu.memory_space<semaphore_mem>>) src(%dma_wait3A_277 : memref<2000000x64xf32, #tpu.memory_space<hbm>>) dst(%dma_wait3A_271 : memref<128x64xf32, #tpu.memory_space<vmem>>)
    %add3A_278 = arith.constant 0 : i32
    %add3A_279 = arith.addi %mul3A_2, %add3A_278 : i32
    %dma_wait3A_280 = arith.constant 1 : i32
    %dma_wait3A_281 = arith.constant 0 : i32
    %dma_wait3A_282 = arith.constant 0 : i32
    %dma_wait3A_283 = tpu.memref_slice %arg7[%dma_wait3A_280, %dma_wait3A_281, %dma_wait3A_282] : memref<2x256x64xf32, #tpu.memory_space<vmem>> -> memref<1x256x64xf32, #tpu.memory_space<vmem>>
    %dma_wait3A_284 = tpu.memref_squeeze %dma_wait3A_283 : memref<1x256x64xf32, #tpu.memory_space<vmem>> -> memref<256x64xf32, #tpu.memory_space<vmem>>
    %dma_wait3A_285 = arith.constant 0 : i32
    %dma_wait3A_286 = tpu.memref_slice %arg4[%add3A_279, %dma_wait3A_285] : memref<819200x128xf32, #tpu.memory_space<hbm>> -> memref<256x64xf32, #tpu.memory_space<hbm>>
    %dma_wait3A_287 = arith.constant 0 : i32
    %dma_wait3A_288 = tpu.memref_slice %arg4[%add3A_279, %dma_wait3A_287] : memref<819200x128xf32, #tpu.memory_space<hbm>> -> memref<256x64xf32, #tpu.memory_space<hbm>>
    %dma_wait3A_289 = arith.constant 0 : i32
    %dma_wait3A_290 = arith.constant 0 : i32
    %dma_wait3A_291 = tpu.memref_slice %arg7[%dma_wait3A_280, %dma_wait3A_289, %dma_wait3A_290] : memref<2x256x64xf32, #tpu.memory_space<vmem>> -> memref<1x256x64xf32, #tpu.memory_space<vmem>>
    %dma_wait3A_292 = tpu.memref_squeeze %dma_wait3A_291 : memref<1x256x64xf32, #tpu.memory_space<vmem>> -> memref<256x64xf32, #tpu.memory_space<vmem>>
    tpu.wait_dma2 semaphore(%arg11 : memref<!tpu.dma_semaphore, #tpu.memory_space<semaphore_mem>>) src(%dma_wait3A_292 : memref<256x64xf32, #tpu.memory_space<vmem>>) dst(%dma_wait3A_288 : memref<256x64xf32, #tpu.memory_space<hbm>>)
    %scan3A_293 = arith.constant 0 : i32
    %scan3A_294 = arith.constant 0 : i32
    %scan3A_295 = arith.constant 32 : i32
    %scan3A_296 = arith.addi %scan3A_294, %scan3A_295 : i32
    %scan3A_297 = arith.constant 1 : i32
    scf.for %scan3A_344 = %scan3A_294 to %scan3A_296 step %scan3A_297  : i32 {
      %mul3A_345 = arith.constant 8 : i32
      %mul3A_346 = arith.muli %scan3A_344, %mul3A_345 : i32
      %add3A_347 = arith.constant 0 : i32
      %add3A_348 = arith.addi %mul3A_346, %add3A_347 : i32
      %get3A = arith.constant 1 : i32
      %get3A_349 = arith.index_cast %get3A : i32 to index
      %get3A_350 = arith.index_cast %add3A_348 : i32 to index
      %get3A_351 = arith.constant 0 : index
      %get3A_352 = tpu.vector_load %arg6[%get3A_349, %get3A_350, %get3A_351] {strides = array<i32>} : memref<2x256x64xf32, #tpu.memory_space<vmem>>, vector<1x1x16xf32>,
      %get3A_353 = vector.shape_cast %get3A_352 : vector<1x1x16xf32> to vector<16xf32>
      %mul3A_354 = arith.constant 8.000000e+00 : f32
      %mul3A_355 = vector.broadcast %mul3A_354 : f32 to vector<16xf32>
      %mul3A_356 = arith.mulf %get3A_353, %mul3A_355 : vector<16xf32>
      %add3A_357 = arith.constant 0 : i32
      %add3A_358 = arith.addi %mul3A_346, %add3A_357 : i32
      %swap3A = arith.constant 1 : i32
      %swap3A_359 = arith.index_cast %swap3A : i32 to index
      %swap3A_360 = arith.index_cast %add3A_358 : i32 to index
      %swap3A_361 = arith.constant 0 : index
      %swap3A_362 = tpu.vector_load %arg7[%swap3A_359, %swap3A_360, %swap3A_361] {strides = array<i32>} : memref<2x256x64xf32, #tpu.memory_space<vmem>>, vector<1x1x16xf32>,
      %swap3A_363 = vector.shape_cast %swap3A_362 : vector<1x1x16xf32> to vector<16xf32>
      %swap3A_364 = vector.shape_cast %mul3A_356 : vector<16xf32> to vector<1x1x16xf32>
      tpu.vector_store %arg7[%swap3A_359, %swap3A_360, %swap3A_361], %swap3A_364 {strides = array<i32>} : memref<2x256x64xf32, #tpu.memory_space<vmem>>, vector<1x1x16xf32>,
      %add3A_365 = arith.constant 0 : i32
      %add3A_366 = arith.addi %mul3A_346, %add3A_365 : i32
      %get3A_367 = arith.constant 1 : i32
      %get3A_368 = arith.index_cast %get3A_367 : i32 to index
      %get3A_369 = arith.index_cast %add3A_366 : i32 to index
      %get3A_370 = arith.constant 16 : index
      %get3A_371 = tpu.vector_load %arg6[%get3A_368, %get3A_369, %get3A_370] {strides = array<i32>} : memref<2x256x64xf32, #tpu.memory_space<vmem>>, vector<1x1x16xf32>,
      %get3A_372 = vector.shape_cast %get3A_371 : vector<1x1x16xf32> to vector<16xf32>
      %mul3A_373 = arith.constant 8.000000e+00 : f32
      %mul3A_374 = vector.broadcast %mul3A_373 : f32 to vector<16xf32>
      %mul3A_375 = arith.mulf %get3A_372, %mul3A_374 : vector<16xf32>
      %add3A_376 = arith.constant 0 : i32
      %add3A_377 = arith.addi %mul3A_346, %add3A_376 : i32
      %swap3A_378 = arith.constant 1 : i32
      %swap3A_379 = arith.index_cast %swap3A_378 : i32 to index
      %swap3A_380 = arith.index_cast %add3A_377 : i32 to index
      %swap3A_381 = arith.constant 16 : index
      %swap3A_382 = tpu.vector_load %arg7[%swap3A_379, %swap3A_380, %swap3A_381] {strides = array<i32>} : memref<2x256x64xf32, #tpu.memory_space<vmem>>, vector<1x1x16xf32>,
      %swap3A_383 = vector.shape_cast %swap3A_382 : vector<1x1x16xf32> to vector<16xf32>
      %swap3A_384 = vector.shape_cast %mul3A_375 : vector<16xf32> to vector<1x1x16xf32>
      tpu.vector_store %arg7[%swap3A_379, %swap3A_380, %swap3A_381], %swap3A_384 {strides = array<i32>} : memref<2x256x64xf32, #tpu.memory_space<vmem>>, vector<1x1x16xf32>,
      %add3A_385 = arith.constant 0 : i32
      %add3A_386 = arith.addi %mul3A_346, %add3A_385 : i32
      %get3A_387 = arith.constant 1 : i32
      %get3A_388 = arith.index_cast %get3A_387 : i32 to index
      %get3A_389 = arith.index_cast %add3A_386 : i32 to index
      %get3A_390 = arith.constant 32 : index
      %get3A_391 = tpu.vector_load %arg6[%get3A_388, %get3A_389, %get3A_390] {strides = array<i32>} : memref<2x256x64xf32, #tpu.memory_space<vmem>>, vector<1x1x16xf32>,
      %get3A_392 = vector.shape_cast %get3A_391 : vector<1x1x16xf32> to vector<16xf32>
      %mul3A_393 = arith.constant 8.000000e+00 : f32
      %mul3A_394 = vector.broadcast %mul3A_393 : f32 to vector<16xf32>
      %mul3A_395 = arith.mulf %get3A_392, %mul3A_394 : vector<16xf32>
      %add3A_396 = arith.constant 0 : i32
      %add3A_397 = arith.addi %mul3A_346, %add3A_396 : i32
      %swap3A_398 = arith.constant 1 : i32
      %swap3A_399 = arith.index_cast %swap3A_398 : i32 to index
      %swap3A_400 = arith.index_cast %add3A_397 : i32 to index
      %swap3A_401 = arith.constant 32 : index
      %swap3A_402 = tpu.vector_load %arg7[%swap3A_399, %swap3A_400, %swap3A_401] {strides = array<i32>} : memref<2x256x64xf32, #tpu.memory_space<vmem>>, vector<1x1x16xf32>,
      %swap3A_403 = vector.shape_cast %swap3A_402 : vector<1x1x16xf32> to vector<16xf32>
      %swap3A_404 = vector.shape_cast %mul3A_395 : vector<16xf32> to vector<1x1x16xf32>
      tpu.vector_store %arg7[%swap3A_399, %swap3A_400, %swap3A_401], %swap3A_404 {strides = array<i32>} : memref<2x256x64xf32, #tpu.memory_space<vmem>>, vector<1x1x16xf32>,
      %add3A_405 = arith.constant 0 : i32
      %add3A_406 = arith.addi %mul3A_346, %add3A_405 : i32
      %get3A_407 = arith.constant 1 : i32
      %get3A_408 = arith.index_cast %get3A_407 : i32 to index
      %get3A_409 = arith.index_cast %add3A_406 : i32 to index
      %get3A_410 = arith.constant 48 : index
      %get3A_411 = tpu.vector_load %arg6[%get3A_408, %get3A_409, %get3A_410] {strides = array<i32>} : memref<2x256x64xf32, #tpu.memory_space<vmem>>, vector<1x1x16xf32>,
      %get3A_412 = vector.shape_cast %get3A_411 : vector<1x1x16xf32> to vector<16xf32>
      %mul3A_413 = arith.constant 8.000000e+00 : f32
      %mul3A_414 = vector.broadcast %mul3A_413 : f32 to vector<16xf32>
      %mul3A_415 = arith.mulf %get3A_412, %mul3A_414 : vector<16xf32>
      %add3A_416 = arith.constant 0 : i32
      %add3A_417 = arith.addi %mul3A_346, %add3A_416 : i32
      %swap3A_418 = arith.constant 1 : i32
      %swap3A_419 = arith.index_cast %swap3A_418 : i32 to index
      %swap3A_420 = arith.index_cast %add3A_417 : i32 to index
      %swap3A_421 = arith.constant 48 : index
      %swap3A_422 = tpu.vector_load %arg7[%swap3A_419, %swap3A_420, %swap3A_421] {strides = array<i32>} : memref<2x256x64xf32, #tpu.memory_space<vmem>>, vector<1x1x16xf32>,
      %swap3A_423 = vector.shape_cast %swap3A_422 : vector<1x1x16xf32> to vector<16xf32>
      %swap3A_424 = vector.shape_cast %mul3A_415 : vector<16xf32> to vector<1x1x16xf32>
      tpu.vector_store %arg7[%swap3A_419, %swap3A_420, %swap3A_421], %swap3A_424 {strides = array<i32>} : memref<2x256x64xf32, #tpu.memory_space<vmem>>, vector<1x1x16xf32>,
      %add3A_425 = arith.constant 1 : i32
      %add3A_426 = arith.addi %mul3A_346, %add3A_425 : i32
      %get3A_427 = arith.constant 1 : i32
      %get3A_428 = arith.index_cast %get3A_427 : i32 to index
      %get3A_429 = arith.index_cast %add3A_426 : i32 to index
      %get3A_430 = arith.constant 0 : index
      %get3A_431 = tpu.vector_load %arg6[%get3A_428, %get3A_429, %get3A_430] {strides = array<i32>} : memref<2x256x64xf32, #tpu.memory_space<vmem>>, vector<1x1x16xf32>,
      %get3A_432 = vector.shape_cast %get3A_431 : vector<1x1x16xf32> to vector<16xf32>
      %mul3A_433 = arith.constant 8.000000e+00 : f32
      %mul3A_434 = vector.broadcast %mul3A_433 : f32 to vector<16xf32>
      %mul3A_435 = arith.mulf %get3A_432, %mul3A_434 : vector<16xf32>
      %add3A_436 = arith.constant 1 : i32
      %add3A_437 = arith.addi %mul3A_346, %add3A_436 : i32
      %swap3A_438 = arith.constant 1 : i32
      %swap3A_439 = arith.index_cast %swap3A_438 : i32 to index
      %swap3A_440 = arith.index_cast %add3A_437 : i32 to index
      %swap3A_441 = arith.constant 0 : index
      %swap3A_442 = tpu.vector_load %arg7[%swap3A_439, %swap3A_440, %swap3A_441] {strides = array<i32>} : memref<2x256x64xf32, #tpu.memory_space<vmem>>, vector<1x1x16xf32>,
      %swap3A_443 = vector.shape_cast %swap3A_442 : vector<1x1x16xf32> to vector<16xf32>
      %swap3A_444 = vector.shape_cast %mul3A_435 : vector<16xf32> to vector<1x1x16xf32>
      tpu.vector_store %arg7[%swap3A_439, %swap3A_440, %swap3A_441], %swap3A_444 {strides = array<i32>} : memref<2x256x64xf32, #tpu.memory_space<vmem>>, vector<1x1x16xf32>,
      %add3A_445 = arith.constant 1 : i32
      %add3A_446 = arith.addi %mul3A_346, %add3A_445 : i32
      %get3A_447 = arith.constant 1 : i32
      %get3A_448 = arith.index_cast %get3A_447 : i32 to index
      %get3A_449 = arith.index_cast %add3A_446 : i32 to index
      %get3A_450 = arith.constant 16 : index
      %get3A_451 = tpu.vector_load %arg6[%get3A_448, %get3A_449, %get3A_450] {strides = array<i32>} : memref<2x256x64xf32, #tpu.memory_space<vmem>>, vector<1x1x16xf32>,
      %get3A_452 = vector.shape_cast %get3A_451 : vector<1x1x16xf32> to vector<16xf32>
      %mul3A_453 = arith.constant 8.000000e+00 : f32
      %mul3A_454 = vector.broadcast %mul3A_453 : f32 to vector<16xf32>
      %mul3A_455 = arith.mulf %get3A_452, %mul3A_454 : vector<16xf32>
      %add3A_456 = arith.constant 1 : i32
      %add3A_457 = arith.addi %mul3A_346, %add3A_456 : i32
      %swap3A_458 = arith.constant 1 : i32
      %swap3A_459 = arith.index_cast %swap3A_458 : i32 to index
      %swap3A_460 = arith.index_cast %add3A_457 : i32 to index
      %swap3A_461 = arith.constant 16 : index
      %swap3A_462 = tpu.vector_load %arg7[%swap3A_459, %swap3A_460, %swap3A_461] {strides = array<i32>} : memref<2x256x64xf32, #tpu.memory_space<vmem>>, vector<1x1x16xf32>,
      %swap3A_463 = vector.shape_cast %swap3A_462 : vector<1x1x16xf32> to vector<16xf32>
      %swap3A_464 = vector.shape_cast %mul3A_455 : vector<16xf32> to vector<1x1x16xf32>
      tpu.vector_store %arg7[%swap3A_459, %swap3A_460, %swap3A_461], %swap3A_464 {strides = array<i32>} : memref<2x256x64xf32, #tpu.memory_space<vmem>>, vector<1x1x16xf32>,
      %add3A_465 = arith.constant 1 : i32
      %add3A_466 = arith.addi %mul3A_346, %add3A_465 : i32
      %get3A_467 = arith.constant 1 : i32
      %get3A_468 = arith.index_cast %get3A_467 : i32 to index
      %get3A_469 = arith.index_cast %add3A_466 : i32 to index
      %get3A_470 = arith.constant 32 : index
      %get3A_471 = tpu.vector_load %arg6[%get3A_468, %get3A_469, %get3A_470] {strides = array<i32>} : memref<2x256x64xf32, #tpu.memory_space<vmem>>, vector<1x1x16xf32>,
      %get3A_472 = vector.shape_cast %get3A_471 : vector<1x1x16xf32> to vector<16xf32>
      %mul3A_473 = arith.constant 8.000000e+00 : f32
      %mul3A_474 = vector.broadcast %mul3A_473 : f32 to vector<16xf32>
      %mul3A_475 = arith.mulf %get3A_472, %mul3A_474 : vector<16xf32>
      %add3A_476 = arith.constant 1 : i32
      %add3A_477 = arith.addi %mul3A_346, %add3A_476 : i32
      %swap3A_478 = arith.constant 1 : i32
      %swap3A_479 = arith.index_cast %swap3A_478 : i32 to index
      %swap3A_480 = arith.index_cast %add3A_477 : i32 to index
      %swap3A_481 = arith.constant 32 : index
      %swap3A_482 = tpu.vector_load %arg7[%swap3A_479, %swap3A_480, %swap3A_481] {strides = array<i32>} : memref<2x256x64xf32, #tpu.memory_space<vmem>>, vector<1x1x16xf32>,
      %swap3A_483 = vector.shape_cast %swap3A_482 : vector<1x1x16xf32> to vector<16xf32>
      %swap3A_484 = vector.shape_cast %mul3A_475 : vector<16xf32> to vector<1x1x16xf32>
      tpu.vector_store %arg7[%swap3A_479, %swap3A_480, %swap3A_481], %swap3A_484 {strides = array<i32>} : memref<2x256x64xf32, #tpu.memory_space<vmem>>, vector<1x1x16xf32>,
      %add3A_485 = arith.constant 1 : i32
      %add3A_486 = arith.addi %mul3A_346, %add3A_485 : i32
      %get3A_487 = arith.constant 1 : i32
      %get3A_488 = arith.index_cast %get3A_487 : i32 to index
      %get3A_489 = arith.index_cast %add3A_486 : i32 to index
      %get3A_490 = arith.constant 48 : index
      %get3A_491 = tpu.vector_load %arg6[%get3A_488, %get3A_489, %get3A_490] {strides = array<i32>} : memref<2x256x64xf32, #tpu.memory_space<vmem>>, vector<1x1x16xf32>,
      %get3A_492 = vector.shape_cast %get3A_491 : vector<1x1x16xf32> to vector<16xf32>
      %mul3A_493 = arith.constant 8.000000e+00 : f32
      %mul3A_494 = vector.broadcast %mul3A_493 : f32 to vector<16xf32>
      %mul3A_495 = arith.mulf %get3A_492, %mul3A_494 : vector<16xf32>
      %add3A_496 = arith.constant 1 : i32
      %add3A_497 = arith.addi %mul3A_346, %add3A_496 : i32
      %swap3A_498 = arith.constant 1 : i32
      %swap3A_499 = arith.index_cast %swap3A_498 : i32 to index
      %swap3A_500 = arith.index_cast %add3A_497 : i32 to index
      %swap3A_501 = arith.constant 48 : index
      %swap3A_502 = tpu.vector_load %arg7[%swap3A_499, %swap3A_500, %swap3A_501] {strides = array<i32>} : memref<2x256x64xf32, #tpu.memory_space<vmem>>, vector<1x1x16xf32>,
      %swap3A_503 = vector.shape_cast %swap3A_502 : vector<1x1x16xf32> to vector<16xf32>
      %swap3A_504 = vector.shape_cast %mul3A_495 : vector<16xf32> to vector<1x1x16xf32>
      tpu.vector_store %arg7[%swap3A_499, %swap3A_500, %swap3A_501], %swap3A_504 {strides = array<i32>} : memref<2x256x64xf32, #tpu.memory_space<vmem>>, vector<1x1x16xf32>,
      %add3A_505 = arith.constant 2 : i32
      %add3A_506 = arith.addi %mul3A_346, %add3A_505 : i32
      %get3A_507 = arith.constant 1 : i32
      %get3A_508 = arith.index_cast %get3A_507 : i32 to index
      %get3A_509 = arith.index_cast %add3A_506 : i32 to index
      %get3A_510 = arith.constant 0 : index
      %get3A_511 = tpu.vector_load %arg6[%get3A_508, %get3A_509, %get3A_510] {strides = array<i32>} : memref<2x256x64xf32, #tpu.memory_space<vmem>>, vector<1x1x16xf32>,
      %get3A_512 = vector.shape_cast %get3A_511 : vector<1x1x16xf32> to vector<16xf32>
      %mul3A_513 = arith.constant 8.000000e+00 : f32
      %mul3A_514 = vector.broadcast %mul3A_513 : f32 to vector<16xf32>
      %mul3A_515 = arith.mulf %get3A_512, %mul3A_514 : vector<16xf32>
      %add3A_516 = arith.constant 2 : i32
      %add3A_517 = arith.addi %mul3A_346, %add3A_516 : i32
      %swap3A_518 = arith.constant 1 : i32
      %swap3A_519 = arith.index_cast %swap3A_518 : i32 to index
      %swap3A_520 = arith.index_cast %add3A_517 : i32 to index
      %swap3A_521 = arith.constant 0 : index
      %swap3A_522 = tpu.vector_load %arg7[%swap3A_519, %swap3A_520, %swap3A_521] {strides = array<i32>} : memref<2x256x64xf32, #tpu.memory_space<vmem>>, vector<1x1x16xf32>,
      %swap3A_523 = vector.shape_cast %swap3A_522 : vector<1x1x16xf32> to vector<16xf32>
      %swap3A_524 = vector.shape_cast %mul3A_515 : vector<16xf32> to vector<1x1x16xf32>
      tpu.vector_store %arg7[%swap3A_519, %swap3A_520, %swap3A_521], %swap3A_524 {strides = array<i32>} : memref<2x256x64xf32, #tpu.memory_space<vmem>>, vector<1x1x16xf32>,
      %add3A_525 = arith.constant 2 : i32
      %add3A_526 = arith.addi %mul3A_346, %add3A_525 : i32
      %get3A_527 = arith.constant 1 : i32
      %get3A_528 = arith.index_cast %get3A_527 : i32 to index
      %get3A_529 = arith.index_cast %add3A_526 : i32 to index
      %get3A_530 = arith.constant 16 : index
      %get3A_531 = tpu.vector_load %arg6[%get3A_528, %get3A_529, %get3A_530] {strides = array<i32>} : memref<2x256x64xf32, #tpu.memory_space<vmem>>, vector<1x1x16xf32>,
      %get3A_532 = vector.shape_cast %get3A_531 : vector<1x1x16xf32> to vector<16xf32>
      %mul3A_533 = arith.constant 8.000000e+00 : f32
      %mul3A_534 = vector.broadcast %mul3A_533 : f32 to vector<16xf32>
      %mul3A_535 = arith.mulf %get3A_532, %mul3A_534 : vector<16xf32>
      %add3A_536 = arith.constant 2 : i32
      %add3A_537 = arith.addi %mul3A_346, %add3A_536 : i32
      %swap3A_538 = arith.constant 1 : i32
      %swap3A_539 = arith.index_cast %swap3A_538 : i32 to index
      %swap3A_540 = arith.index_cast %add3A_537 : i32 to index
      %swap3A_541 = arith.constant 16 : index
      %swap3A_542 = tpu.vector_load %arg7[%swap3A_539, %swap3A_540, %swap3A_541] {strides = array<i32>} : memref<2x256x64xf32, #tpu.memory_space<vmem>>, vector<1x1x16xf32>,
      %swap3A_543 = vector.shape_cast %swap3A_542 : vector<1x1x16xf32> to vector<16xf32>
      %swap3A_544 = vector.shape_cast %mul3A_535 : vector<16xf32> to vector<1x1x16xf32>
      tpu.vector_store %arg7[%swap3A_539, %swap3A_540, %swap3A_541], %swap3A_544 {strides = array<i32>} : memref<2x256x64xf32, #tpu.memory_space<vmem>>, vector<1x1x16xf32>,
      %add3A_545 = arith.constant 2 : i32
      %add3A_546 = arith.addi %mul3A_346, %add3A_545 : i32
      %get3A_547 = arith.constant 1 : i32
      %get3A_548 = arith.index_cast %get3A_547 : i32 to index
      %get3A_549 = arith.index_cast %add3A_546 : i32 to index
      %get3A_550 = arith.constant 32 : index
      %get3A_551 = tpu.vector_load %arg6[%get3A_548, %get3A_549, %get3A_550] {strides = array<i32>} : memref<2x256x64xf32, #tpu.memory_space<vmem>>, vector<1x1x16xf32>,
      %get3A_552 = vector.shape_cast %get3A_551 : vector<1x1x16xf32> to vector<16xf32>
      %mul3A_553 = arith.constant 8.000000e+00 : f32
      %mul3A_554 = vector.broadcast %mul3A_553 : f32 to vector<16xf32>
      %mul3A_555 = arith.mulf %get3A_552, %mul3A_554 : vector<16xf32>
      %add3A_556 = arith.constant 2 : i32
      %add3A_557 = arith.addi %mul3A_346, %add3A_556 : i32
      %swap3A_558 = arith.constant 1 : i32
      %swap3A_559 = arith.index_cast %swap3A_558 : i32 to index
      %swap3A_560 = arith.index_cast %add3A_557 : i32 to index
      %swap3A_561 = arith.constant 32 : index
      %swap3A_562 = tpu.vector_load %arg7[%swap3A_559, %swap3A_560, %swap3A_561] {strides = array<i32>} : memref<2x256x64xf32, #tpu.memory_space<vmem>>, vector<1x1x16xf32>,
      %swap3A_563 = vector.shape_cast %swap3A_562 : vector<1x1x16xf32> to vector<16xf32>
      %swap3A_564 = vector.shape_cast %mul3A_555 : vector<16xf32> to vector<1x1x16xf32>
      tpu.vector_store %arg7[%swap3A_559, %swap3A_560, %swap3A_561], %swap3A_564 {strides = array<i32>} : memref<2x256x64xf32, #tpu.memory_space<vmem>>, vector<1x1x16xf32>,
      %add3A_565 = arith.constant 2 : i32
      %add3A_566 = arith.addi %mul3A_346, %add3A_565 : i32
      %get3A_567 = arith.constant 1 : i32
      %get3A_568 = arith.index_cast %get3A_567 : i32 to index
      %get3A_569 = arith.index_cast %add3A_566 : i32 to index
      %get3A_570 = arith.constant 48 : index
      %get3A_571 = tpu.vector_load %arg6[%get3A_568, %get3A_569, %get3A_570] {strides = array<i32>} : memref<2x256x64xf32, #tpu.memory_space<vmem>>, vector<1x1x16xf32>,
      %get3A_572 = vector.shape_cast %get3A_571 : vector<1x1x16xf32> to vector<16xf32>
      %mul3A_573 = arith.constant 8.000000e+00 : f32
      %mul3A_574 = vector.broadcast %mul3A_573 : f32 to vector<16xf32>
      %mul3A_575 = arith.mulf %get3A_572, %mul3A_574 : vector<16xf32>
      %add3A_576 = arith.constant 2 : i32
      %add3A_577 = arith.addi %mul3A_346, %add3A_576 : i32
      %swap3A_578 = arith.constant 1 : i32
      %swap3A_579 = arith.index_cast %swap3A_578 : i32 to index
      %swap3A_580 = arith.index_cast %add3A_577 : i32 to index
      %swap3A_581 = arith.constant 48 : index
      %swap3A_582 = tpu.vector_load %arg7[%swap3A_579, %swap3A_580, %swap3A_581] {strides = array<i32>} : memref<2x256x64xf32, #tpu.memory_space<vmem>>, vector<1x1x16xf32>,
      %swap3A_583 = vector.shape_cast %swap3A_582 : vector<1x1x16xf32> to vector<16xf32>
      %swap3A_584 = vector.shape_cast %mul3A_575 : vector<16xf32> to vector<1x1x16xf32>
      tpu.vector_store %arg7[%swap3A_579, %swap3A_580, %swap3A_581], %swap3A_584 {strides = array<i32>} : memref<2x256x64xf32, #tpu.memory_space<vmem>>, vector<1x1x16xf32>,
      %add3A_585 = arith.constant 3 : i32
      %add3A_586 = arith.addi %mul3A_346, %add3A_585 : i32
      %get3A_587 = arith.constant 1 : i32
      %get3A_588 = arith.index_cast %get3A_587 : i32 to index
      %get3A_589 = arith.index_cast %add3A_586 : i32 to index
      %get3A_590 = arith.constant 0 : index
      %get3A_591 = tpu.vector_load %arg6[%get3A_588, %get3A_589, %get3A_590] {strides = array<i32>} : memref<2x256x64xf32, #tpu.memory_space<vmem>>, vector<1x1x16xf32>,
      %get3A_592 = vector.shape_cast %get3A_591 : vector<1x1x16xf32> to vector<16xf32>
      %mul3A_593 = arith.constant 8.000000e+00 : f32
      %mul3A_594 = vector.broadcast %mul3A_593 : f32 to vector<16xf32>
      %mul3A_595 = arith.mulf %get3A_592, %mul3A_594 : vector<16xf32>
      %add3A_596 = arith.constant 3 : i32
      %add3A_597 = arith.addi %mul3A_346, %add3A_596 : i32
      %swap3A_598 = arith.constant 1 : i32
      %swap3A_599 = arith.index_cast %swap3A_598 : i32 to index
      %swap3A_600 = arith.index_cast %add3A_597 : i32 to index
      %swap3A_601 = arith.constant 0 : index
      %swap3A_602 = tpu.vector_load %arg7[%swap3A_599, %swap3A_600, %swap3A_601] {strides = array<i32>} : memref<2x256x64xf32, #tpu.memory_space<vmem>>, vector<1x1x16xf32>,
      %swap3A_603 = vector.shape_cast %swap3A_602 : vector<1x1x16xf32> to vector<16xf32>
      %swap3A_604 = vector.shape_cast %mul3A_595 : vector<16xf32> to vector<1x1x16xf32>
      tpu.vector_store %arg7[%swap3A_599, %swap3A_600, %swap3A_601], %swap3A_604 {strides = array<i32>} : memref<2x256x64xf32, #tpu.memory_space<vmem>>, vector<1x1x16xf32>,
      %add3A_605 = arith.constant 3 : i32
      %add3A_606 = arith.addi %mul3A_346, %add3A_605 : i32
      %get3A_607 = arith.constant 1 : i32
      %get3A_608 = arith.index_cast %get3A_607 : i32 to index
      %get3A_609 = arith.index_cast %add3A_606 : i32 to index
      %get3A_610 = arith.constant 16 : index
      %get3A_611 = tpu.vector_load %arg6[%get3A_608, %get3A_609, %get3A_610] {strides = array<i32>} : memref<2x256x64xf32, #tpu.memory_space<vmem>>, vector<1x1x16xf32>,
      %get3A_612 = vector.shape_cast %get3A_611 : vector<1x1x16xf32> to vector<16xf32>
      %mul3A_613 = arith.constant 8.000000e+00 : f32
      %mul3A_614 = vector.broadcast %mul3A_613 : f32 to vector<16xf32>
      %mul3A_615 = arith.mulf %get3A_612, %mul3A_614 : vector<16xf32>
      %add3A_616 = arith.constant 3 : i32
      %add3A_617 = arith.addi %mul3A_346, %add3A_616 : i32
      %swap3A_618 = arith.constant 1 : i32
      %swap3A_619 = arith.index_cast %swap3A_618 : i32 to index
      %swap3A_620 = arith.index_cast %add3A_617 : i32 to index
      %swap3A_621 = arith.constant 16 : index
      %swap3A_622 = tpu.vector_load %arg7[%swap3A_619, %swap3A_620, %swap3A_621] {strides = array<i32>} : memref<2x256x64xf32, #tpu.memory_space<vmem>>, vector<1x1x16xf32>,
      %swap3A_623 = vector.shape_cast %swap3A_622 : vector<1x1x16xf32> to vector<16xf32>
      %swap3A_624 = vector.shape_cast %mul3A_615 : vector<16xf32> to vector<1x1x16xf32>
      tpu.vector_store %arg7[%swap3A_619, %swap3A_620, %swap3A_621], %swap3A_624 {strides = array<i32>} : memref<2x256x64xf32, #tpu.memory_space<vmem>>, vector<1x1x16xf32>,
      %add3A_625 = arith.constant 3 : i32
      %add3A_626 = arith.addi %mul3A_346, %add3A_625 : i32
      %get3A_627 = arith.constant 1 : i32
      %get3A_628 = arith.index_cast %get3A_627 : i32 to index
      %get3A_629 = arith.index_cast %add3A_626 : i32 to index
      %get3A_630 = arith.constant 32 : index
      %get3A_631 = tpu.vector_load %arg6[%get3A_628, %get3A_629, %get3A_630] {strides = array<i32>} : memref<2x256x64xf32, #tpu.memory_space<vmem>>, vector<1x1x16xf32>,
      %get3A_632 = vector.shape_cast %get3A_631 : vector<1x1x16xf32> to vector<16xf32>
      %mul3A_633 = arith.constant 8.000000e+00 : f32
      %mul3A_634 = vector.broadcast %mul3A_633 : f32 to vector<16xf32>
      %mul3A_635 = arith.mulf %get3A_632, %mul3A_634 : vector<16xf32>
      %add3A_636 = arith.constant 3 : i32
      %add3A_637 = arith.addi %mul3A_346, %add3A_636 : i32
      %swap3A_638 = arith.constant 1 : i32
      %swap3A_639 = arith.index_cast %swap3A_638 : i32 to index
      %swap3A_640 = arith.index_cast %add3A_637 : i32 to index
      %swap3A_641 = arith.constant 32 : index
      %swap3A_642 = tpu.vector_load %arg7[%swap3A_639, %swap3A_640, %swap3A_641] {strides = array<i32>} : memref<2x256x64xf32, #tpu.memory_space<vmem>>, vector<1x1x16xf32>,
      %swap3A_643 = vector.shape_cast %swap3A_642 : vector<1x1x16xf32> to vector<16xf32>
      %swap3A_644 = vector.shape_cast %mul3A_635 : vector<16xf32> to vector<1x1x16xf32>
      tpu.vector_store %arg7[%swap3A_639, %swap3A_640, %swap3A_641], %swap3A_644 {strides = array<i32>} : memref<2x256x64xf32, #tpu.memory_space<vmem>>, vector<1x1x16xf32>,
      %add3A_645 = arith.constant 3 : i32
      %add3A_646 = arith.addi %mul3A_346, %add3A_645 : i32
      %get3A_647 = arith.constant 1 : i32
      %get3A_648 = arith.index_cast %get3A_647 : i32 to index
      %get3A_649 = arith.index_cast %add3A_646 : i32 to index
      %get3A_650 = arith.constant 48 : index
      %get3A_651 = tpu.vector_load %arg6[%get3A_648, %get3A_649, %get3A_650] {strides = array<i32>} : memref<2x256x64xf32, #tpu.memory_space<vmem>>, vector<1x1x16xf32>,
      %get3A_652 = vector.shape_cast %get3A_651 : vector<1x1x16xf32> to vector<16xf32>
      %mul3A_653 = arith.constant 8.000000e+00 : f32
      %mul3A_654 = vector.broadcast %mul3A_653 : f32 to vector<16xf32>
      %mul3A_655 = arith.mulf %get3A_652, %mul3A_654 : vector<16xf32>
      %add3A_656 = arith.constant 3 : i32
      %add3A_657 = arith.addi %mul3A_346, %add3A_656 : i32
      %swap3A_658 = arith.constant 1 : i32
      %swap3A_659 = arith.index_cast %swap3A_658 : i32 to index
      %swap3A_660 = arith.index_cast %add3A_657 : i32 to index
      %swap3A_661 = arith.constant 48 : index
      %swap3A_662 = tpu.vector_load %arg7[%swap3A_659, %swap3A_660, %swap3A_661] {strides = array<i32>} : memref<2x256x64xf32, #tpu.memory_space<vmem>>, vector<1x1x16xf32>,
      %swap3A_663 = vector.shape_cast %swap3A_662 : vector<1x1x16xf32> to vector<16xf32>
      %swap3A_664 = vector.shape_cast %mul3A_655 : vector<16xf32> to vector<1x1x16xf32>
      tpu.vector_store %arg7[%swap3A_659, %swap3A_660, %swap3A_661], %swap3A_664 {strides = array<i32>} : memref<2x256x64xf32, #tpu.memory_space<vmem>>, vector<1x1x16xf32>,
      %add3A_665 = arith.constant 4 : i32
      %add3A_666 = arith.addi %mul3A_346, %add3A_665 : i32
      %get3A_667 = arith.constant 1 : i32
      %get3A_668 = arith.index_cast %get3A_667 : i32 to index
      %get3A_669 = arith.index_cast %add3A_666 : i32 to index
      %get3A_670 = arith.constant 0 : index
      %get3A_671 = tpu.vector_load %arg6[%get3A_668, %get3A_669, %get3A_670] {strides = array<i32>} : memref<2x256x64xf32, #tpu.memory_space<vmem>>, vector<1x1x16xf32>,
      %get3A_672 = vector.shape_cast %get3A_671 : vector<1x1x16xf32> to vector<16xf32>
      %mul3A_673 = arith.constant 8.000000e+00 : f32
      %mul3A_674 = vector.broadcast %mul3A_673 : f32 to vector<16xf32>
      %mul3A_675 = arith.mulf %get3A_672, %mul3A_674 : vector<16xf32>
      %add3A_676 = arith.constant 4 : i32
      %add3A_677 = arith.addi %mul3A_346, %add3A_676 : i32
      %swap3A_678 = arith.constant 1 : i32
      %swap3A_679 = arith.index_cast %swap3A_678 : i32 to index
      %swap3A_680 = arith.index_cast %add3A_677 : i32 to index
      %swap3A_681 = arith.constant 0 : index
      %swap3A_682 = tpu.vector_load %arg7[%swap3A_679, %swap3A_680, %swap3A_681] {strides = array<i32>} : memref<2x256x64xf32, #tpu.memory_space<vmem>>, vector<1x1x16xf32>,
      %swap3A_683 = vector.shape_cast %swap3A_682 : vector<1x1x16xf32> to vector<16xf32>
      %swap3A_684 = vector.shape_cast %mul3A_675 : vector<16xf32> to vector<1x1x16xf32>
      tpu.vector_store %arg7[%swap3A_679, %swap3A_680, %swap3A_681], %swap3A_684 {strides = array<i32>} : memref<2x256x64xf32, #tpu.memory_space<vmem>>, vector<1x1x16xf32>,
      %add3A_685 = arith.constant 4 : i32
      %add3A_686 = arith.addi %mul3A_346, %add3A_685 : i32
      %get3A_687 = arith.constant 1 : i32
      %get3A_688 = arith.index_cast %get3A_687 : i32 to index
      %get3A_689 = arith.index_cast %add3A_686 : i32 to index
      %get3A_690 = arith.constant 16 : index
      %get3A_691 = tpu.vector_load %arg6[%get3A_688, %get3A_689, %get3A_690] {strides = array<i32>} : memref<2x256x64xf32, #tpu.memory_space<vmem>>, vector<1x1x16xf32>,
      %get3A_692 = vector.shape_cast %get3A_691 : vector<1x1x16xf32> to vector<16xf32>
      %mul3A_693 = arith.constant 8.000000e+00 : f32
      %mul3A_694 = vector.broadcast %mul3A_693 : f32 to vector<16xf32>
      %mul3A_695 = arith.mulf %get3A_692, %mul3A_694 : vector<16xf32>
      %add3A_696 = arith.constant 4 : i32
      %add3A_697 = arith.addi %mul3A_346, %add3A_696 : i32
      %swap3A_698 = arith.constant 1 : i32
      %swap3A_699 = arith.index_cast %swap3A_698 : i32 to index
      %swap3A_700 = arith.index_cast %add3A_697 : i32 to index
      %swap3A_701 = arith.constant 16 : index
      %swap3A_702 = tpu.vector_load %arg7[%swap3A_699, %swap3A_700, %swap3A_701] {strides = array<i32>} : memref<2x256x64xf32, #tpu.memory_space<vmem>>, vector<1x1x16xf32>,
      %swap3A_703 = vector.shape_cast %swap3A_702 : vector<1x1x16xf32> to vector<16xf32>
      %swap3A_704 = vector.shape_cast %mul3A_695 : vector<16xf32> to vector<1x1x16xf32>
      tpu.vector_store %arg7[%swap3A_699, %swap3A_700, %swap3A_701], %swap3A_704 {strides = array<i32>} : memref<2x256x64xf32, #tpu.memory_space<vmem>>, vector<1x1x16xf32>,
      %add3A_705 = arith.constant 4 : i32
      %add3A_706 = arith.addi %mul3A_346, %add3A_705 : i32
      %get3A_707 = arith.constant 1 : i32
      %get3A_708 = arith.index_cast %get3A_707 : i32 to index
      %get3A_709 = arith.index_cast %add3A_706 : i32 to index
      %get3A_710 = arith.constant 32 : index
      %get3A_711 = tpu.vector_load %arg6[%get3A_708, %get3A_709, %get3A_710] {strides = array<i32>} : memref<2x256x64xf32, #tpu.memory_space<vmem>>, vector<1x1x16xf32>,
      %get3A_712 = vector.shape_cast %get3A_711 : vector<1x1x16xf32> to vector<16xf32>
      %mul3A_713 = arith.constant 8.000000e+00 : f32
      %mul3A_714 = vector.broadcast %mul3A_713 : f32 to vector<16xf32>
      %mul3A_715 = arith.mulf %get3A_712, %mul3A_714 : vector<16xf32>
      %add3A_716 = arith.constant 4 : i32
      %add3A_717 = arith.addi %mul3A_346, %add3A_716 : i32
      %swap3A_718 = arith.constant 1 : i32
      %swap3A_719 = arith.index_cast %swap3A_718 : i32 to index
      %swap3A_720 = arith.index_cast %add3A_717 : i32 to index
      %swap3A_721 = arith.constant 32 : index
      %swap3A_722 = tpu.vector_load %arg7[%swap3A_719, %swap3A_720, %swap3A_721] {strides = array<i32>} : memref<2x256x64xf32, #tpu.memory_space<vmem>>, vector<1x1x16xf32>,
      %swap3A_723 = vector.shape_cast %swap3A_722 : vector<1x1x16xf32> to vector<16xf32>
      %swap3A_724 = vector.shape_cast %mul3A_715 : vector<16xf32> to vector<1x1x16xf32>
      tpu.vector_store %arg7[%swap3A_719, %swap3A_720, %swap3A_721], %swap3A_724 {strides = array<i32>} : memref<2x256x64xf32, #tpu.memory_space<vmem>>, vector<1x1x16xf32>,
      %add3A_725 = arith.constant 4 : i32
      %add3A_726 = arith.addi %mul3A_346, %add3A_725 : i32
      %get3A_727 = arith.constant 1 : i32
      %get3A_728 = arith.index_cast %get3A_727 : i32 to index
      %get3A_729 = arith.index_cast %add3A_726 : i32 to index
      %get3A_730 = arith.constant 48 : index
      %get3A_731 = tpu.vector_load %arg6[%get3A_728, %get3A_729, %get3A_730] {strides = array<i32>} : memref<2x256x64xf32, #tpu.memory_space<vmem>>, vector<1x1x16xf32>,
      %get3A_732 = vector.shape_cast %get3A_731 : vector<1x1x16xf32> to vector<16xf32>
      %mul3A_733 = arith.constant 8.000000e+00 : f32
      %mul3A_734 = vector.broadcast %mul3A_733 : f32 to vector<16xf32>
      %mul3A_735 = arith.mulf %get3A_732, %mul3A_734 : vector<16xf32>
      %add3A_736 = arith.constant 4 : i32
      %add3A_737 = arith.addi %mul3A_346, %add3A_736 : i32
      %swap3A_738 = arith.constant 1 : i32
      %swap3A_739 = arith.index_cast %swap3A_738 : i32 to index
      %swap3A_740 = arith.index_cast %add3A_737 : i32 to index
      %swap3A_741 = arith.constant 48 : index
      %swap3A_742 = tpu.vector_load %arg7[%swap3A_739, %swap3A_740, %swap3A_741] {strides = array<i32>} : memref<2x256x64xf32, #tpu.memory_space<vmem>>, vector<1x1x16xf32>,
      %swap3A_743 = vector.shape_cast %swap3A_742 : vector<1x1x16xf32> to vector<16xf32>
      %swap3A_744 = vector.shape_cast %mul3A_735 : vector<16xf32> to vector<1x1x16xf32>
      tpu.vector_store %arg7[%swap3A_739, %swap3A_740, %swap3A_741], %swap3A_744 {strides = array<i32>} : memref<2x256x64xf32, #tpu.memory_space<vmem>>, vector<1x1x16xf32>,
      %add3A_745 = arith.constant 5 : i32
      %add3A_746 = arith.addi %mul3A_346, %add3A_745 : i32
      %get3A_747 = arith.constant 1 : i32
      %get3A_748 = arith.index_cast %get3A_747 : i32 to index
      %get3A_749 = arith.index_cast %add3A_746 : i32 to index
      %get3A_750 = arith.constant 0 : index
      %get3A_751 = tpu.vector_load %arg6[%get3A_748, %get3A_749, %get3A_750] {strides = array<i32>} : memref<2x256x64xf32, #tpu.memory_space<vmem>>, vector<1x1x16xf32>,
      %get3A_752 = vector.shape_cast %get3A_751 : vector<1x1x16xf32> to vector<16xf32>
      %mul3A_753 = arith.constant 8.000000e+00 : f32
      %mul3A_754 = vector.broadcast %mul3A_753 : f32 to vector<16xf32>
      %mul3A_755 = arith.mulf %get3A_752, %mul3A_754 : vector<16xf32>
      %add3A_756 = arith.constant 5 : i32
      %add3A_757 = arith.addi %mul3A_346, %add3A_756 : i32
      %swap3A_758 = arith.constant 1 : i32
      %swap3A_759 = arith.index_cast %swap3A_758 : i32 to index
      %swap3A_760 = arith.index_cast %add3A_757 : i32 to index
      %swap3A_761 = arith.constant 0 : index
      %swap3A_762 = tpu.vector_load %arg7[%swap3A_759, %swap3A_760, %swap3A_761] {strides = array<i32>} : memref<2x256x64xf32, #tpu.memory_space<vmem>>, vector<1x1x16xf32>,
      %swap3A_763 = vector.shape_cast %swap3A_762 : vector<1x1x16xf32> to vector<16xf32>
      %swap3A_764 = vector.shape_cast %mul3A_755 : vector<16xf32> to vector<1x1x16xf32>
      tpu.vector_store %arg7[%swap3A_759, %swap3A_760, %swap3A_761], %swap3A_764 {strides = array<i32>} : memref<2x256x64xf32, #tpu.memory_space<vmem>>, vector<1x1x16xf32>,
      %add3A_765 = arith.constant 5 : i32
      %add3A_766 = arith.addi %mul3A_346, %add3A_765 : i32
      %get3A_767 = arith.constant 1 : i32
      %get3A_768 = arith.index_cast %get3A_767 : i32 to index
      %get3A_769 = arith.index_cast %add3A_766 : i32 to index
      %get3A_770 = arith.constant 16 : index
      %get3A_771 = tpu.vector_load %arg6[%get3A_768, %get3A_769, %get3A_770] {strides = array<i32>} : memref<2x256x64xf32, #tpu.memory_space<vmem>>, vector<1x1x16xf32>,
      %get3A_772 = vector.shape_cast %get3A_771 : vector<1x1x16xf32> to vector<16xf32>
      %mul3A_773 = arith.constant 8.000000e+00 : f32
      %mul3A_774 = vector.broadcast %mul3A_773 : f32 to vector<16xf32>
      %mul3A_775 = arith.mulf %get3A_772, %mul3A_774 : vector<16xf32>
      %add3A_776 = arith.constant 5 : i32
      %add3A_777 = arith.addi %mul3A_346, %add3A_776 : i32
      %swap3A_778 = arith.constant 1 : i32
      %swap3A_779 = arith.index_cast %swap3A_778 : i32 to index
      %swap3A_780 = arith.index_cast %add3A_777 : i32 to index
      %swap3A_781 = arith.constant 16 : index
      %swap3A_782 = tpu.vector_load %arg7[%swap3A_779, %swap3A_780, %swap3A_781] {strides = array<i32>} : memref<2x256x64xf32, #tpu.memory_space<vmem>>, vector<1x1x16xf32>,
      %swap3A_783 = vector.shape_cast %swap3A_782 : vector<1x1x16xf32> to vector<16xf32>
      %swap3A_784 = vector.shape_cast %mul3A_775 : vector<16xf32> to vector<1x1x16xf32>
      tpu.vector_store %arg7[%swap3A_779, %swap3A_780, %swap3A_781], %swap3A_784 {strides = array<i32>} : memref<2x256x64xf32, #tpu.memory_space<vmem>>, vector<1x1x16xf32>,
      %add3A_785 = arith.constant 5 : i32
      %add3A_786 = arith.addi %mul3A_346, %add3A_785 : i32
      %get3A_787 = arith.constant 1 : i32
      %get3A_788 = arith.index_cast %get3A_787 : i32 to index
      %get3A_789 = arith.index_cast %add3A_786 : i32 to index
      %get3A_790 = arith.constant 32 : index
      %get3A_791 = tpu.vector_load %arg6[%get3A_788, %get3A_789, %get3A_790] {strides = array<i32>} : memref<2x256x64xf32, #tpu.memory_space<vmem>>, vector<1x1x16xf32>,
      %get3A_792 = vector.shape_cast %get3A_791 : vector<1x1x16xf32> to vector<16xf32>
      %mul3A_793 = arith.constant 8.000000e+00 : f32
      %mul3A_794 = vector.broadcast %mul3A_793 : f32 to vector<16xf32>
      %mul3A_795 = arith.mulf %get3A_792, %mul3A_794 : vector<16xf32>
      %add3A_796 = arith.constant 5 : i32
      %add3A_797 = arith.addi %mul3A_346, %add3A_796 : i32
      %swap3A_798 = arith.constant 1 : i32
      %swap3A_799 = arith.index_cast %swap3A_798 : i32 to index
      %swap3A_800 = arith.index_cast %add3A_797 : i32 to index
      %swap3A_801 = arith.constant 32 : index
      %swap3A_802 = tpu.vector_load %arg7[%swap3A_799, %swap3A_800, %swap3A_801] {strides = array<i32>} : memref<2x256x64xf32, #tpu.memory_space<vmem>>, vector<1x1x16xf32>,
      %swap3A_803 = vector.shape_cast %swap3A_802 : vector<1x1x16xf32> to vector<16xf32>
      %swap3A_804 = vector.shape_cast %mul3A_795 : vector<16xf32> to vector<1x1x16xf32>
      tpu.vector_store %arg7[%swap3A_799, %swap3A_800, %swap3A_801], %swap3A_804 {strides = array<i32>} : memref<2x256x64xf32, #tpu.memory_space<vmem>>, vector<1x1x16xf32>,
      %add3A_805 = arith.constant 5 : i32
      %add3A_806 = arith.addi %mul3A_346, %add3A_805 : i32
      %get3A_807 = arith.constant 1 : i32
      %get3A_808 = arith.index_cast %get3A_807 : i32 to index
      %get3A_809 = arith.index_cast %add3A_806 : i32 to index
      %get3A_810 = arith.constant 48 : index
      %get3A_811 = tpu.vector_load %arg6[%get3A_808, %get3A_809, %get3A_810] {strides = array<i32>} : memref<2x256x64xf32, #tpu.memory_space<vmem>>, vector<1x1x16xf32>,
      %get3A_812 = vector.shape_cast %get3A_811 : vector<1x1x16xf32> to vector<16xf32>
      %mul3A_813 = arith.constant 8.000000e+00 : f32
      %mul3A_814 = vector.broadcast %mul3A_813 : f32 to vector<16xf32>
      %mul3A_815 = arith.mulf %get3A_812, %mul3A_814 : vector<16xf32>
      %add3A_816 = arith.constant 5 : i32
      %add3A_817 = arith.addi %mul3A_346, %add3A_816 : i32
      %swap3A_818 = arith.constant 1 : i32
      %swap3A_819 = arith.index_cast %swap3A_818 : i32 to index
      %swap3A_820 = arith.index_cast %add3A_817 : i32 to index
      %swap3A_821 = arith.constant 48 : index
      %swap3A_822 = tpu.vector_load %arg7[%swap3A_819, %swap3A_820, %swap3A_821] {strides = array<i32>} : memref<2x256x64xf32, #tpu.memory_space<vmem>>, vector<1x1x16xf32>,
      %swap3A_823 = vector.shape_cast %swap3A_822 : vector<1x1x16xf32> to vector<16xf32>
      %swap3A_824 = vector.shape_cast %mul3A_815 : vector<16xf32> to vector<1x1x16xf32>
      tpu.vector_store %arg7[%swap3A_819, %swap3A_820, %swap3A_821], %swap3A_824 {strides = array<i32>} : memref<2x256x64xf32, #tpu.memory_space<vmem>>, vector<1x1x16xf32>,
      %add3A_825 = arith.constant 6 : i32
      %add3A_826 = arith.addi %mul3A_346, %add3A_825 : i32
      %get3A_827 = arith.constant 1 : i32
      %get3A_828 = arith.index_cast %get3A_827 : i32 to index
      %get3A_829 = arith.index_cast %add3A_826 : i32 to index
      %get3A_830 = arith.constant 0 : index
      %get3A_831 = tpu.vector_load %arg6[%get3A_828, %get3A_829, %get3A_830] {strides = array<i32>} : memref<2x256x64xf32, #tpu.memory_space<vmem>>, vector<1x1x16xf32>,
      %get3A_832 = vector.shape_cast %get3A_831 : vector<1x1x16xf32> to vector<16xf32>
      %mul3A_833 = arith.constant 8.000000e+00 : f32
      %mul3A_834 = vector.broadcast %mul3A_833 : f32 to vector<16xf32>
      %mul3A_835 = arith.mulf %get3A_832, %mul3A_834 : vector<16xf32>
      %add3A_836 = arith.constant 6 : i32
      %add3A_837 = arith.addi %mul3A_346, %add3A_836 : i32
      %swap3A_838 = arith.constant 1 : i32
      %swap3A_839 = arith.index_cast %swap3A_838 : i32 to index
      %swap3A_840 = arith.index_cast %add3A_837 : i32 to index
      %swap3A_841 = arith.constant 0 : index
      %swap3A_842 = tpu.vector_load %arg7[%swap3A_839, %swap3A_840, %swap3A_841] {strides = array<i32>} : memref<2x256x64xf32, #tpu.memory_space<vmem>>, vector<1x1x16xf32>,
      %swap3A_843 = vector.shape_cast %swap3A_842 : vector<1x1x16xf32> to vector<16xf32>
      %swap3A_844 = vector.shape_cast %mul3A_835 : vector<16xf32> to vector<1x1x16xf32>
      tpu.vector_store %arg7[%swap3A_839, %swap3A_840, %swap3A_841], %swap3A_844 {strides = array<i32>} : memref<2x256x64xf32, #tpu.memory_space<vmem>>, vector<1x1x16xf32>,
      %add3A_845 = arith.constant 6 : i32
      %add3A_846 = arith.addi %mul3A_346, %add3A_845 : i32
      %get3A_847 = arith.constant 1 : i32
      %get3A_848 = arith.index_cast %get3A_847 : i32 to index
      %get3A_849 = arith.index_cast %add3A_846 : i32 to index
      %get3A_850 = arith.constant 16 : index
      %get3A_851 = tpu.vector_load %arg6[%get3A_848, %get3A_849, %get3A_850] {strides = array<i32>} : memref<2x256x64xf32, #tpu.memory_space<vmem>>, vector<1x1x16xf32>,
      %get3A_852 = vector.shape_cast %get3A_851 : vector<1x1x16xf32> to vector<16xf32>
      %mul3A_853 = arith.constant 8.000000e+00 : f32
      %mul3A_854 = vector.broadcast %mul3A_853 : f32 to vector<16xf32>
      %mul3A_855 = arith.mulf %get3A_852, %mul3A_854 : vector<16xf32>
      %add3A_856 = arith.constant 6 : i32
      %add3A_857 = arith.addi %mul3A_346, %add3A_856 : i32
      %swap3A_858 = arith.constant 1 : i32
      %swap3A_859 = arith.index_cast %swap3A_858 : i32 to index
      %swap3A_860 = arith.index_cast %add3A_857 : i32 to index
      %swap3A_861 = arith.constant 16 : index
      %swap3A_862 = tpu.vector_load %arg7[%swap3A_859, %swap3A_860, %swap3A_861] {strides = array<i32>} : memref<2x256x64xf32, #tpu.memory_space<vmem>>, vector<1x1x16xf32>,
      %swap3A_863 = vector.shape_cast %swap3A_862 : vector<1x1x16xf32> to vector<16xf32>
      %swap3A_864 = vector.shape_cast %mul3A_855 : vector<16xf32> to vector<1x1x16xf32>
      tpu.vector_store %arg7[%swap3A_859, %swap3A_860, %swap3A_861], %swap3A_864 {strides = array<i32>} : memref<2x256x64xf32, #tpu.memory_space<vmem>>, vector<1x1x16xf32>,
      %add3A_865 = arith.constant 6 : i32
      %add3A_866 = arith.addi %mul3A_346, %add3A_865 : i32
      %get3A_867 = arith.constant 1 : i32
      %get3A_868 = arith.index_cast %get3A_867 : i32 to index
      %get3A_869 = arith.index_cast %add3A_866 : i32 to index
      %get3A_870 = arith.constant 32 : index
      %get3A_871 = tpu.vector_load %arg6[%get3A_868, %get3A_869, %get3A_870] {strides = array<i32>} : memref<2x256x64xf32, #tpu.memory_space<vmem>>, vector<1x1x16xf32>,
      %get3A_872 = vector.shape_cast %get3A_871 : vector<1x1x16xf32> to vector<16xf32>
      %mul3A_873 = arith.constant 8.000000e+00 : f32
      %mul3A_874 = vector.broadcast %mul3A_873 : f32 to vector<16xf32>
      %mul3A_875 = arith.mulf %get3A_872, %mul3A_874 : vector<16xf32>
      %add3A_876 = arith.constant 6 : i32
      %add3A_877 = arith.addi %mul3A_346, %add3A_876 : i32
      %swap3A_878 = arith.constant 1 : i32
      %swap3A_879 = arith.index_cast %swap3A_878 : i32 to index
      %swap3A_880 = arith.index_cast %add3A_877 : i32 to index
      %swap3A_881 = arith.constant 32 : index
      %swap3A_882 = tpu.vector_load %arg7[%swap3A_879, %swap3A_880, %swap3A_881] {strides = array<i32>} : memref<2x256x64xf32, #tpu.memory_space<vmem>>, vector<1x1x16xf32>,
      %swap3A_883 = vector.shape_cast %swap3A_882 : vector<1x1x16xf32> to vector<16xf32>
      %swap3A_884 = vector.shape_cast %mul3A_875 : vector<16xf32> to vector<1x1x16xf32>
      tpu.vector_store %arg7[%swap3A_879, %swap3A_880, %swap3A_881], %swap3A_884 {strides = array<i32>} : memref<2x256x64xf32, #tpu.memory_space<vmem>>, vector<1x1x16xf32>,
      %add3A_885 = arith.constant 6 : i32
      %add3A_886 = arith.addi %mul3A_346, %add3A_885 : i32
      %get3A_887 = arith.constant 1 : i32
      %get3A_888 = arith.index_cast %get3A_887 : i32 to index
      %get3A_889 = arith.index_cast %add3A_886 : i32 to index
      %get3A_890 = arith.constant 48 : index
      %get3A_891 = tpu.vector_load %arg6[%get3A_888, %get3A_889, %get3A_890] {strides = array<i32>} : memref<2x256x64xf32, #tpu.memory_space<vmem>>, vector<1x1x16xf32>,
      %get3A_892 = vector.shape_cast %get3A_891 : vector<1x1x16xf32> to vector<16xf32>
      %mul3A_893 = arith.constant 8.000000e+00 : f32
      %mul3A_894 = vector.broadcast %mul3A_893 : f32 to vector<16xf32>
      %mul3A_895 = arith.mulf %get3A_892, %mul3A_894 : vector<16xf32>
      %add3A_896 = arith.constant 6 : i32
      %add3A_897 = arith.addi %mul3A_346, %add3A_896 : i32
      %swap3A_898 = arith.constant 1 : i32
      %swap3A_899 = arith.index_cast %swap3A_898 : i32 to index
      %swap3A_900 = arith.index_cast %add3A_897 : i32 to index
      %swap3A_901 = arith.constant 48 : index
      %swap3A_902 = tpu.vector_load %arg7[%swap3A_899, %swap3A_900, %swap3A_901] {strides = array<i32>} : memref<2x256x64xf32, #tpu.memory_space<vmem>>, vector<1x1x16xf32>,
      %swap3A_903 = vector.shape_cast %swap3A_902 : vector<1x1x16xf32> to vector<16xf32>
      %swap3A_904 = vector.shape_cast %mul3A_895 : vector<16xf32> to vector<1x1x16xf32>
      tpu.vector_store %arg7[%swap3A_899, %swap3A_900, %swap3A_901], %swap3A_904 {strides = array<i32>} : memref<2x256x64xf32, #tpu.memory_space<vmem>>, vector<1x1x16xf32>,
      %add3A_905 = arith.constant 7 : i32
      %add3A_906 = arith.addi %mul3A_346, %add3A_905 : i32
      %get3A_907 = arith.constant 1 : i32
      %get3A_908 = arith.index_cast %get3A_907 : i32 to index
      %get3A_909 = arith.index_cast %add3A_906 : i32 to index
      %get3A_910 = arith.constant 0 : index
      %get3A_911 = tpu.vector_load %arg6[%get3A_908, %get3A_909, %get3A_910] {strides = array<i32>} : memref<2x256x64xf32, #tpu.memory_space<vmem>>, vector<1x1x16xf32>,
      %get3A_912 = vector.shape_cast %get3A_911 : vector<1x1x16xf32> to vector<16xf32>
      %mul3A_913 = arith.constant 8.000000e+00 : f32
      %mul3A_914 = vector.broadcast %mul3A_913 : f32 to vector<16xf32>
      %mul3A_915 = arith.mulf %get3A_912, %mul3A_914 : vector<16xf32>
      %add3A_916 = arith.constant 7 : i32
      %add3A_917 = arith.addi %mul3A_346, %add3A_916 : i32
      %swap3A_918 = arith.constant 1 : i32
      %swap3A_919 = arith.index_cast %swap3A_918 : i32 to index
      %swap3A_920 = arith.index_cast %add3A_917 : i32 to index
      %swap3A_921 = arith.constant 0 : index
      %swap3A_922 = tpu.vector_load %arg7[%swap3A_919, %swap3A_920, %swap3A_921] {strides = array<i32>} : memref<2x256x64xf32, #tpu.memory_space<vmem>>, vector<1x1x16xf32>,
      %swap3A_923 = vector.shape_cast %swap3A_922 : vector<1x1x16xf32> to vector<16xf32>
      %swap3A_924 = vector.shape_cast %mul3A_915 : vector<16xf32> to vector<1x1x16xf32>
      tpu.vector_store %arg7[%swap3A_919, %swap3A_920, %swap3A_921], %swap3A_924 {strides = array<i32>} : memref<2x256x64xf32, #tpu.memory_space<vmem>>, vector<1x1x16xf32>,
      %add3A_925 = arith.constant 7 : i32
      %add3A_926 = arith.addi %mul3A_346, %add3A_925 : i32
      %get3A_927 = arith.constant 1 : i32
      %get3A_928 = arith.index_cast %get3A_927 : i32 to index
      %get3A_929 = arith.index_cast %add3A_926 : i32 to index
      %get3A_930 = arith.constant 16 : index
      %get3A_931 = tpu.vector_load %arg6[%get3A_928, %get3A_929, %get3A_930] {strides = array<i32>} : memref<2x256x64xf32, #tpu.memory_space<vmem>>, vector<1x1x16xf32>,
      %get3A_932 = vector.shape_cast %get3A_931 : vector<1x1x16xf32> to vector<16xf32>
      %mul3A_933 = arith.constant 8.000000e+00 : f32
      %mul3A_934 = vector.broadcast %mul3A_933 : f32 to vector<16xf32>
      %mul3A_935 = arith.mulf %get3A_932, %mul3A_934 : vector<16xf32>
      %add3A_936 = arith.constant 7 : i32
      %add3A_937 = arith.addi %mul3A_346, %add3A_936 : i32
      %swap3A_938 = arith.constant 1 : i32
      %swap3A_939 = arith.index_cast %swap3A_938 : i32 to index
      %swap3A_940 = arith.index_cast %add3A_937 : i32 to index
      %swap3A_941 = arith.constant 16 : index
      %swap3A_942 = tpu.vector_load %arg7[%swap3A_939, %swap3A_940, %swap3A_941] {strides = array<i32>} : memref<2x256x64xf32, #tpu.memory_space<vmem>>, vector<1x1x16xf32>,
      %swap3A_943 = vector.shape_cast %swap3A_942 : vector<1x1x16xf32> to vector<16xf32>
      %swap3A_944 = vector.shape_cast %mul3A_935 : vector<16xf32> to vector<1x1x16xf32>
      tpu.vector_store %arg7[%swap3A_939, %swap3A_940, %swap3A_941], %swap3A_944 {strides = array<i32>} : memref<2x256x64xf32, #tpu.memory_space<vmem>>, vector<1x1x16xf32>,
      %add3A_945 = arith.constant 7 : i32
      %add3A_946 = arith.addi %mul3A_346, %add3A_945 : i32
      %get3A_947 = arith.constant 1 : i32
      %get3A_948 = arith.index_cast %get3A_947 : i32 to index
      %get3A_949 = arith.index_cast %add3A_946 : i32 to index
      %get3A_950 = arith.constant 32 : index
      %get3A_951 = tpu.vector_load %arg6[%get3A_948, %get3A_949, %get3A_950] {strides = array<i32>} : memref<2x256x64xf32, #tpu.memory_space<vmem>>, vector<1x1x16xf32>,
      %get3A_952 = vector.shape_cast %get3A_951 : vector<1x1x16xf32> to vector<16xf32>
      %mul3A_953 = arith.constant 8.000000e+00 : f32
      %mul3A_954 = vector.broadcast %mul3A_953 : f32 to vector<16xf32>
      %mul3A_955 = arith.mulf %get3A_952, %mul3A_954 : vector<16xf32>
      %add3A_956 = arith.constant 7 : i32
      %add3A_957 = arith.addi %mul3A_346, %add3A_956 : i32
      %swap3A_958 = arith.constant 1 : i32
      %swap3A_959 = arith.index_cast %swap3A_958 : i32 to index
      %swap3A_960 = arith.index_cast %add3A_957 : i32 to index
      %swap3A_961 = arith.constant 32 : index
      %swap3A_962 = tpu.vector_load %arg7[%swap3A_959, %swap3A_960, %swap3A_961] {strides = array<i32>} : memref<2x256x64xf32, #tpu.memory_space<vmem>>, vector<1x1x16xf32>,
      %swap3A_963 = vector.shape_cast %swap3A_962 : vector<1x1x16xf32> to vector<16xf32>
      %swap3A_964 = vector.shape_cast %mul3A_955 : vector<16xf32> to vector<1x1x16xf32>
      tpu.vector_store %arg7[%swap3A_959, %swap3A_960, %swap3A_961], %swap3A_964 {strides = array<i32>} : memref<2x256x64xf32, #tpu.memory_space<vmem>>, vector<1x1x16xf32>,
      %add3A_965 = arith.constant 7 : i32
      %add3A_966 = arith.addi %mul3A_346, %add3A_965 : i32
      %get3A_967 = arith.constant 1 : i32
      %get3A_968 = arith.index_cast %get3A_967 : i32 to index
      %get3A_969 = arith.index_cast %add3A_966 : i32 to index
      %get3A_970 = arith.constant 48 : index
      %get3A_971 = tpu.vector_load %arg6[%get3A_968, %get3A_969, %get3A_970] {strides = array<i32>} : memref<2x256x64xf32, #tpu.memory_space<vmem>>, vector<1x1x16xf32>,
      %get3A_972 = vector.shape_cast %get3A_971 : vector<1x1x16xf32> to vector<16xf32>
      %mul3A_973 = arith.constant 8.000000e+00 : f32
      %mul3A_974 = vector.broadcast %mul3A_973 : f32 to vector<16xf32>
      %mul3A_975 = arith.mulf %get3A_972, %mul3A_974 : vector<16xf32>
      %add3A_976 = arith.constant 7 : i32
      %add3A_977 = arith.addi %mul3A_346, %add3A_976 : i32
      %swap3A_978 = arith.constant 1 : i32
      %swap3A_979 = arith.index_cast %swap3A_978 : i32 to index
      %swap3A_980 = arith.index_cast %add3A_977 : i32 to index
      %swap3A_981 = arith.constant 48 : index
      %swap3A_982 = tpu.vector_load %arg7[%swap3A_979, %swap3A_980, %swap3A_981] {strides = array<i32>} : memref<2x256x64xf32, #tpu.memory_space<vmem>>, vector<1x1x16xf32>,
      %swap3A_983 = vector.shape_cast %swap3A_982 : vector<1x1x16xf32> to vector<16xf32>
      %swap3A_984 = vector.shape_cast %mul3A_975 : vector<16xf32> to vector<1x1x16xf32>
      tpu.vector_store %arg7[%swap3A_979, %swap3A_980, %swap3A_981], %swap3A_984 {strides = array<i32>} : memref<2x256x64xf32, #tpu.memory_space<vmem>>, vector<1x1x16xf32>,
    }
    %scan3A_298 = arith.constant 32 : i32
    %add3A_299 = arith.constant 25344 : i32
    %add3A_300 = arith.addi %mul3A_2, %add3A_299 : i32
    %dma_start3A_301 = arith.constant 1 : i32
    %dma_start3A_302 = arith.constant 0 : i32
    %dma_start3A_303 = arith.constant 0 : i32
    %dma_start3A_304 = tpu.memref_slice %arg7[%dma_start3A_301, %dma_start3A_302, %dma_start3A_303] : memref<2x256x64xf32, #tpu.memory_space<vmem>> -> memref<1x256x64xf32, #tpu.memory_space<vmem>>
    %dma_start3A_305 = tpu.memref_squeeze %dma_start3A_304 : memref<1x256x64xf32, #tpu.memory_space<vmem>> -> memref<256x64xf32, #tpu.memory_space<vmem>>
    %dma_start3A_306 = arith.constant 0 : i32
    %dma_start3A_307 = tpu.memref_slice %arg4[%add3A_300, %dma_start3A_306] : memref<819200x128xf32, #tpu.memory_space<hbm>> -> memref<256x64xf32, #tpu.memory_space<hbm>>
    %dma_start3A_308 = arith.constant 0 : i32
    %dma_start3A_309 = tpu.memref_slice %arg4[%add3A_300, %dma_start3A_308] : memref<819200x128xf32, #tpu.memory_space<hbm>> -> memref<256x64xf32, #tpu.memory_space<hbm>>
    %dma_start3A_310 = arith.constant 0 : i32
    %dma_start3A_311 = arith.constant 0 : i32
    %dma_start3A_312 = tpu.memref_slice %arg7[%dma_start3A_301, %dma_start3A_310, %dma_start3A_311] : memref<2x256x64xf32, #tpu.memory_space<vmem>> -> memref<1x256x64xf32, #tpu.memory_space<vmem>>
    %dma_start3A_313 = tpu.memref_squeeze %dma_start3A_312 : memref<1x256x64xf32, #tpu.memory_space<vmem>> -> memref<256x64xf32, #tpu.memory_space<vmem>>
    tpu.enqueue_dma source(%dma_start3A_313 : memref<256x64xf32, #tpu.memory_space<vmem>>) target(%dma_start3A_309 : memref<256x64xf32, #tpu.memory_space<hbm>>) target_semaphore(%arg11 : memref<!tpu.dma_semaphore, #tpu.memory_space<semaphore_mem>>)
    %add3A_314 = arith.constant 0 : i32
    %add3A_315 = arith.addi %mul3A_2, %add3A_314 : i32
    %dma_wait3A_316 = arith.constant 0 : i32
    %dma_wait3A_317 = arith.constant 0 : i32
    %dma_wait3A_318 = arith.constant 0 : i32
    %dma_wait3A_319 = tpu.memref_slice %arg7[%dma_wait3A_316, %dma_wait3A_317, %dma_wait3A_318] : memref<2x256x64xf32, #tpu.memory_space<vmem>> -> memref<1x256x64xf32, #tpu.memory_space<vmem>>
    %dma_wait3A_320 = tpu.memref_squeeze %dma_wait3A_319 : memref<1x256x64xf32, #tpu.memory_space<vmem>> -> memref<256x64xf32, #tpu.memory_space<vmem>>
    %dma_wait3A_321 = arith.constant 0 : i32
    %dma_wait3A_322 = tpu.memref_slice %arg4[%add3A_315, %dma_wait3A_321] : memref<819200x128xf32, #tpu.memory_space<hbm>> -> memref<256x64xf32, #tpu.memory_space<hbm>>
    %dma_wait3A_323 = arith.constant 0 : i32
    %dma_wait3A_324 = tpu.memref_slice %arg4[%add3A_315, %dma_wait3A_323] : memref<819200x128xf32, #tpu.memory_space<hbm>> -> memref<256x64xf32, #tpu.memory_space<hbm>>
    %dma_wait3A_325 = arith.constant 0 : i32
    %dma_wait3A_326 = arith.constant 0 : i32
    %dma_wait3A_327 = tpu.memref_slice %arg7[%dma_wait3A_316, %dma_wait3A_325, %dma_wait3A_326] : memref<2x256x64xf32, #tpu.memory_space<vmem>> -> memref<1x256x64xf32, #tpu.memory_space<vmem>>
    %dma_wait3A_328 = tpu.memref_squeeze %dma_wait3A_327 : memref<1x256x64xf32, #tpu.memory_space<vmem>> -> memref<256x64xf32, #tpu.memory_space<vmem>>
    tpu.wait_dma2 semaphore(%arg10 : memref<!tpu.dma_semaphore, #tpu.memory_space<semaphore_mem>>) src(%dma_wait3A_328 : memref<256x64xf32, #tpu.memory_space<vmem>>) dst(%dma_wait3A_324 : memref<256x64xf32, #tpu.memory_space<hbm>>)
    %add3A_329 = arith.constant 0 : i32
    %add3A_330 = arith.addi %mul3A_2, %add3A_329 : i32
    %dma_wait3A_331 = arith.constant 1 : i32
    %dma_wait3A_332 = arith.constant 0 : i32
    %dma_wait3A_333 = arith.constant 0 : i32
    %dma_wait3A_334 = tpu.memref_slice %arg7[%dma_wait3A_331, %dma_wait3A_332, %dma_wait3A_333] : memref<2x256x64xf32, #tpu.memory_space<vmem>> -> memref<1x256x64xf32, #tpu.memory_space<vmem>>
    %dma_wait3A_335 = tpu.memref_squeeze %dma_wait3A_334 : memref<1x256x64xf32, #tpu.memory_space<vmem>> -> memref<256x64xf32, #tpu.memory_space<vmem>>
    %dma_wait3A_336 = arith.constant 0 : i32
    %dma_wait3A_337 = tpu.memref_slice %arg4[%add3A_330, %dma_wait3A_336] : memref<819200x128xf32, #tpu.memory_space<hbm>> -> memref<256x64xf32, #tpu.memory_space<hbm>>
    %dma_wait3A_338 = arith.constant 0 : i32
    %dma_wait3A_339 = tpu.memref_slice %arg4[%add3A_330, %dma_wait3A_338] : memref<819200x128xf32, #tpu.memory_space<hbm>> -> memref<256x64xf32, #tpu.memory_space<hbm>>
    %dma_wait3A_340 = arith.constant 0 : i32
    %dma_wait3A_341 = arith.constant 0 : i32
    %dma_wait3A_342 = tpu.memref_slice %arg7[%dma_wait3A_331, %dma_wait3A_340, %dma_wait3A_341] : memref<2x256x64xf32, #tpu.memory_space<vmem>> -> memref<1x256x64xf32, #tpu.memory_space<vmem>>
    %dma_wait3A_343 = tpu.memref_squeeze %dma_wait3A_342 : memref<1x256x64xf32, #tpu.memory_space<vmem>> -> memref<256x64xf32, #tpu.memory_space<vmem>>
    tpu.wait_dma2 semaphore(%arg11 : memref<!tpu.dma_semaphore, #tpu.memory_space<semaphore_mem>>) src(%dma_wait3A_343 : memref<256x64xf32, #tpu.memory_space<vmem>>) dst(%dma_wait3A_339 : memref<256x64xf32, #tpu.memory_space<hbm>>)
    return
  }
}

</mosaic_0001>

<sc_bundles>
// kernel: kernel.3.cloned.1.call-start
scs
__scs_entry_jumppad:
0x0: {  	(pc) =	sbr.rel $0x88, $3  }
0x1: {  	(tag) =	ssettag $0x0;
	lr =	simm.s32 $0x1  }
0x2: {  	[smem:$0x3F9F] =	sst lr;
	_ =	strace $0xD0000000  }
0x3: {  	_ = 	snop  }
0x4: {  	_ = 	snop  }
0x5: {  	_ = 	snop  }
0x6: {  	_ = 	snop  }
0x7: {  	_ = 	snop  }
__scs_overlays_trampoline_lowered:
0x8: {  	[smem:$0x3FAE] =	sst s0  }
0x9: {  	[smem:$0x3FAF] =	sst s1  }
0xa: {  	[smem:$0x3FB0] =	sst s2  }
0xb: {  	[smem:$0x3FB1] =	sst s3  }
0xc: {  	[smem:$0x3FB2] =	sst s4  }
0xd: {  	[smem:$0x3FB3] =	sst s5  }
0xe: {  	[smem:$0x3FB4] =	sst s6  }
0xf: {  	[smem:$0x3FB5] =	sst s7  }
0x10: {  	[smem:$0x3FB6] =	sst s8  }
0x11: {  	[smem:$0x3FB7] =	sst s9;
	s0 =	simm.s32 @!p0 $0x0  }
0x12: {  	s1 =	sld [smem:$0x3F9D];
	s0 =	simm.s32 @p0 $0x1  }
0x13: {  	[smem:$0x3FB8] =	sst s0;
	s0 =	simm.s32 @!p1 $0x0  }
0x14: {  	s2 =	sld [smem:$0x3F9C];
	s0 =	simm.s32 @p1 $0x1  }
0x15: {  	[smem:$0x3FB9] =	sst s0;
	s0 =	simm.s32 @!p2 $0x0  }
0x16: {  	s3 =	sld [smem:$0x3FDB];
	s0 =	simm.s32 @p2 $0x1  }
0x17: {  	s4 =	simm.s32 $0x1BF5;
	[smem:$0x3FBB] =	sst s0  }
0x18: {  	s0 =	sld [smem:$0x3F9E];
	_ =	swait.ge [sflag:s4], $0x0  }
0x19: {  	s7 =	sld [smem:$0x3F9F]  }
0x1a: {  	s8 =	sadd.s32 $0xFFFFE003, lr  }
0x1b: {  	s9 =	sadd.s32 $0xFFFFFEF7, lr;
	s5 =	simm.s32 $0xFFFFFFFF;
	p2 =	slt.u32 s8, $0xFFFFF086  }
0x1c: {  	p1 =	slt.u32 s9, $0xF7A;
	s5 =	simm.s32 @!p2 $0x0  }
0x1d: {  	s5 =	simm.s32 @p1 $0x1;
	p0 =	seq.s32 s7, s2  }
0x1e: {  	s7 =	smul.u32 @!p0 $0xF7A, s2;
	p2 =	seq.s32 @!p0 s5, $0x0  }
0x1f: {  	s9 =	smul.u32 $0xF7A, s1;
	s8 =	simm.s32 @!p0 $0x1BF5;
	p2 =	por !p2, p0  }
0x20: {  	[sflag:s8] =	ssyncset.s32 @!p0 $0xFFFFF086;
	s6 =	sadd.s32 @!p0 s3, s7;
	s7 =	simm.s32 @!p0 $0x108  }
0x21: {  	s3 =	sadd.s32 s3, s9;
	s6 =	sadd.s32 @!p0 $0x88, s6;
	s7 =	simm.s32 @p2 $0x1082  }
0x22: {  	[simem:s7], [sflag:s8] =	dma.local @!p0 [hbm:s6], $0xF7A  }
0x23: {  	s9 =	sor.u32 $0xD0000000, s2;
	s6 =	simm.s32 $0x108;
	_ =	swait.ge @!p0 [sflag:s8], $0x0  }
0x24: {  	s3 =	sadd.s32 $0x88, s3;
	s6 =	simm.s32 @!p1 $0x1082;
	[sflag:s4] =	ssyncset.s32 $0xFFFFF086  }
0x25: {  	[simem:s6], [sflag:s4] =	dma.local [hbm:s3], $0xF7A  }
0x26: {  	[smem:$0x3F9F] =	sst s1;
	(tag) =	ssettag s2;
	_ =	strace s9  }
0x27: {  	s1 =	sld [smem:$0x3FAF]  }
0x28: {  	s2 =	sld [smem:$0x3FB0]  }
0x29: {  	s4 =	sld [smem:$0x3FB2]  }
0x2a: {  	p0 =	seq.s32 s5, $0x0;
	s5 =	sld [smem:$0x3FB3]  }
0x2b: {  	s6 =	sld [smem:$0x3FB4]  }
0x2c: {  	s7 =	sld [smem:$0x3FB5]  }
0x2d: {  	s3 =	simm.s32 $0x108;
	s8 =	sld [smem:$0x3FB6]  }
0x2e: {  	s3 =	simm.s32 @!p0 $0x1082;
	s9 =	sld [smem:$0x3FB7]  }
0x2f: {  	lr =	sadd.s32 s0, s3;
	s0 =	sld [smem:$0x3FAE]  }
0x30: {  	s3 =	sld [smem:$0x3FB1]  }
0x31: {  	[smem:$0x3FBA] =	sst s10  }
0x32: {  	s10 =	sld [smem:$0x3FB8];
	_ =	sdelay $0x3  }
0x33: {  	p0 =	seq.s32 s10, $0x1;
	s10 =	sld [smem:$0x3FBA];
	_ =	sdelay $0x3  }
0x34: {  	[smem:$0x3FBA] =	sst s10  }
0x35: {  	s10 =	sld [smem:$0x3FB9];
	_ =	sdelay $0x3  }
0x36: {  	p1 =	seq.s32 s10, $0x1;
	s10 =	sld [smem:$0x3FBA];
	_ =	sdelay $0x3  }
0x37: {  	[smem:$0x3FBA] =	sst s10  }
0x38: {  	s10 =	sld [smem:$0x3FBB]  }
0x39: {  	_ = 	snop;
	(pc) =	sbr.ind lr, $3  }
0x3a: {  	_ = 	snop  }
0x3b: {  	_ = 	snop  }
0x3c: {  	p2 =	seq.s32 s10, $0x1;
	s10 =	sld [smem:$0x3FBA]  }
0x3d: {  	_ =	shalt  }
0x3e: {  	_ =	shalt  }
0x3f: {  	_ =	shalt  }
0x40: {  	_ =	shalt  }
0x41: {  	_ =	shalt  }
0x42: {  	_ =	shalt  }
0x43: {  	_ =	shalt  }
0x44: {  	_ =	shalt  }
0x45: {  	_ =	shalt  }
0x46: {  	_ =	shalt  }
0x47: {  	_ =	shalt  }
0x48: {  	_ =	shalt  }
0x49: {  	_ =	shalt  }
0x4a: {  	_ =	shalt  }
0x4b: {  	_ =	shalt  }
0x4c: {  	_ =	shalt  }
0x4d: {  	_ =	shalt  }
0x4e: {  	_ =	shalt  }
0x4f: {  	_ =	shalt  }
0x50: {  	_ =	shalt  }
0x51: {  	_ =	shalt  }
0x52: {  	_ =	shalt  }
0x53: {  	_ =	shalt  }
0x54: {  	_ =	shalt  }
0x55: {  	_ =	shalt  }
0x56: {  	_ =	shalt  }
0x57: {  	_ =	shalt  }
0x58: {  	_ =	shalt  }
0x59: {  	_ =	shalt  }
0x5a: {  	_ =	shalt  }
0x5b: {  	_ =	shalt  }
0x5c: {  	_ =	shalt  }
0x5d: {  	_ =	shalt  }
0x5e: {  	_ =	shalt  }
0x5f: {  	_ =	shalt  }
0x60: {  	_ =	shalt  }
0x61: {  	_ =	shalt  }
0x62: {  	_ =	shalt  }
0x63: {  	_ =	shalt  }
0x64: {  	_ =	shalt  }
0x65: {  	_ =	shalt  }
0x66: {  	_ =	shalt  }
0x67: {  	_ =	shalt  }
0x68: {  	_ =	shalt  }
0x69: {  	_ =	shalt  }
0x6a: {  	_ =	shalt  }
0x6b: {  	_ =	shalt  }
0x6c: {  	_ =	shalt  }
0x6d: {  	_ =	shalt  }
0x6e: {  	_ =	shalt  }
0x6f: {  	_ =	shalt  }
0x70: {  	_ =	shalt  }
0x71: {  	_ =	shalt  }
0x72: {  	_ =	shalt  }
0x73: {  	_ =	shalt  }
0x74: {  	_ =	shalt  }
0x75: {  	_ =	shalt  }
0x76: {  	_ =	shalt  }
0x77: {  	_ =	shalt  }
0x78: {  	_ =	shalt  }
0x79: {  	_ =	shalt  }
0x7a: {  	_ =	shalt  }
0x7b: {  	_ =	shalt  }
0x7c: {  	_ =	shalt  }
0x7d: {  	_ =	shalt  }
0x7e: {  	_ =	shalt  }
0x7f: {  	_ =	shalt  }
0x80: {  	_ =	shalt  }
0x81: {  	_ =	shalt  }
0x82: {  	_ =	shalt  }
0x83: {  	_ =	shalt  }
0x84: {  	_ =	shalt  }
0x85: {  	_ =	shalt  }
0x86: {  	_ =	shalt  }
0x87: {  	_ =	shalt  }
.Lfunc_end0:
.L_simem_size_0:
called_computation.2_lowered:
.L_overlay_start_0:
0x88: {  	s2 =	sld [smem:$0x3FD9]  }
0x89: {  	s3 =	sld [smem:$0x3FFE];
	_ =	sdelay $0x1  }
0x8a: {  	s1 =	srdreg.scid  }
0x8b: {  	s0 =	sand.u32 $0x1, s1  }
0x8c: {  	s17 =	sshll.u32 s0, $0xA;
	s2 =	sadd.s32 s3, s2  }
0x8d: {  	s2 =	sadd.s32 s2, s17  }
0x8e: {  	[smem:$0x3FC6] =	sst s2  }
0x8f: {  	_ = 	snop  }
0x90: {  	s2 =	sld [smem:$0x3FD0];
	(tm) =	ssettm $0x1  }
0x91: {  	s18 =	sld [smem:$0x3FFB];
	_ =	sdelay $0x3  }
0x92: {  	_ =	strace s18  }
0x93: {  	s3 =	sld [smem:$0x3FFC];
	_ =	sdelay $0x3  }
0x94: {  	_ =	strace s3  }
0x95: {  	s3 =	sld [smem:$0x3FFD];
	_ =	sdelay $0x3  }
0x96: {  	_ =	strace s3  }
0x97: {  	_ =	strace $0x8FFFFFFF  }
0x98: {  	s19 =	sld [smem:$0x3FDB];
	_ =	sdelay $0x1  }
0x99: {  	s4 =	simm.s32 $_scs_section_size  }
0x9a: {  	s5 =	simm.s32 $_size__tile_overlayer_lowered;
	s6 =	simm.s32 $_tile_overlayer_lowered  }
0x9b: {  	s22 =	simm.s32 $0x1BFF;
	s21 =	sshll.u32 s6, $0x1;
	s3 =	sadd.s32 s4, s19  }
0x9c: {  	s7 =	simm.s32 $0x0;
	s20 =	sshll.u32 s5, $0x1;
	s5 =	sadd.s32 s21, s3  }
0x9d: {  	[timem:s7], [sflag:s22] =	dma.local [hbm:s5], s20  }
0x9e: {  	_ =	swait.ge [sflag:s22], s20  }
0x9f: {  	s4 =	ssub.s32 $0x0, s20;
	[sflag:s22] =	ssyncset.done $0x0  }
0xa0: {  	[sflag:s22] =	ssyncadd.s32 s4;
	_ =	sdelay $0x1  }
0xa1: {  	s23 =	simm.s32 $0x1B8B  }
0xa2: {  	_ =	swait.ge [sflag:s23], $0x1  }
0xa3: {  	[sflag:s23] =	ssyncset.done $0x0  }
0xa4: {  	s25 =	simm.s32 $0x1B8E;
	s24 =	sld [smem:$0x3FFE];
	[sflag:s23] =	ssyncadd.s32 $0xFFFFFFFF  }
0xa5: {  	s26 =	simm.s32 $execute0_lowered;
	[smem:$0x3FD2] =	sst s25  }
0xa6: {  	s5 =	sshll.u32 s26, $0x1;
	_ =	strace $0x80000049;
	[dreg:$0x1] =	wrdreg $0xFFFFFFFF  }
0xa7: {  	s28 =	simm.s32 $_size_execute0_lowered;
	s3 =	sadd.s32 s3, s5;
	[dreg:$0x0] =	wrdreg $0x0  }
0xa8: {  	s5 =	sshll.u32 s28, $0x1;
	[dreg:$0x2] =	wrdreg s3  }
0xa9: {  	[dreg:$0x3] =	wrdreg s5  }
0xaa: {  	[dreg:$0x4] =	wrdreg $0xC0  }
0xab: {  	_ =	task [dreg:s7], $0x5FFFF  }
0xac: {  	[dreg:$0x1] =	wrdreg $0xFFFFFFFF  }
0xad: {  	[dreg:$0x0] =	wrdreg $0x60  }
0xae: {  	[dreg:$0x2] =	wrdreg s24  }
0xaf: {  	[dreg:$0x3] =	wrdreg s2  }
0xb0: {  	[dreg:$0x4] =	wrdreg $0x9  }
0xb1: {  	_ =	task.clear_ibuf [dreg:s7], $0x5FFFF;
	_ =	strace $0x90000049  }
0xb2: {  	s29 =	simm.s32 $0x9;
	_ =	strace $0x8000004B  }
0xb3: {  	_ =	swait.ge [sflag:s29], $0x1  }
0xb4: {  	[sflag:s29] =	ssyncadd.s32 $0xFFFFFFFF  }
0xb5: {  	_ =	strace $0x9000004B  }
0xb6: {  	_ =	sfence  }
0xb7: {  	s30 =	sld [smem:$0x0];
	_ =	sdelay $0x2  }
0xb8: {  	s31 =	sshll.u32 s1, $0xD;
	s1 =	sshrl.u32 s1, $0x2  }
0xb9: {  	s3 =	sand.u32 $0x4000, s31;
	s1 =	sadd.s32 s1, s30  }
0xba: {  	s0 =	sor.u32 s3, s0;
	s1 =	sshll.u32 s1, $0x11  }
0xbb: {  	s0 =	sor.u32 s1, s0  }
0xbc: {  	s0 =	sadd.s32 $0x8F2B, s0  }
0xbd: {  	[sflag:s0] =	ssyncadd.remote.s32 $0x1  }
0xbe: {  	_ =	sfence.sel $0xFFFF  }
0xbf: {  	[dreg:$0x0] =	wrdreg $0xFFFFFFFF;
	(pc) =	sbr.abs _section_cstart, $3  }
0xc0: {  	[dreg:$0x1] =	wrdreg $0xFFFFFFFF  }
0xc1: {  	_ =	task.clear_ibuf [dreg:s7], $0x2FFFF;
	_ =	strace $0x9FFFFFFF  }
0xc2: {  	(tm) =	ssettm $0x7FFFFFFF  }
0xc3: {  	_ =	shalt  }
tec
execute0_lowered:
.L_overlay_start_1:
0x0: {  	(tag) =	ssettag $0x1  }
0x1: {  	s0 =	rddreg [dreg:$0x0];
	s1 =	srdreg.scid  }
0x2: {  	s2 =	stileid.u32;
	s5 =	rddreg [dreg:$0x1]  }
0x3: {  	s13 =	simm.s32 $0x5;
	s14 =	simm.s32 $0x80;
	s15 =	simm.s32 $0x6400  }
0x4: {  	s16 =	simm.s32 $0x8400;
	s18 =	simm.s32 $0xA400;
	s20 =	simm.s32 $0xC400  }
0x5: {  	s21 =	simm.s32 $0x1;
	s22 =	simm.s32 $0x40;
	s23 =	simm.s32 $0xE400  }
0x6: {  	s28 =	simm.s32 $0x12400;
	s1 =	sand.u32 $0x1, s1;
	s3 =	sshll.u32 s2, $0x1  }
0x7: {  	s31 =	simm.s32 $0x3;
	s2 =	simm.s32 $0x0;
	s6 =	sor.u32 s1, s3  }
0x8: {  	s4 =	sadd.s32 $0xE00, s0;
	[smem:$0x7FF] =	sst s2;
	s7 =	smul.u32 $0xC80, s6  }
0x9: {  	s1 =	ssub.s32 $0x2, s1;
	s3 =	sadd.s32 $0xF43200, s0;
	s8 =	smul.u32 $0x64000, s6  }
0xa: {  	s0 =	simm.s32 $0x0;
	s9 =	sshrl.u32 s1, $0x1;
	s10 =	smul.u32 $0x320000, s6  }
0xb: {  	_ =	strace $0x8000004A;
	s29 =	smul.u32 $0x6400, s6;
	s26 =	ssub.s32 s1, s9  }
0xc: {  	s1 =	simm.s32 $0x4;
	s5 =	sadd.s32 s5, s7;
	s6 =	sadd.s32 s4, s8  }
0xd: {  	s30 =	sshrl.u32 s10, $0x3;
	s8 =	sor.u32 $0x200, s29;
	s9 =	sor.u32 $0x300, s29  }
0xe: {  	s12 =	smax.u32 s26, $0x1;
	s26 =	simm.s32 $0x2;
	s11 =	sadd.s32 s4, s30  }
0xf: {  	s7 =	sadd.s32 $0x1000, s6;
	s10 =	sadd.s32 $0x62000, s11;
	s11 =	sadd.s32 $0x63000, s11  }
.LBB2_1:
0x10: {  	[tilespmem:s2], [sflag:$0x5] =	stream.linear.gather [hbm4b:s5+s2], $0x6400, $0x38;
	[tilespmem:$0x16400] =	vst v63  }
0x11: {  	_ =	swait.ge [sflag:s13], $0x6400  }
0x12: {  	[sflag:s13] =	ssyncset.done $0x0  }
0x13: {  	[sflag:s13] =	ssyncadd.s32 $0xFFFF9C00  }
0x14: {  	[tilespmem:s15], [sflag:$0x1] =	stream.indirect.gather [hbm4b:s3+s14], $0x40, s2, s14, $0xb8;
	[tilespmem:$0x16400] =	vst v63  }
0x15: {  	_ = 	snop  }
0x16: {  	[tilespmem:s16], [sflag:$0x1] =	stream.indirect.gather [hbm4b:s3+s14], $0x40, s14, s14, $0xb8;
	[tilespmem:$0x16400] =	vst v63  }
0x17: {  	s17 =	simm.s32 $0x100  }
0x18: {  	[tilespmem:s18], [sflag:$0x2] =	stream.indirect.gather [hbm4b:s3+s14], $0x40, s17, s14, $0xb8;
	[tilespmem:$0x16400] =	vst v63  }
0x19: {  	s30 =	simm.s32 $0x180  }
0x1a: {  	[tilespmem:s20], [sflag:$0x2] =	stream.indirect.gather [hbm4b:s3+s14], $0x40, s30, s14, $0xb8;
	[tilespmem:$0x16400] =	vst v63  }
0x1b: {  	_ =	swait.ge [sflag:s21], $0x2000  }
0x1c: {  	[sflag:s21] =	ssyncset.done $0x0  }
0x1d: {  	[sflag:s21] =	ssyncadd.s32 $0xFFFFE000  }
0x1e: {  	_ =	swait.ge [sflag:s21], $0x2000  }
0x1f: {  	[sflag:s21] =	ssyncset.done $0x0  }
0x20: {  	s17 =	simm.s32 $0x0;
	[sflag:s21] =	ssyncadd.s32 $0xFFFFE000  }
0x21: {  	v0 =	vld [tilespmem:s17+$0x65F0]  }
0x22: {  	v1 =	vld [tilespmem:s17+$0x6400];
	_ =	sdelay $0x1  }
0x23: {  	v2 =	vld [tilespmem:s17+$0x6410]  }
0x24: {  	v3 =	vld [tilespmem:s17+$0x6420]  }
0x25: {  	v4 =	vld [tilespmem:s17+$0x6430];
	v0 =	vmul.f32 $8.000000000e+00, v0  }
0x26: {  	v5 =	vld [tilespmem:s17+$0x6440];
	v1 =	vmul.f32 $8.000000000e+00, v1  }
0x27: {  	v6 =	vld [tilespmem:s17+$0x6450];
	[tilespmem:s17+$0xE5F0] =	vst v0  }
0x28: {  	v0 =	vmul.f32 $8.000000000e+00, v2;
	[tilespmem:s17+$0xE400] =	vst v1;
	v1 =	vld [tilespmem:s17+$0x6470]  }
0x29: {  	v7 =	vld [tilespmem:s17+$0x6460];
	v2 =	vmul.f32 $8.000000000e+00, v3  }
0x2a: {  	v3 =	vmul.f32 $8.000000000e+00, v4;
	[tilespmem:s17+$0xE410] =	vst v0;
	v0 =	vld [tilespmem:s17+$0x6480]  }
0x2b: {  	v4 =	vmul.f32 $8.000000000e+00, v5;
	[tilespmem:s17+$0xE420] =	vst v2;
	v2 =	vld [tilespmem:s17+$0x6490]  }
0x2c: {  	v5 =	vmul.f32 $8.000000000e+00, v6;
	[tilespmem:s17+$0xE430] =	vst v3;
	v3 =	vld [tilespmem:s17+$0x64A0]  }
0x2d: {  	[tilespmem:s17+$0xE440] =	vst v4;
	v4 =	vld [tilespmem:s17+$0x64B0];
	v1 =	vmul.f32 $8.000000000e+00, v1  }
0x2e: {  	v6 =	vmul.f32 $8.000000000e+00, v7;
	[tilespmem:s17+$0xE450] =	vst v5;
	v5 =	vld [tilespmem:s17+$0x64C0]  }
0x2f: {  	v0 =	vmul.f32 $8.000000000e+00, v0;
	[tilespmem:s17+$0xE470] =	vst v1;
	v1 =	vld [tilespmem:s17+$0x64E0]  }
0x30: {  	[tilespmem:s17+$0xE460] =	vst v6;
	v6 =	vld [tilespmem:s17+$0x64D0];
	v2 =	vmul.f32 $8.000000000e+00, v2  }
0x31: {  	v3 =	vmul.f32 $8.000000000e+00, v3;
	[tilespmem:s17+$0xE480] =	vst v0;
	v0 =	vld [tilespmem:s17+$0x64F0]  }
0x32: {  	v4 =	vmul.f32 $8.000000000e+00, v4;
	[tilespmem:s17+$0xE490] =	vst v2;
	v2 =	vld [tilespmem:s17+$0x6500]  }
0x33: {  	v5 =	vmul.f32 $8.000000000e+00, v5;
	[tilespmem:s17+$0xE4A0] =	vst v3;
	v3 =	vld [tilespmem:s17+$0x6510]  }
0x34: {  	[tilespmem:s17+$0xE4B0] =	vst v4;
	v4 =	vld [tilespmem:s17+$0x6520];
	v1 =	vmul.f32 $8.000000000e+00, v1  }
0x35: {  	v6 =	vmul.f32 $8.000000000e+00, v6;
	[tilespmem:s17+$0xE4C0] =	vst v5;
	v5 =	vld [tilespmem:s17+$0x6530]  }
0x36: {  	v0 =	vmul.f32 $8.000000000e+00, v0;
	[tilespmem:s17+$0xE4E0] =	vst v1;
	v1 =	vld [tilespmem:s17+$0x6550]  }
0x37: {  	[tilespmem:s17+$0xE4D0] =	vst v6;
	v6 =	vld [tilespmem:s17+$0x6540];
	v2 =	vmul.f32 $8.000000000e+00, v2  }
0x38: {  	[tilespmem:s17+$0xE4F0] =	vst v0;
	v0 =	vmul.f32 $8.000000000e+00, v3;
	v3 =	vld [tilespmem:s17+$0x6570]  }
0x39: {  	v7 =	vld [tilespmem:s17+$0x6560];
	[tilespmem:s17+$0xE500] =	vst v2;
	v2 =	vmul.f32 $8.000000000e+00, v4  }
0x3a: {  	v4 =	vld [tilespmem:s17+$0x6580];
	[tilespmem:s17+$0xE510] =	vst v0;
	v0 =	vmul.f32 $8.000000000e+00, v5  }
0x3b: {  	v8 =	vld [tilespmem:s17+$0x6590];
	[tilespmem:s17+$0xE520] =	vst v2;
	v5 =	vmul.f32 $8.000000000e+00, v1  }
0x3c: {  	v2 =	vmul.f32 $8.000000000e+00, v6;
	[tilespmem:s17+$0xE530] =	vst v0;
	v0 =	vld [tilespmem:s17+$0x65A0]  }
0x3d: {  	v1 =	vld [tilespmem:s17+$0x65B0];
	[tilespmem:s17+$0xE550] =	vst v5;
	v5 =	vmul.f32 $8.000000000e+00, v3  }
0x3e: {  	v6 =	vmul.f32 $8.000000000e+00, v7;
	[tilespmem:s17+$0xE540] =	vst v2;
	v2 =	vld [tilespmem:s17+$0x65C0]  }
0x3f: {  	v3 =	vld [tilespmem:s17+$0x65D0];
	[tilespmem:s17+$0xE570] =	vst v5;
	v5 =	vmul.f32 $8.000000000e+00, v4  }
0x40: {  	s19 =	simm.s32 $0x200;
	s24 =	simm.s32 $0x1000;
	[tilespmem:s17+$0xE560] =	vst v6;
	v6 =	vmul.f32 $8.000000000e+00, v8;
	v4 =	vld [tilespmem:s17+$0x65E0]  }
.LBB2_2:
0x41: {  	p0 =	sne.s32 s24, $0xF800;
	v7 =	vld [tilespmem:s19+$0x65F0];
	[tilespmem:s17+$0xE580] =	vst v5;
	v0 =	vmul.f32 $8.000000000e+00, v0  }
0x42: {  	v5 =	vld [tilespmem:s19+$0x6400];
	[tilespmem:s17+$0xE590] =	vst v6;
	v1 =	vmul.f32 $8.000000000e+00, v1  }
0x43: {  	v6 =	vld [tilespmem:s19+$0x6410];
	[tilespmem:s17+$0xE5A0] =	vst v0;
	v0 =	vmul.f32 $8.000000000e+00, v2  }
0x44: {  	v2 =	vld [tilespmem:s19+$0x6420];
	[tilespmem:s17+$0xE5B0] =	vst v1;
	v1 =	vmul.f32 $8.000000000e+00, v3  }
0x45: {  	v3 =	vld [tilespmem:s19+$0x6430];
	[tilespmem:s17+$0xE5C0] =	vst v0;
	v0 =	vmul.f32 $8.000000000e+00, v4  }
0x46: {  	v4 =	vld [tilespmem:s19+$0x6440];
	v7 =	vmul.f32 $8.000000000e+00, v7;
	[tilespmem:s17+$0xE5D0] =	vst v1  }
0x47: {  	v1 =	vmul.f32 $8.000000000e+00, v5;
	v5 =	vld [tilespmem:s19+$0x6450];
	[tilespmem:s17+$0xE5E0] =	vst v0;
	s17 =	smov.u32 s19  }
0x48: {  	v0 =	vmul.f32 $8.000000000e+00, v6;
	v6 =	vld [tilespmem:s17+$0x6460];
	[tilespmem:s17+$0xE5F0] =	vst v7  }
0x49: {  	[tilespmem:s17+$0xE400] =	vst v1;
	v1 =	vmul.f32 $8.000000000e+00, v2;
	v2 =	vld [tilespmem:s17+$0x6470]  }
0x4a: {  	[tilespmem:s17+$0xE410] =	vst v0;
	v0 =	vmul.f32 $8.000000000e+00, v3;
	v3 =	vld [tilespmem:s17+$0x6480]  }
0x4b: {  	[tilespmem:s17+$0xE420] =	vst v1;
	v1 =	vmul.f32 $8.000000000e+00, v4;
	v4 =	vld [tilespmem:s17+$0x6490]  }
0x4c: {  	[tilespmem:s17+$0xE430] =	vst v0;
	v0 =	vmul.f32 $8.000000000e+00, v5;
	v5 =	vld [tilespmem:s17+$0x64A0]  }
0x4d: {  	[tilespmem:s17+$0xE440] =	vst v1;
	v1 =	vmul.f32 $8.000000000e+00, v6;
	v6 =	vld [tilespmem:s17+$0x64B0]  }
0x4e: {  	[tilespmem:s17+$0xE450] =	vst v0;
	v0 =	vmul.f32 $8.000000000e+00, v2;
	v2 =	vld [tilespmem:s17+$0x64C0]  }
0x4f: {  	[tilespmem:s17+$0xE460] =	vst v1;
	v1 =	vmul.f32 $8.000000000e+00, v3;
	v3 =	vld [tilespmem:s17+$0x64D0]  }
0x50: {  	[tilespmem:s17+$0xE470] =	vst v0;
	v0 =	vmul.f32 $8.000000000e+00, v4;
	v4 =	vld [tilespmem:s17+$0x64E0]  }
0x51: {  	[tilespmem:s17+$0xE480] =	vst v1;
	v1 =	vmul.f32 $8.000000000e+00, v5;
	v5 =	vld [tilespmem:s17+$0x64F0]  }
0x52: {  	[tilespmem:s17+$0xE490] =	vst v0;
	v0 =	vmul.f32 $8.000000000e+00, v6;
	v6 =	vld [tilespmem:s17+$0x6500]  }
0x53: {  	[tilespmem:s17+$0xE4A0] =	vst v1;
	v1 =	vmul.f32 $8.000000000e+00, v2;
	v2 =	vld [tilespmem:s17+$0x6510]  }
0x54: {  	[tilespmem:s17+$0xE4B0] =	vst v0;
	v0 =	vmul.f32 $8.000000000e+00, v3;
	v3 =	vld [tilespmem:s17+$0x6520]  }
0x55: {  	[tilespmem:s17+$0xE4C0] =	vst v1;
	v1 =	vmul.f32 $8.000000000e+00, v4;
	v4 =	vld [tilespmem:s17+$0x6530]  }
0x56: {  	[tilespmem:s17+$0xE4D0] =	vst v0;
	v0 =	vmul.f32 $8.000000000e+00, v5;
	v5 =	vld [tilespmem:s17+$0x6540]  }
0x57: {  	[tilespmem:s17+$0xE4E0] =	vst v1;
	v1 =	vmul.f32 $8.000000000e+00, v6;
	v6 =	vld [tilespmem:s17+$0x6550]  }
0x58: {  	[tilespmem:s17+$0xE4F0] =	vst v0;
	v0 =	vmul.f32 $8.000000000e+00, v2;
	v2 =	vld [tilespmem:s17+$0x6560]  }
0x59: {  	[tilespmem:s17+$0xE500] =	vst v1;
	v1 =	vmul.f32 $8.000000000e+00, v3;
	v3 =	vld [tilespmem:s17+$0x6570]  }
0x5a: {  	[tilespmem:s17+$0xE510] =	vst v0;
	v0 =	vmul.f32 $8.000000000e+00, v4;
	v4 =	vld [tilespmem:s17+$0x6580]  }
0x5b: {  	[tilespmem:s17+$0xE520] =	vst v1;
	v1 =	vmul.f32 $8.000000000e+00, v5;
	v7 =	vld [tilespmem:s17+$0x6590]  }
.Ltmp0:
0x5c: {  	[tilespmem:s17+$0xE530] =	vst v0;
	v5 =	vmul.f32 $8.000000000e+00, v6;
	v0 =	vld [tilespmem:s17+$0x65A0];
	(pc) =	sbr.rel @p0 .LBB2_2-.Ltmp0, $4  }
0x5d: {  	[tilespmem:s17+$0xE540] =	vst v1;
	v6 =	vmul.f32 $8.000000000e+00, v2;
	v1 =	vld [tilespmem:s17+$0x65B0]  }
0x5e: {  	[tilespmem:s17+$0xE550] =	vst v5;
	v8 =	vmul.f32 $8.000000000e+00, v3;
	v2 =	vld [tilespmem:s17+$0x65C0]  }
0x5f: {  	[tilespmem:s17+$0xE560] =	vst v6;
	v5 =	vmul.f32 $8.000000000e+00, v4;
	v3 =	vld [tilespmem:s17+$0x65D0]  }
0x60: {  	s19 =	sshra.s32 s24, $0x2;
	s24 =	sadd.s32 $0x800, s24;
	[tilespmem:s17+$0xE570] =	vst v8;
	v6 =	vmul.f32 $8.000000000e+00, v7;
	v4 =	vld [tilespmem:s17+$0x65E0]  }
0x61: {  	v7 =	vld [tilespmem:s19+$0x65F0];
	[tilespmem:s17+$0xE580] =	vst v5;
	v0 =	vmul.f32 $8.000000000e+00, v0  }
0x62: {  	v5 =	vld [tilespmem:s19+$0x6400];
	[tilespmem:s17+$0xE590] =	vst v6;
	v1 =	vmul.f32 $8.000000000e+00, v1  }
0x63: {  	v6 =	vld [tilespmem:s19+$0x6410];
	[tilespmem:s17+$0xE5A0] =	vst v0;
	v2 =	vmul.f32 $8.000000000e+00, v2  }
0x64: {  	v0 =	vld [tilespmem:s19+$0x6420];
	[tilespmem:s17+$0xE5B0] =	vst v1;
	v3 =	vmul.f32 $8.000000000e+00, v3  }
0x65: {  	v1 =	vld [tilespmem:s19+$0x6430];
	[tilespmem:s17+$0xE5C0] =	vst v2;
	v4 =	vmul.f32 $8.000000000e+00, v4  }
0x66: {  	v2 =	vld [tilespmem:s19+$0x6440];
	[tilespmem:s17+$0xE5D0] =	vst v3;
	v7 =	vmul.f32 $8.000000000e+00, v7  }
0x67: {  	v3 =	vld [tilespmem:s19+$0x6450];
	[tilespmem:s17+$0xE5E0] =	vst v4;
	v4 =	vmul.f32 $8.000000000e+00, v5  }
0x68: {  	v5 =	vld [tilespmem:s19+$0x6460];
	[tilespmem:s19+$0xE5F0] =	vst v7;
	v6 =	vmul.f32 $8.000000000e+00, v6  }
0x69: {  	[tilespmem:s19+$0xE400] =	vst v4;
	v4 =	vld [tilespmem:s19+$0x6470];
	v0 =	vmul.f32 $8.000000000e+00, v0  }
0x6a: {  	[tilespmem:s19+$0xE410] =	vst v6;
	v6 =	vld [tilespmem:s19+$0x6480];
	v1 =	vmul.f32 $8.000000000e+00, v1  }
0x6b: {  	[tilespmem:s19+$0xE420] =	vst v0;
	v0 =	vld [tilespmem:s19+$0x6490];
	v2 =	vmul.f32 $8.000000000e+00, v2  }
0x6c: {  	[tilespmem:s19+$0xE430] =	vst v1;
	v1 =	vld [tilespmem:s19+$0x64A0];
	v3 =	vmul.f32 $8.000000000e+00, v3  }
0x6d: {  	[tilespmem:s19+$0xE440] =	vst v2;
	v2 =	vld [tilespmem:s19+$0x64B0];
	v5 =	vmul.f32 $8.000000000e+00, v5  }
0x6e: {  	[tilespmem:s19+$0xE450] =	vst v3;
	v3 =	vld [tilespmem:s19+$0x64C0];
	v4 =	vmul.f32 $8.000000000e+00, v4  }
0x6f: {  	[tilespmem:s19+$0xE460] =	vst v5;
	v5 =	vld [tilespmem:s19+$0x64D0];
	v6 =	vmul.f32 $8.000000000e+00, v6  }
0x70: {  	[tilespmem:s19+$0xE470] =	vst v4;
	v4 =	vld [tilespmem:s19+$0x64E0];
	v0 =	vmul.f32 $8.000000000e+00, v0  }
0x71: {  	[tilespmem:s19+$0xE480] =	vst v6;
	v6 =	vld [tilespmem:s19+$0x64F0];
	v1 =	vmul.f32 $8.000000000e+00, v1  }
0x72: {  	[tilespmem:s19+$0xE490] =	vst v0;
	v0 =	vld [tilespmem:s19+$0x6500];
	v2 =	vmul.f32 $8.000000000e+00, v2  }
0x73: {  	[tilespmem:s19+$0xE4A0] =	vst v1;
	v1 =	vld [tilespmem:s19+$0x6510];
	v3 =	vmul.f32 $8.000000000e+00, v3  }
0x74: {  	[tilespmem:s19+$0xE4B0] =	vst v2;
	v2 =	vld [tilespmem:s19+$0x6520];
	v5 =	vmul.f32 $8.000000000e+00, v5  }
0x75: {  	[tilespmem:s19+$0xE4C0] =	vst v3;
	v3 =	vld [tilespmem:s19+$0x6530];
	v4 =	vmul.f32 $8.000000000e+00, v4  }
0x76: {  	[tilespmem:s19+$0xE4D0] =	vst v5;
	v5 =	vld [tilespmem:s19+$0x6540];
	v6 =	vmul.f32 $8.000000000e+00, v6  }
0x77: {  	[tilespmem:s19+$0xE4E0] =	vst v4;
	v4 =	vld [tilespmem:s19+$0x6550];
	v0 =	vmul.f32 $8.000000000e+00, v0  }
0x78: {  	[tilespmem:s19+$0xE4F0] =	vst v6;
	v6 =	vld [tilespmem:s19+$0x6560];
	v1 =	vmul.f32 $8.000000000e+00, v1  }
0x79: {  	[tilespmem:s19+$0xE500] =	vst v0;
	v0 =	vld [tilespmem:s19+$0x6570];
	v2 =	vmul.f32 $8.000000000e+00, v2  }
0x7a: {  	[tilespmem:s19+$0xE510] =	vst v1;
	v1 =	vld [tilespmem:s19+$0x6580];
	v3 =	vmul.f32 $8.000000000e+00, v3  }
0x7b: {  	[tilespmem:s19+$0xE520] =	vst v2;
	v2 =	vld [tilespmem:s19+$0x6590];
	v5 =	vmul.f32 $8.000000000e+00, v5  }
0x7c: {  	[tilespmem:s19+$0xE530] =	vst v3;
	v3 =	vld [tilespmem:s19+$0x65A0];
	v4 =	vmul.f32 $8.000000000e+00, v4  }
0x7d: {  	[tilespmem:s19+$0xE540] =	vst v5;
	v5 =	vld [tilespmem:s19+$0x65B0];
	v6 =	vmul.f32 $8.000000000e+00, v6  }
0x7e: {  	[tilespmem:s19+$0xE550] =	vst v4;
	v4 =	vld [tilespmem:s19+$0x65C0];
	v0 =	vmul.f32 $8.000000000e+00, v0  }
0x7f: {  	[tilespmem:s19+$0xE560] =	vst v6;
	v6 =	vld [tilespmem:s19+$0x65D0];
	v1 =	vmul.f32 $8.000000000e+00, v1  }
0x80: {  	[tilespmem:s19+$0xE570] =	vst v0;
	v0 =	vmul.f32 $8.000000000e+00, v2;
	v2 =	vld [tilespmem:s19+$0x65E0]  }
0x81: {  	[tilespmem:s19+$0xE580] =	vst v1;
	v1 =	vmul.f32 $8.000000000e+00, v3  }
0x82: {  	[tilespmem:s19+$0xE590] =	vst v0;
	v0 =	vmul.f32 $8.000000000e+00, v5  }
0x83: {  	[tilespmem:s19+$0xE5A0] =	vst v1;
	v1 =	vmul.f32 $8.000000000e+00, v4  }
0x84: {  	[tilespmem:s19+$0xE5B0] =	vst v0;
	v0 =	vmul.f32 $8.000000000e+00, v6  }
0x85: {  	[tilespmem:s19+$0xE5C0] =	vst v1;
	v1 =	vmul.f32 $8.000000000e+00, v2  }
0x86: {  	[tilespmem:s19+$0xE5D0] =	vst v0  }
0x87: {  	[tilespmem:s19+$0xE5E0] =	vst v1  }
0x88: {  	[hbm4b:s6+s22] =	stream.strided.scatter [tilespmem:s23], [sflag:$0x3], $0x4000, s14, s22, $0x38;
	[tilespmem:$0x16400] =	vst v63  }
0x89: {  	s29 =	simm.s32 $0x200  }
0x8a: {  	[tilespmem:s15], [sflag:$0x1] =	stream.indirect.gather [hbm4b:s3+s14], $0x40, s29, s14, $0xb8;
	[tilespmem:$0x16400] =	vst v63  }
0x8b: {  	s30 =	simm.s32 $0x280  }
0x8c: {  	[tilespmem:s16], [sflag:$0x1] =	stream.indirect.gather [hbm4b:s3+s14], $0x40, s30, s14, $0xb8;
	[tilespmem:$0x16400] =	vst v63  }
0x8d: {  	_ =	swait.ge [sflag:s26], $0x2000  }
0x8e: {  	[sflag:s26] =	ssyncset.done $0x0  }
0x8f: {  	[sflag:s26] =	ssyncadd.s32 $0xFFFFE000  }
0x90: {  	_ =	swait.ge [sflag:s26], $0x2000  }
0x91: {  	[sflag:s26] =	ssyncset.done $0x0  }
0x92: {  	s17 =	simm.s32 $0x0;
	[sflag:s26] =	ssyncadd.s32 $0xFFFFE000  }
0x93: {  	v0 =	vld [tilespmem:s17+$0xA5F0]  }
0x94: {  	v1 =	vld [tilespmem:s17+$0xA400];
	_ =	sdelay $0x1  }
0x95: {  	v2 =	vld [tilespmem:s17+$0xA410]  }
0x96: {  	v3 =	vld [tilespmem:s17+$0xA420]  }
0x97: {  	v4 =	vld [tilespmem:s17+$0xA430];
	v0 =	vmul.f32 $8.000000000e+00, v0  }
0x98: {  	v5 =	vld [tilespmem:s17+$0xA440];
	v1 =	vmul.f32 $8.000000000e+00, v1  }
0x99: {  	v6 =	vld [tilespmem:s17+$0xA450];
	[tilespmem:s17+$0x125F0] =	vst v0  }
0x9a: {  	v0 =	vmul.f32 $8.000000000e+00, v2;
	[tilespmem:s17+$0x12400] =	vst v1;
	v1 =	vld [tilespmem:s17+$0xA470]  }
0x9b: {  	v7 =	vld [tilespmem:s17+$0xA460];
	v2 =	vmul.f32 $8.000000000e+00, v3  }
0x9c: {  	v3 =	vmul.f32 $8.000000000e+00, v4;
	[tilespmem:s17+$0x12410] =	vst v0;
	v0 =	vld [tilespmem:s17+$0xA480]  }
0x9d: {  	v4 =	vmul.f32 $8.000000000e+00, v5;
	[tilespmem:s17+$0x12420] =	vst v2;
	v2 =	vld [tilespmem:s17+$0xA490]  }
0x9e: {  	v5 =	vmul.f32 $8.000000000e+00, v6;
	[tilespmem:s17+$0x12430] =	vst v3;
	v3 =	vld [tilespmem:s17+$0xA4A0]  }
0x9f: {  	[tilespmem:s17+$0x12440] =	vst v4;
	v4 =	vld [tilespmem:s17+$0xA4B0];
	v1 =	vmul.f32 $8.000000000e+00, v1  }
0xa0: {  	v6 =	vmul.f32 $8.000000000e+00, v7;
	[tilespmem:s17+$0x12450] =	vst v5;
	v5 =	vld [tilespmem:s17+$0xA4C0]  }
0xa1: {  	v0 =	vmul.f32 $8.000000000e+00, v0;
	[tilespmem:s17+$0x12470] =	vst v1;
	v1 =	vld [tilespmem:s17+$0xA4E0]  }
0xa2: {  	[tilespmem:s17+$0x12460] =	vst v6;
	v6 =	vld [tilespmem:s17+$0xA4D0];
	v2 =	vmul.f32 $8.000000000e+00, v2  }
0xa3: {  	v3 =	vmul.f32 $8.000000000e+00, v3;
	[tilespmem:s17+$0x12480] =	vst v0;
	v0 =	vld [tilespmem:s17+$0xA4F0]  }
0xa4: {  	v4 =	vmul.f32 $8.000000000e+00, v4;
	[tilespmem:s17+$0x12490] =	vst v2;
	v2 =	vld [tilespmem:s17+$0xA500]  }
0xa5: {  	v5 =	vmul.f32 $8.000000000e+00, v5;
	[tilespmem:s17+$0x124A0] =	vst v3;
	v3 =	vld [tilespmem:s17+$0xA510]  }
0xa6: {  	[tilespmem:s17+$0x124B0] =	vst v4;
	v4 =	vld [tilespmem:s17+$0xA520];
	v1 =	vmul.f32 $8.000000000e+00, v1  }
0xa7: {  	v6 =	vmul.f32 $8.000000000e+00, v6;
	[tilespmem:s17+$0x124C0] =	vst v5;
	v5 =	vld [tilespmem:s17+$0xA530]  }
0xa8: {  	v0 =	vmul.f32 $8.000000000e+00, v0;
	[tilespmem:s17+$0x124E0] =	vst v1;
	v1 =	vld [tilespmem:s17+$0xA550]  }
0xa9: {  	[tilespmem:s17+$0x124D0] =	vst v6;
	v6 =	vld [tilespmem:s17+$0xA540];
	v2 =	vmul.f32 $8.000000000e+00, v2  }
0xaa: {  	[tilespmem:s17+$0x124F0] =	vst v0;
	v0 =	vmul.f32 $8.000000000e+00, v3;
	v3 =	vld [tilespmem:s17+$0xA570]  }
0xab: {  	v7 =	vld [tilespmem:s17+$0xA560];
	[tilespmem:s17+$0x12500] =	vst v2;
	v2 =	vmul.f32 $8.000000000e+00, v4  }
0xac: {  	v4 =	vld [tilespmem:s17+$0xA580];
	[tilespmem:s17+$0x12510] =	vst v0;
	v0 =	vmul.f32 $8.000000000e+00, v5  }
0xad: {  	v8 =	vld [tilespmem:s17+$0xA590];
	[tilespmem:s17+$0x12520] =	vst v2;
	v5 =	vmul.f32 $8.000000000e+00, v1  }
0xae: {  	v2 =	vmul.f32 $8.000000000e+00, v6;
	[tilespmem:s17+$0x12530] =	vst v0;
	v0 =	vld [tilespmem:s17+$0xA5A0]  }
0xaf: {  	v1 =	vld [tilespmem:s17+$0xA5B0];
	[tilespmem:s17+$0x12550] =	vst v5;
	v5 =	vmul.f32 $8.000000000e+00, v3  }
0xb0: {  	v6 =	vmul.f32 $8.000000000e+00, v7;
	[tilespmem:s17+$0x12540] =	vst v2;
	v2 =	vld [tilespmem:s17+$0xA5C0]  }
0xb1: {  	v3 =	vld [tilespmem:s17+$0xA5D0];
	[tilespmem:s17+$0x12570] =	vst v5;
	v5 =	vmul.f32 $8.000000000e+00, v4  }
0xb2: {  	s24 =	simm.s32 $0x1000;
	s19 =	simm.s32 $0x200;
	[tilespmem:s17+$0x12560] =	vst v6;
	v6 =	vmul.f32 $8.000000000e+00, v8;
	v4 =	vld [tilespmem:s17+$0xA5E0]  }
.LBB2_4:
0xb3: {  	p0 =	sne.s32 s24, $0xF800;
	v7 =	vld [tilespmem:s19+$0xA5F0];
	[tilespmem:s17+$0x12580] =	vst v5;
	v0 =	vmul.f32 $8.000000000e+00, v0  }
0xb4: {  	v5 =	vld [tilespmem:s19+$0xA400];
	[tilespmem:s17+$0x12590] =	vst v6;
	v1 =	vmul.f32 $8.000000000e+00, v1  }
0xb5: {  	v6 =	vld [tilespmem:s19+$0xA410];
	[tilespmem:s17+$0x125A0] =	vst v0;
	v0 =	vmul.f32 $8.000000000e+00, v2  }
0xb6: {  	v2 =	vld [tilespmem:s19+$0xA420];
	[tilespmem:s17+$0x125B0] =	vst v1;
	v1 =	vmul.f32 $8.000000000e+00, v3  }
0xb7: {  	v3 =	vld [tilespmem:s19+$0xA430];
	[tilespmem:s17+$0x125C0] =	vst v0;
	v0 =	vmul.f32 $8.000000000e+00, v4  }
0xb8: {  	v4 =	vld [tilespmem:s19+$0xA440];
	v7 =	vmul.f32 $8.000000000e+00, v7;
	[tilespmem:s17+$0x125D0] =	vst v1  }
0xb9: {  	v1 =	vmul.f32 $8.000000000e+00, v5;
	v5 =	vld [tilespmem:s19+$0xA450];
	[tilespmem:s17+$0x125E0] =	vst v0;
	s17 =	smov.u32 s19  }
0xba: {  	v0 =	vmul.f32 $8.000000000e+00, v6;
	v6 =	vld [tilespmem:s17+$0xA460];
	[tilespmem:s17+$0x125F0] =	vst v7  }
0xbb: {  	[tilespmem:s17+$0x12400] =	vst v1;
	v1 =	vmul.f32 $8.000000000e+00, v2;
	v2 =	vld [tilespmem:s17+$0xA470]  }
0xbc: {  	[tilespmem:s17+$0x12410] =	vst v0;
	v0 =	vmul.f32 $8.000000000e+00, v3;
	v3 =	vld [tilespmem:s17+$0xA480]  }
0xbd: {  	[tilespmem:s17+$0x12420] =	vst v1;
	v1 =	vmul.f32 $8.000000000e+00, v4;
	v4 =	vld [tilespmem:s17+$0xA490]  }
0xbe: {  	[tilespmem:s17+$0x12430] =	vst v0;
	v0 =	vmul.f32 $8.000000000e+00, v5;
	v5 =	vld [tilespmem:s17+$0xA4A0]  }
0xbf: {  	[tilespmem:s17+$0x12440] =	vst v1;
	v1 =	vmul.f32 $8.000000000e+00, v6;
	v6 =	vld [tilespmem:s17+$0xA4B0]  }
0xc0: {  	[tilespmem:s17+$0x12450] =	vst v0;
	v0 =	vmul.f32 $8.000000000e+00, v2;
	v2 =	vld [tilespmem:s17+$0xA4C0]  }
0xc1: {  	[tilespmem:s17+$0x12460] =	vst v1;
	v1 =	vmul.f32 $8.000000000e+00, v3;
	v3 =	vld [tilespmem:s17+$0xA4D0]  }
0xc2: {  	[tilespmem:s17+$0x12470] =	vst v0;
	v0 =	vmul.f32 $8.000000000e+00, v4;
	v4 =	vld [tilespmem:s17+$0xA4E0]  }
0xc3: {  	[tilespmem:s17+$0x12480] =	vst v1;
	v1 =	vmul.f32 $8.000000000e+00, v5;
	v5 =	vld [tilespmem:s17+$0xA4F0]  }
0xc4: {  	[tilespmem:s17+$0x12490] =	vst v0;
	v0 =	vmul.f32 $8.000000000e+00, v6;
	v6 =	vld [tilespmem:s17+$0xA500]  }
0xc5: {  	[tilespmem:s17+$0x124A0] =	vst v1;
	v1 =	vmul.f32 $8.000000000e+00, v2;
	v2 =	vld [tilespmem:s17+$0xA510]  }
0xc6: {  	[tilespmem:s17+$0x124B0] =	vst v0;
	v0 =	vmul.f32 $8.000000000e+00, v3;
	v3 =	vld [tilespmem:s17+$0xA520]  }
0xc7: {  	[tilespmem:s17+$0x124C0] =	vst v1;
	v1 =	vmul.f32 $8.000000000e+00, v4;
	v4 =	vld [tilespmem:s17+$0xA530]  }
0xc8: {  	[tilespmem:s17+$0x124D0] =	vst v0;
	v0 =	vmul.f32 $8.000000000e+00, v5;
	v5 =	vld [tilespmem:s17+$0xA540]  }
0xc9: {  	[tilespmem:s17+$0x124E0] =	vst v1;
	v1 =	vmul.f32 $8.000000000e+00, v6;
	v6 =	vld [tilespmem:s17+$0xA550]  }
0xca: {  	[tilespmem:s17+$0x124F0] =	vst v0;
	v0 =	vmul.f32 $8.000000000e+00, v2;
	v2 =	vld [tilespmem:s17+$0xA560]  }
0xcb: {  	[tilespmem:s17+$0x12500] =	vst v1;
	v1 =	vmul.f32 $8.000000000e+00, v3;
	v3 =	vld [tilespmem:s17+$0xA570]  }
0xcc: {  	[tilespmem:s17+$0x12510] =	vst v0;
	v0 =	vmul.f32 $8.000000000e+00, v4;
	v4 =	vld [tilespmem:s17+$0xA580]  }
0xcd: {  	[tilespmem:s17+$0x12520] =	vst v1;
	v1 =	vmul.f32 $8.000000000e+00, v5;
	v7 =	vld [tilespmem:s17+$0xA590]  }
.Ltmp1:
0xce: {  	[tilespmem:s17+$0x12530] =	vst v0;
	v5 =	vmul.f32 $8.000000000e+00, v6;
	v0 =	vld [tilespmem:s17+$0xA5A0];
	(pc) =	sbr.rel @p0 .LBB2_4-.Ltmp1, $4  }
0xcf: {  	[tilespmem:s17+$0x12540] =	vst v1;
	v6 =	vmul.f32 $8.000000000e+00, v2;
	v1 =	vld [tilespmem:s17+$0xA5B0]  }
0xd0: {  	[tilespmem:s17+$0x12550] =	vst v5;
	v8 =	vmul.f32 $8.000000000e+00, v3;
	v2 =	vld [tilespmem:s17+$0xA5C0]  }
0xd1: {  	[tilespmem:s17+$0x12560] =	vst v6;
	v5 =	vmul.f32 $8.000000000e+00, v4;
	v3 =	vld [tilespmem:s17+$0xA5D0]  }
0xd2: {  	s19 =	sshra.s32 s24, $0x2;
	s24 =	sadd.s32 $0x800, s24;
	[tilespmem:s17+$0x12570] =	vst v8;
	v6 =	vmul.f32 $8.000000000e+00, v7;
	v4 =	vld [tilespmem:s17+$0xA5E0]  }
0xd3: {  	v7 =	vld [tilespmem:s19+$0xA5F0];
	[tilespmem:s17+$0x12580] =	vst v5;
	v0 =	vmul.f32 $8.000000000e+00, v0  }
0xd4: {  	v5 =	vld [tilespmem:s19+$0xA400];
	[tilespmem:s17+$0x12590] =	vst v6;
	v1 =	vmul.f32 $8.000000000e+00, v1  }
0xd5: {  	v6 =	vld [tilespmem:s19+$0xA410];
	[tilespmem:s17+$0x125A0] =	vst v0;
	v2 =	vmul.f32 $8.000000000e+00, v2  }
0xd6: {  	v0 =	vld [tilespmem:s19+$0xA420];
	[tilespmem:s17+$0x125B0] =	vst v1;
	v3 =	vmul.f32 $8.000000000e+00, v3  }
0xd7: {  	v1 =	vld [tilespmem:s19+$0xA430];
	[tilespmem:s17+$0x125C0] =	vst v2;
	v4 =	vmul.f32 $8.000000000e+00, v4  }
0xd8: {  	v2 =	vld [tilespmem:s19+$0xA440];
	[tilespmem:s17+$0x125D0] =	vst v3;
	v7 =	vmul.f32 $8.000000000e+00, v7  }
0xd9: {  	v3 =	vld [tilespmem:s19+$0xA450];
	[tilespmem:s17+$0x125E0] =	vst v4;
	v32 =	vmul.f32 $8.000000000e+00, v5  }
0xda: {  	v33 =	vld [tilespmem:s19+$0xA460];
	[tilespmem:s19+$0x125F0] =	vst v7;
	v6 =	vmul.f32 $8.000000000e+00, v6  }
0xdb: {  	v34 =	vld [tilespmem:s19+$0xA470];
	[tilespmem:s19+$0x12400] =	vst v32;
	v0 =	vmul.f32 $8.000000000e+00, v0  }
0xdc: {  	v35 =	vld [tilespmem:s19+$0xA480];
	[tilespmem:s19+$0x12410] =	vst v6;
	v1 =	vmul.f32 $8.000000000e+00, v1  }
0xdd: {  	v36 =	vld [tilespmem:s19+$0xA490];
	[tilespmem:s19+$0x12420] =	vst v0;
	v2 =	vmul.f32 $8.000000000e+00, v2  }
0xde: {  	v37 =	vld [tilespmem:s19+$0xA4A0];
	[tilespmem:s19+$0x12430] =	vst v1;
	v3 =	vmul.f32 $8.000000000e+00, v3  }
0xdf: {  	v38 =	vld [tilespmem:s19+$0xA4B0];
	[tilespmem:s19+$0x12440] =	vst v2;
	v5 =	vmul.f32 $8.000000000e+00, v33  }
0xe0: {  	v52 =	vld [tilespmem:s19+$0xA590];
	v4 =	vmul.f32 $8.000000000e+00, v34;
	[tilespmem:s19+$0x12450] =	vst v3  }
0xe1: {  	v53 =	vld [tilespmem:s19+$0xA5A0];
	v6 =	vmul.f32 $8.000000000e+00, v35;
	[tilespmem:s19+$0x12460] =	vst v5  }
0xe2: {  	v54 =	vld [tilespmem:s19+$0xA5B0];
	v0 =	vmul.f32 $8.000000000e+00, v36;
	[tilespmem:s19+$0x12470] =	vst v4  }
0xe3: {  	v55 =	vld [tilespmem:s19+$0xA5C0];
	v1 =	vmul.f32 $8.000000000e+00, v37;
	[tilespmem:s19+$0x12480] =	vst v6  }
0xe4: {  	v56 =	vld [tilespmem:s19+$0xA5D0];
	v2 =	vmul.f32 $8.000000000e+00, v38;
	[tilespmem:s19+$0x12490] =	vst v0  }
0xe5: {  	v58 =	vld [tilespmem:s19+$0xA5E0];
	v57 =	vmul.f32 $8.000000000e+00, v52;
	[tilespmem:s19+$0x124A0] =	vst v1  }
0xe6: {  	v39 =	vld [tilespmem:s19+$0xA4C0];
	v59 =	vmul.f32 $8.000000000e+00, v53;
	[tilespmem:s19+$0x124B0] =	vst v2  }
0xe7: {  	v40 =	vld [tilespmem:s19+$0xA4D0];
	v60 =	vmul.f32 $8.000000000e+00, v54;
	[tilespmem:s19+$0x12590] =	vst v57  }
0xe8: {  	v41 =	vld [tilespmem:s19+$0xA4E0];
	v61 =	vmul.f32 $8.000000000e+00, v55;
	[tilespmem:s19+$0x125A0] =	vst v59  }
0xe9: {  	v42 =	vld [tilespmem:s19+$0xA4F0];
	v62 =	vmul.f32 $8.000000000e+00, v56;
	[tilespmem:s19+$0x125B0] =	vst v60  }
0xea: {  	v43 =	vld [tilespmem:s19+$0xA500];
	v63 =	vmul.f32 $8.000000000e+00, v58;
	[tilespmem:s19+$0x125C0] =	vst v61  }
0xeb: {  	v44 =	vld [tilespmem:s19+$0xA510];
	v3 =	vmul.f32 $8.000000000e+00, v39;
	[tilespmem:s19+$0x125D0] =	vst v62  }
0xec: {  	v45 =	vld [tilespmem:s19+$0xA520];
	v5 =	vmul.f32 $8.000000000e+00, v40;
	[tilespmem:s19+$0x125E0] =	vst v63  }
0xed: {  	v46 =	vld [tilespmem:s19+$0xA530];
	v4 =	vmul.f32 $8.000000000e+00, v41;
	[tilespmem:s19+$0x124C0] =	vst v3  }
0xee: {  	v47 =	vld [tilespmem:s19+$0xA540];
	v6 =	vmul.f32 $8.000000000e+00, v42;
	[tilespmem:s19+$0x124D0] =	vst v5  }
0xef: {  	v48 =	vld [tilespmem:s19+$0xA550];
	v0 =	vmul.f32 $8.000000000e+00, v43;
	[tilespmem:s19+$0x124E0] =	vst v4  }
0xf0: {  	v49 =	vld [tilespmem:s19+$0xA560];
	v1 =	vmul.f32 $8.000000000e+00, v44;
	[tilespmem:s19+$0x124F0] =	vst v6  }
0xf1: {  	v50 =	vld [tilespmem:s19+$0xA570];
	v2 =	vmul.f32 $8.000000000e+00, v45;
	[tilespmem:s19+$0x12500] =	vst v0  }
0xf2: {  	v51 =	vld [tilespmem:s19+$0xA580];
	v3 =	vmul.f32 $8.000000000e+00, v46;
	[tilespmem:s19+$0x12510] =	vst v1  }
0xf3: {  	[tilespmem:s19+$0x12520] =	vst v2;
	v5 =	vmul.f32 $8.000000000e+00, v47  }
0xf4: {  	v4 =	vmul.f32 $8.000000000e+00, v48;
	[tilespmem:s19+$0x12530] =	vst v3  }
0xf5: {  	v6 =	vmul.f32 $8.000000000e+00, v49;
	[tilespmem:s19+$0x12540] =	vst v5  }
0xf6: {  	v0 =	vmul.f32 $8.000000000e+00, v50;
	[tilespmem:s19+$0x12550] =	vst v4  }
0xf7: {  	v1 =	vmul.f32 $8.000000000e+00, v51;
	[tilespmem:s19+$0x12560] =	vst v6  }
0xf8: {  	[tilespmem:s19+$0x12570] =	vst v0  }
0xf9: {  	[tilespmem:s19+$0x12580] =	vst v1  }
0xfa: {  	[hbm4b:s7+s22] =	stream.strided.scatter [tilespmem:s28], [sflag:$0x4], $0x4000, s14, s22, $0x38;
	[tilespmem:$0x16400] =	vst v63  }
0xfb: {  	s29 =	simm.s32 $0x300  }
0xfc: {  	[tilespmem:s18], [sflag:$0x2] =	stream.indirect.gather [hbm4b:s3+s14], $0x40, s29, s14, $0xb8;
	[tilespmem:$0x16400] =	vst v63  }
0xfd: {  	s30 =	simm.s32 $0x380;
	s17 =	simm.s32 $0x0  }
0xfe: {  	[tilespmem:s20], [sflag:$0x2] =	stream.indirect.gather [hbm4b:s3+s14], $0x40, s30, s14, $0xb8;
	[tilespmem:$0x16400] =	vst v63  }
.LBB2_6:
0xff: {  	_ =	swait.ge [sflag:s21], $0x2000  }
0x100: {  	[sflag:s21] =	ssyncset.done $0x0  }
0x101: {  	[sflag:s21] =	ssyncadd.s32 $0xFFFFE000  }
0x102: {  	_ =	swait.ge [sflag:s21], $0x2000  }
0x103: {  	[sflag:s21] =	ssyncset.done $0x0  }
0x104: {  	[sflag:s21] =	ssyncadd.s32 $0xFFFFE000  }
0x105: {  	_ =	swait.ge [sflag:s31], $0x4000  }
0x106: {  	[sflag:s31] =	ssyncset.done $0x0  }
0x107: {  	s19 =	simm.s32 $0x0;
	[sflag:s31] =	ssyncadd.s32 $0xFFFFC000  }
0x108: {  	v0 =	vld [tilespmem:s19+$0x65F0]  }
0x109: {  	v1 =	vld [tilespmem:s19+$0x6400];
	_ =	sdelay $0x1  }
0x10a: {  	v2 =	vld [tilespmem:s19+$0x6410]  }
0x10b: {  	v3 =	vld [tilespmem:s19+$0x6420]  }
0x10c: {  	v4 =	vld [tilespmem:s19+$0x6430];
	v0 =	vmul.f32 $8.000000000e+00, v0  }
0x10d: {  	v5 =	vld [tilespmem:s19+$0x6440];
	v1 =	vmul.f32 $8.000000000e+00, v1  }
0x10e: {  	v6 =	vld [tilespmem:s19+$0x6450];
	[tilespmem:s19+$0xE5F0] =	vst v0  }
0x10f: {  	v0 =	vmul.f32 $8.000000000e+00, v2;
	[tilespmem:s19+$0xE400] =	vst v1;
	v1 =	vld [tilespmem:s19+$0x6470]  }
0x110: {  	v7 =	vld [tilespmem:s19+$0x6460];
	v2 =	vmul.f32 $8.000000000e+00, v3  }
0x111: {  	v3 =	vmul.f32 $8.000000000e+00, v4;
	[tilespmem:s19+$0xE410] =	vst v0;
	v0 =	vld [tilespmem:s19+$0x6480]  }
0x112: {  	v4 =	vmul.f32 $8.000000000e+00, v5;
	[tilespmem:s19+$0xE420] =	vst v2;
	v2 =	vld [tilespmem:s19+$0x6490]  }
0x113: {  	v5 =	vmul.f32 $8.000000000e+00, v6;
	[tilespmem:s19+$0xE430] =	vst v3;
	v3 =	vld [tilespmem:s19+$0x64A0]  }
0x114: {  	[tilespmem:s19+$0xE440] =	vst v4;
	v4 =	vld [tilespmem:s19+$0x64B0];
	v1 =	vmul.f32 $8.000000000e+00, v1  }
0x115: {  	v6 =	vmul.f32 $8.000000000e+00, v7;
	[tilespmem:s19+$0xE450] =	vst v5;
	v5 =	vld [tilespmem:s19+$0x64C0]  }
0x116: {  	v0 =	vmul.f32 $8.000000000e+00, v0;
	[tilespmem:s19+$0xE470] =	vst v1;
	v1 =	vld [tilespmem:s19+$0x64E0]  }
0x117: {  	[tilespmem:s19+$0xE460] =	vst v6;
	v6 =	vld [tilespmem:s19+$0x64D0];
	v2 =	vmul.f32 $8.000000000e+00, v2  }
0x118: {  	v3 =	vmul.f32 $8.000000000e+00, v3;
	[tilespmem:s19+$0xE480] =	vst v0;
	v0 =	vld [tilespmem:s19+$0x64F0]  }
0x119: {  	v4 =	vmul.f32 $8.000000000e+00, v4;
	[tilespmem:s19+$0xE490] =	vst v2;
	v2 =	vld [tilespmem:s19+$0x6500]  }
0x11a: {  	v5 =	vmul.f32 $8.000000000e+00, v5;
	[tilespmem:s19+$0xE4A0] =	vst v3;
	v3 =	vld [tilespmem:s19+$0x6510]  }
0x11b: {  	[tilespmem:s19+$0xE4B0] =	vst v4;
	v4 =	vld [tilespmem:s19+$0x6520];
	v1 =	vmul.f32 $8.000000000e+00, v1  }
0x11c: {  	v6 =	vmul.f32 $8.000000000e+00, v6;
	[tilespmem:s19+$0xE4C0] =	vst v5;
	v5 =	vld [tilespmem:s19+$0x6530]  }
0x11d: {  	v0 =	vmul.f32 $8.000000000e+00, v0;
	[tilespmem:s19+$0xE4E0] =	vst v1;
	v1 =	vld [tilespmem:s19+$0x6550]  }
0x11e: {  	[tilespmem:s19+$0xE4D0] =	vst v6;
	v6 =	vld [tilespmem:s19+$0x6540];
	v2 =	vmul.f32 $8.000000000e+00, v2  }
0x11f: {  	[tilespmem:s19+$0xE4F0] =	vst v0;
	v0 =	vmul.f32 $8.000000000e+00, v3;
	v3 =	vld [tilespmem:s19+$0x6570]  }
0x120: {  	v7 =	vld [tilespmem:s19+$0x6560];
	[tilespmem:s19+$0xE500] =	vst v2;
	v2 =	vmul.f32 $8.000000000e+00, v4  }
0x121: {  	v4 =	vld [tilespmem:s19+$0x6580];
	[tilespmem:s19+$0xE510] =	vst v0;
	v0 =	vmul.f32 $8.000000000e+00, v5  }
0x122: {  	v8 =	vld [tilespmem:s19+$0x6590];
	[tilespmem:s19+$0xE520] =	vst v2;
	v5 =	vmul.f32 $8.000000000e+00, v1  }
0x123: {  	v2 =	vmul.f32 $8.000000000e+00, v6;
	[tilespmem:s19+$0xE530] =	vst v0;
	v0 =	vld [tilespmem:s19+$0x65A0]  }
0x124: {  	v1 =	vld [tilespmem:s19+$0x65B0];
	[tilespmem:s19+$0xE550] =	vst v5;
	v5 =	vmul.f32 $8.000000000e+00, v3  }
0x125: {  	v6 =	vmul.f32 $8.000000000e+00, v7;
	[tilespmem:s19+$0xE540] =	vst v2;
	v2 =	vld [tilespmem:s19+$0x65C0]  }
0x126: {  	v3 =	vld [tilespmem:s19+$0x65D0];
	[tilespmem:s19+$0xE570] =	vst v5;
	v5 =	vmul.f32 $8.000000000e+00, v4  }
0x127: {  	s24 =	simm.s32 $0x200;
	s25 =	simm.s32 $0x1000;
	[tilespmem:s19+$0xE560] =	vst v6;
	v6 =	vmul.f32 $8.000000000e+00, v8;
	v4 =	vld [tilespmem:s19+$0x65E0]  }
.LBB2_7:
0x128: {  	p0 =	sne.s32 s25, $0xF800;
	v7 =	vld [tilespmem:s24+$0x65F0];
	[tilespmem:s19+$0xE580] =	vst v5;
	v0 =	vmul.f32 $8.000000000e+00, v0  }
0x129: {  	v5 =	vld [tilespmem:s24+$0x6400];
	[tilespmem:s19+$0xE590] =	vst v6;
	v1 =	vmul.f32 $8.000000000e+00, v1  }
0x12a: {  	v6 =	vld [tilespmem:s24+$0x6410];
	[tilespmem:s19+$0xE5A0] =	vst v0;
	v0 =	vmul.f32 $8.000000000e+00, v2  }
0x12b: {  	v2 =	vld [tilespmem:s24+$0x6420];
	[tilespmem:s19+$0xE5B0] =	vst v1;
	v1 =	vmul.f32 $8.000000000e+00, v3  }
0x12c: {  	v3 =	vld [tilespmem:s24+$0x6430];
	[tilespmem:s19+$0xE5C0] =	vst v0;
	v0 =	vmul.f32 $8.000000000e+00, v4  }
0x12d: {  	v4 =	vld [tilespmem:s24+$0x6440];
	v7 =	vmul.f32 $8.000000000e+00, v7;
	[tilespmem:s19+$0xE5D0] =	vst v1  }
0x12e: {  	v1 =	vmul.f32 $8.000000000e+00, v5;
	v5 =	vld [tilespmem:s24+$0x6450];
	[tilespmem:s19+$0xE5E0] =	vst v0;
	s19 =	smov.u32 s24  }
0x12f: {  	v0 =	vmul.f32 $8.000000000e+00, v6;
	v6 =	vld [tilespmem:s19+$0x6460];
	[tilespmem:s19+$0xE5F0] =	vst v7  }
0x130: {  	[tilespmem:s19+$0xE400] =	vst v1;
	v1 =	vmul.f32 $8.000000000e+00, v2;
	v2 =	vld [tilespmem:s19+$0x6470]  }
0x131: {  	[tilespmem:s19+$0xE410] =	vst v0;
	v0 =	vmul.f32 $8.000000000e+00, v3;
	v3 =	vld [tilespmem:s19+$0x6480]  }
0x132: {  	[tilespmem:s19+$0xE420] =	vst v1;
	v1 =	vmul.f32 $8.000000000e+00, v4;
	v4 =	vld [tilespmem:s19+$0x6490]  }
0x133: {  	[tilespmem:s19+$0xE430] =	vst v0;
	v0 =	vmul.f32 $8.000000000e+00, v5;
	v5 =	vld [tilespmem:s19+$0x64A0]  }
0x134: {  	[tilespmem:s19+$0xE440] =	vst v1;
	v1 =	vmul.f32 $8.000000000e+00, v6;
	v6 =	vld [tilespmem:s19+$0x64B0]  }
0x135: {  	[tilespmem:s19+$0xE450] =	vst v0;
	v0 =	vmul.f32 $8.000000000e+00, v2;
	v2 =	vld [tilespmem:s19+$0x64C0]  }
0x136: {  	[tilespmem:s19+$0xE460] =	vst v1;
	v1 =	vmul.f32 $8.000000000e+00, v3;
	v3 =	vld [tilespmem:s19+$0x64D0]  }
0x137: {  	[tilespmem:s19+$0xE470] =	vst v0;
	v0 =	vmul.f32 $8.000000000e+00, v4;
	v4 =	vld [tilespmem:s19+$0x64E0]  }
0x138: {  	[tilespmem:s19+$0xE480] =	vst v1;
	v1 =	vmul.f32 $8.000000000e+00, v5;
	v5 =	vld [tilespmem:s19+$0x64F0]  }
0x139: {  	[tilespmem:s19+$0xE490] =	vst v0;
	v0 =	vmul.f32 $8.000000000e+00, v6;
	v6 =	vld [tilespmem:s19+$0x6500]  }
0x13a: {  	[tilespmem:s19+$0xE4A0] =	vst v1;
	v1 =	vmul.f32 $8.000000000e+00, v2;
	v2 =	vld [tilespmem:s19+$0x6510]  }
0x13b: {  	[tilespmem:s19+$0xE4B0] =	vst v0;
	v0 =	vmul.f32 $8.000000000e+00, v3;
	v3 =	vld [tilespmem:s19+$0x6520]  }
0x13c: {  	[tilespmem:s19+$0xE4C0] =	vst v1;
	v1 =	vmul.f32 $8.000000000e+00, v4;
	v4 =	vld [tilespmem:s19+$0x6530]  }
0x13d: {  	[tilespmem:s19+$0xE4D0] =	vst v0;
	v0 =	vmul.f32 $8.000000000e+00, v5;
	v5 =	vld [tilespmem:s19+$0x6540]  }
0x13e: {  	[tilespmem:s19+$0xE4E0] =	vst v1;
	v1 =	vmul.f32 $8.000000000e+00, v6;
	v6 =	vld [tilespmem:s19+$0x6550]  }
0x13f: {  	[tilespmem:s19+$0xE4F0] =	vst v0;
	v0 =	vmul.f32 $8.000000000e+00, v2;
	v2 =	vld [tilespmem:s19+$0x6560]  }
0x140: {  	[tilespmem:s19+$0xE500] =	vst v1;
	v1 =	vmul.f32 $8.000000000e+00, v3;
	v3 =	vld [tilespmem:s19+$0x6570]  }
0x141: {  	[tilespmem:s19+$0xE510] =	vst v0;
	v0 =	vmul.f32 $8.000000000e+00, v4;
	v4 =	vld [tilespmem:s19+$0x6580]  }
0x142: {  	[tilespmem:s19+$0xE520] =	vst v1;
	v1 =	vmul.f32 $8.000000000e+00, v5;
	v7 =	vld [tilespmem:s19+$0x6590]  }
.Ltmp2:
0x143: {  	[tilespmem:s19+$0xE530] =	vst v0;
	v5 =	vmul.f32 $8.000000000e+00, v6;
	v0 =	vld [tilespmem:s19+$0x65A0];
	(pc) =	sbr.rel @p0 .LBB2_7-.Ltmp2, $4  }
0x144: {  	[tilespmem:s19+$0xE540] =	vst v1;
	v6 =	vmul.f32 $8.000000000e+00, v2;
	v1 =	vld [tilespmem:s19+$0x65B0]  }
0x145: {  	[tilespmem:s19+$0xE550] =	vst v5;
	v8 =	vmul.f32 $8.000000000e+00, v3;
	v2 =	vld [tilespmem:s19+$0x65C0]  }
0x146: {  	[tilespmem:s19+$0xE560] =	vst v6;
	v5 =	vmul.f32 $8.000000000e+00, v4;
	v3 =	vld [tilespmem:s19+$0x65D0]  }
0x147: {  	s24 =	sshra.s32 s25, $0x2;
	s25 =	sadd.s32 $0x800, s25;
	[tilespmem:s19+$0xE570] =	vst v8;
	v6 =	vmul.f32 $8.000000000e+00, v7;
	v4 =	vld [tilespmem:s19+$0x65E0]  }
0x148: {  	v7 =	vld [tilespmem:s24+$0x65F0];
	[tilespmem:s19+$0xE580] =	vst v5;
	v0 =	vmul.f32 $8.000000000e+00, v0  }
0x149: {  	v5 =	vld [tilespmem:s24+$0x6400];
	[tilespmem:s19+$0xE590] =	vst v6;
	v1 =	vmul.f32 $8.000000000e+00, v1  }
0x14a: {  	v6 =	vld [tilespmem:s24+$0x6410];
	[tilespmem:s19+$0xE5A0] =	vst v0;
	v2 =	vmul.f32 $8.000000000e+00, v2  }
0x14b: {  	v0 =	vld [tilespmem:s24+$0x6420];
	[tilespmem:s19+$0xE5B0] =	vst v1;
	v3 =	vmul.f32 $8.000000000e+00, v3  }
0x14c: {  	v1 =	vld [tilespmem:s24+$0x6430];
	[tilespmem:s19+$0xE5C0] =	vst v2;
	v4 =	vmul.f32 $8.000000000e+00, v4  }
0x14d: {  	v2 =	vld [tilespmem:s24+$0x6440];
	[tilespmem:s19+$0xE5D0] =	vst v3;
	v7 =	vmul.f32 $8.000000000e+00, v7  }
0x14e: {  	v3 =	vld [tilespmem:s24+$0x6450];
	[tilespmem:s19+$0xE5E0] =	vst v4;
	v4 =	vmul.f32 $8.000000000e+00, v5  }
0x14f: {  	v5 =	vld [tilespmem:s24+$0x6460];
	[tilespmem:s24+$0xE5F0] =	vst v7;
	v6 =	vmul.f32 $8.000000000e+00, v6  }
0x150: {  	[tilespmem:s24+$0xE400] =	vst v4;
	v4 =	vld [tilespmem:s24+$0x6470];
	v0 =	vmul.f32 $8.000000000e+00, v0  }
0x151: {  	[tilespmem:s24+$0xE410] =	vst v6;
	v6 =	vld [tilespmem:s24+$0x6480];
	v1 =	vmul.f32 $8.000000000e+00, v1  }
0x152: {  	[tilespmem:s24+$0xE420] =	vst v0;
	v0 =	vld [tilespmem:s24+$0x6490];
	v2 =	vmul.f32 $8.000000000e+00, v2  }
0x153: {  	[tilespmem:s24+$0xE430] =	vst v1;
	v1 =	vld [tilespmem:s24+$0x64A0];
	v3 =	vmul.f32 $8.000000000e+00, v3  }
0x154: {  	[tilespmem:s24+$0xE440] =	vst v2;
	v2 =	vld [tilespmem:s24+$0x64B0];
	v5 =	vmul.f32 $8.000000000e+00, v5  }
0x155: {  	[tilespmem:s24+$0xE450] =	vst v3;
	v3 =	vld [tilespmem:s24+$0x64C0];
	v4 =	vmul.f32 $8.000000000e+00, v4  }
0x156: {  	[tilespmem:s24+$0xE460] =	vst v5;
	v5 =	vld [tilespmem:s24+$0x64D0];
	v6 =	vmul.f32 $8.000000000e+00, v6  }
0x157: {  	[tilespmem:s24+$0xE470] =	vst v4;
	v4 =	vld [tilespmem:s24+$0x64E0];
	v0 =	vmul.f32 $8.000000000e+00, v0  }
0x158: {  	[tilespmem:s24+$0xE480] =	vst v6;
	v6 =	vld [tilespmem:s24+$0x64F0];
	v1 =	vmul.f32 $8.000000000e+00, v1  }
0x159: {  	[tilespmem:s24+$0xE490] =	vst v0;
	v0 =	vld [tilespmem:s24+$0x6500];
	v2 =	vmul.f32 $8.000000000e+00, v2  }
0x15a: {  	[tilespmem:s24+$0xE4A0] =	vst v1;
	v1 =	vld [tilespmem:s24+$0x6510];
	v3 =	vmul.f32 $8.000000000e+00, v3  }
0x15b: {  	[tilespmem:s24+$0xE4B0] =	vst v2;
	v2 =	vld [tilespmem:s24+$0x6520];
	v5 =	vmul.f32 $8.000000000e+00, v5  }
0x15c: {  	[tilespmem:s24+$0xE4C0] =	vst v3;
	v3 =	vld [tilespmem:s24+$0x6530];
	v4 =	vmul.f32 $8.000000000e+00, v4  }
0x15d: {  	[tilespmem:s24+$0xE4D0] =	vst v5;
	v5 =	vld [tilespmem:s24+$0x6540];
	v6 =	vmul.f32 $8.000000000e+00, v6  }
0x15e: {  	[tilespmem:s24+$0xE4E0] =	vst v4;
	v4 =	vld [tilespmem:s24+$0x6550];
	v0 =	vmul.f32 $8.000000000e+00, v0  }
0x15f: {  	[tilespmem:s24+$0xE4F0] =	vst v6;
	v6 =	vld [tilespmem:s24+$0x6560];
	v1 =	vmul.f32 $8.000000000e+00, v1  }
0x160: {  	[tilespmem:s24+$0xE500] =	vst v0;
	v0 =	vld [tilespmem:s24+$0x6570];
	v2 =	vmul.f32 $8.000000000e+00, v2  }
0x161: {  	[tilespmem:s24+$0xE510] =	vst v1;
	v1 =	vld [tilespmem:s24+$0x6580];
	v3 =	vmul.f32 $8.000000000e+00, v3  }
0x162: {  	[tilespmem:s24+$0xE520] =	vst v2;
	v2 =	vld [tilespmem:s24+$0x6590];
	v5 =	vmul.f32 $8.000000000e+00, v5  }
0x163: {  	[tilespmem:s24+$0xE530] =	vst v3;
	v3 =	vld [tilespmem:s24+$0x65A0];
	v4 =	vmul.f32 $8.000000000e+00, v4  }
0x164: {  	[tilespmem:s24+$0xE540] =	vst v5;
	v5 =	vld [tilespmem:s24+$0x65B0];
	v6 =	vmul.f32 $8.000000000e+00, v6  }
0x165: {  	[tilespmem:s24+$0xE550] =	vst v4;
	v4 =	vld [tilespmem:s24+$0x65C0];
	v0 =	vmul.f32 $8.000000000e+00, v0  }
0x166: {  	[tilespmem:s24+$0xE560] =	vst v6;
	v6 =	vld [tilespmem:s24+$0x65D0];
	v1 =	vmul.f32 $8.000000000e+00, v1  }
0x167: {  	[tilespmem:s24+$0xE570] =	vst v0;
	v0 =	vmul.f32 $8.000000000e+00, v2;
	v2 =	vld [tilespmem:s24+$0x65E0]  }
0x168: {  	[tilespmem:s24+$0xE580] =	vst v1;
	v1 =	vmul.f32 $8.000000000e+00, v3  }
0x169: {  	[tilespmem:s24+$0xE590] =	vst v0;
	v0 =	vmul.f32 $8.000000000e+00, v5  }
0x16a: {  	s19 =	sshll.u32 s17, $0x9;
	[tilespmem:s24+$0xE5A0] =	vst v1;
	v1 =	vmul.f32 $8.000000000e+00, v4  }
0x16b: {  	s25 =	sadd.s32 s19, s8;
	[tilespmem:s24+$0xE5B0] =	vst v0;
	v0 =	vmul.f32 $8.000000000e+00, v6  }
0x16c: {  	s25 =	sshll.u32 s25, $0x4;
	[tilespmem:s24+$0xE5C0] =	vst v1;
	v1 =	vmul.f32 $8.000000000e+00, v2  }
0x16d: {  	s25 =	sand.u32 $0x1FFFE000, s25;
	[tilespmem:s24+$0xE5D0] =	vst v0  }
0x16e: {  	s25 =	sadd.s32 s4, s25;
	[tilespmem:s24+$0xE5E0] =	vst v1;
	s24 =	sand.u32 $0x3FFFFE00, s19  }
0x16f: {  	[hbm4b:s25+s22] =	stream.strided.scatter [tilespmem:s23], [sflag:$0x3], $0x4000, s14, s22, $0x38;
	[tilespmem:$0x16400] =	vst v63  }
0x170: {  	s25 =	sadd.s32 $0x400, s24  }
0x171: {  	[tilespmem:s15], [sflag:$0x1] =	stream.indirect.gather [hbm4b:s3+s14], $0x40, s25, s14, $0xb8;
	[tilespmem:$0x16400] =	vst v63  }
0x172: {  	s25 =	sadd.s32 $0x480, s24  }
0x173: {  	[tilespmem:s16], [sflag:$0x1] =	stream.indirect.gather [hbm4b:s3+s14], $0x40, s25, s14, $0xb8;
	[tilespmem:$0x16400] =	vst v63  }
0x174: {  	_ =	swait.ge [sflag:s26], $0x2000  }
0x175: {  	[sflag:s26] =	ssyncset.done $0x0  }
0x176: {  	[sflag:s26] =	ssyncadd.s32 $0xFFFFE000  }
0x177: {  	_ =	swait.ge [sflag:s26], $0x2000  }
0x178: {  	[sflag:s26] =	ssyncset.done $0x0  }
0x179: {  	[sflag:s26] =	ssyncadd.s32 $0xFFFFE000  }
0x17a: {  	_ =	swait.ge [sflag:s1], $0x4000  }
0x17b: {  	[sflag:s1] =	ssyncset.done $0x0  }
0x17c: {  	s25 =	simm.s32 $0x0;
	[sflag:s1] =	ssyncadd.s32 $0xFFFFC000  }
0x17d: {  	v0 =	vld [tilespmem:s25+$0xA5F0]  }
0x17e: {  	v1 =	vld [tilespmem:s25+$0xA400];
	_ =	sdelay $0x1  }
0x17f: {  	v2 =	vld [tilespmem:s25+$0xA410]  }
0x180: {  	v3 =	vld [tilespmem:s25+$0xA420]  }
0x181: {  	v4 =	vld [tilespmem:s25+$0xA430];
	v0 =	vmul.f32 $8.000000000e+00, v0  }
0x182: {  	v5 =	vld [tilespmem:s25+$0xA440];
	v1 =	vmul.f32 $8.000000000e+00, v1  }
0x183: {  	v6 =	vld [tilespmem:s25+$0xA450];
	[tilespmem:s25+$0x125F0] =	vst v0  }
0x184: {  	v0 =	vmul.f32 $8.000000000e+00, v2;
	[tilespmem:s25+$0x12400] =	vst v1;
	v1 =	vld [tilespmem:s25+$0xA470]  }
0x185: {  	v7 =	vld [tilespmem:s25+$0xA460];
	v2 =	vmul.f32 $8.000000000e+00, v3  }
0x186: {  	v3 =	vmul.f32 $8.000000000e+00, v4;
	[tilespmem:s25+$0x12410] =	vst v0;
	v0 =	vld [tilespmem:s25+$0xA480]  }
0x187: {  	v4 =	vmul.f32 $8.000000000e+00, v5;
	[tilespmem:s25+$0x12420] =	vst v2;
	v2 =	vld [tilespmem:s25+$0xA490]  }
0x188: {  	v5 =	vmul.f32 $8.000000000e+00, v6;
	[tilespmem:s25+$0x12430] =	vst v3;
	v3 =	vld [tilespmem:s25+$0xA4A0]  }
0x189: {  	[tilespmem:s25+$0x12440] =	vst v4;
	v4 =	vld [tilespmem:s25+$0xA4B0];
	v1 =	vmul.f32 $8.000000000e+00, v1  }
0x18a: {  	v6 =	vmul.f32 $8.000000000e+00, v7;
	[tilespmem:s25+$0x12450] =	vst v5;
	v5 =	vld [tilespmem:s25+$0xA4C0]  }
0x18b: {  	v0 =	vmul.f32 $8.000000000e+00, v0;
	[tilespmem:s25+$0x12470] =	vst v1;
	v1 =	vld [tilespmem:s25+$0xA4E0]  }
0x18c: {  	[tilespmem:s25+$0x12460] =	vst v6;
	v6 =	vld [tilespmem:s25+$0xA4D0];
	v2 =	vmul.f32 $8.000000000e+00, v2  }
0x18d: {  	v3 =	vmul.f32 $8.000000000e+00, v3;
	[tilespmem:s25+$0x12480] =	vst v0;
	v0 =	vld [tilespmem:s25+$0xA4F0]  }
0x18e: {  	v4 =	vmul.f32 $8.000000000e+00, v4;
	[tilespmem:s25+$0x12490] =	vst v2;
	v2 =	vld [tilespmem:s25+$0xA500]  }
0x18f: {  	v5 =	vmul.f32 $8.000000000e+00, v5;
	[tilespmem:s25+$0x124A0] =	vst v3;
	v3 =	vld [tilespmem:s25+$0xA510]  }
0x190: {  	[tilespmem:s25+$0x124B0] =	vst v4;
	v4 =	vld [tilespmem:s25+$0xA520];
	v1 =	vmul.f32 $8.000000000e+00, v1  }
0x191: {  	v6 =	vmul.f32 $8.000000000e+00, v6;
	[tilespmem:s25+$0x124C0] =	vst v5;
	v5 =	vld [tilespmem:s25+$0xA530]  }
0x192: {  	v0 =	vmul.f32 $8.000000000e+00, v0;
	[tilespmem:s25+$0x124E0] =	vst v1;
	v1 =	vld [tilespmem:s25+$0xA550]  }
0x193: {  	[tilespmem:s25+$0x124D0] =	vst v6;
	v6 =	vld [tilespmem:s25+$0xA540];
	v2 =	vmul.f32 $8.000000000e+00, v2  }
0x194: {  	[tilespmem:s25+$0x124F0] =	vst v0;
	v0 =	vmul.f32 $8.000000000e+00, v3;
	v3 =	vld [tilespmem:s25+$0xA570]  }
0x195: {  	v7 =	vld [tilespmem:s25+$0xA560];
	[tilespmem:s25+$0x12500] =	vst v2;
	v2 =	vmul.f32 $8.000000000e+00, v4  }
0x196: {  	v4 =	vld [tilespmem:s25+$0xA580];
	[tilespmem:s25+$0x12510] =	vst v0;
	v0 =	vmul.f32 $8.000000000e+00, v5  }
0x197: {  	v8 =	vld [tilespmem:s25+$0xA590];
	[tilespmem:s25+$0x12520] =	vst v2;
	v5 =	vmul.f32 $8.000000000e+00, v1  }
0x198: {  	v2 =	vmul.f32 $8.000000000e+00, v6;
	[tilespmem:s25+$0x12530] =	vst v0;
	v0 =	vld [tilespmem:s25+$0xA5A0]  }
0x199: {  	v1 =	vld [tilespmem:s25+$0xA5B0];
	[tilespmem:s25+$0x12550] =	vst v5;
	v5 =	vmul.f32 $8.000000000e+00, v3  }
0x19a: {  	v6 =	vmul.f32 $8.000000000e+00, v7;
	[tilespmem:s25+$0x12540] =	vst v2;
	v2 =	vld [tilespmem:s25+$0xA5C0]  }
0x19b: {  	v3 =	vld [tilespmem:s25+$0xA5D0];
	[tilespmem:s25+$0x12570] =	vst v5;
	v5 =	vmul.f32 $8.000000000e+00, v4  }
0x19c: {  	s29 =	simm.s32 $0x200;
	s30 =	simm.s32 $0x1000;
	[tilespmem:s25+$0x12560] =	vst v6;
	v6 =	vmul.f32 $8.000000000e+00, v8;
	v4 =	vld [tilespmem:s25+$0xA5E0]  }
.LBB2_9:
0x19d: {  	p0 =	sne.s32 s30, $0xF800;
	v7 =	vld [tilespmem:s29+$0xA5F0];
	[tilespmem:s25+$0x12580] =	vst v5;
	v0 =	vmul.f32 $8.000000000e+00, v0  }
0x19e: {  	v5 =	vld [tilespmem:s29+$0xA400];
	[tilespmem:s25+$0x12590] =	vst v6;
	v1 =	vmul.f32 $8.000000000e+00, v1  }
0x19f: {  	v6 =	vld [tilespmem:s29+$0xA410];
	[tilespmem:s25+$0x125A0] =	vst v0;
	v0 =	vmul.f32 $8.000000000e+00, v2  }
0x1a0: {  	v2 =	vld [tilespmem:s29+$0xA420];
	[tilespmem:s25+$0x125B0] =	vst v1;
	v1 =	vmul.f32 $8.000000000e+00, v3  }
0x1a1: {  	v3 =	vld [tilespmem:s29+$0xA430];
	[tilespmem:s25+$0x125C0] =	vst v0;
	v0 =	vmul.f32 $8.000000000e+00, v4  }
0x1a2: {  	v4 =	vld [tilespmem:s29+$0xA440];
	v7 =	vmul.f32 $8.000000000e+00, v7;
	[tilespmem:s25+$0x125D0] =	vst v1  }
0x1a3: {  	v1 =	vmul.f32 $8.000000000e+00, v5;
	v5 =	vld [tilespmem:s29+$0xA450];
	[tilespmem:s25+$0x125E0] =	vst v0;
	s25 =	smov.u32 s29  }
0x1a4: {  	v0 =	vmul.f32 $8.000000000e+00, v6;
	v6 =	vld [tilespmem:s25+$0xA460];
	[tilespmem:s25+$0x125F0] =	vst v7  }
0x1a5: {  	[tilespmem:s25+$0x12400] =	vst v1;
	v1 =	vmul.f32 $8.000000000e+00, v2;
	v2 =	vld [tilespmem:s25+$0xA470]  }
0x1a6: {  	[tilespmem:s25+$0x12410] =	vst v0;
	v0 =	vmul.f32 $8.000000000e+00, v3;
	v3 =	vld [tilespmem:s25+$0xA480]  }
0x1a7: {  	[tilespmem:s25+$0x12420] =	vst v1;
	v1 =	vmul.f32 $8.000000000e+00, v4;
	v4 =	vld [tilespmem:s25+$0xA490]  }
0x1a8: {  	[tilespmem:s25+$0x12430] =	vst v0;
	v0 =	vmul.f32 $8.000000000e+00, v5;
	v5 =	vld [tilespmem:s25+$0xA4A0]  }
0x1a9: {  	[tilespmem:s25+$0x12440] =	vst v1;
	v1 =	vmul.f32 $8.000000000e+00, v6;
	v6 =	vld [tilespmem:s25+$0xA4B0]  }
0x1aa: {  	[tilespmem:s25+$0x12450] =	vst v0;
	v0 =	vmul.f32 $8.000000000e+00, v2;
	v2 =	vld [tilespmem:s25+$0xA4C0]  }
0x1ab: {  	[tilespmem:s25+$0x12460] =	vst v1;
	v1 =	vmul.f32 $8.000000000e+00, v3;
	v3 =	vld [tilespmem:s25+$0xA4D0]  }
0x1ac: {  	[tilespmem:s25+$0x12470] =	vst v0;
	v0 =	vmul.f32 $8.000000000e+00, v4;
	v4 =	vld [tilespmem:s25+$0xA4E0]  }
0x1ad: {  	[tilespmem:s25+$0x12480] =	vst v1;
	v1 =	vmul.f32 $8.000000000e+00, v5;
	v5 =	vld [tilespmem:s25+$0xA4F0]  }
0x1ae: {  	[tilespmem:s25+$0x12490] =	vst v0;
	v0 =	vmul.f32 $8.000000000e+00, v6;
	v6 =	vld [tilespmem:s25+$0xA500]  }
0x1af: {  	[tilespmem:s25+$0x124A0] =	vst v1;
	v1 =	vmul.f32 $8.000000000e+00, v2;
	v2 =	vld [tilespmem:s25+$0xA510]  }
0x1b0: {  	[tilespmem:s25+$0x124B0] =	vst v0;
	v0 =	vmul.f32 $8.000000000e+00, v3;
	v3 =	vld [tilespmem:s25+$0xA520]  }
0x1b1: {  	[tilespmem:s25+$0x124C0] =	vst v1;
	v1 =	vmul.f32 $8.000000000e+00, v4;
	v4 =	vld [tilespmem:s25+$0xA530]  }
0x1b2: {  	[tilespmem:s25+$0x124D0] =	vst v0;
	v0 =	vmul.f32 $8.000000000e+00, v5;
	v5 =	vld [tilespmem:s25+$0xA540]  }
0x1b3: {  	[tilespmem:s25+$0x124E0] =	vst v1;
	v1 =	vmul.f32 $8.000000000e+00, v6;
	v6 =	vld [tilespmem:s25+$0xA550]  }
0x1b4: {  	[tilespmem:s25+$0x124F0] =	vst v0;
	v0 =	vmul.f32 $8.000000000e+00, v2;
	v2 =	vld [tilespmem:s25+$0xA560]  }
0x1b5: {  	[tilespmem:s25+$0x12500] =	vst v1;
	v1 =	vmul.f32 $8.000000000e+00, v3;
	v3 =	vld [tilespmem:s25+$0xA570]  }
0x1b6: {  	[tilespmem:s25+$0x12510] =	vst v0;
	v0 =	vmul.f32 $8.000000000e+00, v4;
	v4 =	vld [tilespmem:s25+$0xA580]  }
0x1b7: {  	[tilespmem:s25+$0x12520] =	vst v1;
	v1 =	vmul.f32 $8.000000000e+00, v5;
	v7 =	vld [tilespmem:s25+$0xA590]  }
.Ltmp3:
0x1b8: {  	[tilespmem:s25+$0x12530] =	vst v0;
	v5 =	vmul.f32 $8.000000000e+00, v6;
	v0 =	vld [tilespmem:s25+$0xA5A0];
	(pc) =	sbr.rel @p0 .LBB2_9-.Ltmp3, $4  }
0x1b9: {  	[tilespmem:s25+$0x12540] =	vst v1;
	v6 =	vmul.f32 $8.000000000e+00, v2;
	v1 =	vld [tilespmem:s25+$0xA5B0]  }
0x1ba: {  	[tilespmem:s25+$0x12550] =	vst v5;
	v8 =	vmul.f32 $8.000000000e+00, v3;
	v2 =	vld [tilespmem:s25+$0xA5C0]  }
0x1bb: {  	[tilespmem:s25+$0x12560] =	vst v6;
	v5 =	vmul.f32 $8.000000000e+00, v4;
	v3 =	vld [tilespmem:s25+$0xA5D0]  }
0x1bc: {  	s29 =	sshra.s32 s30, $0x2;
	s30 =	sadd.s32 $0x800, s30;
	[tilespmem:s25+$0x12570] =	vst v8;
	v6 =	vmul.f32 $8.000000000e+00, v7;
	v4 =	vld [tilespmem:s25+$0xA5E0]  }
0x1bd: {  	v7 =	vld [tilespmem:s29+$0xA5F0];
	[tilespmem:s25+$0x12580] =	vst v5;
	v0 =	vmul.f32 $8.000000000e+00, v0  }
0x1be: {  	v5 =	vld [tilespmem:s29+$0xA400];
	[tilespmem:s25+$0x12590] =	vst v6;
	v1 =	vmul.f32 $8.000000000e+00, v1  }
0x1bf: {  	v6 =	vld [tilespmem:s29+$0xA410];
	[tilespmem:s25+$0x125A0] =	vst v0;
	v2 =	vmul.f32 $8.000000000e+00, v2  }
0x1c0: {  	v0 =	vld [tilespmem:s29+$0xA420];
	[tilespmem:s25+$0x125B0] =	vst v1;
	v3 =	vmul.f32 $8.000000000e+00, v3  }
0x1c1: {  	v1 =	vld [tilespmem:s29+$0xA430];
	[tilespmem:s25+$0x125C0] =	vst v2;
	v4 =	vmul.f32 $8.000000000e+00, v4  }
0x1c2: {  	v2 =	vld [tilespmem:s29+$0xA440];
	[tilespmem:s25+$0x125D0] =	vst v3;
	v7 =	vmul.f32 $8.000000000e+00, v7  }
0x1c3: {  	v3 =	vld [tilespmem:s29+$0xA450];
	[tilespmem:s25+$0x125E0] =	vst v4;
	v32 =	vmul.f32 $8.000000000e+00, v5  }
0x1c4: {  	v33 =	vld [tilespmem:s29+$0xA460];
	[tilespmem:s29+$0x125F0] =	vst v7;
	v6 =	vmul.f32 $8.000000000e+00, v6  }
0x1c5: {  	v34 =	vld [tilespmem:s29+$0xA470];
	[tilespmem:s29+$0x12400] =	vst v32;
	v0 =	vmul.f32 $8.000000000e+00, v0  }
0x1c6: {  	v35 =	vld [tilespmem:s29+$0xA480];
	[tilespmem:s29+$0x12410] =	vst v6;
	v1 =	vmul.f32 $8.000000000e+00, v1  }
0x1c7: {  	v36 =	vld [tilespmem:s29+$0xA490];
	[tilespmem:s29+$0x12420] =	vst v0;
	v2 =	vmul.f32 $8.000000000e+00, v2  }
0x1c8: {  	v37 =	vld [tilespmem:s29+$0xA4A0];
	[tilespmem:s29+$0x12430] =	vst v1;
	v3 =	vmul.f32 $8.000000000e+00, v3  }
0x1c9: {  	v38 =	vld [tilespmem:s29+$0xA4B0];
	[tilespmem:s29+$0x12440] =	vst v2;
	v5 =	vmul.f32 $8.000000000e+00, v33  }
0x1ca: {  	v52 =	vld [tilespmem:s29+$0xA590];
	v4 =	vmul.f32 $8.000000000e+00, v34;
	[tilespmem:s29+$0x12450] =	vst v3  }
0x1cb: {  	v53 =	vld [tilespmem:s29+$0xA5A0];
	v6 =	vmul.f32 $8.000000000e+00, v35;
	[tilespmem:s29+$0x12460] =	vst v5  }
0x1cc: {  	v54 =	vld [tilespmem:s29+$0xA5B0];
	v0 =	vmul.f32 $8.000000000e+00, v36;
	[tilespmem:s29+$0x12470] =	vst v4  }
0x1cd: {  	v55 =	vld [tilespmem:s29+$0xA5C0];
	v1 =	vmul.f32 $8.000000000e+00, v37;
	[tilespmem:s29+$0x12480] =	vst v6  }
0x1ce: {  	v56 =	vld [tilespmem:s29+$0xA5D0];
	v2 =	vmul.f32 $8.000000000e+00, v38;
	[tilespmem:s29+$0x12490] =	vst v0  }
0x1cf: {  	v58 =	vld [tilespmem:s29+$0xA5E0];
	v57 =	vmul.f32 $8.000000000e+00, v52;
	[tilespmem:s29+$0x124A0] =	vst v1  }
0x1d0: {  	v39 =	vld [tilespmem:s29+$0xA4C0];
	v59 =	vmul.f32 $8.000000000e+00, v53;
	[tilespmem:s29+$0x124B0] =	vst v2  }
0x1d1: {  	v40 =	vld [tilespmem:s29+$0xA4D0];
	v60 =	vmul.f32 $8.000000000e+00, v54;
	[tilespmem:s29+$0x12590] =	vst v57  }
0x1d2: {  	v41 =	vld [tilespmem:s29+$0xA4E0];
	v61 =	vmul.f32 $8.000000000e+00, v55;
	[tilespmem:s29+$0x125A0] =	vst v59  }
0x1d3: {  	v42 =	vld [tilespmem:s29+$0xA4F0];
	v62 =	vmul.f32 $8.000000000e+00, v56;
	[tilespmem:s29+$0x125B0] =	vst v60  }
0x1d4: {  	v43 =	vld [tilespmem:s29+$0xA500];
	v63 =	vmul.f32 $8.000000000e+00, v58;
	[tilespmem:s29+$0x125C0] =	vst v61  }
0x1d5: {  	v44 =	vld [tilespmem:s29+$0xA510];
	v3 =	vmul.f32 $8.000000000e+00, v39;
	[tilespmem:s29+$0x125D0] =	vst v62  }
0x1d6: {  	v45 =	vld [tilespmem:s29+$0xA520];
	v5 =	vmul.f32 $8.000000000e+00, v40;
	[tilespmem:s29+$0x125E0] =	vst v63  }
0x1d7: {  	v46 =	vld [tilespmem:s29+$0xA530];
	v4 =	vmul.f32 $8.000000000e+00, v41;
	[tilespmem:s29+$0x124C0] =	vst v3  }
0x1d8: {  	v47 =	vld [tilespmem:s29+$0xA540];
	v6 =	vmul.f32 $8.000000000e+00, v42;
	[tilespmem:s29+$0x124D0] =	vst v5  }
0x1d9: {  	v48 =	vld [tilespmem:s29+$0xA550];
	v0 =	vmul.f32 $8.000000000e+00, v43;
	[tilespmem:s29+$0x124E0] =	vst v4  }
0x1da: {  	v49 =	vld [tilespmem:s29+$0xA560];
	v1 =	vmul.f32 $8.000000000e+00, v44;
	[tilespmem:s29+$0x124F0] =	vst v6  }
0x1db: {  	v50 =	vld [tilespmem:s29+$0xA570];
	v2 =	vmul.f32 $8.000000000e+00, v45;
	[tilespmem:s29+$0x12500] =	vst v0  }
0x1dc: {  	v51 =	vld [tilespmem:s29+$0xA580];
	v3 =	vmul.f32 $8.000000000e+00, v46;
	[tilespmem:s29+$0x12510] =	vst v1  }
0x1dd: {  	[tilespmem:s29+$0x12520] =	vst v2;
	v5 =	vmul.f32 $8.000000000e+00, v47  }
0x1de: {  	v4 =	vmul.f32 $8.000000000e+00, v48;
	[tilespmem:s29+$0x12530] =	vst v3  }
0x1df: {  	v6 =	vmul.f32 $8.000000000e+00, v49;
	[tilespmem:s29+$0x12540] =	vst v5  }
0x1e0: {  	s19 =	sadd.s32 s19, s9;
	v0 =	vmul.f32 $8.000000000e+00, v50;
	[tilespmem:s29+$0x12550] =	vst v4  }
0x1e1: {  	s19 =	sshll.u32 s19, $0x4;
	v1 =	vmul.f32 $8.000000000e+00, v51;
	[tilespmem:s29+$0x12560] =	vst v6  }
0x1e2: {  	s17 =	sadd.s32 $0x1, s17;
	s19 =	sand.u32 $0x1FFFF000, s19;
	[tilespmem:s29+$0x12570] =	vst v0  }
0x1e3: {  	p0 =	sne.s32 s17, $0x30;
	s19 =	sadd.s32 s4, s19;
	[tilespmem:s29+$0x12580] =	vst v1  }
0x1e4: {  	[hbm4b:s19+s22] =	stream.strided.scatter [tilespmem:s28], [sflag:$0x4], $0x4000, s14, s22, $0x38;
	[tilespmem:$0x16400] =	vst v63  }
.Ltmp4:
0x1e5: {  	_ = 	snop;
	(pc) =	sbr.rel @p0 .LBB2_6-.Ltmp4, $4  }
0x1e6: {  	s29 =	sadd.s32 $0x500, s24  }
0x1e7: {  	[tilespmem:s18], [sflag:$0x2] =	stream.indirect.gather [hbm4b:s3+s14], $0x40, s29, s14, $0xb8;
	[tilespmem:$0x16400] =	vst v63  }
0x1e8: {  	s30 =	sadd.s32 $0x580, s24  }
0x1e9: {  	[tilespmem:s20], [sflag:$0x2] =	stream.indirect.gather [hbm4b:s3+s14], $0x40, s30, s14, $0xb8;
	[tilespmem:$0x16400] =	vst v63  }
0x1ea: {  	_ =	swait.ge [sflag:s21], $0x2000  }
0x1eb: {  	[sflag:s21] =	ssyncset.done $0x0  }
0x1ec: {  	[sflag:s21] =	ssyncadd.s32 $0xFFFFE000  }
0x1ed: {  	_ =	swait.ge [sflag:s21], $0x2000  }
0x1ee: {  	[sflag:s21] =	ssyncset.done $0x0  }
0x1ef: {  	[sflag:s21] =	ssyncadd.s32 $0xFFFFE000  }
0x1f0: {  	_ =	swait.ge [sflag:s31], $0x4000  }
0x1f1: {  	[sflag:s31] =	ssyncset.done $0x0  }
0x1f2: {  	s17 =	simm.s32 $0x0;
	[sflag:s31] =	ssyncadd.s32 $0xFFFFC000  }
0x1f3: {  	v0 =	vld [tilespmem:s17+$0x65F0]  }
0x1f4: {  	v1 =	vld [tilespmem:s17+$0x6400];
	_ =	sdelay $0x1  }
0x1f5: {  	v2 =	vld [tilespmem:s17+$0x6410]  }
0x1f6: {  	v3 =	vld [tilespmem:s17+$0x6420]  }
0x1f7: {  	v4 =	vld [tilespmem:s17+$0x6430];
	v0 =	vmul.f32 $8.000000000e+00, v0  }
0x1f8: {  	v5 =	vld [tilespmem:s17+$0x6440];
	v1 =	vmul.f32 $8.000000000e+00, v1  }
0x1f9: {  	v6 =	vld [tilespmem:s17+$0x6450];
	[tilespmem:s17+$0xE5F0] =	vst v0  }
0x1fa: {  	v0 =	vmul.f32 $8.000000000e+00, v2;
	[tilespmem:s17+$0xE400] =	vst v1;
	v1 =	vld [tilespmem:s17+$0x6470]  }
0x1fb: {  	v7 =	vld [tilespmem:s17+$0x6460];
	v2 =	vmul.f32 $8.000000000e+00, v3  }
0x1fc: {  	v3 =	vmul.f32 $8.000000000e+00, v4;
	[tilespmem:s17+$0xE410] =	vst v0;
	v0 =	vld [tilespmem:s17+$0x6480]  }
0x1fd: {  	v4 =	vmul.f32 $8.000000000e+00, v5;
	[tilespmem:s17+$0xE420] =	vst v2;
	v2 =	vld [tilespmem:s17+$0x6490]  }
0x1fe: {  	v5 =	vmul.f32 $8.000000000e+00, v6;
	[tilespmem:s17+$0xE430] =	vst v3;
	v3 =	vld [tilespmem:s17+$0x64A0]  }
0x1ff: {  	[tilespmem:s17+$0xE440] =	vst v4;
	v4 =	vld [tilespmem:s17+$0x64B0];
	v1 =	vmul.f32 $8.000000000e+00, v1  }
0x200: {  	v6 =	vmul.f32 $8.000000000e+00, v7;
	[tilespmem:s17+$0xE450] =	vst v5;
	v5 =	vld [tilespmem:s17+$0x64C0]  }
0x201: {  	v0 =	vmul.f32 $8.000000000e+00, v0;
	[tilespmem:s17+$0xE470] =	vst v1;
	v1 =	vld [tilespmem:s17+$0x64E0]  }
0x202: {  	[tilespmem:s17+$0xE460] =	vst v6;
	v6 =	vld [tilespmem:s17+$0x64D0];
	v2 =	vmul.f32 $8.000000000e+00, v2  }
0x203: {  	v3 =	vmul.f32 $8.000000000e+00, v3;
	[tilespmem:s17+$0xE480] =	vst v0;
	v0 =	vld [tilespmem:s17+$0x64F0]  }
0x204: {  	v4 =	vmul.f32 $8.000000000e+00, v4;
	[tilespmem:s17+$0xE490] =	vst v2;
	v2 =	vld [tilespmem:s17+$0x6500]  }
0x205: {  	v5 =	vmul.f32 $8.000000000e+00, v5;
	[tilespmem:s17+$0xE4A0] =	vst v3;
	v3 =	vld [tilespmem:s17+$0x6510]  }
0x206: {  	[tilespmem:s17+$0xE4B0] =	vst v4;
	v4 =	vld [tilespmem:s17+$0x6520];
	v1 =	vmul.f32 $8.000000000e+00, v1  }
0x207: {  	v6 =	vmul.f32 $8.000000000e+00, v6;
	[tilespmem:s17+$0xE4C0] =	vst v5;
	v5 =	vld [tilespmem:s17+$0x6530]  }
0x208: {  	v0 =	vmul.f32 $8.000000000e+00, v0;
	[tilespmem:s17+$0xE4E0] =	vst v1;
	v1 =	vld [tilespmem:s17+$0x6550]  }
0x209: {  	[tilespmem:s17+$0xE4D0] =	vst v6;
	v6 =	vld [tilespmem:s17+$0x6540];
	v2 =	vmul.f32 $8.000000000e+00, v2  }
0x20a: {  	[tilespmem:s17+$0xE4F0] =	vst v0;
	v0 =	vmul.f32 $8.000000000e+00, v3;
	v3 =	vld [tilespmem:s17+$0x6570]  }
0x20b: {  	v7 =	vld [tilespmem:s17+$0x6560];
	[tilespmem:s17+$0xE500] =	vst v2;
	v2 =	vmul.f32 $8.000000000e+00, v4  }
0x20c: {  	v4 =	vld [tilespmem:s17+$0x6580];
	[tilespmem:s17+$0xE510] =	vst v0;
	v0 =	vmul.f32 $8.000000000e+00, v5  }
0x20d: {  	v8 =	vld [tilespmem:s17+$0x6590];
	[tilespmem:s17+$0xE520] =	vst v2;
	v5 =	vmul.f32 $8.000000000e+00, v1  }
0x20e: {  	v2 =	vmul.f32 $8.000000000e+00, v6;
	[tilespmem:s17+$0xE530] =	vst v0;
	v0 =	vld [tilespmem:s17+$0x65A0]  }
0x20f: {  	v1 =	vld [tilespmem:s17+$0x65B0];
	[tilespmem:s17+$0xE550] =	vst v5;
	v5 =	vmul.f32 $8.000000000e+00, v3  }
0x210: {  	v6 =	vmul.f32 $8.000000000e+00, v7;
	[tilespmem:s17+$0xE540] =	vst v2;
	v2 =	vld [tilespmem:s17+$0x65C0]  }
0x211: {  	v3 =	vld [tilespmem:s17+$0x65D0];
	[tilespmem:s17+$0xE570] =	vst v5;
	v5 =	vmul.f32 $8.000000000e+00, v4  }
0x212: {  	s19 =	simm.s32 $0x200;
	s24 =	simm.s32 $0x1000;
	[tilespmem:s17+$0xE560] =	vst v6;
	v6 =	vmul.f32 $8.000000000e+00, v8;
	v4 =	vld [tilespmem:s17+$0x65E0]  }
.LBB2_12:
0x213: {  	p0 =	sne.s32 s24, $0xF800;
	v7 =	vld [tilespmem:s19+$0x65F0];
	[tilespmem:s17+$0xE580] =	vst v5;
	v0 =	vmul.f32 $8.000000000e+00, v0  }
0x214: {  	v5 =	vld [tilespmem:s19+$0x6400];
	[tilespmem:s17+$0xE590] =	vst v6;
	v1 =	vmul.f32 $8.000000000e+00, v1  }
0x215: {  	v6 =	vld [tilespmem:s19+$0x6410];
	[tilespmem:s17+$0xE5A0] =	vst v0;
	v0 =	vmul.f32 $8.000000000e+00, v2  }
0x216: {  	v2 =	vld [tilespmem:s19+$0x6420];
	[tilespmem:s17+$0xE5B0] =	vst v1;
	v1 =	vmul.f32 $8.000000000e+00, v3  }
0x217: {  	v3 =	vld [tilespmem:s19+$0x6430];
	[tilespmem:s17+$0xE5C0] =	vst v0;
	v0 =	vmul.f32 $8.000000000e+00, v4  }
0x218: {  	v4 =	vld [tilespmem:s19+$0x6440];
	v7 =	vmul.f32 $8.000000000e+00, v7;
	[tilespmem:s17+$0xE5D0] =	vst v1  }
0x219: {  	v1 =	vmul.f32 $8.000000000e+00, v5;
	v5 =	vld [tilespmem:s19+$0x6450];
	[tilespmem:s17+$0xE5E0] =	vst v0;
	s17 =	smov.u32 s19  }
0x21a: {  	v0 =	vmul.f32 $8.000000000e+00, v6;
	v6 =	vld [tilespmem:s17+$0x6460];
	[tilespmem:s17+$0xE5F0] =	vst v7  }
0x21b: {  	[tilespmem:s17+$0xE400] =	vst v1;
	v1 =	vmul.f32 $8.000000000e+00, v2;
	v2 =	vld [tilespmem:s17+$0x6470]  }
0x21c: {  	[tilespmem:s17+$0xE410] =	vst v0;
	v0 =	vmul.f32 $8.000000000e+00, v3;
	v3 =	vld [tilespmem:s17+$0x6480]  }
0x21d: {  	[tilespmem:s17+$0xE420] =	vst v1;
	v1 =	vmul.f32 $8.000000000e+00, v4;
	v4 =	vld [tilespmem:s17+$0x6490]  }
0x21e: {  	[tilespmem:s17+$0xE430] =	vst v0;
	v0 =	vmul.f32 $8.000000000e+00, v5;
	v5 =	vld [tilespmem:s17+$0x64A0]  }
0x21f: {  	[tilespmem:s17+$0xE440] =	vst v1;
	v1 =	vmul.f32 $8.000000000e+00, v6;
	v6 =	vld [tilespmem:s17+$0x64B0]  }
0x220: {  	[tilespmem:s17+$0xE450] =	vst v0;
	v0 =	vmul.f32 $8.000000000e+00, v2;
	v2 =	vld [tilespmem:s17+$0x64C0]  }
0x221: {  	[tilespmem:s17+$0xE460] =	vst v1;
	v1 =	vmul.f32 $8.000000000e+00, v3;
	v3 =	vld [tilespmem:s17+$0x64D0]  }
0x222: {  	[tilespmem:s17+$0xE470] =	vst v0;
	v0 =	vmul.f32 $8.000000000e+00, v4;
	v4 =	vld [tilespmem:s17+$0x64E0]  }
0x223: {  	[tilespmem:s17+$0xE480] =	vst v1;
	v1 =	vmul.f32 $8.000000000e+00, v5;
	v5 =	vld [tilespmem:s17+$0x64F0]  }
0x224: {  	[tilespmem:s17+$0xE490] =	vst v0;
	v0 =	vmul.f32 $8.000000000e+00, v6;
	v6 =	vld [tilespmem:s17+$0x6500]  }
0x225: {  	[tilespmem:s17+$0xE4A0] =	vst v1;
	v1 =	vmul.f32 $8.000000000e+00, v2;
	v2 =	vld [tilespmem:s17+$0x6510]  }
0x226: {  	[tilespmem:s17+$0xE4B0] =	vst v0;
	v0 =	vmul.f32 $8.000000000e+00, v3;
	v3 =	vld [tilespmem:s17+$0x6520]  }
0x227: {  	[tilespmem:s17+$0xE4C0] =	vst v1;
	v1 =	vmul.f32 $8.000000000e+00, v4;
	v4 =	vld [tilespmem:s17+$0x6530]  }
0x228: {  	[tilespmem:s17+$0xE4D0] =	vst v0;
	v0 =	vmul.f32 $8.000000000e+00, v5;
	v5 =	vld [tilespmem:s17+$0x6540]  }
0x229: {  	[tilespmem:s17+$0xE4E0] =	vst v1;
	v1 =	vmul.f32 $8.000000000e+00, v6;
	v6 =	vld [tilespmem:s17+$0x6550]  }
0x22a: {  	[tilespmem:s17+$0xE4F0] =	vst v0;
	v0 =	vmul.f32 $8.000000000e+00, v2;
	v2 =	vld [tilespmem:s17+$0x6560]  }
0x22b: {  	[tilespmem:s17+$0xE500] =	vst v1;
	v1 =	vmul.f32 $8.000000000e+00, v3;
	v3 =	vld [tilespmem:s17+$0x6570]  }
0x22c: {  	[tilespmem:s17+$0xE510] =	vst v0;
	v0 =	vmul.f32 $8.000000000e+00, v4;
	v4 =	vld [tilespmem:s17+$0x6580]  }
0x22d: {  	[tilespmem:s17+$0xE520] =	vst v1;
	v1 =	vmul.f32 $8.000000000e+00, v5;
	v7 =	vld [tilespmem:s17+$0x6590]  }
.Ltmp5:
0x22e: {  	[tilespmem:s17+$0xE530] =	vst v0;
	v5 =	vmul.f32 $8.000000000e+00, v6;
	v0 =	vld [tilespmem:s17+$0x65A0];
	(pc) =	sbr.rel @p0 .LBB2_12-.Ltmp5, $4  }
0x22f: {  	[tilespmem:s17+$0xE540] =	vst v1;
	v6 =	vmul.f32 $8.000000000e+00, v2;
	v1 =	vld [tilespmem:s17+$0x65B0]  }
0x230: {  	[tilespmem:s17+$0xE550] =	vst v5;
	v8 =	vmul.f32 $8.000000000e+00, v3;
	v2 =	vld [tilespmem:s17+$0x65C0]  }
0x231: {  	[tilespmem:s17+$0xE560] =	vst v6;
	v5 =	vmul.f32 $8.000000000e+00, v4;
	v3 =	vld [tilespmem:s17+$0x65D0]  }
0x232: {  	s19 =	sshra.s32 s24, $0x2;
	s24 =	sadd.s32 $0x800, s24;
	[tilespmem:s17+$0xE570] =	vst v8;
	v6 =	vmul.f32 $8.000000000e+00, v7;
	v4 =	vld [tilespmem:s17+$0x65E0]  }
0x233: {  	v7 =	vld [tilespmem:s19+$0x65F0];
	[tilespmem:s17+$0xE580] =	vst v5;
	v0 =	vmul.f32 $8.000000000e+00, v0  }
0x234: {  	v5 =	vld [tilespmem:s19+$0x6400];
	[tilespmem:s17+$0xE590] =	vst v6;
	v1 =	vmul.f32 $8.000000000e+00, v1  }
0x235: {  	v6 =	vld [tilespmem:s19+$0x6410];
	[tilespmem:s17+$0xE5A0] =	vst v0;
	v2 =	vmul.f32 $8.000000000e+00, v2  }
0x236: {  	v0 =	vld [tilespmem:s19+$0x6420];
	[tilespmem:s17+$0xE5B0] =	vst v1;
	v3 =	vmul.f32 $8.000000000e+00, v3  }
0x237: {  	v1 =	vld [tilespmem:s19+$0x6430];
	[tilespmem:s17+$0xE5C0] =	vst v2;
	v4 =	vmul.f32 $8.000000000e+00, v4  }
0x238: {  	v2 =	vld [tilespmem:s19+$0x6440];
	[tilespmem:s17+$0xE5D0] =	vst v3;
	v7 =	vmul.f32 $8.000000000e+00, v7  }
0x239: {  	v3 =	vld [tilespmem:s19+$0x6450];
	[tilespmem:s17+$0xE5E0] =	vst v4;
	v4 =	vmul.f32 $8.000000000e+00, v5  }
0x23a: {  	v5 =	vld [tilespmem:s19+$0x6460];
	[tilespmem:s19+$0xE5F0] =	vst v7;
	v6 =	vmul.f32 $8.000000000e+00, v6  }
0x23b: {  	[tilespmem:s19+$0xE400] =	vst v4;
	v4 =	vld [tilespmem:s19+$0x6470];
	v0 =	vmul.f32 $8.000000000e+00, v0  }
0x23c: {  	[tilespmem:s19+$0xE410] =	vst v6;
	v6 =	vld [tilespmem:s19+$0x6480];
	v1 =	vmul.f32 $8.000000000e+00, v1  }
0x23d: {  	[tilespmem:s19+$0xE420] =	vst v0;
	v0 =	vld [tilespmem:s19+$0x6490];
	v2 =	vmul.f32 $8.000000000e+00, v2  }
0x23e: {  	[tilespmem:s19+$0xE430] =	vst v1;
	v1 =	vld [tilespmem:s19+$0x64A0];
	v3 =	vmul.f32 $8.000000000e+00, v3  }
0x23f: {  	[tilespmem:s19+$0xE440] =	vst v2;
	v2 =	vld [tilespmem:s19+$0x64B0];
	v5 =	vmul.f32 $8.000000000e+00, v5  }
0x240: {  	[tilespmem:s19+$0xE450] =	vst v3;
	v3 =	vld [tilespmem:s19+$0x64C0];
	v4 =	vmul.f32 $8.000000000e+00, v4  }
0x241: {  	[tilespmem:s19+$0xE460] =	vst v5;
	v5 =	vld [tilespmem:s19+$0x64D0];
	v6 =	vmul.f32 $8.000000000e+00, v6  }
0x242: {  	[tilespmem:s19+$0xE470] =	vst v4;
	v4 =	vld [tilespmem:s19+$0x64E0];
	v0 =	vmul.f32 $8.000000000e+00, v0  }
0x243: {  	[tilespmem:s19+$0xE480] =	vst v6;
	v6 =	vld [tilespmem:s19+$0x64F0];
	v1 =	vmul.f32 $8.000000000e+00, v1  }
0x244: {  	[tilespmem:s19+$0xE490] =	vst v0;
	v0 =	vld [tilespmem:s19+$0x6500];
	v2 =	vmul.f32 $8.000000000e+00, v2  }
0x245: {  	[tilespmem:s19+$0xE4A0] =	vst v1;
	v1 =	vld [tilespmem:s19+$0x6510];
	v3 =	vmul.f32 $8.000000000e+00, v3  }
0x246: {  	[tilespmem:s19+$0xE4B0] =	vst v2;
	v2 =	vld [tilespmem:s19+$0x6520];
	v5 =	vmul.f32 $8.000000000e+00, v5  }
0x247: {  	[tilespmem:s19+$0xE4C0] =	vst v3;
	v3 =	vld [tilespmem:s19+$0x6530];
	v4 =	vmul.f32 $8.000000000e+00, v4  }
0x248: {  	[tilespmem:s19+$0xE4D0] =	vst v5;
	v5 =	vld [tilespmem:s19+$0x6540];
	v6 =	vmul.f32 $8.000000000e+00, v6  }
0x249: {  	[tilespmem:s19+$0xE4E0] =	vst v4;
	v4 =	vld [tilespmem:s19+$0x6550];
	v0 =	vmul.f32 $8.000000000e+00, v0  }
0x24a: {  	[tilespmem:s19+$0xE4F0] =	vst v6;
	v6 =	vld [tilespmem:s19+$0x6560];
	v1 =	vmul.f32 $8.000000000e+00, v1  }
0x24b: {  	[tilespmem:s19+$0xE500] =	vst v0;
	v0 =	vld [tilespmem:s19+$0x6570];
	v2 =	vmul.f32 $8.000000000e+00, v2  }
0x24c: {  	[tilespmem:s19+$0xE510] =	vst v1;
	v1 =	vld [tilespmem:s19+$0x6580];
	v3 =	vmul.f32 $8.000000000e+00, v3  }
0x24d: {  	[tilespmem:s19+$0xE520] =	vst v2;
	v2 =	vld [tilespmem:s19+$0x6590];
	v5 =	vmul.f32 $8.000000000e+00, v5  }
0x24e: {  	[tilespmem:s19+$0xE530] =	vst v3;
	v3 =	vld [tilespmem:s19+$0x65A0];
	v4 =	vmul.f32 $8.000000000e+00, v4  }
0x24f: {  	[tilespmem:s19+$0xE540] =	vst v5;
	v5 =	vld [tilespmem:s19+$0x65B0];
	v6 =	vmul.f32 $8.000000000e+00, v6  }
0x250: {  	[tilespmem:s19+$0xE550] =	vst v4;
	v4 =	vld [tilespmem:s19+$0x65C0];
	v0 =	vmul.f32 $8.000000000e+00, v0  }
0x251: {  	[tilespmem:s19+$0xE560] =	vst v6;
	v6 =	vld [tilespmem:s19+$0x65D0];
	v1 =	vmul.f32 $8.000000000e+00, v1  }
0x252: {  	[tilespmem:s19+$0xE570] =	vst v0;
	v0 =	vmul.f32 $8.000000000e+00, v2;
	v2 =	vld [tilespmem:s19+$0x65E0]  }
0x253: {  	[tilespmem:s19+$0xE580] =	vst v1;
	v1 =	vmul.f32 $8.000000000e+00, v3  }
0x254: {  	[tilespmem:s19+$0xE590] =	vst v0;
	v0 =	vmul.f32 $8.000000000e+00, v5  }
0x255: {  	[tilespmem:s19+$0xE5A0] =	vst v1;
	v1 =	vmul.f32 $8.000000000e+00, v4  }
0x256: {  	[tilespmem:s19+$0xE5B0] =	vst v0;
	v0 =	vmul.f32 $8.000000000e+00, v6  }
0x257: {  	[tilespmem:s19+$0xE5C0] =	vst v1;
	v1 =	vmul.f32 $8.000000000e+00, v2  }
0x258: {  	[tilespmem:s19+$0xE5D0] =	vst v0  }
0x259: {  	[tilespmem:s19+$0xE5E0] =	vst v1  }
0x25a: {  	[hbm4b:s10+s22] =	stream.strided.scatter [tilespmem:s23], [sflag:$0x3], $0x4000, s14, s22, $0x38;
	[tilespmem:$0x16400] =	vst v63  }
0x25b: {  	_ =	swait.ge [sflag:s26], $0x2000  }
0x25c: {  	[sflag:s26] =	ssyncset.done $0x0  }
0x25d: {  	[sflag:s26] =	ssyncadd.s32 $0xFFFFE000  }
0x25e: {  	_ =	swait.ge [sflag:s26], $0x2000  }
0x25f: {  	[sflag:s26] =	ssyncset.done $0x0  }
0x260: {  	[sflag:s26] =	ssyncadd.s32 $0xFFFFE000  }
0x261: {  	_ =	swait.ge [sflag:s1], $0x4000  }
0x262: {  	[sflag:s1] =	ssyncset.done $0x0  }
0x263: {  	s17 =	simm.s32 $0x0;
	[sflag:s1] =	ssyncadd.s32 $0xFFFFC000  }
0x264: {  	v0 =	vld [tilespmem:s17+$0xA5F0]  }
0x265: {  	v1 =	vld [tilespmem:s17+$0xA400];
	_ =	sdelay $0x1  }
0x266: {  	v2 =	vld [tilespmem:s17+$0xA410]  }
0x267: {  	v3 =	vld [tilespmem:s17+$0xA420]  }
0x268: {  	v4 =	vld [tilespmem:s17+$0xA430];
	v0 =	vmul.f32 $8.000000000e+00, v0  }
0x269: {  	v5 =	vld [tilespmem:s17+$0xA440];
	v1 =	vmul.f32 $8.000000000e+00, v1  }
0x26a: {  	v6 =	vld [tilespmem:s17+$0xA450];
	[tilespmem:s17+$0x125F0] =	vst v0  }
0x26b: {  	v0 =	vmul.f32 $8.000000000e+00, v2;
	[tilespmem:s17+$0x12400] =	vst v1;
	v1 =	vld [tilespmem:s17+$0xA470]  }
0x26c: {  	v7 =	vld [tilespmem:s17+$0xA460];
	v2 =	vmul.f32 $8.000000000e+00, v3  }
0x26d: {  	v3 =	vmul.f32 $8.000000000e+00, v4;
	[tilespmem:s17+$0x12410] =	vst v0;
	v0 =	vld [tilespmem:s17+$0xA480]  }
0x26e: {  	v4 =	vmul.f32 $8.000000000e+00, v5;
	[tilespmem:s17+$0x12420] =	vst v2;
	v2 =	vld [tilespmem:s17+$0xA490]  }
0x26f: {  	v5 =	vmul.f32 $8.000000000e+00, v6;
	[tilespmem:s17+$0x12430] =	vst v3;
	v3 =	vld [tilespmem:s17+$0xA4A0]  }
0x270: {  	[tilespmem:s17+$0x12440] =	vst v4;
	v4 =	vld [tilespmem:s17+$0xA4B0];
	v1 =	vmul.f32 $8.000000000e+00, v1  }
0x271: {  	v6 =	vmul.f32 $8.000000000e+00, v7;
	[tilespmem:s17+$0x12450] =	vst v5;
	v5 =	vld [tilespmem:s17+$0xA4C0]  }
0x272: {  	v0 =	vmul.f32 $8.000000000e+00, v0;
	[tilespmem:s17+$0x12470] =	vst v1;
	v1 =	vld [tilespmem:s17+$0xA4E0]  }
0x273: {  	[tilespmem:s17+$0x12460] =	vst v6;
	v6 =	vld [tilespmem:s17+$0xA4D0];
	v2 =	vmul.f32 $8.000000000e+00, v2  }
0x274: {  	v3 =	vmul.f32 $8.000000000e+00, v3;
	[tilespmem:s17+$0x12480] =	vst v0;
	v0 =	vld [tilespmem:s17+$0xA4F0]  }
0x275: {  	v4 =	vmul.f32 $8.000000000e+00, v4;
	[tilespmem:s17+$0x12490] =	vst v2;
	v2 =	vld [tilespmem:s17+$0xA500]  }
0x276: {  	v5 =	vmul.f32 $8.000000000e+00, v5;
	[tilespmem:s17+$0x124A0] =	vst v3;
	v3 =	vld [tilespmem:s17+$0xA510]  }
0x277: {  	[tilespmem:s17+$0x124B0] =	vst v4;
	v4 =	vld [tilespmem:s17+$0xA520];
	v1 =	vmul.f32 $8.000000000e+00, v1  }
0x278: {  	v6 =	vmul.f32 $8.000000000e+00, v6;
	[tilespmem:s17+$0x124C0] =	vst v5;
	v5 =	vld [tilespmem:s17+$0xA530]  }
0x279: {  	v0 =	vmul.f32 $8.000000000e+00, v0;
	[tilespmem:s17+$0x124E0] =	vst v1;
	v1 =	vld [tilespmem:s17+$0xA550]  }
0x27a: {  	[tilespmem:s17+$0x124D0] =	vst v6;
	v6 =	vld [tilespmem:s17+$0xA540];
	v2 =	vmul.f32 $8.000000000e+00, v2  }
0x27b: {  	[tilespmem:s17+$0x124F0] =	vst v0;
	v0 =	vmul.f32 $8.000000000e+00, v3;
	v3 =	vld [tilespmem:s17+$0xA570]  }
0x27c: {  	v7 =	vld [tilespmem:s17+$0xA560];
	[tilespmem:s17+$0x12500] =	vst v2;
	v2 =	vmul.f32 $8.000000000e+00, v4  }
0x27d: {  	v4 =	vld [tilespmem:s17+$0xA580];
	[tilespmem:s17+$0x12510] =	vst v0;
	v0 =	vmul.f32 $8.000000000e+00, v5  }
0x27e: {  	v8 =	vld [tilespmem:s17+$0xA590];
	[tilespmem:s17+$0x12520] =	vst v2;
	v5 =	vmul.f32 $8.000000000e+00, v1  }
0x27f: {  	v2 =	vmul.f32 $8.000000000e+00, v6;
	[tilespmem:s17+$0x12530] =	vst v0;
	v0 =	vld [tilespmem:s17+$0xA5A0]  }
0x280: {  	v1 =	vld [tilespmem:s17+$0xA5B0];
	[tilespmem:s17+$0x12550] =	vst v5;
	v5 =	vmul.f32 $8.000000000e+00, v3  }
0x281: {  	v6 =	vmul.f32 $8.000000000e+00, v7;
	[tilespmem:s17+$0x12540] =	vst v2;
	v2 =	vld [tilespmem:s17+$0xA5C0]  }
0x282: {  	v3 =	vld [tilespmem:s17+$0xA5D0];
	[tilespmem:s17+$0x12570] =	vst v5;
	v5 =	vmul.f32 $8.000000000e+00, v4  }
0x283: {  	s24 =	simm.s32 $0x1000;
	s19 =	simm.s32 $0x200;
	[tilespmem:s17+$0x12560] =	vst v6;
	v6 =	vmul.f32 $8.000000000e+00, v8;
	v4 =	vld [tilespmem:s17+$0xA5E0]  }
.LBB2_14:
0x284: {  	p0 =	sne.s32 s24, $0xF800;
	v7 =	vld [tilespmem:s19+$0xA5F0];
	[tilespmem:s17+$0x12580] =	vst v5;
	v0 =	vmul.f32 $8.000000000e+00, v0  }
0x285: {  	v5 =	vld [tilespmem:s19+$0xA400];
	[tilespmem:s17+$0x12590] =	vst v6;
	v1 =	vmul.f32 $8.000000000e+00, v1  }
0x286: {  	v6 =	vld [tilespmem:s19+$0xA410];
	[tilespmem:s17+$0x125A0] =	vst v0;
	v0 =	vmul.f32 $8.000000000e+00, v2  }
0x287: {  	v2 =	vld [tilespmem:s19+$0xA420];
	[tilespmem:s17+$0x125B0] =	vst v1;
	v1 =	vmul.f32 $8.000000000e+00, v3  }
0x288: {  	v3 =	vld [tilespmem:s19+$0xA430];
	[tilespmem:s17+$0x125C0] =	vst v0;
	v0 =	vmul.f32 $8.000000000e+00, v4  }
0x289: {  	v4 =	vld [tilespmem:s19+$0xA440];
	v7 =	vmul.f32 $8.000000000e+00, v7;
	[tilespmem:s17+$0x125D0] =	vst v1  }
0x28a: {  	v1 =	vmul.f32 $8.000000000e+00, v5;
	v5 =	vld [tilespmem:s19+$0xA450];
	[tilespmem:s17+$0x125E0] =	vst v0;
	s17 =	smov.u32 s19  }
0x28b: {  	v0 =	vmul.f32 $8.000000000e+00, v6;
	v6 =	vld [tilespmem:s17+$0xA460];
	[tilespmem:s17+$0x125F0] =	vst v7  }
0x28c: {  	[tilespmem:s17+$0x12400] =	vst v1;
	v1 =	vmul.f32 $8.000000000e+00, v2;
	v2 =	vld [tilespmem:s17+$0xA470]  }
0x28d: {  	[tilespmem:s17+$0x12410] =	vst v0;
	v0 =	vmul.f32 $8.000000000e+00, v3;
	v3 =	vld [tilespmem:s17+$0xA480]  }
0x28e: {  	[tilespmem:s17+$0x12420] =	vst v1;
	v1 =	vmul.f32 $8.000000000e+00, v4;
	v4 =	vld [tilespmem:s17+$0xA490]  }
0x28f: {  	[tilespmem:s17+$0x12430] =	vst v0;
	v0 =	vmul.f32 $8.000000000e+00, v5;
	v5 =	vld [tilespmem:s17+$0xA4A0]  }
0x290: {  	[tilespmem:s17+$0x12440] =	vst v1;
	v1 =	vmul.f32 $8.000000000e+00, v6;
	v6 =	vld [tilespmem:s17+$0xA4B0]  }
0x291: {  	[tilespmem:s17+$0x12450] =	vst v0;
	v0 =	vmul.f32 $8.000000000e+00, v2;
	v2 =	vld [tilespmem:s17+$0xA4C0]  }
0x292: {  	[tilespmem:s17+$0x12460] =	vst v1;
	v1 =	vmul.f32 $8.000000000e+00, v3;
	v3 =	vld [tilespmem:s17+$0xA4D0]  }
0x293: {  	[tilespmem:s17+$0x12470] =	vst v0;
	v0 =	vmul.f32 $8.000000000e+00, v4;
	v4 =	vld [tilespmem:s17+$0xA4E0]  }
0x294: {  	[tilespmem:s17+$0x12480] =	vst v1;
	v1 =	vmul.f32 $8.000000000e+00, v5;
	v5 =	vld [tilespmem:s17+$0xA4F0]  }
0x295: {  	[tilespmem:s17+$0x12490] =	vst v0;
	v0 =	vmul.f32 $8.000000000e+00, v6;
	v6 =	vld [tilespmem:s17+$0xA500]  }
0x296: {  	[tilespmem:s17+$0x124A0] =	vst v1;
	v1 =	vmul.f32 $8.000000000e+00, v2;
	v2 =	vld [tilespmem:s17+$0xA510]  }
0x297: {  	[tilespmem:s17+$0x124B0] =	vst v0;
	v0 =	vmul.f32 $8.000000000e+00, v3;
	v3 =	vld [tilespmem:s17+$0xA520]  }
0x298: {  	[tilespmem:s17+$0x124C0] =	vst v1;
	v1 =	vmul.f32 $8.000000000e+00, v4;
	v4 =	vld [tilespmem:s17+$0xA530]  }
0x299: {  	[tilespmem:s17+$0x124D0] =	vst v0;
	v0 =	vmul.f32 $8.000000000e+00, v5;
	v5 =	vld [tilespmem:s17+$0xA540]  }
0x29a: {  	[tilespmem:s17+$0x124E0] =	vst v1;
	v1 =	vmul.f32 $8.000000000e+00, v6;
	v6 =	vld [tilespmem:s17+$0xA550]  }
0x29b: {  	[tilespmem:s17+$0x124F0] =	vst v0;
	v0 =	vmul.f32 $8.000000000e+00, v2;
	v2 =	vld [tilespmem:s17+$0xA560]  }
0x29c: {  	[tilespmem:s17+$0x12500] =	vst v1;
	v1 =	vmul.f32 $8.000000000e+00, v3;
	v3 =	vld [tilespmem:s17+$0xA570]  }
0x29d: {  	[tilespmem:s17+$0x12510] =	vst v0;
	v0 =	vmul.f32 $8.000000000e+00, v4;
	v4 =	vld [tilespmem:s17+$0xA580]  }
0x29e: {  	[tilespmem:s17+$0x12520] =	vst v1;
	v1 =	vmul.f32 $8.000000000e+00, v5;
	v7 =	vld [tilespmem:s17+$0xA590]  }
.Ltmp6:
0x29f: {  	[tilespmem:s17+$0x12530] =	vst v0;
	v5 =	vmul.f32 $8.000000000e+00, v6;
	v0 =	vld [tilespmem:s17+$0xA5A0];
	(pc) =	sbr.rel @p0 .LBB2_14-.Ltmp6, $4  }
0x2a0: {  	[tilespmem:s17+$0x12540] =	vst v1;
	v6 =	vmul.f32 $8.000000000e+00, v2;
	v1 =	vld [tilespmem:s17+$0xA5B0]  }
0x2a1: {  	[tilespmem:s17+$0x12550] =	vst v5;
	v8 =	vmul.f32 $8.000000000e+00, v3;
	v2 =	vld [tilespmem:s17+$0xA5C0]  }
0x2a2: {  	[tilespmem:s17+$0x12560] =	vst v6;
	v5 =	vmul.f32 $8.000000000e+00, v4;
	v3 =	vld [tilespmem:s17+$0xA5D0]  }
0x2a3: {  	s19 =	sshra.s32 s24, $0x2;
	s24 =	sadd.s32 $0x800, s24;
	[tilespmem:s17+$0x12570] =	vst v8;
	v6 =	vmul.f32 $8.000000000e+00, v7;
	v4 =	vld [tilespmem:s17+$0xA5E0]  }
0x2a4: {  	v7 =	vld [tilespmem:s19+$0xA5F0];
	[tilespmem:s17+$0x12580] =	vst v5;
	v0 =	vmul.f32 $8.000000000e+00, v0  }
0x2a5: {  	v5 =	vld [tilespmem:s19+$0xA400];
	[tilespmem:s17+$0x12590] =	vst v6;
	v1 =	vmul.f32 $8.000000000e+00, v1  }
0x2a6: {  	v6 =	vld [tilespmem:s19+$0xA410];
	[tilespmem:s17+$0x125A0] =	vst v0;
	v2 =	vmul.f32 $8.000000000e+00, v2  }
0x2a7: {  	v0 =	vld [tilespmem:s19+$0xA420];
	[tilespmem:s17+$0x125B0] =	vst v1;
	v3 =	vmul.f32 $8.000000000e+00, v3  }
0x2a8: {  	v1 =	vld [tilespmem:s19+$0xA430];
	[tilespmem:s17+$0x125C0] =	vst v2;
	v4 =	vmul.f32 $8.000000000e+00, v4  }
0x2a9: {  	v2 =	vld [tilespmem:s19+$0xA440];
	[tilespmem:s17+$0x125D0] =	vst v3;
	v7 =	vmul.f32 $8.000000000e+00, v7  }
0x2aa: {  	v3 =	vld [tilespmem:s19+$0xA450];
	[tilespmem:s17+$0x125E0] =	vst v4;
	v32 =	vmul.f32 $8.000000000e+00, v5  }
0x2ab: {  	v33 =	vld [tilespmem:s19+$0xA460];
	[tilespmem:s19+$0x125F0] =	vst v7;
	v6 =	vmul.f32 $8.000000000e+00, v6  }
0x2ac: {  	v34 =	vld [tilespmem:s19+$0xA470];
	[tilespmem:s19+$0x12400] =	vst v32;
	v0 =	vmul.f32 $8.000000000e+00, v0  }
0x2ad: {  	v35 =	vld [tilespmem:s19+$0xA480];
	[tilespmem:s19+$0x12410] =	vst v6;
	v1 =	vmul.f32 $8.000000000e+00, v1  }
0x2ae: {  	v36 =	vld [tilespmem:s19+$0xA490];
	[tilespmem:s19+$0x12420] =	vst v0;
	v2 =	vmul.f32 $8.000000000e+00, v2  }
0x2af: {  	v37 =	vld [tilespmem:s19+$0xA4A0];
	[tilespmem:s19+$0x12430] =	vst v1;
	v3 =	vmul.f32 $8.000000000e+00, v3  }
0x2b0: {  	v38 =	vld [tilespmem:s19+$0xA4B0];
	[tilespmem:s19+$0x12440] =	vst v2;
	v5 =	vmul.f32 $8.000000000e+00, v33  }
0x2b1: {  	v52 =	vld [tilespmem:s19+$0xA590];
	v4 =	vmul.f32 $8.000000000e+00, v34;
	[tilespmem:s19+$0x12450] =	vst v3  }
0x2b2: {  	v53 =	vld [tilespmem:s19+$0xA5A0];
	v6 =	vmul.f32 $8.000000000e+00, v35;
	[tilespmem:s19+$0x12460] =	vst v5  }
0x2b3: {  	v54 =	vld [tilespmem:s19+$0xA5B0];
	v0 =	vmul.f32 $8.000000000e+00, v36;
	[tilespmem:s19+$0x12470] =	vst v4  }
0x2b4: {  	v55 =	vld [tilespmem:s19+$0xA5C0];
	v1 =	vmul.f32 $8.000000000e+00, v37;
	[tilespmem:s19+$0x12480] =	vst v6  }
0x2b5: {  	v56 =	vld [tilespmem:s19+$0xA5D0];
	v2 =	vmul.f32 $8.000000000e+00, v38;
	[tilespmem:s19+$0x12490] =	vst v0  }
0x2b6: {  	v58 =	vld [tilespmem:s19+$0xA5E0];
	v57 =	vmul.f32 $8.000000000e+00, v52;
	[tilespmem:s19+$0x124A0] =	vst v1  }
0x2b7: {  	v39 =	vld [tilespmem:s19+$0xA4C0];
	v59 =	vmul.f32 $8.000000000e+00, v53;
	[tilespmem:s19+$0x124B0] =	vst v2  }
0x2b8: {  	v40 =	vld [tilespmem:s19+$0xA4D0];
	v60 =	vmul.f32 $8.000000000e+00, v54;
	[tilespmem:s19+$0x12590] =	vst v57  }
0x2b9: {  	v41 =	vld [tilespmem:s19+$0xA4E0];
	v61 =	vmul.f32 $8.000000000e+00, v55;
	[tilespmem:s19+$0x125A0] =	vst v59  }
0x2ba: {  	v42 =	vld [tilespmem:s19+$0xA4F0];
	v62 =	vmul.f32 $8.000000000e+00, v56;
	[tilespmem:s19+$0x125B0] =	vst v60  }
0x2bb: {  	v43 =	vld [tilespmem:s19+$0xA500];
	v63 =	vmul.f32 $8.000000000e+00, v58;
	[tilespmem:s19+$0x125C0] =	vst v61  }
0x2bc: {  	v44 =	vld [tilespmem:s19+$0xA510];
	v3 =	vmul.f32 $8.000000000e+00, v39;
	[tilespmem:s19+$0x125D0] =	vst v62  }
0x2bd: {  	v45 =	vld [tilespmem:s19+$0xA520];
	v5 =	vmul.f32 $8.000000000e+00, v40;
	[tilespmem:s19+$0x125E0] =	vst v63  }
0x2be: {  	v46 =	vld [tilespmem:s19+$0xA530];
	v4 =	vmul.f32 $8.000000000e+00, v41;
	[tilespmem:s19+$0x124C0] =	vst v3  }
0x2bf: {  	v47 =	vld [tilespmem:s19+$0xA540];
	v6 =	vmul.f32 $8.000000000e+00, v42;
	[tilespmem:s19+$0x124D0] =	vst v5  }
0x2c0: {  	v48 =	vld [tilespmem:s19+$0xA550];
	v0 =	vmul.f32 $8.000000000e+00, v43;
	[tilespmem:s19+$0x124E0] =	vst v4  }
0x2c1: {  	v49 =	vld [tilespmem:s19+$0xA560];
	v1 =	vmul.f32 $8.000000000e+00, v44;
	[tilespmem:s19+$0x124F0] =	vst v6  }
0x2c2: {  	v50 =	vld [tilespmem:s19+$0xA570];
	v2 =	vmul.f32 $8.000000000e+00, v45;
	[tilespmem:s19+$0x12500] =	vst v0  }
0x2c3: {  	v51 =	vld [tilespmem:s19+$0xA580];
	v3 =	vmul.f32 $8.000000000e+00, v46;
	[tilespmem:s19+$0x12510] =	vst v1  }
0x2c4: {  	[tilespmem:s19+$0x12520] =	vst v2;
	v5 =	vmul.f32 $8.000000000e+00, v47  }
0x2c5: {  	v4 =	vmul.f32 $8.000000000e+00, v48;
	[tilespmem:s19+$0x12530] =	vst v3  }
0x2c6: {  	v6 =	vmul.f32 $8.000000000e+00, v49;
	[tilespmem:s19+$0x12540] =	vst v5  }
0x2c7: {  	v0 =	vmul.f32 $8.000000000e+00, v50;
	[tilespmem:s19+$0x12550] =	vst v4  }
0x2c8: {  	v1 =	vmul.f32 $8.000000000e+00, v51;
	[tilespmem:s19+$0x12560] =	vst v6  }
0x2c9: {  	[tilespmem:s19+$0x12570] =	vst v0  }
0x2ca: {  	s0 =	sadd.s32 $0x1, s0;
	[tilespmem:s19+$0x12580] =	vst v1  }
0x2cb: {  	[hbm4b:s11+s22] =	stream.strided.scatter [tilespmem:s28], [sflag:$0x4], $0x4000, s14, s22, $0x38;
	[tilespmem:$0x16400] =	vst v63  }
0x2cc: {  	p0 =	sne.s32 s0, s12;
	_ =	swait.ge [sflag:s31], $0x4000  }
.Ltmp7:
0x2cd: {  	[sflag:s31] =	ssyncset.done $0x0;
	(pc) =	sbr.rel @p0 .LBB2_1-.Ltmp7, $4  }
0x2ce: {  	[sflag:s31] =	ssyncadd.s32 $0xFFFFC000  }
0x2cf: {  	_ =	swait.ge [sflag:s1], $0x4000  }
0x2d0: {  	[sflag:s1] =	ssyncset.done $0x0  }
0x2d1: {  	[sflag:s1] =	ssyncadd.s32 $0xFFFFC000  }
0x2d2: {  	_ =	sfence.sel $0x180000  }
0x2d3: {  	[bflag:$0x0] =	sbarrier.arrive $0xFFFF  }
0x2d4: {  	_ =	strace $0x9000004A  }
0x2d5: {  	s0 =	stileid.u32;
	[bflag:$0x2] =	sbarrier.arrive $0xFFFF  }
0x2d6: {  	p0 =	sne.s32 s0, $0x0;
	s0 =	rddreg [dreg:$0x2]  }
0x2d7: {  	s0 =	sadd.s32 @!p0 $0x100000, s0  }
0x2d8: {  	[sflag:s0] =	ssyncadd.tile.s32 @!p0 $0x1;
	_ =	shalt  }
.Lfunc_end2:
_tile_overlayer_lowered:
.L_overlay_start_2:
0x2d9: {  	(tag) =	ssettag $0x2  }
0x2da: {  	s0 =	rddreg [dreg:$0x0];
	s2 =	stileid.u32  }
0x2db: {  	s1 =	rddreg [dreg:$0x1];
	p0 =	sne.s32 s2, $0x0  }
0x2dc: {  	s3 =	rddreg [dreg:$0x2];
	[bflag:$0x3] =	sbarrier.arrive $0xFFFF;
	s2 =	simm.s32 @!p0 $0x1C05  }
0x2dd: {  	[timem:s3], [sflag:s2] =	dma.local @!p0 [hbm:s0], s1  }
0x2de: {  	s0 =	simm.s32 @!p0 $0x5  }
0x2df: {  	_ =	swait.ge @!p0 [sflag:s0], s1  }
0x2e0: {  	s1 =	ssub.s32 @!p0 $0x0, s1;
	[sflag:s0] =	ssyncset.done @!p0 $0x0  }
0x2e1: {  	[sflag:s0] =	ssyncadd.s32 @!p0 s1  }
0x2e2: {  	[bflag:$0x3] =	sbarrier.arrive $0xFFFF  }
0x2e3: {  	_ =	shalt  }

// kernel: sparse-core-data-format-call.1.cloned.1.call-start
scs
called_computation.1_lowered:
.L_overlay_start_0:
0x0: {  	s2 =	sld [smem:$0x3FD9]  }
0x1: {  	s3 =	sld [smem:$0x3FFE];
	_ =	sdelay $0x1  }
0x2: {  	s1 =	srdreg.scid  }
0x3: {  	s0 =	sand.u32 $0x1, s1  }
0x4: {  	s18 =	sshll.u32 s0, $0xA;
	s2 =	sadd.s32 s3, s2  }
0x5: {  	s2 =	sadd.s32 s2, s18  }
0x6: {  	[smem:$0x3FC6] =	sst s2  }
0x7: {  	_ = 	snop  }
0x8: {  	s2 =	sld [smem:$0x3FC8];
	(tm) =	ssettm $0x1  }
0x9: {  	s19 =	sld [smem:$0x3FFB];
	_ =	sdelay $0x3  }
0xa: {  	_ =	strace s19  }
0xb: {  	s3 =	sld [smem:$0x3FFC];
	_ =	sdelay $0x3  }
0xc: {  	_ =	strace s3  }
0xd: {  	s3 =	sld [smem:$0x3FFD];
	_ =	sdelay $0x3  }
0xe: {  	_ =	strace s3  }
0xf: {  	_ =	strace $0x8FFFFFFF  }
0x10: {  	s20 =	sld [smem:$0x3FDB];
	_ =	sdelay $0x1  }
0x11: {  	s4 =	simm.s32 $_scs_section_size  }
0x12: {  	s5 =	simm.s32 $_size__tile_overlayer_lowered;
	s6 =	simm.s32 $_tile_overlayer_lowered  }
0x13: {  	s23 =	simm.s32 $0x1BFF;
	s22 =	sshll.u32 s6, $0x1;
	s3 =	sadd.s32 s4, s20  }
0x14: {  	s7 =	simm.s32 $0x0;
	s21 =	sshll.u32 s5, $0x1;
	s5 =	sadd.s32 s22, s3  }
0x15: {  	[timem:s7], [sflag:s23] =	dma.local [hbm:s5], s21  }
0x16: {  	_ =	swait.ge [sflag:s23], s21  }
0x17: {  	s4 =	ssub.s32 $0x0, s21;
	[sflag:s23] =	ssyncset.done $0x0  }
0x18: {  	[sflag:s23] =	ssyncadd.s32 s4;
	_ =	sdelay $0x1  }
0x19: {  	s24 =	simm.s32 $0x1B8B  }
0x1a: {  	_ =	swait.ge [sflag:s24], $0x1  }
0x1b: {  	[sflag:s24] =	ssyncset.done $0x0  }
0x1c: {  	s26 =	simm.s32 $0x1B8E;
	s25 =	sld [smem:$0x3FFE];
	[sflag:s24] =	ssyncadd.s32 $0xFFFFFFFF  }
0x1d: {  	s27 =	simm.s32 $execute0_lowered;
	[smem:$0x3FD2] =	sst s26  }
0x1e: {  	s5 =	sshll.u32 s27, $0x1;
	_ =	strace $0x80000046;
	[dreg:$0x1] =	wrdreg $0xFFFFFFFF  }
0x1f: {  	s28 =	simm.s32 $_size_execute0_lowered;
	s3 =	sadd.s32 s3, s5;
	[dreg:$0x0] =	wrdreg $0x0  }
0x20: {  	s5 =	sshll.u32 s28, $0x1;
	[dreg:$0x2] =	wrdreg s3  }
0x21: {  	[dreg:$0x3] =	wrdreg s5  }
0x22: {  	[dreg:$0x4] =	wrdreg $0xC0  }
0x23: {  	_ =	task [dreg:s7], $0x5FFFF  }
0x24: {  	[dreg:$0x1] =	wrdreg $0xFFFFFFFF  }
0x25: {  	[dreg:$0x0] =	wrdreg $0x60  }
0x26: {  	[dreg:$0x2] =	wrdreg s2  }
0x27: {  	[dreg:$0x3] =	wrdreg s25  }
0x28: {  	[dreg:$0x4] =	wrdreg $0x9  }
0x29: {  	_ =	task.clear_ibuf [dreg:s7], $0x5FFFF;
	_ =	strace $0x90000046  }
0x2a: {  	s29 =	simm.s32 $0x9;
	_ =	strace $0x80000048  }
0x2b: {  	_ =	swait.ge [sflag:s29], $0x1  }
0x2c: {  	[sflag:s29] =	ssyncadd.s32 $0xFFFFFFFF  }
0x2d: {  	_ =	strace $0x90000048  }
0x2e: {  	_ =	sfence  }
0x2f: {  	s30 =	sld [smem:$0x0];
	_ =	sdelay $0x2  }
0x30: {  	s31 =	sshll.u32 s1, $0xD;
	s1 =	sshrl.u32 s1, $0x2  }
0x31: {  	s3 =	sand.u32 $0x4000, s31;
	s1 =	sadd.s32 s1, s30  }
0x32: {  	s0 =	sor.u32 s3, s0;
	s1 =	sshll.u32 s1, $0x11  }
0x33: {  	s0 =	sor.u32 s1, s0  }
0x34: {  	s0 =	sadd.s32 $0x8F2B, s0  }
0x35: {  	[sflag:s0] =	ssyncadd.remote.s32 $0x1  }
0x36: {  	_ =	sfence.sel $0xFFFF  }
0x37: {  	[dreg:$0x0] =	wrdreg $0xFFFFFFFF;
	(pc) =	sbr.abs _section_cstart, $3  }
0x38: {  	[dreg:$0x1] =	wrdreg $0xFFFFFFFF  }
0x39: {  	_ =	task.clear_ibuf [dreg:s7], $0x2FFFF;
	_ =	strace $0x9FFFFFFF  }
0x3a: {  	(tm) =	ssettm $0x7FFFFFFF  }
0x3b: {  	_ =	shalt  }
tec
execute0_lowered:
.L_overlay_start_1:
0x0: {  	(tag) =	ssettag $0x1  }
0x1: {  	s0 =	srdreg.scid;
	s2 =	rddreg [dreg:$0x0]  }
0x2: {  	s5 =	rddreg [dreg:$0x1];
	s1 =	stileid.u32  }
0x3: {  	s4 =	simm.s32 $0x1;
	s6 =	simm.s32 $0x2;
	s15 =	simm.s32 $0x0  }
0x4: {  	p0 =	por $0x0, $0x0;
	s8 =	simm.s32 $0x80;
	s0 =	sshll.u32 s0, $0x4  }
0x5: {  	s14 =	simm.s32 $0x0;
	s9 =	simm.s32 $0x0;
	s3 =	sand.u32 $0x10, s0  }
.Ltmp0:
0x6: {  	s10 =	simm.s32 $0x0;
	s3 =	sor.u32 s1, s3;
	(pc) =	sbr.rel .LBB1_1-.Ltmp0, $4  }
0x7: {  	s0 =	rddreg [dreg:$0x2];
	_ =	strace $0x80000047;
	s3 =	sshll.u32 s3, $0x7  }
0x8: {  	s12 =	simm.s32 $0x0;
	[sflag:s4] =	ssyncpa.u1 $0x0;
	s7 =	ssub.s32 $0xF4200, s3  }
0x9: {  	s13 =	simm.s32 $0x0;
	[sflag:s6] =	ssyncpa.u1 $0x0;
	s6 =	sshrl.u32 s7, $0xC  }
0xa: {  	s5 =	sadd.s32 $0xE00, s5;
	s11 =	smov.u32 s3;
	s7 =	sadd.s32 $0x2, s6  }
.LBB1_5:
0xb: {  	p1 =	slt.u32 s13, $0x2  }
0xc: {  	s17 =	smov.u32 s15;
	p2 =	sgt.s32 @!p1 s15, $0xF41C0;
	s16 =	sshra.s32 @!p1 s15, $0x1F  }
0xd: {  	p3 =	sgt.s32 @!p1 s14, $0x40;
	s18 =	sshra.s32 @!p1 s14, $0x1F;
	p2 =	por !p2, p1  }
0xe: {  	s15 =	sand.u32 @!p1 s16, s15;
	p3 =	por !p3, p1;
	s16 =	smov.u32 s14  }
0xf: {  	s14 =	sand.u32 @!p1 s18, s14;
	s17 =	simm.s32 @p2 $0xF41C0;
	s16 =	simm.s32 @p3 $0x40  }
0x10: {  	s15 =	ssub.s32 @!p1 s17, s15;
	s14 =	ssub.s32 @!p1 s16, s14  }
0x11: {  	s18 =	smov.u32 s12;
	s16 =	sadd.s32 @!p1 $0xFFF0BE40, s15;
	s17 =	sadd.s32 @!p1 $0xFFFFFFC0, s14  }
0x12: {  	s15 =	ssub.s32 @!p1 $0xF4240, s15;
	p2 =	sgt.s32 @!p1 s16, $0x7F;
	p3 =	sgt.s32 @!p1 s17, $0x3F  }
0x13: {  	s14 =	ssub.s32 @!p1 $0x80, s14;
	p2 =	por !p2, p1;
	p3 =	por !p3, p1  }
0x14: {  	s16 =	sadd.s32 $0x1000, s11;
	s15 =	simm.s32 @!p2 $0x0;
	s14 =	simm.s32 @!p3 $0x0  }
0x15: {  	p2 =	sgt.s32 s16, $0xF423F;
	s14 =	smul.u32 @!p1 s14, s15;
	s15 =	sadd.s32 $0x40, s12  }
0x16: {  	s18 =	smov.u32 @p2 s15  }
0x17: {  	s16 =	smov.u32 @p2 s3;
	p2 =	sgt.s32 s18, $0x3F  }
0x18: {  	s18 =	simm.s32 @p2 $0x0;
	p2 =	sne.s32 s13, s7  }
.Ltmp1:
0x19: {  	p0 =	por !p0, !p0;
	s17 =	simm.s32 @!p1 $0x2;
	(pc) =	sbr.rel @!p2 .LBB1_6-.Ltmp1, $4  }
0x1a: {  	s15 =	smov.u32 s9;
	s9 =	smov.u32 s11;
	s14 =	sand.u32 @!p1 $0x3FFFFFFF, s14  }
0x1b: {  	s11 =	smov.u32 s16;
	_ =	swait.ge @!p1 [sflag:s17], s14;
	s19 =	ssub.s32 @!p1 $0x0, s14  }
0x1c: {  	s14 =	smov.u32 s10;
	s13 =	sadd.s32 $0x1, s13;
	[sflag:s17] =	ssyncset.done @!p1 $0x0  }
0x1d: {  	s10 =	smov.u32 s12;
	s12 =	smov.u32 s18;
	[sflag:s17] =	ssyncadd.s32 @!p1 s19  }
.LBB1_1:
0x1e: {  	p1 =	sgt.u32 s13, s6  }
0x1f: {  	s16 =	sshrl.u32 @!p1 s12, $0x3  }
0x20: {  	s17 =	sshll.u32 @!p1 s11, $0x3;
	s16 =	smul.u32 @!p1 $0x7A1400, s16  }
0x21: {  	s18 =	sshll.u32 @!p1 s12, $0x7;
	s17 =	sand.u32 @!p1 $0xFFFFFC00, s17  }
0x22: {  	s16 =	sadd.s32 @!p1 s16, s17;
	s17 =	sand.u32 @!p1 $0x380, s18  }
0x23: {  	s18 =	sand.u32 @!p1 $0x7F, s11;
	s16 =	sor.u32 @!p1 s17, s16  }
0x24: {  	s17 =	sor.u32 @!p1 s18, s16  }
0x25: {  	s18 =	smulhi.u32 @!p1 $0x218D6287, s17;
	_ =	sdelay $0x1  }
0x26: {  	s16 =	smulhi.u32 @!p1 $0x218D6287, s16;
	s18 =	sshrl.u32 @!p1 s18, $0x11  }
0x27: {  	s18 =	smul.u32 @!p1 $0xF4280, s18  }
0x28: {  	s19 =	sxor.u32 @!p1 $0xFFFFFFFF, s13;
	s16 =	sshrl.u32 @!p1 s16, $0x11  }
0x29: {  	s19 =	sshll.u32 @!p1 s19, $0xD;
	s16 =	sand.u32 @!p1 $0x3F, s16;
	s17 =	ssub.s32 @!p1 s17, s18  }
0x2a: {  	s16 =	smul.u32 @!p1 $0x1E850, s16;
	s18 =	sshrl.u32 @!p1 s17, $0x3;
	s17 =	sand.u32 @!p1 $0x7, s17  }
0x2b: {  	s19 =	sand.u32 @!p1 $0x2000, s19;
	s18 =	sadd.s32 @!p1 s2, s18;
	s17 =	sshll.u32 @!p1 s17, $0x12  }
0x2c: {  	s16 =	sadd.s32 @!p1 s16, s18;
	s17 =	sor.u32 @!p1 $0x400, s17;
	s18 =	simm.s32 @!p1 $0x7A1400  }
0x2d: {  	[tilespmem:s19], [sflag:$0x1] =	stream.strided.gather @!p1 [hbm4b:s16+s17], $0x2000, s18, s17, $0x38;
	[tilespmem:$0x8100] =	vst v63  }
0x2e: {  	p1 =	seq.s32 s13, $0x0  }
0x2f: {  	p2 =	sge.u32 @!p1 s13, s7  }
0x30: {  	p1 =	por p1, p2  }
.Ltmp2:
0x31: {  	_ = 	snop;
	(pc) =	sbr.rel @p1 .LBB1_5-.Ltmp2, $1  }
0x32: {  	_ =	sdelay $0x3  }
0x33: {  	s16 =	simm.s32 $0x1  }
0x34: {  	_ =	swait.ge [sflag:s4], $0x2000;
	s16 =	simm.s32 @!p0 $0x0  }
0x35: {  	[sflag:s4] =	ssyncset.done $0x0;
	s17 =	sshll.u32 s16, $0xD  }
0x36: {  	[sflag:s4] =	ssyncadd.s32 $0xFFFFE000;
	s17 =	sor.u32 $0x40, s17  }
0x37: {  	s16 =	smul.u32 $0x8200, s16;
	v0 =	vld [tilespmem:s17+$0x30]  }
0x38: {  	v1 =	vld [tilespmem:s17+$0xFFFFFFD0]  }
0x39: {  	s16 =	sshrl.u32 s16, $0x2;
	v5 =	vld [tilespmem:s17+$0xFFFFFFE0]  }
0x3a: {  	v6 =	vld [tilespmem:s17+$0xFFFFFFF0];
	s19 =	sor.u32 $0x4000, s16  }
0x3b: {  	s31 =	sand.u32 $0x1, s13;
	v4 =	vld [tilespmem:s17+$0x0];
	s18 =	sadd.s32 $0x0, s19  }
0x3c: {  	v3 =	vld [tilespmem:s17+$0x10];
	s16 =	smul.u32 $0x8200, s31;
	[tilespmem:s18+$0x1C70 ss:$0x41] =	vst.msk $0xffff, v0  }
0x3d: {  	v2 =	vld [tilespmem:s17+$0x20];
	[tilespmem:s18+$0x410 ss:$0x41] =	vst.msk $0xffff, v1  }
0x3e: {  	s16 =	sshrl.u32 s16, $0x2;
	v1 =	vld [tilespmem:s17+$0xFFFFFFC0];
	[tilespmem:s18+$0x820 ss:$0x41] =	vst.msk $0xffff, v5;
	s17 =	sadd.s32 $0x80, s17  }
0x3f: {  	s20 =	simm.s32 $0x4;
	s21 =	simm.s32 $0x8;
	s16 =	sor.u32 $0x4000, s16;
	[tilespmem:s18+$0xC30 ss:$0x41] =	vst.msk $0xffff, v6;
	v0 =	vld [tilespmem:s17+$0x30]  }
.LBB1_3:
0x40: {  	p1 =	sne.s32 s21, $0xFC;
	v5 =	vld [tilespmem:s17+$0xFFFFFFD0];
	[tilespmem:s18+$0x1040 ss:$0x41] =	vst.msk $0xffff, v4  }
0x41: {  	v6 =	vld [tilespmem:s17+$0xFFFFFFE0];
	[tilespmem:s18+$0x1450 ss:$0x41] =	vst.msk $0xffff, v3  }
0x42: {  	s22 =	sshra.s32 s20, $0x2;
	s20 =	smov.u32 s21;
	v7 =	vld [tilespmem:s17+$0xFFFFFFF0];
	[tilespmem:s18+$0x1860 ss:$0x41] =	vst.msk $0xffff, v2  }
.Ltmp3:
0x43: {  	v4 =	vld [tilespmem:s17+$0x0];
	[tilespmem:s18+$0x0 ss:$0x41] =	vst.msk $0xffff, v1;
	s18 =	sadd.s32 s22, s19;
	(pc) =	sbr.rel @p1 .LBB1_3-.Ltmp3, $4  }
0x44: {  	v3 =	vld [tilespmem:s17+$0x10];
	[tilespmem:s18+$0x1C70 ss:$0x41] =	vst.msk $0xffff, v0  }
0x45: {  	[tilespmem:s18+$0x410 ss:$0x41] =	vst.msk $0xffff, v5;
	v2 =	vld [tilespmem:s17+$0x20]  }
0x46: {  	v1 =	vld [tilespmem:s17+$0xFFFFFFC0];
	[tilespmem:s18+$0x820 ss:$0x41] =	vst.msk $0xffff, v6;
	s17 =	sadd.s32 $0x80, s17  }
0x47: {  	s21 =	sadd.s32 $0x4, s21;
	v0 =	vld [tilespmem:s17+$0x30];
	[tilespmem:s18+$0xC30 ss:$0x41] =	vst.msk $0xffff, v7  }
0x48: {  	s21 =	sshll.u32 s9, $0x7;
	s22 =	sshll.u32 s10, $0x3;
	s20 =	sshra.s32 s20, $0x2  }
0x49: {  	p1 =	sgt.s32 s9, $0xF41C0;
	s30 =	sshra.s32 s9, $0x1F;
	s25 =	sshra.s32 s10, $0x1F  }
0x4a: {  	v5 =	vld [tilespmem:s17+$0xFFFFFFD0];
	s28 =	sshrl.u32 s10, $0x3;
	s23 =	sand.u32 $0xFFFFFC00, s21;
	s22 =	sand.u32 $0xFFFFFC00, s22  }
0x4b: {  	[tilespmem:s18+$0x1040 ss:$0x41] =	vst.msk $0xffff, v4;
	v58 =	vld [tilespmem:s17+$0xFFFFFFE0];
	s21 =	sand.u32 $0x380, s21;
	s19 =	sadd.s32 s20, s19;
	s22 =	sadd.s32 s22, s23  }
0x4c: {  	v59 =	vld [tilespmem:s17+$0xFFFFFFF0];
	[tilespmem:s18+$0x1450 ss:$0x41] =	vst.msk $0xffff, v3;
	s29 =	sor.u32 s21, s22;
	s21 =	smov.u32 s9;
	s22 =	sand.u32 s30, s9  }
0x4d: {  	v60 =	vld [tilespmem:s17+$0x0];
	[tilespmem:s18+$0x1860 ss:$0x41] =	vst.msk $0xffff, v2;
	s30 =	sand.u32 $0x7, s10;
	s20 =	sshrl.u32 s29, $0x7;
	s21 =	simm.s32 @!p1 $0xF41C0  }
0x4e: {  	v61 =	vld [tilespmem:s17+$0x10];
	[tilespmem:s18+$0x0 ss:$0x41] =	vst.msk $0xffff, v1;
	p1 =	sgt.s32 s10, $0x40;
	s24 =	ssub.s32 s21, s22;
	s21 =	smov.u32 s10  }
0x4f: {  	v62 =	vld [tilespmem:s17+$0x20];
	[tilespmem:s19+$0x1C70 ss:$0x41] =	vst.msk $0xffff, v0;
	s31 =	smulhi.u32 $0x218DEF5, s20;
	s22 =	sand.u32 s25, s10;
	s21 =	simm.s32 @!p1 $0x40  }
0x50: {  	v63 =	vld [tilespmem:s17+$0xFFFFFFC0];
	[tilespmem:s19+$0x410 ss:$0x41] =	vst.msk $0xffff, v5;
	s26 =	sadd.s32 $0xFFF0BE40, s24;
	s17 =	ssub.s32 $0xF4240, s24;
	s21 =	ssub.s32 s21, s22  }
0x51: {  	[tilespmem:s19+$0x820 ss:$0x41] =	vst.msk $0xffff, v58;
	s23 =	sshrl.u32 s31, $0xD;
	p1 =	sgt.s32 s26, $0x7F;
	s27 =	sadd.s32 $0xFFFFFFC0, s21  }
0x52: {  	[tilespmem:s19+$0xC30 ss:$0x41] =	vst.msk $0xffff, v59;
	s23 =	smul.u32 $0xF4240, s23;
	s18 =	ssub.s32 $0x80, s21;
	p2 =	sgt.s32 s27, $0x3F  }
.Ltmp4:
0x53: {  	[tilespmem:s19+$0x1040 ss:$0x41] =	vst.msk $0xffff, v60;
	s17 =	simm.s32 @p1 $0x0;
	s18 =	simm.s32 @p2 $0x0;
	(pc) =	sbr.rel .LBB1_5-.Ltmp4, $4  }
0x54: {  	s29 =	sand.u32 $0xF, s28;
	[tilespmem:s19+$0x1450 ss:$0x41] =	vst.msk $0xffff, v61;
	s20 =	ssub.s32 s20, s23;
	s17 =	smul.u32 s18, s17  }
0x55: {  	[tilespmem:s19+$0x1860 ss:$0x41] =	vst.msk $0xffff, v62;
	s21 =	sshll.u32 s30, $0x12;
	s20 =	sshll.u32 s20, $0x4;
	s18 =	sadd.s32 s5, s29  }
0x56: {  	[tilespmem:s19+$0x0 ss:$0x41] =	vst.msk $0xffff, v63;
	s31 =	sor.u32 $0x40, s21;
	s18 =	sadd.s32 s20, s18;
	s17 =	sand.u32 $0x3FFFFFFF, s17  }
0x57: {  	[hbm4b:s18+s31] =	stream.strided.scatter [tilespmem:s16], [sflag:$0x2], s17, s8, s31, $0x18;
	[tilespmem:$0x8100] =	vst v63  }
.LBB1_6:
0x58: {  	_ =	sfence.sel $0x180000  }
0x59: {  	s2 =	simm.s32 $0x1;
	[bflag:$0x0] =	sbarrier.arrive $0xFFFF  }
0x5a: {  	s31 =	simm.s32 $0x2;
	[sflag:s2] =	ssyncpa.u1 $0x1  }
0x5b: {  	[sflag:s31] =	ssyncpa.u1 $0x1  }
0x5c: {  	p0 =	sne.s32 s1, $0x0;
	_ =	strace $0x90000047  }
0x5d: {  	s0 =	sadd.s32 @!p0 $0x100000, s0;
	[bflag:$0x2] =	sbarrier.arrive $0xFFFF  }
0x5e: {  	[sflag:s0] =	ssyncadd.tile.s32 @!p0 $0x1;
	_ =	shalt  }
.Lfunc_end1:
_tile_overlayer_lowered:
.L_overlay_start_2:
0x5f: {  	(tag) =	ssettag $0x2  }
0x60: {  	s0 =	rddreg [dreg:$0x0];
	s2 =	stileid.u32  }
0x61: {  	s1 =	rddreg [dreg:$0x1];
	p0 =	sne.s32 s2, $0x0  }
0x62: {  	s3 =	rddreg [dreg:$0x2];
	[bflag:$0x3] =	sbarrier.arrive $0xFFFF;
	s2 =	simm.s32 @!p0 $0x1C01  }
0x63: {  	[timem:s3], [sflag:s2] =	dma.local @!p0 [hbm:s0], s1  }
0x64: {  	s0 =	simm.s32 @!p0 $0x1  }
0x65: {  	_ =	swait.ge @!p0 [sflag:s0], s1  }
0x66: {  	s1 =	ssub.s32 @!p0 $0x0, s1;
	[sflag:s0] =	ssyncset.done @!p0 $0x0  }
0x67: {  	[sflag:s0] =	ssyncadd.s32 @!p0 s1  }
0x68: {  	[bflag:$0x3] =	sbarrier.arrive $0xFFFF  }
0x69: {  	_ =	shalt  }

// kernel: sparse-core-data-format-call.cloned.1.call-start
scs
called_computation_lowered:
.L_overlay_start_0:
0x0: {  	s2 =	sld [smem:$0x3FD9]  }
0x1: {  	s3 =	sld [smem:$0x3FFE];
	_ =	sdelay $0x1  }
0x2: {  	s1 =	srdreg.scid  }
0x3: {  	s0 =	sand.u32 $0x1, s1  }
0x4: {  	s18 =	sshll.u32 s0, $0xA;
	s2 =	sadd.s32 s3, s2  }
0x5: {  	s2 =	sadd.s32 s2, s18  }
0x6: {  	[smem:$0x3FC6] =	sst s2  }
0x7: {  	_ = 	snop  }
0x8: {  	s2 =	sld [smem:$0x3FD0];
	(tm) =	ssettm $0x1  }
0x9: {  	s19 =	sld [smem:$0x3FFB];
	_ =	sdelay $0x3  }
0xa: {  	_ =	strace s19  }
0xb: {  	s3 =	sld [smem:$0x3FFC];
	_ =	sdelay $0x3  }
0xc: {  	_ =	strace s3  }
0xd: {  	s3 =	sld [smem:$0x3FFD];
	_ =	sdelay $0x3  }
0xe: {  	_ =	strace s3  }
0xf: {  	_ =	strace $0x8FFFFFFF  }
0x10: {  	s20 =	sld [smem:$0x3FDB];
	_ =	sdelay $0x1  }
0x11: {  	s4 =	simm.s32 $_scs_section_size  }
0x12: {  	s5 =	simm.s32 $_size__tile_overlayer_lowered;
	s6 =	simm.s32 $_tile_overlayer_lowered  }
0x13: {  	s23 =	simm.s32 $0x1BFF;
	s22 =	sshll.u32 s6, $0x1;
	s3 =	sadd.s32 s4, s20  }
0x14: {  	s7 =	simm.s32 $0x0;
	s21 =	sshll.u32 s5, $0x1;
	s5 =	sadd.s32 s22, s3  }
0x15: {  	[timem:s7], [sflag:s23] =	dma.local [hbm:s5], s21  }
0x16: {  	_ =	swait.ge [sflag:s23], s21  }
0x17: {  	s4 =	ssub.s32 $0x0, s21;
	[sflag:s23] =	ssyncset.done $0x0  }
0x18: {  	[sflag:s23] =	ssyncadd.s32 s4;
	_ =	sdelay $0x1  }
0x19: {  	s24 =	simm.s32 $0x1B8B  }
0x1a: {  	_ =	swait.ge [sflag:s24], $0x1  }
0x1b: {  	[sflag:s24] =	ssyncset.done $0x0  }
0x1c: {  	s26 =	simm.s32 $0x1B8E;
	s25 =	sld [smem:$0x3FFE];
	[sflag:s24] =	ssyncadd.s32 $0xFFFFFFFF  }
0x1d: {  	s27 =	simm.s32 $execute0_lowered;
	[smem:$0x3FD2] =	sst s26  }
0x1e: {  	s5 =	sshll.u32 s27, $0x1;
	_ =	strace $0x8000004C;
	[dreg:$0x1] =	wrdreg $0xFFFFFFFF  }
0x1f: {  	s28 =	simm.s32 $_size_execute0_lowered;
	s3 =	sadd.s32 s3, s5;
	[dreg:$0x0] =	wrdreg $0x0  }
0x20: {  	s5 =	sshll.u32 s28, $0x1;
	[dreg:$0x2] =	wrdreg s3  }
0x21: {  	[dreg:$0x3] =	wrdreg s5  }
0x22: {  	[dreg:$0x4] =	wrdreg $0xC0  }
0x23: {  	_ =	task [dreg:s7], $0x5FFFF  }
0x24: {  	[dreg:$0x1] =	wrdreg $0xFFFFFFFF  }
0x25: {  	[dreg:$0x0] =	wrdreg $0x60  }
0x26: {  	[dreg:$0x2] =	wrdreg s25  }
0x27: {  	[dreg:$0x3] =	wrdreg s2  }
0x28: {  	[dreg:$0x4] =	wrdreg $0x9  }
0x29: {  	_ =	task.clear_ibuf [dreg:s7], $0x5FFFF;
	_ =	strace $0x9000004C  }
0x2a: {  	s29 =	simm.s32 $0x9;
	_ =	strace $0x8000004E  }
0x2b: {  	_ =	swait.ge [sflag:s29], $0x1  }
0x2c: {  	[sflag:s29] =	ssyncadd.s32 $0xFFFFFFFF  }
0x2d: {  	_ =	strace $0x9000004E  }
0x2e: {  	_ =	sfence  }
0x2f: {  	s30 =	sld [smem:$0x0];
	_ =	sdelay $0x2  }
0x30: {  	s31 =	sshll.u32 s1, $0xD;
	s1 =	sshrl.u32 s1, $0x2  }
0x31: {  	s3 =	sand.u32 $0x4000, s31;
	s1 =	sadd.s32 s1, s30  }
0x32: {  	s0 =	sor.u32 s3, s0;
	s1 =	sshll.u32 s1, $0x11  }
0x33: {  	s0 =	sor.u32 s1, s0  }
0x34: {  	s0 =	sadd.s32 $0x8F2B, s0  }
0x35: {  	[sflag:s0] =	ssyncadd.remote.s32 $0x1  }
0x36: {  	_ =	sfence.sel $0xFFFF  }
0x37: {  	[dreg:$0x0] =	wrdreg $0xFFFFFFFF;
	(pc) =	sbr.abs _section_cstart, $3  }
0x38: {  	[dreg:$0x1] =	wrdreg $0xFFFFFFFF  }
0x39: {  	_ =	task.clear_ibuf [dreg:s7], $0x2FFFF;
	_ =	strace $0x9FFFFFFF  }
0x3a: {  	(tm) =	ssettm $0x7FFFFFFF  }
0x3b: {  	_ =	shalt  }
tec
execute0_lowered:
.L_overlay_start_1:
0x0: {  	(tag) =	ssettag $0x1  }
0x1: {  	s0 =	srdreg.scid  }
0x2: {  	s1 =	sshll.u32 s0, $0x4  }
0x3: {  	s0 =	stileid.u32;
	s1 =	sand.u32 $0x10, s1  }
0x4: {  	s1 =	sor.u32 s0, s1  }
0x5: {  	s6 =	rddreg [dreg:$0x0];
	s4 =	simm.s32 $0x1;
	s2 =	sshll.u32 s1, $0x7  }
0x6: {  	s7 =	simm.s32 $0x2;
	s12 =	simm.s32 $0x0;
	s1 =	ssub.s32 $0x1000, s2  }
0x7: {  	s8 =	simm.s32 $0x8000;
	s13 =	simm.s32 $0x0;
	s3 =	sand.u32 $0xF80, s1  }
0x8: {  	s9 =	simm.s32 $0x0;
	s5 =	sshrl.u32 s1, $0xC;
	p0 =	sne.s32 s3, $0x0  }
.Ltmp0:
0x9: {  	s1 =	rddreg [dreg:$0x2];
	s4 =	simm.s32 @!p0 $0x0;
	(pc) =	sbr.rel .LBB1_1-.Ltmp0, $4  }
0xa: {  	s11 =	simm.s32 $0x0;
	s3 =	rddreg [dreg:$0x1];
	s5 =	sadd.s32 s4, s5  }
0xb: {  	_ =	strace $0x8000004D;
	s4 =	simm.s32 $0x1;
	s5 =	smul.u32 $0xC8, s5  }
0xc: {  	s6 =	sadd.s32 $0xE00, s6;
	s10 =	smov.u32 s2;
	[sflag:s4] =	ssyncpa.u1 $0x0  }
0xd: {  	p0 =	por $0x0, $0x0;
	[sflag:s7] =	ssyncpa.u1 $0x0;
	s7 =	sor.u32 $0x1, s5  }
.LBB1_4:
0xe: {  	s16 =	sshll.u32 s13, $0x3;
	s17 =	sand.u32 $0x78, s13  }
0xf: {  	s30 =	sand.u32 $0x7E00, s13;
	s12 =	sshll.u32 s12, $0xF;
	s16 =	sand.u32 $0xC00, s16  }
0x10: {  	[tilespmem:s15+$0x810 ss:$0x81] =	vst.msk $0xffff, v2;
	s31 =	sand.u32 $0x7, s13;
	s16 =	sor.u32 s17, s16;
	s17 =	sadd.s32 s3, s30  }
0x11: {  	[tilespmem:s15+$0x1020 ss:$0x81] =	vst.msk $0xffff, v0;
	s13 =	sshll.u32 s31, $0x12;
	s12 =	sadd.s32 s12, s17;
	s16 =	sshrl.u32 s16, $0x3  }
0x12: {  	[tilespmem:s15+$0x0 ss:$0x81] =	vst.msk $0xffff, v1;
	s13 =	sor.u32 $0x400, s13;
	s12 =	sadd.s32 s16, s12  }
0x13: {  	[hbm4b:s12+s13] =	stream.strided.scatter [tilespmem:s14], [sflag:$0x2], $0x2000, s8, s13, $0x20;
	[tilespmem:$0x8080] =	vst v63  }
.LBB1_5:
0x14: {  	s14 =	sadd.s32 $0x1, s9  }
0x15: {  	s12 =	sadd.s32 $0x1000, s10;
	s16 =	smov.u32 s10;
	p2 =	sgt.s32 s14, $0xC7  }
0x16: {  	s16 =	smov.u32 @p2 s12  }
0x17: {  	s14 =	simm.s32 @p2 $0x0;
	p2 =	sgt.s32 s16, $0xFFF  }
0x18: {  	s16 =	smov.u32 @p2 s2;
	p2 =	sne.s32 s11, s7  }
.Ltmp1:
0x19: {  	p1 =	slt.u32 s11, $0x2;
	(pc) =	sbr.rel @!p2 .LBB1_6-.Ltmp1, $4  }
0x1a: {  	s15 =	simm.s32 @!p1 $0x2  }
0x1b: {  	s13 =	smov.u32 s10;
	p0 =	por !p0, !p0;
	_ =	swait.ge @!p1 [sflag:s15], $0x2000  }
0x1c: {  	s12 =	smov.u32 s9;
	[sflag:s15] =	ssyncset.done @!p1 $0x0;
	s9 =	smov.u32 s14  }
0x1d: {  	s11 =	sadd.s32 $0x1, s11;
	[sflag:s15] =	ssyncadd.s32 @!p1 $0xFFFFE000;
	s10 =	smov.u32 s16  }
.LBB1_1:
0x1e: {  	p1 =	sge.u32 s11, s5  }
0x1f: {  	s14 =	sand.u32 @!p1 $0x1FFFFFF, s9  }
0x20: {  	s15 =	smulhi.u32 @!p1 $0x147AE15, s14;
	_ =	sdelay $0x1  }
0x21: {  	s15 =	smul.u32 @!p1 $0xC8, s15  }
0x22: {  	s16 =	sxor.u32 @!p1 $0xFFFFFFFF, s11;
	s17 =	smul.u32 @!p1 $0xC80, s10  }
0x23: {  	s31 =	sadd.s32 $0xFFFFFFFF, s11;
	s16 =	sshll.u32 @!p1 s16, $0xD;
	s14 =	ssub.s32 @!p1 s14, s15  }
0x24: {  	s15 =	sand.u32 @!p1 $0x2000, s16;
	s16 =	sadd.s32 @!p1 s6, s17;
	s14 =	sshll.u32 @!p1 s14, $0x4  }
0x25: {  	s17 =	simm.s32 @!p1 $0x6400;
	s14 =	sadd.s32 @!p1 s14, s16;
	s16 =	simm.s32 @!p1 $0x40  }
0x26: {  	[tilespmem:s15], [sflag:$0x1] =	stream.strided.gather @!p1 [hbm4b:s14+s16], $0x2000, s17, s16, $0x38;
	[tilespmem:$0x8080] =	vst v63  }
0x27: {  	p1 =	sge.u32 s31, s5  }
.Ltmp2:
0x28: {  	_ = 	snop;
	(pc) =	sbr.rel @p1 .LBB1_5-.Ltmp2, $1  }
0x29: {  	_ =	sdelay $0x3  }
0x2a: {  	s14 =	simm.s32 $0x1  }
0x2b: {  	_ =	swait.ge [sflag:s4], $0x2000;
	s14 =	simm.s32 @!p0 $0x0  }
0x2c: {  	[sflag:s4] =	ssyncset.done $0x0;
	s15 =	sshll.u32 s14, $0xD  }
0x2d: {  	[sflag:s4] =	ssyncadd.s32 $0xFFFFE000;
	s18 =	sor.u32 $0x20, s15  }
0x2e: {  	s14 =	smul.u32 $0x8100, s14;
	v3 =	vld [tilespmem:s18+$0x10]  }
0x2f: {  	s30 =	sand.u32 $0x1, s11;
	v2 =	vld [tilespmem:s18+$0xFFFFFFF0]  }
0x30: {  	s15 =	smul.u32 $0x8100, s30;
	s14 =	sshrl.u32 s14, $0x2;
	v0 =	vld [tilespmem:s18+$0x0]  }
0x31: {  	v1 =	vld [tilespmem:s18+$0xFFFFFFE0];
	s16 =	sor.u32 $0x4000, s14  }
0x32: {  	s31 =	sshrl.u32 s15, $0x2;
	s15 =	sadd.s32 $0x0, s16  }
0x33: {  	s17 =	simm.s32 $0x4;
	s18 =	sadd.s32 $0x40, s18;
	s14 =	sor.u32 $0x4000, s31;
	[tilespmem:s15+$0x1830 ss:$0x81] =	vst.msk $0xffff, v3  }
.LBB1_3:
0x34: {  	v3 =	vld [tilespmem:s18+$0x10];
	p1 =	sne.s32 s17, $0x1FC;
	[tilespmem:s15+$0x810 ss:$0x81] =	vst.msk $0xffff, v2;
	s19 =	smov.u32 s17;
	s17 =	sadd.s32 $0x4, s17  }
.Ltmp3:
0x35: {  	v2 =	vld [tilespmem:s18+$0xFFFFFFF0];
	[tilespmem:s15+$0x1020 ss:$0x81] =	vst.msk $0xffff, v0;
	(pc) =	sbr.rel @p1 .LBB1_3-.Ltmp3, $4  }
0x36: {  	v0 =	vld [tilespmem:s18+$0x0];
	[tilespmem:s15+$0x0 ss:$0x81] =	vst.msk $0xffff, v1  }
0x37: {  	s15 =	sshra.s32 s19, $0x2;
	v1 =	vld [tilespmem:s18+$0xFFFFFFE0]  }
0x38: {  	s15 =	sadd.s32 s15, s16  }
0x39: {  	s18 =	sadd.s32 $0x40, s18;
	[tilespmem:s15+$0x1830 ss:$0x81] =	vst.msk $0xffff, v3  }
.Ltmp4:
0x3a: {  	_ = 	snop;
	(pc) =	sbr.rel .LBB1_4-.Ltmp4, $1  }
0x3b: {  	_ =	sdelay $0x3  }
.LBB1_6:
0x3c: {  	_ =	sfence.sel $0x180000  }
0x3d: {  	s2 =	simm.s32 $0x1;
	[bflag:$0x0] =	sbarrier.arrive $0xFFFF  }
0x3e: {  	s31 =	simm.s32 $0x2;
	[sflag:s2] =	ssyncpa.u1 $0x1  }
0x3f: {  	[sflag:s31] =	ssyncpa.u1 $0x1  }
0x40: {  	p0 =	sne.s32 s0, $0x0;
	_ =	strace $0x9000004D  }
0x41: {  	s0 =	sadd.s32 @!p0 $0x100000, s1;
	[bflag:$0x2] =	sbarrier.arrive $0xFFFF  }
0x42: {  	[sflag:s0] =	ssyncadd.tile.s32 @!p0 $0x1;
	_ =	shalt  }
.Lfunc_end1:
_tile_overlayer_lowered:
.L_overlay_start_2:
0x43: {  	(tag) =	ssettag $0x2  }
0x44: {  	s0 =	rddreg [dreg:$0x0];
	s2 =	stileid.u32  }
0x45: {  	s1 =	rddreg [dreg:$0x1];
	p0 =	sne.s32 s2, $0x0  }
0x46: {  	s3 =	rddreg [dreg:$0x2];
	[bflag:$0x3] =	sbarrier.arrive $0xFFFF;
	s2 =	simm.s32 @!p0 $0x1C01  }
0x47: {  	[timem:s3], [sflag:s2] =	dma.local @!p0 [hbm:s0], s1  }
0x48: {  	s0 =	simm.s32 @!p0 $0x1  }
0x49: {  	_ =	swait.ge @!p0 [sflag:s0], s1  }
0x4a: {  	s1 =	ssub.s32 @!p0 $0x0, s1;
	[sflag:s0] =	ssyncset.done @!p0 $0x0  }
0x4b: {  	[sflag:s0] =	ssyncadd.s32 @!p0 s1  }
0x4c: {  	[bflag:$0x3] =	sbarrier.arrive $0xFFFF  }
0x4d: {  	_ =	shalt  }

</sc_bundles>
